<compile_context>
chip_gen: v7x
topology: tpu7x:2x2x1
jax: 0.10.2.dev20260603
libtpu: 0.0.44.dev20260713+nightly
codegen_flags: <defaults>
</compile_context>

<pallas_src>
import functools

import jax
import jax.numpy as jnp
from jax import lax
from jax.experimental import pallas as pl
from jax.experimental.pallas import tpu as pltpu
from jax.experimental.pallas import tpu_sc as plsc

N = 10000
D = 128
H = 128
G = 64
OUT = 3

NP = 10240
BM = 512
NB = NP // BM
NC = 2
NS = 16
NW = NC * NS
EB = 128
GP = 72
RPT = NP // NS
NT = NP
ZC = 64
SLOW_FRAC = 0.50

_f32 = jnp.float32
_i32 = jnp.int32


def _sc_scalar_kernel(ept,
                      asrc_hbm, adst_hbm, src_hbm, dst_hbm,
                      ex_out, s_out,
                      asrc_v, adst_v, s_acc, src_v, dst_v, ex_v):
    cid = lax.axis_index("c")
    sid = lax.axis_index("s")
    wid = cid * NS + sid

    zero16 = jnp.zeros((16,), _f32)

    def _zs(j, _):
        s_acc[pl.ds(j * 16, 16)] = zero16
        return 0

    lax.fori_loop(0, NT // 16, _zs, 0)

    pltpu.sync_copy(asrc_hbm.at[pl.ds(0, NT)], asrc_v)
    pltpu.sync_copy(adst_hbm.at[pl.ds(0, NT)], adst_v)
    pltpu.sync_copy(src_hbm.at[pl.ds(wid * ept, ept)], src_v)
    pltpu.sync_copy(dst_hbm.at[pl.ds(wid * ept, ept)], dst_v)

    iota16 = lax.iota(_i32, 16)

    def _chunk(c, _):
        s16 = src_v[pl.ds(c * 16, 16)]
        d16 = dst_v[pl.ds(c * 16, 16)]
        av = plsc.load_gather(asrc_v, [s16])
        dv = plsc.load_gather(adst_v, [d16])
        e = av + dv
        e = jnp.where(e >= 0.0, e, 0.2 * e)
        ex = jnp.exp(e)
        ex_v[pl.ds(c * 16, 16)] = ex
        for l in range(16):
            plsc.addupdate_scatter(s_acc, [d16], ex, mask=iota16 == l)
        return 0

    lax.fori_loop(0, ept // 16, _chunk, 0)

    pltpu.sync_copy(ex_v, ex_out.at[pl.ds(wid * ept, ept)])
    pltpu.sync_copy(s_acc, s_out.at[wid, 0, pl.ds(0, NT)])


def _sc_scalar_pass(asrc, adst, src, dst, ept, ep):
    body = functools.partial(_sc_scalar_kernel, ept)
    ex, sparts = pl.kernel(
        body,
        out_type=[
            jax.ShapeDtypeStruct((ep,), _f32),
            jax.ShapeDtypeStruct((NW, 1, NP), _f32),
        ],
        mesh=plsc.VectorSubcoreMesh(core_axis_name="c", subcore_axis_name="s",
                                    num_cores=NC, num_subcores=NS),
        compiler_params=pltpu.CompilerParams(needs_layout_passes=False),
        scratch_types=[
            pltpu.VMEM((NT,), _f32),
            pltpu.VMEM((NT,), _f32),
            pltpu.VMEM((NT,), _f32),
            pltpu.VMEM((ept,), _i32),
            pltpu.VMEM((ept,), _i32),
            pltpu.VMEM((ept,), _f32),
        ],
    )(asrc, adst, src, dst)
    return ex, sparts.reshape(NW, NP)


def _sc_heavy_kernel(epb0, epb1,
                     h_hbm, src_hbm, dst_hbm, ex_hbm,
                     usum_out,
                     usum_sh,
                     src0, src1, dst0, dst1, exb0, exb1, dsc0, dsc1,
                     rows0, rows1,
                     isem0, isem1, gsem0, gsem1, ssem0, ssem1):
    cid = lax.axis_index("c")
    sid = lax.axis_index("s")
    wid = cid * NS + sid

    srcs = (src0, src1)
    dsts = (dst0, dst1)
    exbs = (exb0, exb1)
    dscs = (dsc0, dsc1)
    rows = (rows0, rows1)
    isems = (isem0, isem1)
    gsems = (gsem0, gsem1)
    ssems = (ssem0, ssem1)

    zero16 = jnp.zeros((16,), _f32)

    def _zrow(j, _):
        for k in range(8):
            rows0[j, pl.ds(k * 16, 16)] = zero16
        return 0

    lax.fori_loop(0, EB, _zrow, 0)

    for i in range(RPT // ZC):
        base = sid * RPT + i * ZC
        pltpu.sync_copy(rows0.at[pl.ds(0, ZC), :],
                        usum_sh.at[pl.ds(base, ZC), :])

    plsc.subcore_barrier()

    epbc = jnp.where(cid == 0, epb0, epb1)
    ebase = jnp.where(cid == 0, sid * epb0, NS * epb0 + sid * epb1) * EB

    def _idx_start(blk, p):
        off = ebase + blk * EB
        pltpu.make_async_copy(src_hbm.at[pl.ds(off, EB)], srcs[p],
                              isems[p]).start()
        pltpu.make_async_copy(dst_hbm.at[pl.ds(off, EB)], dsts[p],
                              isems[p]).start()
        pltpu.make_async_copy(ex_hbm.at[pl.ds(off, EB)], exbs[p],
                              isems[p]).start()

    def _idx_wait(blk, p):
        off = ebase + blk * EB
        pltpu.make_async_copy(src_hbm.at[pl.ds(off, EB)], srcs[p],
                              isems[p]).wait()
        pltpu.make_async_copy(dst_hbm.at[pl.ds(off, EB)], dsts[p],
                              isems[p]).wait()
        pltpu.make_async_copy(ex_hbm.at[pl.ds(off, EB)], exbs[p],
                              isems[p]).wait()

    def _gather_start(p):
        pltpu.make_async_copy(h_hbm.at[srcs[p]], rows[p], gsems[p]).start()

    def _gather_wait(p):
        pltpu.make_async_copy(h_hbm.at[srcs[p]], rows[p], gsems[p]).wait()

    def _scat_start(p):
        pltpu.async_copy(rows[p], usum_sh.at[dscs[p]], ssems[p], add=True)

    def _scat_wait(p):
        pltpu.make_async_copy(rows[p], usum_sh.at[dscs[p]], ssems[p]).wait()

    _idx_start(0, 0)
    _idx_start(1, 1)
    _idx_wait(0, 0)
    _gather_start(0)

    def _step(blk, p, first=False):
        _idx_wait(blk + 1, 1 - p)
        if not first:
            _scat_wait(1 - p)
        _gather_start(1 - p)
        _gather_wait(p)

        dst_v, ex_v, dsc_v, rows_v = dsts[p], exbs[p], dscs[p], rows[p]
        for k in range(8):
            dsc_v[pl.ds(k * 16, 16)] = dst_v[pl.ds(k * 16, 16)]

        def _scale(j, _):
            b = plsc.load_gather(ex_v, [jnp.full((16,), j, _i32)])
            for k in range(8):
                rows_v[j, pl.ds(k * 16, 16)] = rows_v[j, pl.ds(k * 16, 16)] * b
            return 0

        lax.fori_loop(0, EB, _scale, 0)

        _scat_start(p)
        _idx_start(blk + 2, p)

    _step(0, 0, first=True)

    def _pair(o, _):
        _step(2 * o + 1, 1)
        _step(2 * o + 2, 0)
        return 0

    lax.fori_loop(0, (epbc - 2) // 2, _pair, 0)
    _step(epbc - 1, 1)

    _idx_wait(epbc + 1, 1)
    _gather_wait(0)
    _scat_wait(1)

    plsc.subcore_barrier()

    pltpu.sync_copy(usum_sh.at[pl.ds(sid * RPT, RPT), :],
                    usum_out.at[cid, pl.ds(sid * RPT, RPT), :])


def _sc_heavy_pass(h, src, dst, ex, epb0, epb1):
    body = functools.partial(_sc_heavy_kernel, epb0, epb1)
    return pl.kernel(
        body,
        out_type=jax.ShapeDtypeStruct((NC, NP, H), _f32),
        mesh=plsc.VectorSubcoreMesh(core_axis_name="c", subcore_axis_name="s",
                                    num_cores=NC, num_subcores=NS),
        compiler_params=pltpu.CompilerParams(needs_layout_passes=False),
        scratch_types=[
            pltpu.VMEM_SHARED((NP, H), _f32),
            pltpu.VMEM((EB,), _i32),
            pltpu.VMEM((EB,), _i32),
            pltpu.VMEM((EB,), _i32),
            pltpu.VMEM((EB,), _i32),
            pltpu.VMEM((EB,), _f32),
            pltpu.VMEM((EB,), _f32),
            pltpu.VMEM((EB,), _i32),
            pltpu.VMEM((EB,), _i32),
            pltpu.VMEM((EB, H), _f32),
            pltpu.VMEM((EB, H), _f32),
            pltpu.SemaphoreType.DMA,
            pltpu.SemaphoreType.DMA,
            pltpu.SemaphoreType.DMA,
            pltpu.SemaphoreType.DMA,
            pltpu.SemaphoreType.DMA,
            pltpu.SemaphoreType.DMA,
        ],
    )(h, src, dst, ex)


def _tc_embed_body(x_ref, w_ref, aa_ref, h_ref, a_ref):
    xr = jnp.maximum(x_ref[...], 0.0)
    hv = jnp.dot(xr, w_ref[...], preferred_element_type=_f32)
    h_ref[...] = hv
    a_ref[...] = jnp.dot(hv, aa_ref[...], preferred_element_type=_f32)


def _tc_embed(x_pad, w, aa):
    return pl.pallas_call(
        _tc_embed_body,
        grid=(NB,),
        in_specs=[
            pl.BlockSpec((BM, D), lambda i: (i, 0)),
            pl.BlockSpec((D, H), lambda i: (0, 0)),
            pl.BlockSpec((H, 16), lambda i: (0, 0)),
        ],
        out_specs=[
            pl.BlockSpec((BM, H), lambda i: (i, 0)),
            pl.BlockSpec((BM, 16), lambda i: (i, 0)),
        ],
        out_shape=[
            jax.ShapeDtypeStruct((NP, H), _f32),
            jax.ShapeDtypeStruct((NP, 16), _f32),
        ],
    )(x_pad, w, aa)


def _den_from_parts(sp):
    ones = jnp.ones((NW, 8), _f32)
    tot = lax.dot_general(sp, ones, (((0,), (0,)), ((), ())),
                          preferred_element_type=_f32)
    return jnp.maximum(tot[:, 0:1], 1e-16)


def _tc_mid_body(u0_ref, u1_ref, sp_ref, b_ref, w_ref, aa_ref,
                 h_ref, a_ref):
    i = pl.program_id(0)
    u = u0_ref[...] + u1_ref[...]
    den = _den_from_parts(sp_ref[...])
    h1 = u / den + b_ref[...]
    x2 = jnp.maximum(h1, 0.0)
    ridx = lax.broadcasted_iota(_i32, (BM, 1), 0) + i * BM
    x2 = jnp.where(ridx < N, x2, 0.0)
    hv = jnp.dot(x2, w_ref[...], preferred_element_type=_f32)
    h_ref[...] = hv
    a_ref[...] = jnp.dot(hv, aa_ref[...], preferred_element_type=_f32)


def _tc_mid(usum, sparts, b, w, aa):
    return pl.pallas_call(
        _tc_mid_body,
        grid=(NB,),
        in_specs=[
            pl.BlockSpec((BM, H), lambda i: (i, 0)),
            pl.BlockSpec((BM, H), lambda i: (i, 0)),
            pl.BlockSpec((NW, BM), lambda i: (0, i)),
            pl.BlockSpec((1, H), lambda i: (0, 0)),
            pl.BlockSpec((H, H), lambda i: (0, 0)),
            pl.BlockSpec((H, 16), lambda i: (0, 0)),
        ],
        out_specs=[
            pl.BlockSpec((BM, H), lambda i: (i, 0)),
            pl.BlockSpec((BM, 16), lambda i: (i, 0)),
        ],
        out_shape=[
            jax.ShapeDtypeStruct((NP, H), _f32),
            jax.ShapeDtypeStruct((NP, 16), _f32),
        ],
    )(usum[0], usum[1], sparts, b, w, aa)


def _tc_pool_body(u0_ref, u1_ref, sp_ref, b_ref, bat_ref,
                  wf_ref, bf_ref, out_ref, gsum, gmax, gcnt):
    i = pl.program_id(0)

    @pl.when(i == 0)
    def _():
        gsum[...] = jnp.zeros((GP, H), _f32)
        gcnt[...] = jnp.zeros((GP, H), _f32)
        gmax[...] = jnp.full((GP, H), -jnp.inf, _f32)

    u = u0_ref[...] + u1_ref[...]
    den = _den_from_parts(sp_ref[...])
    h2 = u / den + b_ref[...]
    ridx = lax.broadcasted_iota(_i32, (BM, 1), 0) + i * BM
    h2 = jnp.where(ridx < N, h2, 0.0)

    bcol = bat_ref[...]
    giota = lax.broadcasted_iota(_i32, (BM, GP), 1)
    oh = (bcol == giota).astype(_f32)
    dn = (((0,), (0,)), ((), ()))
    gsum[...] = gsum[...] + lax.dot_general(oh, h2, dn,
                                            preferred_element_type=_f32)
    gcnt[...] = gcnt[...] + lax.dot_general(oh, jnp.ones_like(h2), dn,
                                            preferred_element_type=_f32)

    b_lo = jnp.min(bcol)
    b_hi = jnp.max(bcol)

    def _gmax(g, _):
        @pl.when(jnp.logical_and(g >= b_lo, g <= b_hi))
        def _():
            m = bcol == g
            mx = jnp.max(jnp.where(m, h2, -jnp.inf), axis=0, keepdims=True)
            gmax[pl.ds(g, 1), :] = jnp.maximum(gmax[pl.ds(g, 1), :], mx)
        return 0

    lax.fori_loop(0, G, _gmax, 0)

    @pl.when(i == NB - 1)
    def _():
        cnt = gcnt[...]
        gmx = jnp.where(cnt > 0.0, gmax[...], 0.0)
        gmn = gsum[...] / jnp.maximum(cnt, 1.0)
        pooled = jnp.concatenate([gmx[:G], gmn[:G]], axis=1)
        out_ref[...] = (jnp.dot(pooled, wf_ref[...],
                                preferred_element_type=_f32) + bf_ref[...])


def _tc_pool(usum, sparts, b, bat2d, wfp, bfp):
    return pl.pallas_call(
        _tc_pool_body,
        grid=(NB,),
        in_specs=[
            pl.BlockSpec((BM, H), lambda i: (i, 0)),
            pl.BlockSpec((BM, H), lambda i: (i, 0)),
            pl.BlockSpec((NW, BM), lambda i: (0, i)),
            pl.BlockSpec((1, H), lambda i: (0, 0)),
            pl.BlockSpec((BM, 1), lambda i: (i, 0)),
            pl.BlockSpec((2 * H, H), lambda i: (0, 0)),
            pl.BlockSpec((1, H), lambda i: (0, 0)),
        ],
        out_specs=pl.BlockSpec((G, H), lambda i: (0, 0)),
        out_shape=jax.ShapeDtypeStruct((G, H), _f32),
        scratch_shapes=[
            pltpu.VMEM((GP, H), _f32),
            pltpu.VMEM((GP, H), _f32),
            pltpu.VMEM((GP, H), _f32),
        ],
    )(usum[0], usum[1], sparts, b, bat2d, wfp, bfp)


def kernel(x, edge_index, deltaPhi, deltaEta, batch,
           W1, a_s1, a_d1, b1, W2, a_s2, a_d2, b2, Wf, bf):
    del deltaPhi, deltaEta

    e_total = edge_index.shape[1] + N
    tb = -(-e_total // (NS * EB))
    epb0 = 2 * max(1, round(tb * SLOW_FRAC / 2))
    epb1 = tb - epb0
    if epb1 % 2:
        epb1 += 1
    blocks = NS * (epb0 + epb1) + 2
    ep = -(-blocks * EB // (NW * 2 * EB)) * (NW * 2 * EB)
    ept = ep // NW

    loop = jnp.arange(N, dtype=_i32)
    pad_e = N + (jnp.arange(ep - e_total, dtype=_i32) % (NP - N))
    src = jnp.concatenate([edge_index[0].astype(_i32), loop, pad_e])
    dst = jnp.concatenate([edge_index[1].astype(_i32), loop, pad_e])

    x_pad = jnp.pad(x, ((0, NP - N), (0, 0)))
    bat2d = jnp.pad(batch.astype(_i32), (0, NP - N),
                    constant_values=G).reshape(NP, 1)

    def pack_aa(a_s, a_d):
        aa = jnp.zeros((H, 16), _f32)
        aa = aa.at[:, 0].set(a_s)
        aa = aa.at[:, 1].set(a_d)
        return aa

    h1, a1 = _tc_embed(x_pad, W1, pack_aa(a_s1, a_d1))
    ex1, sacc1 = _sc_scalar_pass(a1[:, 0], a1[:, 1], src, dst, ept, ep)
    usum1 = _sc_heavy_pass(h1, src, dst, ex1, epb0, epb1)

    h2, a2 = _tc_mid(usum1, sacc1, b1.reshape(1, H), W2, pack_aa(a_s2, a_d2))
    ex2, sacc2 = _sc_scalar_pass(a2[:, 0], a2[:, 1], src, dst, ept, ep)
    usum2 = _sc_heavy_pass(h2, src, dst, ex2, epb0, epb1)

    wfp = jnp.pad(Wf, ((0, 0), (0, H - OUT)))
    bfp = jnp.pad(bf, (0, H - OUT)).reshape(1, H)
    out = _tc_pool(usum2, sacc2, b2.reshape(1, H), bat2d, wfp, bfp)
    return out[:, :OUT]

# --- scband reference (transcript-rebuilt; emitter-appended) ---
"""Pipeline reference for scband-gatregressor-23545010716873 (READ-ONLY COPY).

The authoritative reference and input builder live on the scoring server;
editing this copy changes nothing except your own understanding.
"""

import jax, jax.numpy as jnp
import numpy as np

N = 10000
E = 320000
D = 128
H = 128
G = 64
OUT = 3


def setup_inputs(seed: int = 0) -> dict:
    key = jax.random.key(seed)
    ks = jax.random.split(key, 16)
    x = jax.random.normal(ks[0], (N, D), dtype=jnp.float32)
    edge_index = jax.random.randint(ks[1], (2, E), 0, N, dtype=jnp.int32)
    deltaPhi = jax.random.normal(ks[2], (E,), dtype=jnp.float32)
    deltaEta = jax.random.normal(ks[3], (E,), dtype=jnp.float32)
    batch = jnp.sort(jax.random.randint(ks[4], (N,), 0, G, dtype=jnp.int32))
    # GATConv 1 params (heads=1, concat=True)
    W1 = jax.random.normal(ks[5], (D, H), dtype=jnp.float32) * (1.0 / np.sqrt(D))
    a_s1 = jax.random.normal(ks[6], (H,), dtype=jnp.float32) * 0.1
    a_d1 = jax.random.normal(ks[7], (H,), dtype=jnp.float32) * 0.1
    b1 = jnp.zeros((H,), dtype=jnp.float32)
    # GATConv 2 params
    W2 = jax.random.normal(ks[8], (H, H), dtype=jnp.float32) * (1.0 / np.sqrt(H))
    a_s2 = jax.random.normal(ks[9], (H,), dtype=jnp.float32) * 0.1
    a_d2 = jax.random.normal(ks[10], (H,), dtype=jnp.float32) * 0.1
    b2 = jnp.zeros((H,), dtype=jnp.float32)
    # fc1 params
    Wf = jax.random.normal(ks[11], (2 * H, OUT), dtype=jnp.float32) * (1.0 / np.sqrt(2 * H))
    bf = jnp.zeros((OUT,), dtype=jnp.float32)
    return {"x": x, "edge_index": edge_index, "deltaPhi": deltaPhi, "deltaEta": deltaEta,
            "batch": batch, "W1": W1, "a_s1": a_s1, "a_d1": a_d1, "b1": b1,
            "W2": W2, "a_s2": a_s2, "a_d2": a_d2, "b2": b2, "Wf": Wf, "bf": bf}


def _gat_layer(x, src, dst, W, a_s, a_d, b, n):
    # PyG GATConv, heads=1: h = x W; alpha_ij = softmax_i(leaky_relu(a_s.h_j + a_d.h_i))
    h = x @ W
    asrc = h @ a_s
    adst = h @ a_d
    e = jax.nn.leaky_relu(asrc[src] + adst[dst], negative_slope=0.2)
    m = jax.ops.segment_max(e, dst, num_segments=n)
    m = jnp.where(jnp.isfinite(m), m, 0.0)
    ex = jnp.exp(e - m[dst])
    s = jax.ops.segment_sum(ex, dst, num_segments=n)
    alpha = ex / jnp.maximum(s[dst], 1e-16)
    out = jax.ops.segment_sum(h[src] * alpha[:, None], dst, num_segments=n)
    return out + b


def reference(x, edge_index, deltaPhi, deltaEta, batch, W1, a_s1, a_d1, b1, W2, a_s2, a_d2, b2, Wf, bf):
    # edge_attr is constructed as in the torch forward; GATConv was built without
    # edge_dim so lin_edge is None and edge_attr does not enter the math.
    edge_attr = jnp.stack([deltaPhi, deltaEta], axis=1)
    _ = edge_attr
    # GATConv default add_self_loops=True
    loop = jnp.arange(N, dtype=edge_index.dtype)
    src = jnp.concatenate([edge_index[0], loop])
    dst = jnp.concatenate([edge_index[1], loop])
    h = jax.nn.relu(x)
    h = _gat_layer(h, src, dst, W1, a_s1, a_d1, b1, N)
    h = jax.nn.relu(h)
    h = _gat_layer(h, src, dst, W2, a_s2, a_d2, b2, N)
    counts = jax.ops.segment_sum(jnp.ones((N,), jnp.float32), batch, num_segments=G)
    gmax = jax.ops.segment_max(h, batch, num_segments=G)
    gmax = jnp.where(counts[:, None] > 0, gmax, 0.0)
    gsum = jax.ops.segment_sum(h, batch, num_segments=G)
    gmean = gsum / jnp.maximum(counts, 1.0)[:, None]
    pooled = jnp.concatenate([gmax, gmean], axis=1)
    return pooled @ Wf + bf

if __name__ == "__main__":
    import jax
    _d = setup_inputs()
    print(jax.jit(kernel)(*tuple(_d.values())))

</pallas_src>

<mosaic_0001>
#map = affine_map<(d0, d1) -> (0, 0)>
#map1 = affine_map<(d0, d1) -> (0)>
#map2 = affine_map<(d0, d1) -> (0, 0, 0)>
module attributes {stable_mosaic.version = 14 : i64} {
  func.func @_sc_heavy_kernel(%arg0: i32, %arg1: i32, %arg2: memref<10240x128xf32, #tpu.memory_space<hbm>>, %arg3: memref<335872xi32, #tpu.memory_space<hbm>>, %arg4: memref<335872xi32, #tpu.memory_space<hbm>>, %arg5: memref<335872xf32, #tpu.memory_space<hbm>>, %arg6: memref<2x10240x128xf32, #tpu.memory_space<hbm>>, %arg7: memref<10240x128xf32, #tpu.memory_space<vmem_shared>>, %arg8: memref<128xi32, #tpu.memory_space<vmem>>, %arg9: memref<128xi32, #tpu.memory_space<vmem>>, %arg10: memref<128xi32, #tpu.memory_space<vmem>>, %arg11: memref<128xi32, #tpu.memory_space<vmem>>, %arg12: memref<128xf32, #tpu.memory_space<vmem>>, %arg13: memref<128xf32, #tpu.memory_space<vmem>>, %arg14: memref<128xi32, #tpu.memory_space<vmem>>, %arg15: memref<128xi32, #tpu.memory_space<vmem>>, %arg16: memref<128x128xf32, #tpu.memory_space<vmem>>, %arg17: memref<128x128xf32, #tpu.memory_space<vmem>>, %arg18: memref<!tpu.dma_semaphore, #tpu.memory_space<semaphore_mem>>, %arg19: memref<!tpu.dma_semaphore, #tpu.memory_space<semaphore_mem>>, %arg20: memref<!tpu.dma_semaphore, #tpu.memory_space<semaphore_mem>>, %arg21: memref<!tpu.dma_semaphore, #tpu.memory_space<semaphore_mem>>, %arg22: memref<!tpu.dma_semaphore, #tpu.memory_space<semaphore_mem>>, %arg23: memref<!tpu.dma_semaphore, #tpu.memory_space<semaphore_mem>>) attributes {dimension_semantics = [#tpu.dimension_semantics<core_parallel>, #tpu.dimension_semantics<subcore_parallel>], iteration_bounds = array<i64: 2, 16>, scalar_prefetch = 0 : i64, scratch_operands = 17 : i64, tpu.core_type = #tpu.core_type<sc_vector_subcore>, window_params = [{transform_indices = #map}, {transform_indices = #map1}, {transform_indices = #map1}, {transform_indices = #map1}, {transform_indices = #map2}]} {
    %mul3A = arith.constant 16 : i32
    %mul3A_0 = arith.muli %arg0, %mul3A : i32
    %add3A = arith.addi %mul3A_0, %arg1 : i32
    %broadcast_in_dim3A = arith.constant 0.000000e+00 : f32
    %broadcast_in_dim3A_1 = vector.broadcast %broadcast_in_dim3A : f32 to vector<16xf32>
    %scan3A = arith.constant 0 : i32
    %scan3A_2 = arith.constant 0 : i32
    %scan3A_3 = arith.constant 128 : i32
    %scan3A_4 = arith.addi %scan3A_2, %scan3A_3 : i32
    %scan3A_5 = arith.constant 1 : i32
    %scan3A_6 = scf.for %scan3A_276 = %scan3A_2 to %scan3A_4 step %scan3A_5 iter_args(%scan3A_277 = %scan3A) -> (i32)  : i32 {
      %swap3A_278 = arith.index_cast %scan3A_276 : i32 to index
      %swap3A_279 = arith.constant 0 : index
      %swap3A_280 = tpu.vector_load %arg16[%swap3A_278, %swap3A_279] {strides = array<i32>} : memref<128x128xf32, #tpu.memory_space<vmem>>, vector<16xf32>,
      tpu.vector_store %arg16[%swap3A_278, %swap3A_279], %broadcast_in_dim3A_1 {strides = array<i32>} : memref<128x128xf32, #tpu.memory_space<vmem>>, vector<16xf32>,
      %swap3A_281 = arith.index_cast %scan3A_276 : i32 to index
      %swap3A_282 = arith.constant 16 : index
      %swap3A_283 = tpu.vector_load %arg16[%swap3A_281, %swap3A_282] {strides = array<i32>} : memref<128x128xf32, #tpu.memory_space<vmem>>, vector<16xf32>,
      tpu.vector_store %arg16[%swap3A_281, %swap3A_282], %broadcast_in_dim3A_1 {strides = array<i32>} : memref<128x128xf32, #tpu.memory_space<vmem>>, vector<16xf32>,
      %swap3A_284 = arith.index_cast %scan3A_276 : i32 to index
      %swap3A_285 = arith.constant 32 : index
      %swap3A_286 = tpu.vector_load %arg16[%swap3A_284, %swap3A_285] {strides = array<i32>} : memref<128x128xf32, #tpu.memory_space<vmem>>, vector<16xf32>,
      tpu.vector_store %arg16[%swap3A_284, %swap3A_285], %broadcast_in_dim3A_1 {strides = array<i32>} : memref<128x128xf32, #tpu.memory_space<vmem>>, vector<16xf32>,
      %swap3A_287 = arith.index_cast %scan3A_276 : i32 to index
      %swap3A_288 = arith.constant 48 : index
      %swap3A_289 = tpu.vector_load %arg16[%swap3A_287, %swap3A_288] {strides = array<i32>} : memref<128x128xf32, #tpu.memory_space<vmem>>, vector<16xf32>,
      tpu.vector_store %arg16[%swap3A_287, %swap3A_288], %broadcast_in_dim3A_1 {strides = array<i32>} : memref<128x128xf32, #tpu.memory_space<vmem>>, vector<16xf32>,
      %swap3A_290 = arith.index_cast %scan3A_276 : i32 to index
      %swap3A_291 = arith.constant 64 : index
      %swap3A_292 = tpu.vector_load %arg16[%swap3A_290, %swap3A_291] {strides = array<i32>} : memref<128x128xf32, #tpu.memory_space<vmem>>, vector<16xf32>,
      tpu.vector_store %arg16[%swap3A_290, %swap3A_291], %broadcast_in_dim3A_1 {strides = array<i32>} : memref<128x128xf32, #tpu.memory_space<vmem>>, vector<16xf32>,
      %swap3A_293 = arith.index_cast %scan3A_276 : i32 to index
      %swap3A_294 = arith.constant 80 : index
      %swap3A_295 = tpu.vector_load %arg16[%swap3A_293, %swap3A_294] {strides = array<i32>} : memref<128x128xf32, #tpu.memory_space<vmem>>, vector<16xf32>,
      tpu.vector_store %arg16[%swap3A_293, %swap3A_294], %broadcast_in_dim3A_1 {strides = array<i32>} : memref<128x128xf32, #tpu.memory_space<vmem>>, vector<16xf32>,
      %swap3A_296 = arith.index_cast %scan3A_276 : i32 to index
      %swap3A_297 = arith.constant 96 : index
      %swap3A_298 = tpu.vector_load %arg16[%swap3A_296, %swap3A_297] {strides = array<i32>} : memref<128x128xf32, #tpu.memory_space<vmem>>, vector<16xf32>,
      tpu.vector_store %arg16[%swap3A_296, %swap3A_297], %broadcast_in_dim3A_1 {strides = array<i32>} : memref<128x128xf32, #tpu.memory_space<vmem>>, vector<16xf32>,
      %swap3A_299 = arith.index_cast %scan3A_276 : i32 to index
      %swap3A_300 = arith.constant 112 : index
      %swap3A_301 = tpu.vector_load %arg16[%swap3A_299, %swap3A_300] {strides = array<i32>} : memref<128x128xf32, #tpu.memory_space<vmem>>, vector<16xf32>,
      tpu.vector_store %arg16[%swap3A_299, %swap3A_300], %broadcast_in_dim3A_1 {strides = array<i32>} : memref<128x128xf32, #tpu.memory_space<vmem>>, vector<16xf32>,
      %scan3A_302 = arith.constant 0 : i32
      scf.yield %scan3A_302 : i32
    }
    %scan3A_7 = arith.constant 128 : i32
    %mul3A_8 = arith.constant 640 : i32
    %mul3A_9 = arith.muli %arg1, %mul3A_8 : i32
    %add3A_10 = arith.constant 0 : i32
    %add3A_11 = arith.addi %mul3A_9, %add3A_10 : i32
    "tpu.region"() ({
      %run_scoped3A = tpu.sem_alloc : memref<!tpu.dma_semaphore, #tpu.memory_space<semaphore_mem>>
      %dma_start3A_276 = arith.constant 0 : i32
      %dma_start3A_277 = arith.constant 0 : i32
      %dma_start3A_278 = tpu.memref_slice %arg16[%dma_start3A_276, %dma_start3A_277] : memref<128x128xf32, #tpu.memory_space<vmem>> -> memref<64x128xf32, #tpu.memory_space<vmem>>
      %dma_start3A_279 = arith.constant 0 : i32
      %dma_start3A_280 = tpu.memref_slice %arg7[%add3A_11, %dma_start3A_279] : memref<10240x128xf32, #tpu.memory_space<vmem_shared>> -> memref<64x128xf32, #tpu.memory_space<vmem_shared>>
      %dma_start3A_281 = arith.constant 0 : i32
      %dma_start3A_282 = tpu.memref_slice %arg7[%add3A_11, %dma_start3A_281] : memref<10240x128xf32, #tpu.memory_space<vmem_shared>> -> memref<64x128xf32, #tpu.memory_space<vmem_shared>>
      %dma_start3A_283 = arith.constant 0 : i32
      %dma_start3A_284 = arith.constant 0 : i32
      %dma_start3A_285 = tpu.memref_slice %arg16[%dma_start3A_283, %dma_start3A_284] : memref<128x128xf32, #tpu.memory_space<vmem>> -> memref<64x128xf32, #tpu.memory_space<vmem>>
      tpu.enqueue_dma source(%dma_start3A_285 : memref<64x128xf32, #tpu.memory_space<vmem>>) target(%dma_start3A_282 : memref<64x128xf32, #tpu.memory_space<vmem_shared>>) target_semaphore(%run_scoped3A : memref<!tpu.dma_semaphore, #tpu.memory_space<semaphore_mem>>)
      %dma_wait3A_286 = arith.constant 0 : i32
      %dma_wait3A_287 = arith.constant 0 : i32
      %dma_wait3A_288 = tpu.memref_slice %arg16[%dma_wait3A_286, %dma_wait3A_287] : memref<128x128xf32, #tpu.memory_space<vmem>> -> memref<64x128xf32, #tpu.memory_space<vmem>>
      %dma_wait3A_289 = arith.constant 0 : i32
      %dma_wait3A_290 = tpu.memref_slice %arg7[%add3A_11, %dma_wait3A_289] : memref<10240x128xf32, #tpu.memory_space<vmem_shared>> -> memref<64x128xf32, #tpu.memory_space<vmem_shared>>
      %dma_wait3A_291 = arith.constant 0 : i32
      %dma_wait3A_292 = tpu.memref_slice %arg7[%add3A_11, %dma_wait3A_291] : memref<10240x128xf32, #tpu.memory_space<vmem_shared>> -> memref<64x128xf32, #tpu.memory_space<vmem_shared>>
      %dma_wait3A_293 = arith.constant 0 : i32
      %dma_wait3A_294 = arith.constant 0 : i32
      %dma_wait3A_295 = tpu.memref_slice %arg16[%dma_wait3A_293, %dma_wait3A_294] : memref<128x128xf32, #tpu.memory_space<vmem>> -> memref<64x128xf32, #tpu.memory_space<vmem>>
      tpu.wait_dma2 semaphore(%run_scoped3A : memref<!tpu.dma_semaphore, #tpu.memory_space<semaphore_mem>>) src(%dma_wait3A_295 : memref<64x128xf32, #tpu.memory_space<vmem>>) dst(%dma_wait3A_292 : memref<64x128xf32, #tpu.memory_space<vmem_shared>>)
      tpu.yield
    }) : () -> ()
    %mul3A_12 = arith.constant 640 : i32
    %mul3A_13 = arith.muli %arg1, %mul3A_12 : i32
    %add3A_14 = arith.constant 64 : i32
    %add3A_15 = arith.addi %mul3A_13, %add3A_14 : i32
    "tpu.region"() ({
      %run_scoped3A = tpu.sem_alloc : memref<!tpu.dma_semaphore, #tpu.memory_space<semaphore_mem>>
      %dma_start3A_276 = arith.constant 0 : i32
      %dma_start3A_277 = arith.constant 0 : i32
      %dma_start3A_278 = tpu.memref_slice %arg16[%dma_start3A_276, %dma_start3A_277] : memref<128x128xf32, #tpu.memory_space<vmem>> -> memref<64x128xf32, #tpu.memory_space<vmem>>
      %dma_start3A_279 = arith.constant 0 : i32
      %dma_start3A_280 = tpu.memref_slice %arg7[%add3A_15, %dma_start3A_279] : memref<10240x128xf32, #tpu.memory_space<vmem_shared>> -> memref<64x128xf32, #tpu.memory_space<vmem_shared>>
      %dma_start3A_281 = arith.constant 0 : i32
      %dma_start3A_282 = tpu.memref_slice %arg7[%add3A_15, %dma_start3A_281] : memref<10240x128xf32, #tpu.memory_space<vmem_shared>> -> memref<64x128xf32, #tpu.memory_space<vmem_shared>>
      %dma_start3A_283 = arith.constant 0 : i32
      %dma_start3A_284 = arith.constant 0 : i32
      %dma_start3A_285 = tpu.memref_slice %arg16[%dma_start3A_283, %dma_start3A_284] : memref<128x128xf32, #tpu.memory_space<vmem>> -> memref<64x128xf32, #tpu.memory_space<vmem>>
      tpu.enqueue_dma source(%dma_start3A_285 : memref<64x128xf32, #tpu.memory_space<vmem>>) target(%dma_start3A_282 : memref<64x128xf32, #tpu.memory_space<vmem_shared>>) target_semaphore(%run_scoped3A : memref<!tpu.dma_semaphore, #tpu.memory_space<semaphore_mem>>)
      %dma_wait3A_286 = arith.constant 0 : i32
      %dma_wait3A_287 = arith.constant 0 : i32
      %dma_wait3A_288 = tpu.memref_slice %arg16[%dma_wait3A_286, %dma_wait3A_287] : memref<128x128xf32, #tpu.memory_space<vmem>> -> memref<64x128xf32, #tpu.memory_space<vmem>>
      %dma_wait3A_289 = arith.constant 0 : i32
      %dma_wait3A_290 = tpu.memref_slice %arg7[%add3A_15, %dma_wait3A_289] : memref<10240x128xf32, #tpu.memory_space<vmem_shared>> -> memref<64x128xf32, #tpu.memory_space<vmem_shared>>
      %dma_wait3A_291 = arith.constant 0 : i32
      %dma_wait3A_292 = tpu.memref_slice %arg7[%add3A_15, %dma_wait3A_291] : memref<10240x128xf32, #tpu.memory_space<vmem_shared>> -> memref<64x128xf32, #tpu.memory_space<vmem_shared>>
      %dma_wait3A_293 = arith.constant 0 : i32
      %dma_wait3A_294 = arith.constant 0 : i32
      %dma_wait3A_295 = tpu.memref_slice %arg16[%dma_wait3A_293, %dma_wait3A_294] : memref<128x128xf32, #tpu.memory_space<vmem>> -> memref<64x128xf32, #tpu.memory_space<vmem>>
      tpu.wait_dma2 semaphore(%run_scoped3A : memref<!tpu.dma_semaphore, #tpu.memory_space<semaphore_mem>>) src(%dma_wait3A_295 : memref<64x128xf32, #tpu.memory_space<vmem>>) dst(%dma_wait3A_292 : memref<64x128xf32, #tpu.memory_space<vmem_shared>>)
      tpu.yield
    }) : () -> ()
    %mul3A_16 = arith.constant 640 : i32
    %mul3A_17 = arith.muli %arg1, %mul3A_16 : i32
    %add3A_18 = arith.constant 128 : i32
    %add3A_19 = arith.addi %mul3A_17, %add3A_18 : i32
    "tpu.region"() ({
      %run_scoped3A = tpu.sem_alloc : memref<!tpu.dma_semaphore, #tpu.memory_space<semaphore_mem>>
      %dma_start3A_276 = arith.constant 0 : i32
      %dma_start3A_277 = arith.constant 0 : i32
      %dma_start3A_278 = tpu.memref_slice %arg16[%dma_start3A_276, %dma_start3A_277] : memref<128x128xf32, #tpu.memory_space<vmem>> -> memref<64x128xf32, #tpu.memory_space<vmem>>
      %dma_start3A_279 = arith.constant 0 : i32
      %dma_start3A_280 = tpu.memref_slice %arg7[%add3A_19, %dma_start3A_279] : memref<10240x128xf32, #tpu.memory_space<vmem_shared>> -> memref<64x128xf32, #tpu.memory_space<vmem_shared>>
      %dma_start3A_281 = arith.constant 0 : i32
      %dma_start3A_282 = tpu.memref_slice %arg7[%add3A_19, %dma_start3A_281] : memref<10240x128xf32, #tpu.memory_space<vmem_shared>> -> memref<64x128xf32, #tpu.memory_space<vmem_shared>>
      %dma_start3A_283 = arith.constant 0 : i32
      %dma_start3A_284 = arith.constant 0 : i32
      %dma_start3A_285 = tpu.memref_slice %arg16[%dma_start3A_283, %dma_start3A_284] : memref<128x128xf32, #tpu.memory_space<vmem>> -> memref<64x128xf32, #tpu.memory_space<vmem>>
      tpu.enqueue_dma source(%dma_start3A_285 : memref<64x128xf32, #tpu.memory_space<vmem>>) target(%dma_start3A_282 : memref<64x128xf32, #tpu.memory_space<vmem_shared>>) target_semaphore(%run_scoped3A : memref<!tpu.dma_semaphore, #tpu.memory_space<semaphore_mem>>)
      %dma_wait3A_286 = arith.constant 0 : i32
      %dma_wait3A_287 = arith.constant 0 : i32
      %dma_wait3A_288 = tpu.memref_slice %arg16[%dma_wait3A_286, %dma_wait3A_287] : memref<128x128xf32, #tpu.memory_space<vmem>> -> memref<64x128xf32, #tpu.memory_space<vmem>>
      %dma_wait3A_289 = arith.constant 0 : i32
      %dma_wait3A_290 = tpu.memref_slice %arg7[%add3A_19, %dma_wait3A_289] : memref<10240x128xf32, #tpu.memory_space<vmem_shared>> -> memref<64x128xf32, #tpu.memory_space<vmem_shared>>
      %dma_wait3A_291 = arith.constant 0 : i32
      %dma_wait3A_292 = tpu.memref_slice %arg7[%add3A_19, %dma_wait3A_291] : memref<10240x128xf32, #tpu.memory_space<vmem_shared>> -> memref<64x128xf32, #tpu.memory_space<vmem_shared>>
      %dma_wait3A_293 = arith.constant 0 : i32
      %dma_wait3A_294 = arith.constant 0 : i32
      %dma_wait3A_295 = tpu.memref_slice %arg16[%dma_wait3A_293, %dma_wait3A_294] : memref<128x128xf32, #tpu.memory_space<vmem>> -> memref<64x128xf32, #tpu.memory_space<vmem>>
      tpu.wait_dma2 semaphore(%run_scoped3A : memref<!tpu.dma_semaphore, #tpu.memory_space<semaphore_mem>>) src(%dma_wait3A_295 : memref<64x128xf32, #tpu.memory_space<vmem>>) dst(%dma_wait3A_292 : memref<64x128xf32, #tpu.memory_space<vmem_shared>>)
      tpu.yield
    }) : () -> ()
    %mul3A_20 = arith.constant 640 : i32
    %mul3A_21 = arith.muli %arg1, %mul3A_20 : i32
    %add3A_22 = arith.constant 192 : i32
    %add3A_23 = arith.addi %mul3A_21, %add3A_22 : i32
    "tpu.region"() ({
      %run_scoped3A = tpu.sem_alloc : memref<!tpu.dma_semaphore, #tpu.memory_space<semaphore_mem>>
      %dma_start3A_276 = arith.constant 0 : i32
      %dma_start3A_277 = arith.constant 0 : i32
      %dma_start3A_278 = tpu.memref_slice %arg16[%dma_start3A_276, %dma_start3A_277] : memref<128x128xf32, #tpu.memory_space<vmem>> -> memref<64x128xf32, #tpu.memory_space<vmem>>
      %dma_start3A_279 = arith.constant 0 : i32
      %dma_start3A_280 = tpu.memref_slice %arg7[%add3A_23, %dma_start3A_279] : memref<10240x128xf32, #tpu.memory_space<vmem_shared>> -> memref<64x128xf32, #tpu.memory_space<vmem_shared>>
      %dma_start3A_281 = arith.constant 0 : i32
      %dma_start3A_282 = tpu.memref_slice %arg7[%add3A_23, %dma_start3A_281] : memref<10240x128xf32, #tpu.memory_space<vmem_shared>> -> memref<64x128xf32, #tpu.memory_space<vmem_shared>>
      %dma_start3A_283 = arith.constant 0 : i32
      %dma_start3A_284 = arith.constant 0 : i32
      %dma_start3A_285 = tpu.memref_slice %arg16[%dma_start3A_283, %dma_start3A_284] : memref<128x128xf32, #tpu.memory_space<vmem>> -> memref<64x128xf32, #tpu.memory_space<vmem>>
      tpu.enqueue_dma source(%dma_start3A_285 : memref<64x128xf32, #tpu.memory_space<vmem>>) target(%dma_start3A_282 : memref<64x128xf32, #tpu.memory_space<vmem_shared>>) target_semaphore(%run_scoped3A : memref<!tpu.dma_semaphore, #tpu.memory_space<semaphore_mem>>)
      %dma_wait3A_286 = arith.constant 0 : i32
      %dma_wait3A_287 = arith.constant 0 : i32
      %dma_wait3A_288 = tpu.memref_slice %arg16[%dma_wait3A_286, %dma_wait3A_287] : memref<128x128xf32, #tpu.memory_space<vmem>> -> memref<64x128xf32, #tpu.memory_space<vmem>>
      %dma_wait3A_289 = arith.constant 0 : i32
      %dma_wait3A_290 = tpu.memref_slice %arg7[%add3A_23, %dma_wait3A_289] : memref<10240x128xf32, #tpu.memory_space<vmem_shared>> -> memref<64x128xf32, #tpu.memory_space<vmem_shared>>
      %dma_wait3A_291 = arith.constant 0 : i32
      %dma_wait3A_292 = tpu.memref_slice %arg7[%add3A_23, %dma_wait3A_291] : memref<10240x128xf32, #tpu.memory_space<vmem_shared>> -> memref<64x128xf32, #tpu.memory_space<vmem_shared>>
      %dma_wait3A_293 = arith.constant 0 : i32
      %dma_wait3A_294 = arith.constant 0 : i32
      %dma_wait3A_295 = tpu.memref_slice %arg16[%dma_wait3A_293, %dma_wait3A_294] : memref<128x128xf32, #tpu.memory_space<vmem>> -> memref<64x128xf32, #tpu.memory_space<vmem>>
      tpu.wait_dma2 semaphore(%run_scoped3A : memref<!tpu.dma_semaphore, #tpu.memory_space<semaphore_mem>>) src(%dma_wait3A_295 : memref<64x128xf32, #tpu.memory_space<vmem>>) dst(%dma_wait3A_292 : memref<64x128xf32, #tpu.memory_space<vmem_shared>>)
      tpu.yield
    }) : () -> ()
    %mul3A_24 = arith.constant 640 : i32
    %mul3A_25 = arith.muli %arg1, %mul3A_24 : i32
    %add3A_26 = arith.constant 256 : i32
    %add3A_27 = arith.addi %mul3A_25, %add3A_26 : i32
    "tpu.region"() ({
      %run_scoped3A = tpu.sem_alloc : memref<!tpu.dma_semaphore, #tpu.memory_space<semaphore_mem>>
      %dma_start3A_276 = arith.constant 0 : i32
      %dma_start3A_277 = arith.constant 0 : i32
      %dma_start3A_278 = tpu.memref_slice %arg16[%dma_start3A_276, %dma_start3A_277] : memref<128x128xf32, #tpu.memory_space<vmem>> -> memref<64x128xf32, #tpu.memory_space<vmem>>
      %dma_start3A_279 = arith.constant 0 : i32
      %dma_start3A_280 = tpu.memref_slice %arg7[%add3A_27, %dma_start3A_279] : memref<10240x128xf32, #tpu.memory_space<vmem_shared>> -> memref<64x128xf32, #tpu.memory_space<vmem_shared>>
      %dma_start3A_281 = arith.constant 0 : i32
      %dma_start3A_282 = tpu.memref_slice %arg7[%add3A_27, %dma_start3A_281] : memref<10240x128xf32, #tpu.memory_space<vmem_shared>> -> memref<64x128xf32, #tpu.memory_space<vmem_shared>>
      %dma_start3A_283 = arith.constant 0 : i32
      %dma_start3A_284 = arith.constant 0 : i32
      %dma_start3A_285 = tpu.memref_slice %arg16[%dma_start3A_283, %dma_start3A_284] : memref<128x128xf32, #tpu.memory_space<vmem>> -> memref<64x128xf32, #tpu.memory_space<vmem>>
      tpu.enqueue_dma source(%dma_start3A_285 : memref<64x128xf32, #tpu.memory_space<vmem>>) target(%dma_start3A_282 : memref<64x128xf32, #tpu.memory_space<vmem_shared>>) target_semaphore(%run_scoped3A : memref<!tpu.dma_semaphore, #tpu.memory_space<semaphore_mem>>)
      %dma_wait3A_286 = arith.constant 0 : i32
      %dma_wait3A_287 = arith.constant 0 : i32
      %dma_wait3A_288 = tpu.memref_slice %arg16[%dma_wait3A_286, %dma_wait3A_287] : memref<128x128xf32, #tpu.memory_space<vmem>> -> memref<64x128xf32, #tpu.memory_space<vmem>>
      %dma_wait3A_289 = arith.constant 0 : i32
      %dma_wait3A_290 = tpu.memref_slice %arg7[%add3A_27, %dma_wait3A_289] : memref<10240x128xf32, #tpu.memory_space<vmem_shared>> -> memref<64x128xf32, #tpu.memory_space<vmem_shared>>
      %dma_wait3A_291 = arith.constant 0 : i32
      %dma_wait3A_292 = tpu.memref_slice %arg7[%add3A_27, %dma_wait3A_291] : memref<10240x128xf32, #tpu.memory_space<vmem_shared>> -> memref<64x128xf32, #tpu.memory_space<vmem_shared>>
      %dma_wait3A_293 = arith.constant 0 : i32
      %dma_wait3A_294 = arith.constant 0 : i32
      %dma_wait3A_295 = tpu.memref_slice %arg16[%dma_wait3A_293, %dma_wait3A_294] : memref<128x128xf32, #tpu.memory_space<vmem>> -> memref<64x128xf32, #tpu.memory_space<vmem>>
      tpu.wait_dma2 semaphore(%run_scoped3A : memref<!tpu.dma_semaphore, #tpu.memory_space<semaphore_mem>>) src(%dma_wait3A_295 : memref<64x128xf32, #tpu.memory_space<vmem>>) dst(%dma_wait3A_292 : memref<64x128xf32, #tpu.memory_space<vmem_shared>>)
      tpu.yield
    }) : () -> ()
    %mul3A_28 = arith.constant 640 : i32
    %mul3A_29 = arith.muli %arg1, %mul3A_28 : i32
    %add3A_30 = arith.constant 320 : i32
    %add3A_31 = arith.addi %mul3A_29, %add3A_30 : i32
    "tpu.region"() ({
      %run_scoped3A = tpu.sem_alloc : memref<!tpu.dma_semaphore, #tpu.memory_space<semaphore_mem>>
      %dma_start3A_276 = arith.constant 0 : i32
      %dma_start3A_277 = arith.constant 0 : i32
      %dma_start3A_278 = tpu.memref_slice %arg16[%dma_start3A_276, %dma_start3A_277] : memref<128x128xf32, #tpu.memory_space<vmem>> -> memref<64x128xf32, #tpu.memory_space<vmem>>
      %dma_start3A_279 = arith.constant 0 : i32
      %dma_start3A_280 = tpu.memref_slice %arg7[%add3A_31, %dma_start3A_279] : memref<10240x128xf32, #tpu.memory_space<vmem_shared>> -> memref<64x128xf32, #tpu.memory_space<vmem_shared>>
      %dma_start3A_281 = arith.constant 0 : i32
      %dma_start3A_282 = tpu.memref_slice %arg7[%add3A_31, %dma_start3A_281] : memref<10240x128xf32, #tpu.memory_space<vmem_shared>> -> memref<64x128xf32, #tpu.memory_space<vmem_shared>>
      %dma_start3A_283 = arith.constant 0 : i32
      %dma_start3A_284 = arith.constant 0 : i32
      %dma_start3A_285 = tpu.memref_slice %arg16[%dma_start3A_283, %dma_start3A_284] : memref<128x128xf32, #tpu.memory_space<vmem>> -> memref<64x128xf32, #tpu.memory_space<vmem>>
      tpu.enqueue_dma source(%dma_start3A_285 : memref<64x128xf32, #tpu.memory_space<vmem>>) target(%dma_start3A_282 : memref<64x128xf32, #tpu.memory_space<vmem_shared>>) target_semaphore(%run_scoped3A : memref<!tpu.dma_semaphore, #tpu.memory_space<semaphore_mem>>)
      %dma_wait3A_286 = arith.constant 0 : i32
      %dma_wait3A_287 = arith.constant 0 : i32
      %dma_wait3A_288 = tpu.memref_slice %arg16[%dma_wait3A_286, %dma_wait3A_287] : memref<128x128xf32, #tpu.memory_space<vmem>> -> memref<64x128xf32, #tpu.memory_space<vmem>>
      %dma_wait3A_289 = arith.constant 0 : i32
      %dma_wait3A_290 = tpu.memref_slice %arg7[%add3A_31, %dma_wait3A_289] : memref<10240x128xf32, #tpu.memory_space<vmem_shared>> -> memref<64x128xf32, #tpu.memory_space<vmem_shared>>
      %dma_wait3A_291 = arith.constant 0 : i32
      %dma_wait3A_292 = tpu.memref_slice %arg7[%add3A_31, %dma_wait3A_291] : memref<10240x128xf32, #tpu.memory_space<vmem_shared>> -> memref<64x128xf32, #tpu.memory_space<vmem_shared>>
      %dma_wait3A_293 = arith.constant 0 : i32
      %dma_wait3A_294 = arith.constant 0 : i32
      %dma_wait3A_295 = tpu.memref_slice %arg16[%dma_wait3A_293, %dma_wait3A_294] : memref<128x128xf32, #tpu.memory_space<vmem>> -> memref<64x128xf32, #tpu.memory_space<vmem>>
      tpu.wait_dma2 semaphore(%run_scoped3A : memref<!tpu.dma_semaphore, #tpu.memory_space<semaphore_mem>>) src(%dma_wait3A_295 : memref<64x128xf32, #tpu.memory_space<vmem>>) dst(%dma_wait3A_292 : memref<64x128xf32, #tpu.memory_space<vmem_shared>>)
      tpu.yield
    }) : () -> ()
    %mul3A_32 = arith.constant 640 : i32
    %mul3A_33 = arith.muli %arg1, %mul3A_32 : i32
    %add3A_34 = arith.constant 384 : i32
    %add3A_35 = arith.addi %mul3A_33, %add3A_34 : i32
    "tpu.region"() ({
      %run_scoped3A = tpu.sem_alloc : memref<!tpu.dma_semaphore, #tpu.memory_space<semaphore_mem>>
      %dma_start3A_276 = arith.constant 0 : i32
      %dma_start3A_277 = arith.constant 0 : i32
      %dma_start3A_278 = tpu.memref_slice %arg16[%dma_start3A_276, %dma_start3A_277] : memref<128x128xf32, #tpu.memory_space<vmem>> -> memref<64x128xf32, #tpu.memory_space<vmem>>
      %dma_start3A_279 = arith.constant 0 : i32
      %dma_start3A_280 = tpu.memref_slice %arg7[%add3A_35, %dma_start3A_279] : memref<10240x128xf32, #tpu.memory_space<vmem_shared>> -> memref<64x128xf32, #tpu.memory_space<vmem_shared>>
      %dma_start3A_281 = arith.constant 0 : i32
      %dma_start3A_282 = tpu.memref_slice %arg7[%add3A_35, %dma_start3A_281] : memref<10240x128xf32, #tpu.memory_space<vmem_shared>> -> memref<64x128xf32, #tpu.memory_space<vmem_shared>>
      %dma_start3A_283 = arith.constant 0 : i32
      %dma_start3A_284 = arith.constant 0 : i32
      %dma_start3A_285 = tpu.memref_slice %arg16[%dma_start3A_283, %dma_start3A_284] : memref<128x128xf32, #tpu.memory_space<vmem>> -> memref<64x128xf32, #tpu.memory_space<vmem>>
      tpu.enqueue_dma source(%dma_start3A_285 : memref<64x128xf32, #tpu.memory_space<vmem>>) target(%dma_start3A_282 : memref<64x128xf32, #tpu.memory_space<vmem_shared>>) target_semaphore(%run_scoped3A : memref<!tpu.dma_semaphore, #tpu.memory_space<semaphore_mem>>)
      %dma_wait3A_286 = arith.constant 0 : i32
      %dma_wait3A_287 = arith.constant 0 : i32
      %dma_wait3A_288 = tpu.memref_slice %arg16[%dma_wait3A_286, %dma_wait3A_287] : memref<128x128xf32, #tpu.memory_space<vmem>> -> memref<64x128xf32, #tpu.memory_space<vmem>>
      %dma_wait3A_289 = arith.constant 0 : i32
      %dma_wait3A_290 = tpu.memref_slice %arg7[%add3A_35, %dma_wait3A_289] : memref<10240x128xf32, #tpu.memory_space<vmem_shared>> -> memref<64x128xf32, #tpu.memory_space<vmem_shared>>
      %dma_wait3A_291 = arith.constant 0 : i32
      %dma_wait3A_292 = tpu.memref_slice %arg7[%add3A_35, %dma_wait3A_291] : memref<10240x128xf32, #tpu.memory_space<vmem_shared>> -> memref<64x128xf32, #tpu.memory_space<vmem_shared>>
      %dma_wait3A_293 = arith.constant 0 : i32
      %dma_wait3A_294 = arith.constant 0 : i32
      %dma_wait3A_295 = tpu.memref_slice %arg16[%dma_wait3A_293, %dma_wait3A_294] : memref<128x128xf32, #tpu.memory_space<vmem>> -> memref<64x128xf32, #tpu.memory_space<vmem>>
      tpu.wait_dma2 semaphore(%run_scoped3A : memref<!tpu.dma_semaphore, #tpu.memory_space<semaphore_mem>>) src(%dma_wait3A_295 : memref<64x128xf32, #tpu.memory_space<vmem>>) dst(%dma_wait3A_292 : memref<64x128xf32, #tpu.memory_space<vmem_shared>>)
      tpu.yield
    }) : () -> ()
    %mul3A_36 = arith.constant 640 : i32
    %mul3A_37 = arith.muli %arg1, %mul3A_36 : i32
    %add3A_38 = arith.constant 448 : i32
    %add3A_39 = arith.addi %mul3A_37, %add3A_38 : i32
    "tpu.region"() ({
      %run_scoped3A = tpu.sem_alloc : memref<!tpu.dma_semaphore, #tpu.memory_space<semaphore_mem>>
      %dma_start3A_276 = arith.constant 0 : i32
      %dma_start3A_277 = arith.constant 0 : i32
      %dma_start3A_278 = tpu.memref_slice %arg16[%dma_start3A_276, %dma_start3A_277] : memref<128x128xf32, #tpu.memory_space<vmem>> -> memref<64x128xf32, #tpu.memory_space<vmem>>
      %dma_start3A_279 = arith.constant 0 : i32
      %dma_start3A_280 = tpu.memref_slice %arg7[%add3A_39, %dma_start3A_279] : memref<10240x128xf32, #tpu.memory_space<vmem_shared>> -> memref<64x128xf32, #tpu.memory_space<vmem_shared>>
      %dma_start3A_281 = arith.constant 0 : i32
      %dma_start3A_282 = tpu.memref_slice %arg7[%add3A_39, %dma_start3A_281] : memref<10240x128xf32, #tpu.memory_space<vmem_shared>> -> memref<64x128xf32, #tpu.memory_space<vmem_shared>>
      %dma_start3A_283 = arith.constant 0 : i32
      %dma_start3A_284 = arith.constant 0 : i32
      %dma_start3A_285 = tpu.memref_slice %arg16[%dma_start3A_283, %dma_start3A_284] : memref<128x128xf32, #tpu.memory_space<vmem>> -> memref<64x128xf32, #tpu.memory_space<vmem>>
      tpu.enqueue_dma source(%dma_start3A_285 : memref<64x128xf32, #tpu.memory_space<vmem>>) target(%dma_start3A_282 : memref<64x128xf32, #tpu.memory_space<vmem_shared>>) target_semaphore(%run_scoped3A : memref<!tpu.dma_semaphore, #tpu.memory_space<semaphore_mem>>)
      %dma_wait3A_286 = arith.constant 0 : i32
      %dma_wait3A_287 = arith.constant 0 : i32
      %dma_wait3A_288 = tpu.memref_slice %arg16[%dma_wait3A_286, %dma_wait3A_287] : memref<128x128xf32, #tpu.memory_space<vmem>> -> memref<64x128xf32, #tpu.memory_space<vmem>>
      %dma_wait3A_289 = arith.constant 0 : i32
      %dma_wait3A_290 = tpu.memref_slice %arg7[%add3A_39, %dma_wait3A_289] : memref<10240x128xf32, #tpu.memory_space<vmem_shared>> -> memref<64x128xf32, #tpu.memory_space<vmem_shared>>
      %dma_wait3A_291 = arith.constant 0 : i32
      %dma_wait3A_292 = tpu.memref_slice %arg7[%add3A_39, %dma_wait3A_291] : memref<10240x128xf32, #tpu.memory_space<vmem_shared>> -> memref<64x128xf32, #tpu.memory_space<vmem_shared>>
      %dma_wait3A_293 = arith.constant 0 : i32
      %dma_wait3A_294 = arith.constant 0 : i32
      %dma_wait3A_295 = tpu.memref_slice %arg16[%dma_wait3A_293, %dma_wait3A_294] : memref<128x128xf32, #tpu.memory_space<vmem>> -> memref<64x128xf32, #tpu.memory_space<vmem>>
      tpu.wait_dma2 semaphore(%run_scoped3A : memref<!tpu.dma_semaphore, #tpu.memory_space<semaphore_mem>>) src(%dma_wait3A_295 : memref<64x128xf32, #tpu.memory_space<vmem>>) dst(%dma_wait3A_292 : memref<64x128xf32, #tpu.memory_space<vmem_shared>>)
      tpu.yield
    }) : () -> ()
    %mul3A_40 = arith.constant 640 : i32
    %mul3A_41 = arith.muli %arg1, %mul3A_40 : i32
    %add3A_42 = arith.constant 512 : i32
    %add3A_43 = arith.addi %mul3A_41, %add3A_42 : i32
    "tpu.region"() ({
      %run_scoped3A = tpu.sem_alloc : memref<!tpu.dma_semaphore, #tpu.memory_space<semaphore_mem>>
      %dma_start3A_276 = arith.constant 0 : i32
      %dma_start3A_277 = arith.constant 0 : i32
      %dma_start3A_278 = tpu.memref_slice %arg16[%dma_start3A_276, %dma_start3A_277] : memref<128x128xf32, #tpu.memory_space<vmem>> -> memref<64x128xf32, #tpu.memory_space<vmem>>
      %dma_start3A_279 = arith.constant 0 : i32
      %dma_start3A_280 = tpu.memref_slice %arg7[%add3A_43, %dma_start3A_279] : memref<10240x128xf32, #tpu.memory_space<vmem_shared>> -> memref<64x128xf32, #tpu.memory_space<vmem_shared>>
      %dma_start3A_281 = arith.constant 0 : i32
      %dma_start3A_282 = tpu.memref_slice %arg7[%add3A_43, %dma_start3A_281] : memref<10240x128xf32, #tpu.memory_space<vmem_shared>> -> memref<64x128xf32, #tpu.memory_space<vmem_shared>>
      %dma_start3A_283 = arith.constant 0 : i32
      %dma_start3A_284 = arith.constant 0 : i32
      %dma_start3A_285 = tpu.memref_slice %arg16[%dma_start3A_283, %dma_start3A_284] : memref<128x128xf32, #tpu.memory_space<vmem>> -> memref<64x128xf32, #tpu.memory_space<vmem>>
      tpu.enqueue_dma source(%dma_start3A_285 : memref<64x128xf32, #tpu.memory_space<vmem>>) target(%dma_start3A_282 : memref<64x128xf32, #tpu.memory_space<vmem_shared>>) target_semaphore(%run_scoped3A : memref<!tpu.dma_semaphore, #tpu.memory_space<semaphore_mem>>)
      %dma_wait3A_286 = arith.constant 0 : i32
      %dma_wait3A_287 = arith.constant 0 : i32
      %dma_wait3A_288 = tpu.memref_slice %arg16[%dma_wait3A_286, %dma_wait3A_287] : memref<128x128xf32, #tpu.memory_space<vmem>> -> memref<64x128xf32, #tpu.memory_space<vmem>>
      %dma_wait3A_289 = arith.constant 0 : i32
      %dma_wait3A_290 = tpu.memref_slice %arg7[%add3A_43, %dma_wait3A_289] : memref<10240x128xf32, #tpu.memory_space<vmem_shared>> -> memref<64x128xf32, #tpu.memory_space<vmem_shared>>
      %dma_wait3A_291 = arith.constant 0 : i32
      %dma_wait3A_292 = tpu.memref_slice %arg7[%add3A_43, %dma_wait3A_291] : memref<10240x128xf32, #tpu.memory_space<vmem_shared>> -> memref<64x128xf32, #tpu.memory_space<vmem_shared>>
      %dma_wait3A_293 = arith.constant 0 : i32
      %dma_wait3A_294 = arith.constant 0 : i32
      %dma_wait3A_295 = tpu.memref_slice %arg16[%dma_wait3A_293, %dma_wait3A_294] : memref<128x128xf32, #tpu.memory_space<vmem>> -> memref<64x128xf32, #tpu.memory_space<vmem>>
      tpu.wait_dma2 semaphore(%run_scoped3A : memref<!tpu.dma_semaphore, #tpu.memory_space<semaphore_mem>>) src(%dma_wait3A_295 : memref<64x128xf32, #tpu.memory_space<vmem>>) dst(%dma_wait3A_292 : memref<64x128xf32, #tpu.memory_space<vmem_shared>>)
      tpu.yield
    }) : () -> ()
    %mul3A_44 = arith.constant 640 : i32
    %mul3A_45 = arith.muli %arg1, %mul3A_44 : i32
    %add3A_46 = arith.constant 576 : i32
    %add3A_47 = arith.addi %mul3A_45, %add3A_46 : i32
    "tpu.region"() ({
      %run_scoped3A = tpu.sem_alloc : memref<!tpu.dma_semaphore, #tpu.memory_space<semaphore_mem>>
      %dma_start3A_276 = arith.constant 0 : i32
      %dma_start3A_277 = arith.constant 0 : i32
      %dma_start3A_278 = tpu.memref_slice %arg16[%dma_start3A_276, %dma_start3A_277] : memref<128x128xf32, #tpu.memory_space<vmem>> -> memref<64x128xf32, #tpu.memory_space<vmem>>
      %dma_start3A_279 = arith.constant 0 : i32
      %dma_start3A_280 = tpu.memref_slice %arg7[%add3A_47, %dma_start3A_279] : memref<10240x128xf32, #tpu.memory_space<vmem_shared>> -> memref<64x128xf32, #tpu.memory_space<vmem_shared>>
      %dma_start3A_281 = arith.constant 0 : i32
      %dma_start3A_282 = tpu.memref_slice %arg7[%add3A_47, %dma_start3A_281] : memref<10240x128xf32, #tpu.memory_space<vmem_shared>> -> memref<64x128xf32, #tpu.memory_space<vmem_shared>>
      %dma_start3A_283 = arith.constant 0 : i32
      %dma_start3A_284 = arith.constant 0 : i32
      %dma_start3A_285 = tpu.memref_slice %arg16[%dma_start3A_283, %dma_start3A_284] : memref<128x128xf32, #tpu.memory_space<vmem>> -> memref<64x128xf32, #tpu.memory_space<vmem>>
      tpu.enqueue_dma source(%dma_start3A_285 : memref<64x128xf32, #tpu.memory_space<vmem>>) target(%dma_start3A_282 : memref<64x128xf32, #tpu.memory_space<vmem_shared>>) target_semaphore(%run_scoped3A : memref<!tpu.dma_semaphore, #tpu.memory_space<semaphore_mem>>)
      %dma_wait3A_286 = arith.constant 0 : i32
      %dma_wait3A_287 = arith.constant 0 : i32
      %dma_wait3A_288 = tpu.memref_slice %arg16[%dma_wait3A_286, %dma_wait3A_287] : memref<128x128xf32, #tpu.memory_space<vmem>> -> memref<64x128xf32, #tpu.memory_space<vmem>>
      %dma_wait3A_289 = arith.constant 0 : i32
      %dma_wait3A_290 = tpu.memref_slice %arg7[%add3A_47, %dma_wait3A_289] : memref<10240x128xf32, #tpu.memory_space<vmem_shared>> -> memref<64x128xf32, #tpu.memory_space<vmem_shared>>
      %dma_wait3A_291 = arith.constant 0 : i32
      %dma_wait3A_292 = tpu.memref_slice %arg7[%add3A_47, %dma_wait3A_291] : memref<10240x128xf32, #tpu.memory_space<vmem_shared>> -> memref<64x128xf32, #tpu.memory_space<vmem_shared>>
      %dma_wait3A_293 = arith.constant 0 : i32
      %dma_wait3A_294 = arith.constant 0 : i32
      %dma_wait3A_295 = tpu.memref_slice %arg16[%dma_wait3A_293, %dma_wait3A_294] : memref<128x128xf32, #tpu.memory_space<vmem>> -> memref<64x128xf32, #tpu.memory_space<vmem>>
      tpu.wait_dma2 semaphore(%run_scoped3A : memref<!tpu.dma_semaphore, #tpu.memory_space<semaphore_mem>>) src(%dma_wait3A_295 : memref<64x128xf32, #tpu.memory_space<vmem>>) dst(%dma_wait3A_292 : memref<64x128xf32, #tpu.memory_space<vmem_shared>>)
      tpu.yield
    }) : () -> ()
    %barrier3A = arith.constant 0 : index
    tpu.barrier barrier_id(%barrier3A)
    %eq3A = arith.constant 0 : i32
    %eq3A_48 = arith.cmpi eq, %arg0, %eq3A : i32
    %jit3A = arith.constant 80 : i32
    %jit3A_49 = arith.constant 82 : i32
    %select_n3A = arith.select %eq3A_48, %jit3A, %jit3A_49 : i32
    %eq3A_50 = arith.constant 0 : i32
    %eq3A_51 = arith.cmpi eq, %arg0, %eq3A_50 : i32
    %mul3A_52 = arith.constant 80 : i32
    %mul3A_53 = arith.muli %arg1, %mul3A_52 : i32
    %mul3A_54 = arith.constant 82 : i32
    %mul3A_55 = arith.muli %arg1, %mul3A_54 : i32
    %add3A_56 = arith.constant 1280 : i32
    %add3A_57 = arith.addi %add3A_56, %mul3A_55 : i32
    %select_n3A_58 = arith.select %eq3A_51, %mul3A_53, %add3A_57 : i32
    %mul3A_59 = arith.constant 128 : i32
    %mul3A_60 = arith.muli %select_n3A_58, %mul3A_59 : i32
    %add3A_61 = arith.constant 0 : i32
    %add3A_62 = arith.addi %mul3A_60, %add3A_61 : i32
    %dma_start3A = tpu.memref_slice %arg3[%add3A_62] : memref<335872xi32, #tpu.memory_space<hbm>> -> memref<128xi32, #tpu.memory_space<hbm>>
    %dma_start3A_63 = tpu.memref_slice %arg3[%add3A_62] : memref<335872xi32, #tpu.memory_space<hbm>> -> memref<128xi32, #tpu.memory_space<hbm>>
    tpu.enqueue_dma source(%dma_start3A_63 : memref<128xi32, #tpu.memory_space<hbm>>) target(%arg8 : memref<128xi32, #tpu.memory_space<vmem>>) target_semaphore(%arg18 : memref<!tpu.dma_semaphore, #tpu.memory_space<semaphore_mem>>)
    %dma_start3A_64 = tpu.memref_slice %arg4[%add3A_62] : memref<335872xi32, #tpu.memory_space<hbm>> -> memref<128xi32, #tpu.memory_space<hbm>>
    %dma_start3A_65 = tpu.memref_slice %arg4[%add3A_62] : memref<335872xi32, #tpu.memory_space<hbm>> -> memref<128xi32, #tpu.memory_space<hbm>>
    tpu.enqueue_dma source(%dma_start3A_65 : memref<128xi32, #tpu.memory_space<hbm>>) target(%arg10 : memref<128xi32, #tpu.memory_space<vmem>>) target_semaphore(%arg18 : memref<!tpu.dma_semaphore, #tpu.memory_space<semaphore_mem>>)
    %dma_start3A_66 = tpu.memref_slice %arg5[%add3A_62] : memref<335872xf32, #tpu.memory_space<hbm>> -> memref<128xf32, #tpu.memory_space<hbm>>
    %dma_start3A_67 = tpu.memref_slice %arg5[%add3A_62] : memref<335872xf32, #tpu.memory_space<hbm>> -> memref<128xf32, #tpu.memory_space<hbm>>
    tpu.enqueue_dma source(%dma_start3A_67 : memref<128xf32, #tpu.memory_space<hbm>>) target(%arg12 : memref<128xf32, #tpu.memory_space<vmem>>) target_semaphore(%arg18 : memref<!tpu.dma_semaphore, #tpu.memory_space<semaphore_mem>>)
    %add3A_68 = arith.constant 128 : i32
    %add3A_69 = arith.addi %mul3A_60, %add3A_68 : i32
    %dma_start3A_70 = tpu.memref_slice %arg3[%add3A_69] : memref<335872xi32, #tpu.memory_space<hbm>> -> memref<128xi32, #tpu.memory_space<hbm>>
    %dma_start3A_71 = tpu.memref_slice %arg3[%add3A_69] : memref<335872xi32, #tpu.memory_space<hbm>> -> memref<128xi32, #tpu.memory_space<hbm>>
    tpu.enqueue_dma source(%dma_start3A_71 : memref<128xi32, #tpu.memory_space<hbm>>) target(%arg9 : memref<128xi32, #tpu.memory_space<vmem>>) target_semaphore(%arg19 : memref<!tpu.dma_semaphore, #tpu.memory_space<semaphore_mem>>)
    %dma_start3A_72 = tpu.memref_slice %arg4[%add3A_69] : memref<335872xi32, #tpu.memory_space<hbm>> -> memref<128xi32, #tpu.memory_space<hbm>>
    %dma_start3A_73 = tpu.memref_slice %arg4[%add3A_69] : memref<335872xi32, #tpu.memory_space<hbm>> -> memref<128xi32, #tpu.memory_space<hbm>>
    tpu.enqueue_dma source(%dma_start3A_73 : memref<128xi32, #tpu.memory_space<hbm>>) target(%arg11 : memref<128xi32, #tpu.memory_space<vmem>>) target_semaphore(%arg19 : memref<!tpu.dma_semaphore, #tpu.memory_space<semaphore_mem>>)
    %dma_start3A_74 = tpu.memref_slice %arg5[%add3A_69] : memref<335872xf32, #tpu.memory_space<hbm>> -> memref<128xf32, #tpu.memory_space<hbm>>
    %dma_start3A_75 = tpu.memref_slice %arg5[%add3A_69] : memref<335872xf32, #tpu.memory_space<hbm>> -> memref<128xf32, #tpu.memory_space<hbm>>
    tpu.enqueue_dma source(%dma_start3A_75 : memref<128xf32, #tpu.memory_space<hbm>>) target(%arg13 : memref<128xf32, #tpu.memory_space<vmem>>) target_semaphore(%arg19 : memref<!tpu.dma_semaphore, #tpu.memory_space<semaphore_mem>>)
    %add3A_76 = arith.constant 0 : i32
    %add3A_77 = arith.addi %mul3A_60, %add3A_76 : i32
    %dma_wait3A = tpu.memref_slice %arg3[%add3A_77] : memref<335872xi32, #tpu.memory_space<hbm>> -> memref<128xi32, #tpu.memory_space<hbm>>
    %dma_wait3A_78 = tpu.memref_slice %arg3[%add3A_77] : memref<335872xi32, #tpu.memory_space<hbm>> -> memref<128xi32, #tpu.memory_space<hbm>>
    tpu.wait_dma2 semaphore(%arg18 : memref<!tpu.dma_semaphore, #tpu.memory_space<semaphore_mem>>) src(%dma_wait3A_78 : memref<128xi32, #tpu.memory_space<hbm>>) dst(%arg8 : memref<128xi32, #tpu.memory_space<vmem>>)
    %dma_wait3A_79 = tpu.memref_slice %arg4[%add3A_77] : memref<335872xi32, #tpu.memory_space<hbm>> -> memref<128xi32, #tpu.memory_space<hbm>>
    %dma_wait3A_80 = tpu.memref_slice %arg4[%add3A_77] : memref<335872xi32, #tpu.memory_space<hbm>> -> memref<128xi32, #tpu.memory_space<hbm>>
    tpu.wait_dma2 semaphore(%arg18 : memref<!tpu.dma_semaphore, #tpu.memory_space<semaphore_mem>>) src(%dma_wait3A_80 : memref<128xi32, #tpu.memory_space<hbm>>) dst(%arg10 : memref<128xi32, #tpu.memory_space<vmem>>)
    %dma_wait3A_81 = tpu.memref_slice %arg5[%add3A_77] : memref<335872xf32, #tpu.memory_space<hbm>> -> memref<128xf32, #tpu.memory_space<hbm>>
    %dma_wait3A_82 = tpu.memref_slice %arg5[%add3A_77] : memref<335872xf32, #tpu.memory_space<hbm>> -> memref<128xf32, #tpu.memory_space<hbm>>
    tpu.wait_dma2 semaphore(%arg18 : memref<!tpu.dma_semaphore, #tpu.memory_space<semaphore_mem>>) src(%dma_wait3A_82 : memref<128xf32, #tpu.memory_space<hbm>>) dst(%arg12 : memref<128xf32, #tpu.memory_space<vmem>>)
    %dma_start3A_83 = arith.constant 0 : i32
    %dma_start3A_84 = arith.constant 0 : i32
    %dma_start3A_85 = tpu.memref_slice %arg2[%dma_start3A_83, %dma_start3A_84] : memref<10240x128xf32, #tpu.memory_space<hbm>> -> memref<10240x128xf32, #tpu.memory_space<hbm>>
    tpu.enqueue_indirect_dma source(%dma_start3A_85 : memref<10240x128xf32, #tpu.memory_space<hbm>>) target(%arg16 : memref<128x128xf32, #tpu.memory_space<vmem>>) offsets(%arg8 : memref<128xi32, #tpu.memory_space<vmem>>) semaphore(%arg20 : memref<!tpu.dma_semaphore, #tpu.memory_space<semaphore_mem>>)
    %add3A_86 = arith.constant 128 : i32
    %add3A_87 = arith.addi %mul3A_60, %add3A_86 : i32
    %dma_wait3A_88 = tpu.memref_slice %arg3[%add3A_87] : memref<335872xi32, #tpu.memory_space<hbm>> -> memref<128xi32, #tpu.memory_space<hbm>>
    %dma_wait3A_89 = tpu.memref_slice %arg3[%add3A_87] : memref<335872xi32, #tpu.memory_space<hbm>> -> memref<128xi32, #tpu.memory_space<hbm>>
    tpu.wait_dma2 semaphore(%arg19 : memref<!tpu.dma_semaphore, #tpu.memory_space<semaphore_mem>>) src(%dma_wait3A_89 : memref<128xi32, #tpu.memory_space<hbm>>) dst(%arg9 : memref<128xi32, #tpu.memory_space<vmem>>)
    %dma_wait3A_90 = tpu.memref_slice %arg4[%add3A_87] : memref<335872xi32, #tpu.memory_space<hbm>> -> memref<128xi32, #tpu.memory_space<hbm>>
    %dma_wait3A_91 = tpu.memref_slice %arg4[%add3A_87] : memref<335872xi32, #tpu.memory_space<hbm>> -> memref<128xi32, #tpu.memory_space<hbm>>
    tpu.wait_dma2 semaphore(%arg19 : memref<!tpu.dma_semaphore, #tpu.memory_space<semaphore_mem>>) src(%dma_wait3A_91 : memref<128xi32, #tpu.memory_space<hbm>>) dst(%arg11 : memref<128xi32, #tpu.memory_space<vmem>>)
    %dma_wait3A_92 = tpu.memref_slice %arg5[%add3A_87] : memref<335872xf32, #tpu.memory_space<hbm>> -> memref<128xf32, #tpu.memory_space<hbm>>
    %dma_wait3A_93 = tpu.memref_slice %arg5[%add3A_87] : memref<335872xf32, #tpu.memory_space<hbm>> -> memref<128xf32, #tpu.memory_space<hbm>>
    tpu.wait_dma2 semaphore(%arg19 : memref<!tpu.dma_semaphore, #tpu.memory_space<semaphore_mem>>) src(%dma_wait3A_93 : memref<128xf32, #tpu.memory_space<hbm>>) dst(%arg13 : memref<128xf32, #tpu.memory_space<vmem>>)
    %dma_start3A_94 = arith.constant 0 : i32
    %dma_start3A_95 = arith.constant 0 : i32
    %dma_start3A_96 = tpu.memref_slice %arg2[%dma_start3A_94, %dma_start3A_95] : memref<10240x128xf32, #tpu.memory_space<hbm>> -> memref<10240x128xf32, #tpu.memory_space<hbm>>
    tpu.enqueue_indirect_dma source(%dma_start3A_96 : memref<10240x128xf32, #tpu.memory_space<hbm>>) target(%arg17 : memref<128x128xf32, #tpu.memory_space<vmem>>) offsets(%arg9 : memref<128xi32, #tpu.memory_space<vmem>>) semaphore(%arg21 : memref<!tpu.dma_semaphore, #tpu.memory_space<semaphore_mem>>)
    %dma_wait3A_97 = arith.constant 0 : i32
    %dma_wait3A_98 = arith.constant 0 : i32
    %dma_wait3A_99 = tpu.memref_slice %arg2[%dma_wait3A_97, %dma_wait3A_98] : memref<10240x128xf32, #tpu.memory_space<hbm>> -> memref<10240x128xf32, #tpu.memory_space<hbm>>
    tpu.wait_indirect_dma semaphore(%arg20 : memref<!tpu.dma_semaphore, #tpu.memory_space<semaphore_mem>>) src(%dma_wait3A_99 : memref<10240x128xf32, #tpu.memory_space<hbm>>) dst(%arg16 : memref<128x128xf32, #tpu.memory_space<vmem>>)
    %get3A = arith.constant 0 : index
    %get3A_100 = tpu.vector_load %arg10[%get3A] {strides = array<i32>} : memref<128xi32, #tpu.memory_space<vmem>>, vector<16xi32>,
    %swap3A = arith.constant 0 : index
    %swap3A_101 = tpu.vector_load %arg14[%swap3A] {strides = array<i32>} : memref<128xi32, #tpu.memory_space<vmem>>, vector<16xi32>,
    tpu.vector_store %arg14[%swap3A], %get3A_100 {strides = array<i32>} : memref<128xi32, #tpu.memory_space<vmem>>, vector<16xi32>,
    %get3A_102 = arith.constant 16 : index
    %get3A_103 = tpu.vector_load %arg10[%get3A_102] {strides = array<i32>} : memref<128xi32, #tpu.memory_space<vmem>>, vector<16xi32>,
    %swap3A_104 = arith.constant 16 : index
    %swap3A_105 = tpu.vector_load %arg14[%swap3A_104] {strides = array<i32>} : memref<128xi32, #tpu.memory_space<vmem>>, vector<16xi32>,
    tpu.vector_store %arg14[%swap3A_104], %get3A_103 {strides = array<i32>} : memref<128xi32, #tpu.memory_space<vmem>>, vector<16xi32>,
    %get3A_106 = arith.constant 32 : index
    %get3A_107 = tpu.vector_load %arg10[%get3A_106] {strides = array<i32>} : memref<128xi32, #tpu.memory_space<vmem>>, vector<16xi32>,
    %swap3A_108 = arith.constant 32 : index
    %swap3A_109 = tpu.vector_load %arg14[%swap3A_108] {strides = array<i32>} : memref<128xi32, #tpu.memory_space<vmem>>, vector<16xi32>,
    tpu.vector_store %arg14[%swap3A_108], %get3A_107 {strides = array<i32>} : memref<128xi32, #tpu.memory_space<vmem>>, vector<16xi32>,
    %get3A_110 = arith.constant 48 : index
    %get3A_111 = tpu.vector_load %arg10[%get3A_110] {strides = array<i32>} : memref<128xi32, #tpu.memory_space<vmem>>, vector<16xi32>,
    %swap3A_112 = arith.constant 48 : index
    %swap3A_113 = tpu.vector_load %arg14[%swap3A_112] {strides = array<i32>} : memref<128xi32, #tpu.memory_space<vmem>>, vector<16xi32>,
    tpu.vector_store %arg14[%swap3A_112], %get3A_111 {strides = array<i32>} : memref<128xi32, #tpu.memory_space<vmem>>, vector<16xi32>,
    %get3A_114 = arith.constant 64 : index
    %get3A_115 = tpu.vector_load %arg10[%get3A_114] {strides = array<i32>} : memref<128xi32, #tpu.memory_space<vmem>>, vector<16xi32>,
    %swap3A_116 = arith.constant 64 : index
    %swap3A_117 = tpu.vector_load %arg14[%swap3A_116] {strides = array<i32>} : memref<128xi32, #tpu.memory_space<vmem>>, vector<16xi32>,
    tpu.vector_store %arg14[%swap3A_116], %get3A_115 {strides = array<i32>} : memref<128xi32, #tpu.memory_space<vmem>>, vector<16xi32>,
    %get3A_118 = arith.constant 80 : index
    %get3A_119 = tpu.vector_load %arg10[%get3A_118] {strides = array<i32>} : memref<128xi32, #tpu.memory_space<vmem>>, vector<16xi32>,
    %swap3A_120 = arith.constant 80 : index
    %swap3A_121 = tpu.vector_load %arg14[%swap3A_120] {strides = array<i32>} : memref<128xi32, #tpu.memory_space<vmem>>, vector<16xi32>,
    tpu.vector_store %arg14[%swap3A_120], %get3A_119 {strides = array<i32>} : memref<128xi32, #tpu.memory_space<vmem>>, vector<16xi32>,
    %get3A_122 = arith.constant 96 : index
    %get3A_123 = tpu.vector_load %arg10[%get3A_122] {strides = array<i32>} : memref<128xi32, #tpu.memory_space<vmem>>, vector<16xi32>,
    %swap3A_124 = arith.constant 96 : index
    %swap3A_125 = tpu.vector_load %arg14[%swap3A_124] {strides = array<i32>} : memref<128xi32, #tpu.memory_space<vmem>>, vector<16xi32>,
    tpu.vector_store %arg14[%swap3A_124], %get3A_123 {strides = array<i32>} : memref<128xi32, #tpu.memory_space<vmem>>, vector<16xi32>,
    %get3A_126 = arith.constant 112 : index
    %get3A_127 = tpu.vector_load %arg10[%get3A_126] {strides = array<i32>} : memref<128xi32, #tpu.memory_space<vmem>>, vector<16xi32>,
    %swap3A_128 = arith.constant 112 : index
    %swap3A_129 = tpu.vector_load %arg14[%swap3A_128] {strides = array<i32>} : memref<128xi32, #tpu.memory_space<vmem>>, vector<16xi32>,
    tpu.vector_store %arg14[%swap3A_128], %get3A_127 {strides = array<i32>} : memref<128xi32, #tpu.memory_space<vmem>>, vector<16xi32>,
    %scan3A_130 = arith.constant 0 : i32
    %scan3A_131 = arith.constant 0 : i32
    %scan3A_132 = arith.constant 128 : i32
    %scan3A_133 = arith.addi %scan3A_131, %scan3A_132 : i32
    %scan3A_134 = arith.constant 1 : i32
    %scan3A_135 = scf.for %scan3A_276 = %scan3A_131 to %scan3A_133 step %scan3A_134 iter_args(%scan3A_277 = %scan3A_130) -> (i32)  : i32 {
      %broadcast_in_dim3A_278 = vector.broadcast %scan3A_276 : i32 to vector<16xi32>
      %gather3A = tpu.vector_load_idx %arg12[%broadcast_in_dim3A_278] : memref<128xf32, #tpu.memory_space<vmem>>[vector<16xi32>], vector<16xf32>,
      %get3A_279 = arith.index_cast %scan3A_276 : i32 to index
      %get3A_280 = arith.constant 0 : index
      %get3A_281 = tpu.vector_load %arg16[%get3A_279, %get3A_280] {strides = array<i32>} : memref<128x128xf32, #tpu.memory_space<vmem>>, vector<16xf32>,
      %mul3A_282 = arith.mulf %get3A_281, %gather3A : vector<16xf32>
      %swap3A_283 = arith.index_cast %scan3A_276 : i32 to index
      %swap3A_284 = arith.constant 0 : index
      %swap3A_285 = tpu.vector_load %arg16[%swap3A_283, %swap3A_284] {strides = array<i32>} : memref<128x128xf32, #tpu.memory_space<vmem>>, vector<16xf32>,
      tpu.vector_store %arg16[%swap3A_283, %swap3A_284], %mul3A_282 {strides = array<i32>} : memref<128x128xf32, #tpu.memory_space<vmem>>, vector<16xf32>,
      %get3A_286 = arith.index_cast %scan3A_276 : i32 to index
      %get3A_287 = arith.constant 16 : index
      %get3A_288 = tpu.vector_load %arg16[%get3A_286, %get3A_287] {strides = array<i32>} : memref<128x128xf32, #tpu.memory_space<vmem>>, vector<16xf32>,
      %mul3A_289 = arith.mulf %get3A_288, %gather3A : vector<16xf32>
      %swap3A_290 = arith.index_cast %scan3A_276 : i32 to index
      %swap3A_291 = arith.constant 16 : index
      %swap3A_292 = tpu.vector_load %arg16[%swap3A_290, %swap3A_291] {strides = array<i32>} : memref<128x128xf32, #tpu.memory_space<vmem>>, vector<16xf32>,
      tpu.vector_store %arg16[%swap3A_290, %swap3A_291], %mul3A_289 {strides = array<i32>} : memref<128x128xf32, #tpu.memory_space<vmem>>, vector<16xf32>,
      %get3A_293 = arith.index_cast %scan3A_276 : i32 to index
      %get3A_294 = arith.constant 32 : index
      %get3A_295 = tpu.vector_load %arg16[%get3A_293, %get3A_294] {strides = array<i32>} : memref<128x128xf32, #tpu.memory_space<vmem>>, vector<16xf32>,
      %mul3A_296 = arith.mulf %get3A_295, %gather3A : vector<16xf32>
      %swap3A_297 = arith.index_cast %scan3A_276 : i32 to index
      %swap3A_298 = arith.constant 32 : index
      %swap3A_299 = tpu.vector_load %arg16[%swap3A_297, %swap3A_298] {strides = array<i32>} : memref<128x128xf32, #tpu.memory_space<vmem>>, vector<16xf32>,
      tpu.vector_store %arg16[%swap3A_297, %swap3A_298], %mul3A_296 {strides = array<i32>} : memref<128x128xf32, #tpu.memory_space<vmem>>, vector<16xf32>,
      %get3A_300 = arith.index_cast %scan3A_276 : i32 to index
      %get3A_301 = arith.constant 48 : index
      %get3A_302 = tpu.vector_load %arg16[%get3A_300, %get3A_301] {strides = array<i32>} : memref<128x128xf32, #tpu.memory_space<vmem>>, vector<16xf32>,
      %mul3A_303 = arith.mulf %get3A_302, %gather3A : vector<16xf32>
      %swap3A_304 = arith.index_cast %scan3A_276 : i32 to index
      %swap3A_305 = arith.constant 48 : index
      %swap3A_306 = tpu.vector_load %arg16[%swap3A_304, %swap3A_305] {strides = array<i32>} : memref<128x128xf32, #tpu.memory_space<vmem>>, vector<16xf32>,
      tpu.vector_store %arg16[%swap3A_304, %swap3A_305], %mul3A_303 {strides = array<i32>} : memref<128x128xf32, #tpu.memory_space<vmem>>, vector<16xf32>,
      %get3A_307 = arith.index_cast %scan3A_276 : i32 to index
      %get3A_308 = arith.constant 64 : index
      %get3A_309 = tpu.vector_load %arg16[%get3A_307, %get3A_308] {strides = array<i32>} : memref<128x128xf32, #tpu.memory_space<vmem>>, vector<16xf32>,
      %mul3A_310 = arith.mulf %get3A_309, %gather3A : vector<16xf32>
      %swap3A_311 = arith.index_cast %scan3A_276 : i32 to index
      %swap3A_312 = arith.constant 64 : index
      %swap3A_313 = tpu.vector_load %arg16[%swap3A_311, %swap3A_312] {strides = array<i32>} : memref<128x128xf32, #tpu.memory_space<vmem>>, vector<16xf32>,
      tpu.vector_store %arg16[%swap3A_311, %swap3A_312], %mul3A_310 {strides = array<i32>} : memref<128x128xf32, #tpu.memory_space<vmem>>, vector<16xf32>,
      %get3A_314 = arith.index_cast %scan3A_276 : i32 to index
      %get3A_315 = arith.constant 80 : index
      %get3A_316 = tpu.vector_load %arg16[%get3A_314, %get3A_315] {strides = array<i32>} : memref<128x128xf32, #tpu.memory_space<vmem>>, vector<16xf32>,
      %mul3A_317 = arith.mulf %get3A_316, %gather3A : vector<16xf32>
      %swap3A_318 = arith.index_cast %scan3A_276 : i32 to index
      %swap3A_319 = arith.constant 80 : index
      %swap3A_320 = tpu.vector_load %arg16[%swap3A_318, %swap3A_319] {strides = array<i32>} : memref<128x128xf32, #tpu.memory_space<vmem>>, vector<16xf32>,
      tpu.vector_store %arg16[%swap3A_318, %swap3A_319], %mul3A_317 {strides = array<i32>} : memref<128x128xf32, #tpu.memory_space<vmem>>, vector<16xf32>,
      %get3A_321 = arith.index_cast %scan3A_276 : i32 to index
      %get3A_322 = arith.constant 96 : index
      %get3A_323 = tpu.vector_load %arg16[%get3A_321, %get3A_322] {strides = array<i32>} : memref<128x128xf32, #tpu.memory_space<vmem>>, vector<16xf32>,
      %mul3A_324 = arith.mulf %get3A_323, %gather3A : vector<16xf32>
      %swap3A_325 = arith.index_cast %scan3A_276 : i32 to index
      %swap3A_326 = arith.constant 96 : index
      %swap3A_327 = tpu.vector_load %arg16[%swap3A_325, %swap3A_326] {strides = array<i32>} : memref<128x128xf32, #tpu.memory_space<vmem>>, vector<16xf32>,
      tpu.vector_store %arg16[%swap3A_325, %swap3A_326], %mul3A_324 {strides = array<i32>} : memref<128x128xf32, #tpu.memory_space<vmem>>, vector<16xf32>,
      %get3A_328 = arith.index_cast %scan3A_276 : i32 to index
      %get3A_329 = arith.constant 112 : index
      %get3A_330 = tpu.vector_load %arg16[%get3A_328, %get3A_329] {strides = array<i32>} : memref<128x128xf32, #tpu.memory_space<vmem>>, vector<16xf32>,
      %mul3A_331 = arith.mulf %get3A_330, %gather3A : vector<16xf32>
      %swap3A_332 = arith.index_cast %scan3A_276 : i32 to index
      %swap3A_333 = arith.constant 112 : index
      %swap3A_334 = tpu.vector_load %arg16[%swap3A_332, %swap3A_333] {strides = array<i32>} : memref<128x128xf32, #tpu.memory_space<vmem>>, vector<16xf32>,
      tpu.vector_store %arg16[%swap3A_332, %swap3A_333], %mul3A_331 {strides = array<i32>} : memref<128x128xf32, #tpu.memory_space<vmem>>, vector<16xf32>,
      %scan3A_335 = arith.constant 0 : i32
      scf.yield %scan3A_335 : i32
    }
    %scan3A_136 = arith.constant 128 : i32
    %dma_start3A_137 = arith.constant 0 : i32
    %dma_start3A_138 = arith.constant 0 : i32
    %dma_start3A_139 = tpu.memref_slice %arg7[%dma_start3A_137, %dma_start3A_138] : memref<10240x128xf32, #tpu.memory_space<vmem_shared>> -> memref<10240x128xf32, #tpu.memory_space<vmem_shared>>
    tpu.enqueue_indirect_dma source(%arg16 : memref<128x128xf32, #tpu.memory_space<vmem>>) target(%dma_start3A_139 : memref<10240x128xf32, #tpu.memory_space<vmem_shared>>) offsets(%arg14 : memref<128xi32, #tpu.memory_space<vmem>>) semaphore(%arg22 : memref<!tpu.dma_semaphore, #tpu.memory_space<semaphore_mem>>) {add = true}
    %add3A_140 = arith.constant 256 : i32
    %add3A_141 = arith.addi %mul3A_60, %add3A_140 : i32
    %dma_start3A_142 = tpu.memref_slice %arg3[%add3A_141] : memref<335872xi32, #tpu.memory_space<hbm>> -> memref<128xi32, #tpu.memory_space<hbm>>
    %dma_start3A_143 = tpu.memref_slice %arg3[%add3A_141] : memref<335872xi32, #tpu.memory_space<hbm>> -> memref<128xi32, #tpu.memory_space<hbm>>
    tpu.enqueue_dma source(%dma_start3A_143 : memref<128xi32, #tpu.memory_space<hbm>>) target(%arg8 : memref<128xi32, #tpu.memory_space<vmem>>) target_semaphore(%arg18 : memref<!tpu.dma_semaphore, #tpu.memory_space<semaphore_mem>>)
    %dma_start3A_144 = tpu.memref_slice %arg4[%add3A_141] : memref<335872xi32, #tpu.memory_space<hbm>> -> memref<128xi32, #tpu.memory_space<hbm>>
    %dma_start3A_145 = tpu.memref_slice %arg4[%add3A_141] : memref<335872xi32, #tpu.memory_space<hbm>> -> memref<128xi32, #tpu.memory_space<hbm>>
    tpu.enqueue_dma source(%dma_start3A_145 : memref<128xi32, #tpu.memory_space<hbm>>) target(%arg10 : memref<128xi32, #tpu.memory_space<vmem>>) target_semaphore(%arg18 : memref<!tpu.dma_semaphore, #tpu.memory_space<semaphore_mem>>)
    %dma_start3A_146 = tpu.memref_slice %arg5[%add3A_141] : memref<335872xf32, #tpu.memory_space<hbm>> -> memref<128xf32, #tpu.memory_space<hbm>>
    %dma_start3A_147 = tpu.memref_slice %arg5[%add3A_141] : memref<335872xf32, #tpu.memory_space<hbm>> -> memref<128xf32, #tpu.memory_space<hbm>>
    tpu.enqueue_dma source(%dma_start3A_147 : memref<128xf32, #tpu.memory_space<hbm>>) target(%arg12 : memref<128xf32, #tpu.memory_space<vmem>>) target_semaphore(%arg18 : memref<!tpu.dma_semaphore, #tpu.memory_space<semaphore_mem>>)
    %sub3A = arith.constant 2 : i32
    %sub3A_148 = arith.subi %select_n3A, %sub3A : i32
    %jit3A_149 = arith.constant 2 : i32
    %div3A = arith.divsi %sub3A_148, %jit3A_149 : i32
    %sign3A = arith.constant 0 : i32
    %sign3A_150 = arith.cmpi sgt, %sub3A_148, %sign3A : i32
    %sign3A_151 = arith.extui %sign3A_150 : i1 to i32
    %sign3A_152 = arith.constant 0 : i32
    %sign3A_153 = arith.cmpi slt, %sub3A_148, %sign3A_152 : i32
    %sign3A_154 = arith.extui %sign3A_153 : i1 to i32
    %sign3A_155 = arith.subi %sign3A_151, %sign3A_154 : i32
    %sign3A_156 = arith.constant 0 : i32
    %sign3A_157 = arith.cmpi sgt, %jit3A_149, %sign3A_156 : i32
    %sign3A_158 = arith.extui %sign3A_157 : i1 to i32
    %sign3A_159 = arith.constant 0 : i32
    %sign3A_160 = arith.cmpi slt, %jit3A_149, %sign3A_159 : i32
    %sign3A_161 = arith.extui %sign3A_160 : i1 to i32
    %sign3A_162 = arith.subi %sign3A_158, %sign3A_161 : i32
    %ne3A = arith.cmpi ne, %sign3A_155, %sign3A_162 : i32
    %rem3A = arith.remsi %sub3A_148, %jit3A_149 : i32
    %ne3A_163 = arith.constant 0 : i32
    %ne3A_164 = arith.cmpi ne, %rem3A, %ne3A_163 : i32
    %and3A = arith.andi %ne3A, %ne3A_164 : i1
    %sub3A_165 = arith.constant 1 : i32
    %sub3A_166 = arith.subi %div3A, %sub3A_165 : i32
    %select_n3A_167 = arith.select %and3A, %sub3A_166, %div3A : i32
    %while3A = arith.constant 0 : i32
    %while3A_168 = arith.constant 0 : i32
    %while3A_169 = arith.subi %select_n3A_167, %while3A : i32
    %while3A_170 = arith.addi %while3A, %while3A_169 : i32
    %while3A_171 = arith.constant 1 : i32
    %while3A_172 = arith.divsi %while3A_169, %while3A_171 : i32
    %while3A_173 = arith.muli %while3A_172, %while3A_171 : i32
    %while3A_174 = arith.addi %while3A, %while3A_173 : i32
    %while3A_175 = arith.constant 1 : i32
    %while3A_176 = scf.for %while3A_276 = %while3A to %while3A_174 step %while3A_175 iter_args(%while3A_277 = %while3A_168) -> (i32)  : i32 {
      %mul3A_278 = arith.constant 2 : i32
      %mul3A_279 = arith.muli %mul3A_278, %while3A_276 : i32
      %add3A_280 = arith.constant 1 : i32
      %add3A_281 = arith.addi %mul3A_279, %add3A_280 : i32
      %add3A_282 = arith.constant 1 : i32
      %add3A_283 = arith.addi %add3A_281, %add3A_282 : i32
      %mul3A_284 = arith.constant 128 : i32
      %mul3A_285 = arith.muli %add3A_283, %mul3A_284 : i32
      %add3A_286 = arith.addi %mul3A_60, %mul3A_285 : i32
      %dma_wait3A_287 = tpu.memref_slice %arg3[%add3A_286] : memref<335872xi32, #tpu.memory_space<hbm>> -> memref<128xi32, #tpu.memory_space<hbm>>
      %dma_wait3A_288 = tpu.memref_slice %arg3[%add3A_286] : memref<335872xi32, #tpu.memory_space<hbm>> -> memref<128xi32, #tpu.memory_space<hbm>>
      tpu.wait_dma2 semaphore(%arg18 : memref<!tpu.dma_semaphore, #tpu.memory_space<semaphore_mem>>) src(%dma_wait3A_288 : memref<128xi32, #tpu.memory_space<hbm>>) dst(%arg8 : memref<128xi32, #tpu.memory_space<vmem>>)
      %dma_wait3A_289 = tpu.memref_slice %arg4[%add3A_286] : memref<335872xi32, #tpu.memory_space<hbm>> -> memref<128xi32, #tpu.memory_space<hbm>>
      %dma_wait3A_290 = tpu.memref_slice %arg4[%add3A_286] : memref<335872xi32, #tpu.memory_space<hbm>> -> memref<128xi32, #tpu.memory_space<hbm>>
      tpu.wait_dma2 semaphore(%arg18 : memref<!tpu.dma_semaphore, #tpu.memory_space<semaphore_mem>>) src(%dma_wait3A_290 : memref<128xi32, #tpu.memory_space<hbm>>) dst(%arg10 : memref<128xi32, #tpu.memory_space<vmem>>)
      %dma_wait3A_291 = tpu.memref_slice %arg5[%add3A_286] : memref<335872xf32, #tpu.memory_space<hbm>> -> memref<128xf32, #tpu.memory_space<hbm>>
      %dma_wait3A_292 = tpu.memref_slice %arg5[%add3A_286] : memref<335872xf32, #tpu.memory_space<hbm>> -> memref<128xf32, #tpu.memory_space<hbm>>
      tpu.wait_dma2 semaphore(%arg18 : memref<!tpu.dma_semaphore, #tpu.memory_space<semaphore_mem>>) src(%dma_wait3A_292 : memref<128xf32, #tpu.memory_space<hbm>>) dst(%arg12 : memref<128xf32, #tpu.memory_space<vmem>>)
      %dma_wait3A_293 = arith.constant 0 : i32
      %dma_wait3A_294 = arith.constant 0 : i32
      %dma_wait3A_295 = tpu.memref_slice %arg7[%dma_wait3A_293, %dma_wait3A_294] : memref<10240x128xf32, #tpu.memory_space<vmem_shared>> -> memref<10240x128xf32, #tpu.memory_space<vmem_shared>>
      tpu.wait_indirect_dma semaphore(%arg22 : memref<!tpu.dma_semaphore, #tpu.memory_space<semaphore_mem>>) src(%arg16 : memref<128x128xf32, #tpu.memory_space<vmem>>) dst(%dma_wait3A_295 : memref<10240x128xf32, #tpu.memory_space<vmem_shared>>)
      %dma_start3A_296 = arith.constant 0 : i32
      %dma_start3A_297 = arith.constant 0 : i32
      %dma_start3A_298 = tpu.memref_slice %arg2[%dma_start3A_296, %dma_start3A_297] : memref<10240x128xf32, #tpu.memory_space<hbm>> -> memref<10240x128xf32, #tpu.memory_space<hbm>>
      tpu.enqueue_indirect_dma source(%dma_start3A_298 : memref<10240x128xf32, #tpu.memory_space<hbm>>) target(%arg16 : memref<128x128xf32, #tpu.memory_space<vmem>>) offsets(%arg8 : memref<128xi32, #tpu.memory_space<vmem>>) semaphore(%arg20 : memref<!tpu.dma_semaphore, #tpu.memory_space<semaphore_mem>>)
      %dma_wait3A_299 = arith.constant 0 : i32
      %dma_wait3A_300 = arith.constant 0 : i32
      %dma_wait3A_301 = tpu.memref_slice %arg2[%dma_wait3A_299, %dma_wait3A_300] : memref<10240x128xf32, #tpu.memory_space<hbm>> -> memref<10240x128xf32, #tpu.memory_space<hbm>>
      tpu.wait_indirect_dma semaphore(%arg21 : memref<!tpu.dma_semaphore, #tpu.memory_space<semaphore_mem>>) src(%dma_wait3A_301 : memref<10240x128xf32, #tpu.memory_space<hbm>>) dst(%arg17 : memref<128x128xf32, #tpu.memory_space<vmem>>)
      %get3A_302 = arith.constant 0 : index
      %get3A_303 = tpu.vector_load %arg11[%get3A_302] {strides = array<i32>} : memref<128xi32, #tpu.memory_space<vmem>>, vector<16xi32>,
      %swap3A_304 = arith.constant 0 : index
      %swap3A_305 = tpu.vector_load %arg15[%swap3A_304] {strides = array<i32>} : memref<128xi32, #tpu.memory_space<vmem>>, vector<16xi32>,
      tpu.vector_store %arg15[%swap3A_304], %get3A_303 {strides = array<i32>} : memref<128xi32, #tpu.memory_space<vmem>>, vector<16xi32>,
      %get3A_306 = arith.constant 16 : index
      %get3A_307 = tpu.vector_load %arg11[%get3A_306] {strides = array<i32>} : memref<128xi32, #tpu.memory_space<vmem>>, vector<16xi32>,
      %swap3A_308 = arith.constant 16 : index
      %swap3A_309 = tpu.vector_load %arg15[%swap3A_308] {strides = array<i32>} : memref<128xi32, #tpu.memory_space<vmem>>, vector<16xi32>,
      tpu.vector_store %arg15[%swap3A_308], %get3A_307 {strides = array<i32>} : memref<128xi32, #tpu.memory_space<vmem>>, vector<16xi32>,
      %get3A_310 = arith.constant 32 : index
      %get3A_311 = tpu.vector_load %arg11[%get3A_310] {strides = array<i32>} : memref<128xi32, #tpu.memory_space<vmem>>, vector<16xi32>,
      %swap3A_312 = arith.constant 32 : index
      %swap3A_313 = tpu.vector_load %arg15[%swap3A_312] {strides = array<i32>} : memref<128xi32, #tpu.memory_space<vmem>>, vector<16xi32>,
      tpu.vector_store %arg15[%swap3A_312], %get3A_311 {strides = array<i32>} : memref<128xi32, #tpu.memory_space<vmem>>, vector<16xi32>,
      %get3A_314 = arith.constant 48 : index
      %get3A_315 = tpu.vector_load %arg11[%get3A_314] {strides = array<i32>} : memref<128xi32, #tpu.memory_space<vmem>>, vector<16xi32>,
      %swap3A_316 = arith.constant 48 : index
      %swap3A_317 = tpu.vector_load %arg15[%swap3A_316] {strides = array<i32>} : memref<128xi32, #tpu.memory_space<vmem>>, vector<16xi32>,
      tpu.vector_store %arg15[%swap3A_316], %get3A_315 {strides = array<i32>} : memref<128xi32, #tpu.memory_space<vmem>>, vector<16xi32>,
      %get3A_318 = arith.constant 64 : index
      %get3A_319 = tpu.vector_load %arg11[%get3A_318] {strides = array<i32>} : memref<128xi32, #tpu.memory_space<vmem>>, vector<16xi32>,
      %swap3A_320 = arith.constant 64 : index
      %swap3A_321 = tpu.vector_load %arg15[%swap3A_320] {strides = array<i32>} : memref<128xi32, #tpu.memory_space<vmem>>, vector<16xi32>,
      tpu.vector_store %arg15[%swap3A_320], %get3A_319 {strides = array<i32>} : memref<128xi32, #tpu.memory_space<vmem>>, vector<16xi32>,
      %get3A_322 = arith.constant 80 : index
      %get3A_323 = tpu.vector_load %arg11[%get3A_322] {strides = array<i32>} : memref<128xi32, #tpu.memory_space<vmem>>, vector<16xi32>,
      %swap3A_324 = arith.constant 80 : index
      %swap3A_325 = tpu.vector_load %arg15[%swap3A_324] {strides = array<i32>} : memref<128xi32, #tpu.memory_space<vmem>>, vector<16xi32>,
      tpu.vector_store %arg15[%swap3A_324], %get3A_323 {strides = array<i32>} : memref<128xi32, #tpu.memory_space<vmem>>, vector<16xi32>,
      %get3A_326 = arith.constant 96 : index
      %get3A_327 = tpu.vector_load %arg11[%get3A_326] {strides = array<i32>} : memref<128xi32, #tpu.memory_space<vmem>>, vector<16xi32>,
      %swap3A_328 = arith.constant 96 : index
      %swap3A_329 = tpu.vector_load %arg15[%swap3A_328] {strides = array<i32>} : memref<128xi32, #tpu.memory_space<vmem>>, vector<16xi32>,
      tpu.vector_store %arg15[%swap3A_328], %get3A_327 {strides = array<i32>} : memref<128xi32, #tpu.memory_space<vmem>>, vector<16xi32>,
      %get3A_330 = arith.constant 112 : index
      %get3A_331 = tpu.vector_load %arg11[%get3A_330] {strides = array<i32>} : memref<128xi32, #tpu.memory_space<vmem>>, vector<16xi32>,
      %swap3A_332 = arith.constant 112 : index
      %swap3A_333 = tpu.vector_load %arg15[%swap3A_332] {strides = array<i32>} : memref<128xi32, #tpu.memory_space<vmem>>, vector<16xi32>,
      tpu.vector_store %arg15[%swap3A_332], %get3A_331 {strides = array<i32>} : memref<128xi32, #tpu.memory_space<vmem>>, vector<16xi32>,
      %scan3A_334 = arith.constant 0 : i32
      %scan3A_335 = arith.constant 0 : i32
      %scan3A_336 = arith.constant 128 : i32
      %scan3A_337 = arith.addi %scan3A_335, %scan3A_336 : i32
      %scan3A_338 = arith.constant 1 : i32
      %scan3A_339 = scf.for %scan3A_433 = %scan3A_335 to %scan3A_337 step %scan3A_338 iter_args(%scan3A_434 = %scan3A_334) -> (i32)  : i32 {
        %broadcast_in_dim3A_435 = vector.broadcast %scan3A_433 : i32 to vector<16xi32>
        %gather3A = tpu.vector_load_idx %arg13[%broadcast_in_dim3A_435] : memref<128xf32, #tpu.memory_space<vmem>>[vector<16xi32>], vector<16xf32>,
        %get3A_436 = arith.index_cast %scan3A_433 : i32 to index
        %get3A_437 = arith.constant 0 : index
        %get3A_438 = tpu.vector_load %arg17[%get3A_436, %get3A_437] {strides = array<i32>} : memref<128x128xf32, #tpu.memory_space<vmem>>, vector<16xf32>,
        %mul3A_439 = arith.mulf %get3A_438, %gather3A : vector<16xf32>
        %swap3A_440 = arith.index_cast %scan3A_433 : i32 to index
        %swap3A_441 = arith.constant 0 : index
        %swap3A_442 = tpu.vector_load %arg17[%swap3A_440, %swap3A_441] {strides = array<i32>} : memref<128x128xf32, #tpu.memory_space<vmem>>, vector<16xf32>,
        tpu.vector_store %arg17[%swap3A_440, %swap3A_441], %mul3A_439 {strides = array<i32>} : memref<128x128xf32, #tpu.memory_space<vmem>>, vector<16xf32>,
        %get3A_443 = arith.index_cast %scan3A_433 : i32 to index
        %get3A_444 = arith.constant 16 : index
        %get3A_445 = tpu.vector_load %arg17[%get3A_443, %get3A_444] {strides = array<i32>} : memref<128x128xf32, #tpu.memory_space<vmem>>, vector<16xf32>,
        %mul3A_446 = arith.mulf %get3A_445, %gather3A : vector<16xf32>
        %swap3A_447 = arith.index_cast %scan3A_433 : i32 to index
        %swap3A_448 = arith.constant 16 : index
        %swap3A_449 = tpu.vector_load %arg17[%swap3A_447, %swap3A_448] {strides = array<i32>} : memref<128x128xf32, #tpu.memory_space<vmem>>, vector<16xf32>,
        tpu.vector_store %arg17[%swap3A_447, %swap3A_448], %mul3A_446 {strides = array<i32>} : memref<128x128xf32, #tpu.memory_space<vmem>>, vector<16xf32>,
        %get3A_450 = arith.index_cast %scan3A_433 : i32 to index
        %get3A_451 = arith.constant 32 : index
        %get3A_452 = tpu.vector_load %arg17[%get3A_450, %get3A_451] {strides = array<i32>} : memref<128x128xf32, #tpu.memory_space<vmem>>, vector<16xf32>,
        %mul3A_453 = arith.mulf %get3A_452, %gather3A : vector<16xf32>
        %swap3A_454 = arith.index_cast %scan3A_433 : i32 to index
        %swap3A_455 = arith.constant 32 : index
        %swap3A_456 = tpu.vector_load %arg17[%swap3A_454, %swap3A_455] {strides = array<i32>} : memref<128x128xf32, #tpu.memory_space<vmem>>, vector<16xf32>,
        tpu.vector_store %arg17[%swap3A_454, %swap3A_455], %mul3A_453 {strides = array<i32>} : memref<128x128xf32, #tpu.memory_space<vmem>>, vector<16xf32>,
        %get3A_457 = arith.index_cast %scan3A_433 : i32 to index
        %get3A_458 = arith.constant 48 : index
        %get3A_459 = tpu.vector_load %arg17[%get3A_457, %get3A_458] {strides = array<i32>} : memref<128x128xf32, #tpu.memory_space<vmem>>, vector<16xf32>,
        %mul3A_460 = arith.mulf %get3A_459, %gather3A : vector<16xf32>
        %swap3A_461 = arith.index_cast %scan3A_433 : i32 to index
        %swap3A_462 = arith.constant 48 : index
        %swap3A_463 = tpu.vector_load %arg17[%swap3A_461, %swap3A_462] {strides = array<i32>} : memref<128x128xf32, #tpu.memory_space<vmem>>, vector<16xf32>,
        tpu.vector_store %arg17[%swap3A_461, %swap3A_462], %mul3A_460 {strides = array<i32>} : memref<128x128xf32, #tpu.memory_space<vmem>>, vector<16xf32>,
        %get3A_464 = arith.index_cast %scan3A_433 : i32 to index
        %get3A_465 = arith.constant 64 : index
        %get3A_466 = tpu.vector_load %arg17[%get3A_464, %get3A_465] {strides = array<i32>} : memref<128x128xf32, #tpu.memory_space<vmem>>, vector<16xf32>,
        %mul3A_467 = arith.mulf %get3A_466, %gather3A : vector<16xf32>
        %swap3A_468 = arith.index_cast %scan3A_433 : i32 to index
        %swap3A_469 = arith.constant 64 : index
        %swap3A_470 = tpu.vector_load %arg17[%swap3A_468, %swap3A_469] {strides = array<i32>} : memref<128x128xf32, #tpu.memory_space<vmem>>, vector<16xf32>,
        tpu.vector_store %arg17[%swap3A_468, %swap3A_469], %mul3A_467 {strides = array<i32>} : memref<128x128xf32, #tpu.memory_space<vmem>>, vector<16xf32>,
        %get3A_471 = arith.index_cast %scan3A_433 : i32 to index
        %get3A_472 = arith.constant 80 : index
        %get3A_473 = tpu.vector_load %arg17[%get3A_471, %get3A_472] {strides = array<i32>} : memref<128x128xf32, #tpu.memory_space<vmem>>, vector<16xf32>,
        %mul3A_474 = arith.mulf %get3A_473, %gather3A : vector<16xf32>
        %swap3A_475 = arith.index_cast %scan3A_433 : i32 to index
        %swap3A_476 = arith.constant 80 : index
        %swap3A_477 = tpu.vector_load %arg17[%swap3A_475, %swap3A_476] {strides = array<i32>} : memref<128x128xf32, #tpu.memory_space<vmem>>, vector<16xf32>,
        tpu.vector_store %arg17[%swap3A_475, %swap3A_476], %mul3A_474 {strides = array<i32>} : memref<128x128xf32, #tpu.memory_space<vmem>>, vector<16xf32>,
        %get3A_478 = arith.index_cast %scan3A_433 : i32 to index
        %get3A_479 = arith.constant 96 : index
        %get3A_480 = tpu.vector_load %arg17[%get3A_478, %get3A_479] {strides = array<i32>} : memref<128x128xf32, #tpu.memory_space<vmem>>, vector<16xf32>,
        %mul3A_481 = arith.mulf %get3A_480, %gather3A : vector<16xf32>
        %swap3A_482 = arith.index_cast %scan3A_433 : i32 to index
        %swap3A_483 = arith.constant 96 : index
        %swap3A_484 = tpu.vector_load %arg17[%swap3A_482, %swap3A_483] {strides = array<i32>} : memref<128x128xf32, #tpu.memory_space<vmem>>, vector<16xf32>,
        tpu.vector_store %arg17[%swap3A_482, %swap3A_483], %mul3A_481 {strides = array<i32>} : memref<128x128xf32, #tpu.memory_space<vmem>>, vector<16xf32>,
        %get3A_485 = arith.index_cast %scan3A_433 : i32 to index
        %get3A_486 = arith.constant 112 : index
        %get3A_487 = tpu.vector_load %arg17[%get3A_485, %get3A_486] {strides = array<i32>} : memref<128x128xf32, #tpu.memory_space<vmem>>, vector<16xf32>,
        %mul3A_488 = arith.mulf %get3A_487, %gather3A : vector<16xf32>
        %swap3A_489 = arith.index_cast %scan3A_433 : i32 to index
        %swap3A_490 = arith.constant 112 : index
        %swap3A_491 = tpu.vector_load %arg17[%swap3A_489, %swap3A_490] {strides = array<i32>} : memref<128x128xf32, #tpu.memory_space<vmem>>, vector<16xf32>,
        tpu.vector_store %arg17[%swap3A_489, %swap3A_490], %mul3A_488 {strides = array<i32>} : memref<128x128xf32, #tpu.memory_space<vmem>>, vector<16xf32>,
        %scan3A_492 = arith.constant 0 : i32
        scf.yield %scan3A_492 : i32
      }
      %scan3A_340 = arith.constant 128 : i32
      %dma_start3A_341 = arith.constant 0 : i32
      %dma_start3A_342 = arith.constant 0 : i32
      %dma_start3A_343 = tpu.memref_slice %arg7[%dma_start3A_341, %dma_start3A_342] : memref<10240x128xf32, #tpu.memory_space<vmem_shared>> -> memref<10240x128xf32, #tpu.memory_space<vmem_shared>>
      tpu.enqueue_indirect_dma source(%arg17 : memref<128x128xf32, #tpu.memory_space<vmem>>) target(%dma_start3A_343 : memref<10240x128xf32, #tpu.memory_space<vmem_shared>>) offsets(%arg15 : memref<128xi32, #tpu.memory_space<vmem>>) semaphore(%arg23 : memref<!tpu.dma_semaphore, #tpu.memory_space<semaphore_mem>>) {add = true}
      %add3A_344 = arith.constant 2 : i32
      %add3A_345 = arith.addi %add3A_281, %add3A_344 : i32
      %mul3A_346 = arith.constant 128 : i32
      %mul3A_347 = arith.muli %add3A_345, %mul3A_346 : i32
      %add3A_348 = arith.addi %mul3A_60, %mul3A_347 : i32
      %dma_start3A_349 = tpu.memref_slice %arg3[%add3A_348] : memref<335872xi32, #tpu.memory_space<hbm>> -> memref<128xi32, #tpu.memory_space<hbm>>
      %dma_start3A_350 = tpu.memref_slice %arg3[%add3A_348] : memref<335872xi32, #tpu.memory_space<hbm>> -> memref<128xi32, #tpu.memory_space<hbm>>
      tpu.enqueue_dma source(%dma_start3A_350 : memref<128xi32, #tpu.memory_space<hbm>>) target(%arg9 : memref<128xi32, #tpu.memory_space<vmem>>) target_semaphore(%arg19 : memref<!tpu.dma_semaphore, #tpu.memory_space<semaphore_mem>>)
      %dma_start3A_351 = tpu.memref_slice %arg4[%add3A_348] : memref<335872xi32, #tpu.memory_space<hbm>> -> memref<128xi32, #tpu.memory_space<hbm>>
      %dma_start3A_352 = tpu.memref_slice %arg4[%add3A_348] : memref<335872xi32, #tpu.memory_space<hbm>> -> memref<128xi32, #tpu.memory_space<hbm>>
      tpu.enqueue_dma source(%dma_start3A_352 : memref<128xi32, #tpu.memory_space<hbm>>) target(%arg11 : memref<128xi32, #tpu.memory_space<vmem>>) target_semaphore(%arg19 : memref<!tpu.dma_semaphore, #tpu.memory_space<semaphore_mem>>)
      %dma_start3A_353 = tpu.memref_slice %arg5[%add3A_348] : memref<335872xf32, #tpu.memory_space<hbm>> -> memref<128xf32, #tpu.memory_space<hbm>>
      %dma_start3A_354 = tpu.memref_slice %arg5[%add3A_348] : memref<335872xf32, #tpu.memory_space<hbm>> -> memref<128xf32, #tpu.memory_space<hbm>>
      tpu.enqueue_dma source(%dma_start3A_354 : memref<128xf32, #tpu.memory_space<hbm>>) target(%arg13 : memref<128xf32, #tpu.memory_space<vmem>>) target_semaphore(%arg19 : memref<!tpu.dma_semaphore, #tpu.memory_space<semaphore_mem>>)
      %mul3A_355 = arith.constant 2 : i32
      %mul3A_356 = arith.muli %mul3A_355, %while3A_276 : i32
      %add3A_357 = arith.constant 2 : i32
      %add3A_358 = arith.addi %mul3A_356, %add3A_357 : i32
      %add3A_359 = arith.constant 1 : i32
      %add3A_360 = arith.addi %add3A_358, %add3A_359 : i32
      %mul3A_361 = arith.constant 128 : i32
      %mul3A_362 = arith.muli %add3A_360, %mul3A_361 : i32
      %add3A_363 = arith.addi %mul3A_60, %mul3A_362 : i32
      %dma_wait3A_364 = tpu.memref_slice %arg3[%add3A_363] : memref<335872xi32, #tpu.memory_space<hbm>> -> memref<128xi32, #tpu.memory_space<hbm>>
      %dma_wait3A_365 = tpu.memref_slice %arg3[%add3A_363] : memref<335872xi32, #tpu.memory_space<hbm>> -> memref<128xi32, #tpu.memory_space<hbm>>
      tpu.wait_dma2 semaphore(%arg19 : memref<!tpu.dma_semaphore, #tpu.memory_space<semaphore_mem>>) src(%dma_wait3A_365 : memref<128xi32, #tpu.memory_space<hbm>>) dst(%arg9 : memref<128xi32, #tpu.memory_space<vmem>>)
      %dma_wait3A_366 = tpu.memref_slice %arg4[%add3A_363] : memref<335872xi32, #tpu.memory_space<hbm>> -> memref<128xi32, #tpu.memory_space<hbm>>
      %dma_wait3A_367 = tpu.memref_slice %arg4[%add3A_363] : memref<335872xi32, #tpu.memory_space<hbm>> -> memref<128xi32, #tpu.memory_space<hbm>>
      tpu.wait_dma2 semaphore(%arg19 : memref<!tpu.dma_semaphore, #tpu.memory_space<semaphore_mem>>) src(%dma_wait3A_367 : memref<128xi32, #tpu.memory_space<hbm>>) dst(%arg11 : memref<128xi32, #tpu.memory_space<vmem>>)
      %dma_wait3A_368 = tpu.memref_slice %arg5[%add3A_363] : memref<335872xf32, #tpu.memory_space<hbm>> -> memref<128xf32, #tpu.memory_space<hbm>>
      %dma_wait3A_369 = tpu.memref_slice %arg5[%add3A_363] : memref<335872xf32, #tpu.memory_space<hbm>> -> memref<128xf32, #tpu.memory_space<hbm>>
      tpu.wait_dma2 semaphore(%arg19 : memref<!tpu.dma_semaphore, #tpu.memory_space<semaphore_mem>>) src(%dma_wait3A_369 : memref<128xf32, #tpu.memory_space<hbm>>) dst(%arg13 : memref<128xf32, #tpu.memory_space<vmem>>)
      %dma_wait3A_370 = arith.constant 0 : i32
      %dma_wait3A_371 = arith.constant 0 : i32
      %dma_wait3A_372 = tpu.memref_slice %arg7[%dma_wait3A_370, %dma_wait3A_371] : memref<10240x128xf32, #tpu.memory_space<vmem_shared>> -> memref<10240x128xf32, #tpu.memory_space<vmem_shared>>
      tpu.wait_indirect_dma semaphore(%arg23 : memref<!tpu.dma_semaphore, #tpu.memory_space<semaphore_mem>>) src(%arg17 : memref<128x128xf32, #tpu.memory_space<vmem>>) dst(%dma_wait3A_372 : memref<10240x128xf32, #tpu.memory_space<vmem_shared>>)
      %dma_start3A_373 = arith.constant 0 : i32
      %dma_start3A_374 = arith.constant 0 : i32
      %dma_start3A_375 = tpu.memref_slice %arg2[%dma_start3A_373, %dma_start3A_374] : memref<10240x128xf32, #tpu.memory_space<hbm>> -> memref<10240x128xf32, #tpu.memory_space<hbm>>
      tpu.enqueue_indirect_dma source(%dma_start3A_375 : memref<10240x128xf32, #tpu.memory_space<hbm>>) target(%arg17 : memref<128x128xf32, #tpu.memory_space<vmem>>) offsets(%arg9 : memref<128xi32, #tpu.memory_space<vmem>>) semaphore(%arg21 : memref<!tpu.dma_semaphore, #tpu.memory_space<semaphore_mem>>)
      %dma_wait3A_376 = arith.constant 0 : i32
      %dma_wait3A_377 = arith.constant 0 : i32
      %dma_wait3A_378 = tpu.memref_slice %arg2[%dma_wait3A_376, %dma_wait3A_377] : memref<10240x128xf32, #tpu.memory_space<hbm>> -> memref<10240x128xf32, #tpu.memory_space<hbm>>
      tpu.wait_indirect_dma semaphore(%arg20 : memref<!tpu.dma_semaphore, #tpu.memory_space<semaphore_mem>>) src(%dma_wait3A_378 : memref<10240x128xf32, #tpu.memory_space<hbm>>) dst(%arg16 : memref<128x128xf32, #tpu.memory_space<vmem>>)
      %get3A_379 = arith.constant 0 : index
      %get3A_380 = tpu.vector_load %arg10[%get3A_379] {strides = array<i32>} : memref<128xi32, #tpu.memory_space<vmem>>, vector<16xi32>,
      %swap3A_381 = arith.constant 0 : index
      %swap3A_382 = tpu.vector_load %arg14[%swap3A_381] {strides = array<i32>} : memref<128xi32, #tpu.memory_space<vmem>>, vector<16xi32>,
      tpu.vector_store %arg14[%swap3A_381], %get3A_380 {strides = array<i32>} : memref<128xi32, #tpu.memory_space<vmem>>, vector<16xi32>,
      %get3A_383 = arith.constant 16 : index
      %get3A_384 = tpu.vector_load %arg10[%get3A_383] {strides = array<i32>} : memref<128xi32, #tpu.memory_space<vmem>>, vector<16xi32>,
      %swap3A_385 = arith.constant 16 : index
      %swap3A_386 = tpu.vector_load %arg14[%swap3A_385] {strides = array<i32>} : memref<128xi32, #tpu.memory_space<vmem>>, vector<16xi32>,
      tpu.vector_store %arg14[%swap3A_385], %get3A_384 {strides = array<i32>} : memref<128xi32, #tpu.memory_space<vmem>>, vector<16xi32>,
      %get3A_387 = arith.constant 32 : index
      %get3A_388 = tpu.vector_load %arg10[%get3A_387] {strides = array<i32>} : memref<128xi32, #tpu.memory_space<vmem>>, vector<16xi32>,
      %swap3A_389 = arith.constant 32 : index
      %swap3A_390 = tpu.vector_load %arg14[%swap3A_389] {strides = array<i32>} : memref<128xi32, #tpu.memory_space<vmem>>, vector<16xi32>,
      tpu.vector_store %arg14[%swap3A_389], %get3A_388 {strides = array<i32>} : memref<128xi32, #tpu.memory_space<vmem>>, vector<16xi32>,
      %get3A_391 = arith.constant 48 : index
      %get3A_392 = tpu.vector_load %arg10[%get3A_391] {strides = array<i32>} : memref<128xi32, #tpu.memory_space<vmem>>, vector<16xi32>,
      %swap3A_393 = arith.constant 48 : index
      %swap3A_394 = tpu.vector_load %arg14[%swap3A_393] {strides = array<i32>} : memref<128xi32, #tpu.memory_space<vmem>>, vector<16xi32>,
      tpu.vector_store %arg14[%swap3A_393], %get3A_392 {strides = array<i32>} : memref<128xi32, #tpu.memory_space<vmem>>, vector<16xi32>,
      %get3A_395 = arith.constant 64 : index
      %get3A_396 = tpu.vector_load %arg10[%get3A_395] {strides = array<i32>} : memref<128xi32, #tpu.memory_space<vmem>>, vector<16xi32>,
      %swap3A_397 = arith.constant 64 : index
      %swap3A_398 = tpu.vector_load %arg14[%swap3A_397] {strides = array<i32>} : memref<128xi32, #tpu.memory_space<vmem>>, vector<16xi32>,
      tpu.vector_store %arg14[%swap3A_397], %get3A_396 {strides = array<i32>} : memref<128xi32, #tpu.memory_space<vmem>>, vector<16xi32>,
      %get3A_399 = arith.constant 80 : index
      %get3A_400 = tpu.vector_load %arg10[%get3A_399] {strides = array<i32>} : memref<128xi32, #tpu.memory_space<vmem>>, vector<16xi32>,
      %swap3A_401 = arith.constant 80 : index
      %swap3A_402 = tpu.vector_load %arg14[%swap3A_401] {strides = array<i32>} : memref<128xi32, #tpu.memory_space<vmem>>, vector<16xi32>,
      tpu.vector_store %arg14[%swap3A_401], %get3A_400 {strides = array<i32>} : memref<128xi32, #tpu.memory_space<vmem>>, vector<16xi32>,
      %get3A_403 = arith.constant 96 : index
      %get3A_404 = tpu.vector_load %arg10[%get3A_403] {strides = array<i32>} : memref<128xi32, #tpu.memory_space<vmem>>, vector<16xi32>,
      %swap3A_405 = arith.constant 96 : index
      %swap3A_406 = tpu.vector_load %arg14[%swap3A_405] {strides = array<i32>} : memref<128xi32, #tpu.memory_space<vmem>>, vector<16xi32>,
      tpu.vector_store %arg14[%swap3A_405], %get3A_404 {strides = array<i32>} : memref<128xi32, #tpu.memory_space<vmem>>, vector<16xi32>,
      %get3A_407 = arith.constant 112 : index
      %get3A_408 = tpu.vector_load %arg10[%get3A_407] {strides = array<i32>} : memref<128xi32, #tpu.memory_space<vmem>>, vector<16xi32>,
      %swap3A_409 = arith.constant 112 : index
      %swap3A_410 = tpu.vector_load %arg14[%swap3A_409] {strides = array<i32>} : memref<128xi32, #tpu.memory_space<vmem>>, vector<16xi32>,
      tpu.vector_store %arg14[%swap3A_409], %get3A_408 {strides = array<i32>} : memref<128xi32, #tpu.memory_space<vmem>>, vector<16xi32>,
      %scan3A_411 = arith.constant 0 : i32
      %scan3A_412 = arith.constant 0 : i32
      %scan3A_413 = arith.constant 128 : i32
      %scan3A_414 = arith.addi %scan3A_412, %scan3A_413 : i32
      %scan3A_415 = arith.constant 1 : i32
      %scan3A_416 = scf.for %scan3A_433 = %scan3A_412 to %scan3A_414 step %scan3A_415 iter_args(%scan3A_434 = %scan3A_411) -> (i32)  : i32 {
        %broadcast_in_dim3A_435 = vector.broadcast %scan3A_433 : i32 to vector<16xi32>
        %gather3A = tpu.vector_load_idx %arg12[%broadcast_in_dim3A_435] : memref<128xf32, #tpu.memory_space<vmem>>[vector<16xi32>], vector<16xf32>,
        %get3A_436 = arith.index_cast %scan3A_433 : i32 to index
        %get3A_437 = arith.constant 0 : index
        %get3A_438 = tpu.vector_load %arg16[%get3A_436, %get3A_437] {strides = array<i32>} : memref<128x128xf32, #tpu.memory_space<vmem>>, vector<16xf32>,
        %mul3A_439 = arith.mulf %get3A_438, %gather3A : vector<16xf32>
        %swap3A_440 = arith.index_cast %scan3A_433 : i32 to index
        %swap3A_441 = arith.constant 0 : index
        %swap3A_442 = tpu.vector_load %arg16[%swap3A_440, %swap3A_441] {strides = array<i32>} : memref<128x128xf32, #tpu.memory_space<vmem>>, vector<16xf32>,
        tpu.vector_store %arg16[%swap3A_440, %swap3A_441], %mul3A_439 {strides = array<i32>} : memref<128x128xf32, #tpu.memory_space<vmem>>, vector<16xf32>,
        %get3A_443 = arith.index_cast %scan3A_433 : i32 to index
        %get3A_444 = arith.constant 16 : index
        %get3A_445 = tpu.vector_load %arg16[%get3A_443, %get3A_444] {strides = array<i32>} : memref<128x128xf32, #tpu.memory_space<vmem>>, vector<16xf32>,
        %mul3A_446 = arith.mulf %get3A_445, %gather3A : vector<16xf32>
        %swap3A_447 = arith.index_cast %scan3A_433 : i32 to index
        %swap3A_448 = arith.constant 16 : index
        %swap3A_449 = tpu.vector_load %arg16[%swap3A_447, %swap3A_448] {strides = array<i32>} : memref<128x128xf32, #tpu.memory_space<vmem>>, vector<16xf32>,
        tpu.vector_store %arg16[%swap3A_447, %swap3A_448], %mul3A_446 {strides = array<i32>} : memref<128x128xf32, #tpu.memory_space<vmem>>, vector<16xf32>,
        %get3A_450 = arith.index_cast %scan3A_433 : i32 to index
        %get3A_451 = arith.constant 32 : index
        %get3A_452 = tpu.vector_load %arg16[%get3A_450, %get3A_451] {strides = array<i32>} : memref<128x128xf32, #tpu.memory_space<vmem>>, vector<16xf32>,
        %mul3A_453 = arith.mulf %get3A_452, %gather3A : vector<16xf32>
        %swap3A_454 = arith.index_cast %scan3A_433 : i32 to index
        %swap3A_455 = arith.constant 32 : index
        %swap3A_456 = tpu.vector_load %arg16[%swap3A_454, %swap3A_455] {strides = array<i32>} : memref<128x128xf32, #tpu.memory_space<vmem>>, vector<16xf32>,
        tpu.vector_store %arg16[%swap3A_454, %swap3A_455], %mul3A_453 {strides = array<i32>} : memref<128x128xf32, #tpu.memory_space<vmem>>, vector<16xf32>,
        %get3A_457 = arith.index_cast %scan3A_433 : i32 to index
        %get3A_458 = arith.constant 48 : index
        %get3A_459 = tpu.vector_load %arg16[%get3A_457, %get3A_458] {strides = array<i32>} : memref<128x128xf32, #tpu.memory_space<vmem>>, vector<16xf32>,
        %mul3A_460 = arith.mulf %get3A_459, %gather3A : vector<16xf32>
        %swap3A_461 = arith.index_cast %scan3A_433 : i32 to index
        %swap3A_462 = arith.constant 48 : index
        %swap3A_463 = tpu.vector_load %arg16[%swap3A_461, %swap3A_462] {strides = array<i32>} : memref<128x128xf32, #tpu.memory_space<vmem>>, vector<16xf32>,
        tpu.vector_store %arg16[%swap3A_461, %swap3A_462], %mul3A_460 {strides = array<i32>} : memref<128x128xf32, #tpu.memory_space<vmem>>, vector<16xf32>,
        %get3A_464 = arith.index_cast %scan3A_433 : i32 to index
        %get3A_465 = arith.constant 64 : index
        %get3A_466 = tpu.vector_load %arg16[%get3A_464, %get3A_465] {strides = array<i32>} : memref<128x128xf32, #tpu.memory_space<vmem>>, vector<16xf32>,
        %mul3A_467 = arith.mulf %get3A_466, %gather3A : vector<16xf32>
        %swap3A_468 = arith.index_cast %scan3A_433 : i32 to index
        %swap3A_469 = arith.constant 64 : index
        %swap3A_470 = tpu.vector_load %arg16[%swap3A_468, %swap3A_469] {strides = array<i32>} : memref<128x128xf32, #tpu.memory_space<vmem>>, vector<16xf32>,
        tpu.vector_store %arg16[%swap3A_468, %swap3A_469], %mul3A_467 {strides = array<i32>} : memref<128x128xf32, #tpu.memory_space<vmem>>, vector<16xf32>,
        %get3A_471 = arith.index_cast %scan3A_433 : i32 to index
        %get3A_472 = arith.constant 80 : index
        %get3A_473 = tpu.vector_load %arg16[%get3A_471, %get3A_472] {strides = array<i32>} : memref<128x128xf32, #tpu.memory_space<vmem>>, vector<16xf32>,
        %mul3A_474 = arith.mulf %get3A_473, %gather3A : vector<16xf32>
        %swap3A_475 = arith.index_cast %scan3A_433 : i32 to index
        %swap3A_476 = arith.constant 80 : index
        %swap3A_477 = tpu.vector_load %arg16[%swap3A_475, %swap3A_476] {strides = array<i32>} : memref<128x128xf32, #tpu.memory_space<vmem>>, vector<16xf32>,
        tpu.vector_store %arg16[%swap3A_475, %swap3A_476], %mul3A_474 {strides = array<i32>} : memref<128x128xf32, #tpu.memory_space<vmem>>, vector<16xf32>,
        %get3A_478 = arith.index_cast %scan3A_433 : i32 to index
        %get3A_479 = arith.constant 96 : index
        %get3A_480 = tpu.vector_load %arg16[%get3A_478, %get3A_479] {strides = array<i32>} : memref<128x128xf32, #tpu.memory_space<vmem>>, vector<16xf32>,
        %mul3A_481 = arith.mulf %get3A_480, %gather3A : vector<16xf32>
        %swap3A_482 = arith.index_cast %scan3A_433 : i32 to index
        %swap3A_483 = arith.constant 96 : index
        %swap3A_484 = tpu.vector_load %arg16[%swap3A_482, %swap3A_483] {strides = array<i32>} : memref<128x128xf32, #tpu.memory_space<vmem>>, vector<16xf32>,
        tpu.vector_store %arg16[%swap3A_482, %swap3A_483], %mul3A_481 {strides = array<i32>} : memref<128x128xf32, #tpu.memory_space<vmem>>, vector<16xf32>,
        %get3A_485 = arith.index_cast %scan3A_433 : i32 to index
        %get3A_486 = arith.constant 112 : index
        %get3A_487 = tpu.vector_load %arg16[%get3A_485, %get3A_486] {strides = array<i32>} : memref<128x128xf32, #tpu.memory_space<vmem>>, vector<16xf32>,
        %mul3A_488 = arith.mulf %get3A_487, %gather3A : vector<16xf32>
        %swap3A_489 = arith.index_cast %scan3A_433 : i32 to index
        %swap3A_490 = arith.constant 112 : index
        %swap3A_491 = tpu.vector_load %arg16[%swap3A_489, %swap3A_490] {strides = array<i32>} : memref<128x128xf32, #tpu.memory_space<vmem>>, vector<16xf32>,
        tpu.vector_store %arg16[%swap3A_489, %swap3A_490], %mul3A_488 {strides = array<i32>} : memref<128x128xf32, #tpu.memory_space<vmem>>, vector<16xf32>,
        %scan3A_492 = arith.constant 0 : i32
        scf.yield %scan3A_492 : i32
      }
      %scan3A_417 = arith.constant 128 : i32
      %dma_start3A_418 = arith.constant 0 : i32
      %dma_start3A_419 = arith.constant 0 : i32
      %dma_start3A_420 = tpu.memref_slice %arg7[%dma_start3A_418, %dma_start3A_419] : memref<10240x128xf32, #tpu.memory_space<vmem_shared>> -> memref<10240x128xf32, #tpu.memory_space<vmem_shared>>
      tpu.enqueue_indirect_dma source(%arg16 : memref<128x128xf32, #tpu.memory_space<vmem>>) target(%dma_start3A_420 : memref<10240x128xf32, #tpu.memory_space<vmem_shared>>) offsets(%arg14 : memref<128xi32, #tpu.memory_space<vmem>>) semaphore(%arg22 : memref<!tpu.dma_semaphore, #tpu.memory_space<semaphore_mem>>) {add = true}
      %add3A_421 = arith.constant 2 : i32
      %add3A_422 = arith.addi %add3A_358, %add3A_421 : i32
      %mul3A_423 = arith.constant 128 : i32
      %mul3A_424 = arith.muli %add3A_422, %mul3A_423 : i32
      %add3A_425 = arith.addi %mul3A_60, %mul3A_424 : i32
      %dma_start3A_426 = tpu.memref_slice %arg3[%add3A_425] : memref<335872xi32, #tpu.memory_space<hbm>> -> memref<128xi32, #tpu.memory_space<hbm>>
      %dma_start3A_427 = tpu.memref_slice %arg3[%add3A_425] : memref<335872xi32, #tpu.memory_space<hbm>> -> memref<128xi32, #tpu.memory_space<hbm>>
      tpu.enqueue_dma source(%dma_start3A_427 : memref<128xi32, #tpu.memory_space<hbm>>) target(%arg8 : memref<128xi32, #tpu.memory_space<vmem>>) target_semaphore(%arg18 : memref<!tpu.dma_semaphore, #tpu.memory_space<semaphore_mem>>)
      %dma_start3A_428 = tpu.memref_slice %arg4[%add3A_425] : memref<335872xi32, #tpu.memory_space<hbm>> -> memref<128xi32, #tpu.memory_space<hbm>>
      %dma_start3A_429 = tpu.memref_slice %arg4[%add3A_425] : memref<335872xi32, #tpu.memory_space<hbm>> -> memref<128xi32, #tpu.memory_space<hbm>>
      tpu.enqueue_dma source(%dma_start3A_429 : memref<128xi32, #tpu.memory_space<hbm>>) target(%arg10 : memref<128xi32, #tpu.memory_space<vmem>>) target_semaphore(%arg18 : memref<!tpu.dma_semaphore, #tpu.memory_space<semaphore_mem>>)
      %dma_start3A_430 = tpu.memref_slice %arg5[%add3A_425] : memref<335872xf32, #tpu.memory_space<hbm>> -> memref<128xf32, #tpu.memory_space<hbm>>
      %dma_start3A_431 = tpu.memref_slice %arg5[%add3A_425] : memref<335872xf32, #tpu.memory_space<hbm>> -> memref<128xf32, #tpu.memory_space<hbm>>
      tpu.enqueue_dma source(%dma_start3A_431 : memref<128xf32, #tpu.memory_space<hbm>>) target(%arg12 : memref<128xf32, #tpu.memory_space<vmem>>) target_semaphore(%arg18 : memref<!tpu.dma_semaphore, #tpu.memory_space<semaphore_mem>>)
      %while3A_432 = arith.constant 0 : i32
      scf.yield %while3A_432 : i32
    }
    %while3A_177 = arith.constant 1 : i32
    %while3A_178 = scf.for %while3A_276 = %while3A_174 to %while3A_170 step %while3A_177 iter_args(%while3A_277 = %while3A_176) -> (i32)  : i32 {
      %mul3A_278 = arith.constant 2 : i32
      %mul3A_279 = arith.muli %mul3A_278, %while3A_276 : i32
      %add3A_280 = arith.constant 1 : i32
      %add3A_281 = arith.addi %mul3A_279, %add3A_280 : i32
      %add3A_282 = arith.constant 1 : i32
      %add3A_283 = arith.addi %add3A_281, %add3A_282 : i32
      %mul3A_284 = arith.constant 128 : i32
      %mul3A_285 = arith.muli %add3A_283, %mul3A_284 : i32
      %add3A_286 = arith.addi %mul3A_60, %mul3A_285 : i32
      %dma_wait3A_287 = tpu.memref_slice %arg3[%add3A_286] : memref<335872xi32, #tpu.memory_space<hbm>> -> memref<128xi32, #tpu.memory_space<hbm>>
      %dma_wait3A_288 = tpu.memref_slice %arg3[%add3A_286] : memref<335872xi32, #tpu.memory_space<hbm>> -> memref<128xi32, #tpu.memory_space<hbm>>
      tpu.wait_dma2 semaphore(%arg18 : memref<!tpu.dma_semaphore, #tpu.memory_space<semaphore_mem>>) src(%dma_wait3A_288 : memref<128xi32, #tpu.memory_space<hbm>>) dst(%arg8 : memref<128xi32, #tpu.memory_space<vmem>>)
      %dma_wait3A_289 = tpu.memref_slice %arg4[%add3A_286] : memref<335872xi32, #tpu.memory_space<hbm>> -> memref<128xi32, #tpu.memory_space<hbm>>
      %dma_wait3A_290 = tpu.memref_slice %arg4[%add3A_286] : memref<335872xi32, #tpu.memory_space<hbm>> -> memref<128xi32, #tpu.memory_space<hbm>>
      tpu.wait_dma2 semaphore(%arg18 : memref<!tpu.dma_semaphore, #tpu.memory_space<semaphore_mem>>) src(%dma_wait3A_290 : memref<128xi32, #tpu.memory_space<hbm>>) dst(%arg10 : memref<128xi32, #tpu.memory_space<vmem>>)
      %dma_wait3A_291 = tpu.memref_slice %arg5[%add3A_286] : memref<335872xf32, #tpu.memory_space<hbm>> -> memref<128xf32, #tpu.memory_space<hbm>>
      %dma_wait3A_292 = tpu.memref_slice %arg5[%add3A_286] : memref<335872xf32, #tpu.memory_space<hbm>> -> memref<128xf32, #tpu.memory_space<hbm>>
      tpu.wait_dma2 semaphore(%arg18 : memref<!tpu.dma_semaphore, #tpu.memory_space<semaphore_mem>>) src(%dma_wait3A_292 : memref<128xf32, #tpu.memory_space<hbm>>) dst(%arg12 : memref<128xf32, #tpu.memory_space<vmem>>)
      %dma_wait3A_293 = arith.constant 0 : i32
      %dma_wait3A_294 = arith.constant 0 : i32
      %dma_wait3A_295 = tpu.memref_slice %arg7[%dma_wait3A_293, %dma_wait3A_294] : memref<10240x128xf32, #tpu.memory_space<vmem_shared>> -> memref<10240x128xf32, #tpu.memory_space<vmem_shared>>
      tpu.wait_indirect_dma semaphore(%arg22 : memref<!tpu.dma_semaphore, #tpu.memory_space<semaphore_mem>>) src(%arg16 : memref<128x128xf32, #tpu.memory_space<vmem>>) dst(%dma_wait3A_295 : memref<10240x128xf32, #tpu.memory_space<vmem_shared>>)
      %dma_start3A_296 = arith.constant 0 : i32
      %dma_start3A_297 = arith.constant 0 : i32
      %dma_start3A_298 = tpu.memref_slice %arg2[%dma_start3A_296, %dma_start3A_297] : memref<10240x128xf32, #tpu.memory_space<hbm>> -> memref<10240x128xf32, #tpu.memory_space<hbm>>
      tpu.enqueue_indirect_dma source(%dma_start3A_298 : memref<10240x128xf32, #tpu.memory_space<hbm>>) target(%arg16 : memref<128x128xf32, #tpu.memory_space<vmem>>) offsets(%arg8 : memref<128xi32, #tpu.memory_space<vmem>>) semaphore(%arg20 : memref<!tpu.dma_semaphore, #tpu.memory_space<semaphore_mem>>)
      %dma_wait3A_299 = arith.constant 0 : i32
      %dma_wait3A_300 = arith.constant 0 : i32
      %dma_wait3A_301 = tpu.memref_slice %arg2[%dma_wait3A_299, %dma_wait3A_300] : memref<10240x128xf32, #tpu.memory_space<hbm>> -> memref<10240x128xf32, #tpu.memory_space<hbm>>
      tpu.wait_indirect_dma semaphore(%arg21 : memref<!tpu.dma_semaphore, #tpu.memory_space<semaphore_mem>>) src(%dma_wait3A_301 : memref<10240x128xf32, #tpu.memory_space<hbm>>) dst(%arg17 : memref<128x128xf32, #tpu.memory_space<vmem>>)
      %get3A_302 = arith.constant 0 : index
      %get3A_303 = tpu.vector_load %arg11[%get3A_302] {strides = array<i32>} : memref<128xi32, #tpu.memory_space<vmem>>, vector<16xi32>,
      %swap3A_304 = arith.constant 0 : index
      %swap3A_305 = tpu.vector_load %arg15[%swap3A_304] {strides = array<i32>} : memref<128xi32, #tpu.memory_space<vmem>>, vector<16xi32>,
      tpu.vector_store %arg15[%swap3A_304], %get3A_303 {strides = array<i32>} : memref<128xi32, #tpu.memory_space<vmem>>, vector<16xi32>,
      %get3A_306 = arith.constant 16 : index
      %get3A_307 = tpu.vector_load %arg11[%get3A_306] {strides = array<i32>} : memref<128xi32, #tpu.memory_space<vmem>>, vector<16xi32>,
      %swap3A_308 = arith.constant 16 : index
      %swap3A_309 = tpu.vector_load %arg15[%swap3A_308] {strides = array<i32>} : memref<128xi32, #tpu.memory_space<vmem>>, vector<16xi32>,
      tpu.vector_store %arg15[%swap3A_308], %get3A_307 {strides = array<i32>} : memref<128xi32, #tpu.memory_space<vmem>>, vector<16xi32>,
      %get3A_310 = arith.constant 32 : index
      %get3A_311 = tpu.vector_load %arg11[%get3A_310] {strides = array<i32>} : memref<128xi32, #tpu.memory_space<vmem>>, vector<16xi32>,
      %swap3A_312 = arith.constant 32 : index
      %swap3A_313 = tpu.vector_load %arg15[%swap3A_312] {strides = array<i32>} : memref<128xi32, #tpu.memory_space<vmem>>, vector<16xi32>,
      tpu.vector_store %arg15[%swap3A_312], %get3A_311 {strides = array<i32>} : memref<128xi32, #tpu.memory_space<vmem>>, vector<16xi32>,
      %get3A_314 = arith.constant 48 : index
      %get3A_315 = tpu.vector_load %arg11[%get3A_314] {strides = array<i32>} : memref<128xi32, #tpu.memory_space<vmem>>, vector<16xi32>,
      %swap3A_316 = arith.constant 48 : index
      %swap3A_317 = tpu.vector_load %arg15[%swap3A_316] {strides = array<i32>} : memref<128xi32, #tpu.memory_space<vmem>>, vector<16xi32>,
      tpu.vector_store %arg15[%swap3A_316], %get3A_315 {strides = array<i32>} : memref<128xi32, #tpu.memory_space<vmem>>, vector<16xi32>,
      %get3A_318 = arith.constant 64 : index
      %get3A_319 = tpu.vector_load %arg11[%get3A_318] {strides = array<i32>} : memref<128xi32, #tpu.memory_space<vmem>>, vector<16xi32>,
      %swap3A_320 = arith.constant 64 : index
      %swap3A_321 = tpu.vector_load %arg15[%swap3A_320] {strides = array<i32>} : memref<128xi32, #tpu.memory_space<vmem>>, vector<16xi32>,
      tpu.vector_store %arg15[%swap3A_320], %get3A_319 {strides = array<i32>} : memref<128xi32, #tpu.memory_space<vmem>>, vector<16xi32>,
      %get3A_322 = arith.constant 80 : index
      %get3A_323 = tpu.vector_load %arg11[%get3A_322] {strides = array<i32>} : memref<128xi32, #tpu.memory_space<vmem>>, vector<16xi32>,
      %swap3A_324 = arith.constant 80 : index
      %swap3A_325 = tpu.vector_load %arg15[%swap3A_324] {strides = array<i32>} : memref<128xi32, #tpu.memory_space<vmem>>, vector<16xi32>,
      tpu.vector_store %arg15[%swap3A_324], %get3A_323 {strides = array<i32>} : memref<128xi32, #tpu.memory_space<vmem>>, vector<16xi32>,
      %get3A_326 = arith.constant 96 : index
      %get3A_327 = tpu.vector_load %arg11[%get3A_326] {strides = array<i32>} : memref<128xi32, #tpu.memory_space<vmem>>, vector<16xi32>,
      %swap3A_328 = arith.constant 96 : index
      %swap3A_329 = tpu.vector_load %arg15[%swap3A_328] {strides = array<i32>} : memref<128xi32, #tpu.memory_space<vmem>>, vector<16xi32>,
      tpu.vector_store %arg15[%swap3A_328], %get3A_327 {strides = array<i32>} : memref<128xi32, #tpu.memory_space<vmem>>, vector<16xi32>,
      %get3A_330 = arith.constant 112 : index
      %get3A_331 = tpu.vector_load %arg11[%get3A_330] {strides = array<i32>} : memref<128xi32, #tpu.memory_space<vmem>>, vector<16xi32>,
      %swap3A_332 = arith.constant 112 : index
      %swap3A_333 = tpu.vector_load %arg15[%swap3A_332] {strides = array<i32>} : memref<128xi32, #tpu.memory_space<vmem>>, vector<16xi32>,
      tpu.vector_store %arg15[%swap3A_332], %get3A_331 {strides = array<i32>} : memref<128xi32, #tpu.memory_space<vmem>>, vector<16xi32>,
      %scan3A_334 = arith.constant 0 : i32
      %scan3A_335 = arith.constant 0 : i32
      %scan3A_336 = arith.constant 128 : i32
      %scan3A_337 = arith.addi %scan3A_335, %scan3A_336 : i32
      %scan3A_338 = arith.constant 1 : i32
      %scan3A_339 = scf.for %scan3A_433 = %scan3A_335 to %scan3A_337 step %scan3A_338 iter_args(%scan3A_434 = %scan3A_334) -> (i32)  : i32 {
        %broadcast_in_dim3A_435 = vector.broadcast %scan3A_433 : i32 to vector<16xi32>
        %gather3A = tpu.vector_load_idx %arg13[%broadcast_in_dim3A_435] : memref<128xf32, #tpu.memory_space<vmem>>[vector<16xi32>], vector<16xf32>,
        %get3A_436 = arith.index_cast %scan3A_433 : i32 to index
        %get3A_437 = arith.constant 0 : index
        %get3A_438 = tpu.vector_load %arg17[%get3A_436, %get3A_437] {strides = array<i32>} : memref<128x128xf32, #tpu.memory_space<vmem>>, vector<16xf32>,
        %mul3A_439 = arith.mulf %get3A_438, %gather3A : vector<16xf32>
        %swap3A_440 = arith.index_cast %scan3A_433 : i32 to index
        %swap3A_441 = arith.constant 0 : index
        %swap3A_442 = tpu.vector_load %arg17[%swap3A_440, %swap3A_441] {strides = array<i32>} : memref<128x128xf32, #tpu.memory_space<vmem>>, vector<16xf32>,
        tpu.vector_store %arg17[%swap3A_440, %swap3A_441], %mul3A_439 {strides = array<i32>} : memref<128x128xf32, #tpu.memory_space<vmem>>, vector<16xf32>,
        %get3A_443 = arith.index_cast %scan3A_433 : i32 to index
        %get3A_444 = arith.constant 16 : index
        %get3A_445 = tpu.vector_load %arg17[%get3A_443, %get3A_444] {strides = array<i32>} : memref<128x128xf32, #tpu.memory_space<vmem>>, vector<16xf32>,
        %mul3A_446 = arith.mulf %get3A_445, %gather3A : vector<16xf32>
        %swap3A_447 = arith.index_cast %scan3A_433 : i32 to index
        %swap3A_448 = arith.constant 16 : index
        %swap3A_449 = tpu.vector_load %arg17[%swap3A_447, %swap3A_448] {strides = array<i32>} : memref<128x128xf32, #tpu.memory_space<vmem>>, vector<16xf32>,
        tpu.vector_store %arg17[%swap3A_447, %swap3A_448], %mul3A_446 {strides = array<i32>} : memref<128x128xf32, #tpu.memory_space<vmem>>, vector<16xf32>,
        %get3A_450 = arith.index_cast %scan3A_433 : i32 to index
        %get3A_451 = arith.constant 32 : index
        %get3A_452 = tpu.vector_load %arg17[%get3A_450, %get3A_451] {strides = array<i32>} : memref<128x128xf32, #tpu.memory_space<vmem>>, vector<16xf32>,
        %mul3A_453 = arith.mulf %get3A_452, %gather3A : vector<16xf32>
        %swap3A_454 = arith.index_cast %scan3A_433 : i32 to index
        %swap3A_455 = arith.constant 32 : index
        %swap3A_456 = tpu.vector_load %arg17[%swap3A_454, %swap3A_455] {strides = array<i32>} : memref<128x128xf32, #tpu.memory_space<vmem>>, vector<16xf32>,
        tpu.vector_store %arg17[%swap3A_454, %swap3A_455], %mul3A_453 {strides = array<i32>} : memref<128x128xf32, #tpu.memory_space<vmem>>, vector<16xf32>,
        %get3A_457 = arith.index_cast %scan3A_433 : i32 to index
        %get3A_458 = arith.constant 48 : index
        %get3A_459 = tpu.vector_load %arg17[%get3A_457, %get3A_458] {strides = array<i32>} : memref<128x128xf32, #tpu.memory_space<vmem>>, vector<16xf32>,
        %mul3A_460 = arith.mulf %get3A_459, %gather3A : vector<16xf32>
        %swap3A_461 = arith.index_cast %scan3A_433 : i32 to index
        %swap3A_462 = arith.constant 48 : index
        %swap3A_463 = tpu.vector_load %arg17[%swap3A_461, %swap3A_462] {strides = array<i32>} : memref<128x128xf32, #tpu.memory_space<vmem>>, vector<16xf32>,
        tpu.vector_store %arg17[%swap3A_461, %swap3A_462], %mul3A_460 {strides = array<i32>} : memref<128x128xf32, #tpu.memory_space<vmem>>, vector<16xf32>,
        %get3A_464 = arith.index_cast %scan3A_433 : i32 to index
        %get3A_465 = arith.constant 64 : index
        %get3A_466 = tpu.vector_load %arg17[%get3A_464, %get3A_465] {strides = array<i32>} : memref<128x128xf32, #tpu.memory_space<vmem>>, vector<16xf32>,
        %mul3A_467 = arith.mulf %get3A_466, %gather3A : vector<16xf32>
        %swap3A_468 = arith.index_cast %scan3A_433 : i32 to index
        %swap3A_469 = arith.constant 64 : index
        %swap3A_470 = tpu.vector_load %arg17[%swap3A_468, %swap3A_469] {strides = array<i32>} : memref<128x128xf32, #tpu.memory_space<vmem>>, vector<16xf32>,
        tpu.vector_store %arg17[%swap3A_468, %swap3A_469], %mul3A_467 {strides = array<i32>} : memref<128x128xf32, #tpu.memory_space<vmem>>, vector<16xf32>,
        %get3A_471 = arith.index_cast %scan3A_433 : i32 to index
        %get3A_472 = arith.constant 80 : index
        %get3A_473 = tpu.vector_load %arg17[%get3A_471, %get3A_472] {strides = array<i32>} : memref<128x128xf32, #tpu.memory_space<vmem>>, vector<16xf32>,
        %mul3A_474 = arith.mulf %get3A_473, %gather3A : vector<16xf32>
        %swap3A_475 = arith.index_cast %scan3A_433 : i32 to index
        %swap3A_476 = arith.constant 80 : index
        %swap3A_477 = tpu.vector_load %arg17[%swap3A_475, %swap3A_476] {strides = array<i32>} : memref<128x128xf32, #tpu.memory_space<vmem>>, vector<16xf32>,
        tpu.vector_store %arg17[%swap3A_475, %swap3A_476], %mul3A_474 {strides = array<i32>} : memref<128x128xf32, #tpu.memory_space<vmem>>, vector<16xf32>,
        %get3A_478 = arith.index_cast %scan3A_433 : i32 to index
        %get3A_479 = arith.constant 96 : index
        %get3A_480 = tpu.vector_load %arg17[%get3A_478, %get3A_479] {strides = array<i32>} : memref<128x128xf32, #tpu.memory_space<vmem>>, vector<16xf32>,
        %mul3A_481 = arith.mulf %get3A_480, %gather3A : vector<16xf32>
        %swap3A_482 = arith.index_cast %scan3A_433 : i32 to index
        %swap3A_483 = arith.constant 96 : index
        %swap3A_484 = tpu.vector_load %arg17[%swap3A_482, %swap3A_483] {strides = array<i32>} : memref<128x128xf32, #tpu.memory_space<vmem>>, vector<16xf32>,
        tpu.vector_store %arg17[%swap3A_482, %swap3A_483], %mul3A_481 {strides = array<i32>} : memref<128x128xf32, #tpu.memory_space<vmem>>, vector<16xf32>,
        %get3A_485 = arith.index_cast %scan3A_433 : i32 to index
        %get3A_486 = arith.constant 112 : index
        %get3A_487 = tpu.vector_load %arg17[%get3A_485, %get3A_486] {strides = array<i32>} : memref<128x128xf32, #tpu.memory_space<vmem>>, vector<16xf32>,
        %mul3A_488 = arith.mulf %get3A_487, %gather3A : vector<16xf32>
        %swap3A_489 = arith.index_cast %scan3A_433 : i32 to index
        %swap3A_490 = arith.constant 112 : index
        %swap3A_491 = tpu.vector_load %arg17[%swap3A_489, %swap3A_490] {strides = array<i32>} : memref<128x128xf32, #tpu.memory_space<vmem>>, vector<16xf32>,
        tpu.vector_store %arg17[%swap3A_489, %swap3A_490], %mul3A_488 {strides = array<i32>} : memref<128x128xf32, #tpu.memory_space<vmem>>, vector<16xf32>,
        %scan3A_492 = arith.constant 0 : i32
        scf.yield %scan3A_492 : i32
      }
      %scan3A_340 = arith.constant 128 : i32
      %dma_start3A_341 = arith.constant 0 : i32
      %dma_start3A_342 = arith.constant 0 : i32
      %dma_start3A_343 = tpu.memref_slice %arg7[%dma_start3A_341, %dma_start3A_342] : memref<10240x128xf32, #tpu.memory_space<vmem_shared>> -> memref<10240x128xf32, #tpu.memory_space<vmem_shared>>
      tpu.enqueue_indirect_dma source(%arg17 : memref<128x128xf32, #tpu.memory_space<vmem>>) target(%dma_start3A_343 : memref<10240x128xf32, #tpu.memory_space<vmem_shared>>) offsets(%arg15 : memref<128xi32, #tpu.memory_space<vmem>>) semaphore(%arg23 : memref<!tpu.dma_semaphore, #tpu.memory_space<semaphore_mem>>) {add = true}
      %add3A_344 = arith.constant 2 : i32
      %add3A_345 = arith.addi %add3A_281, %add3A_344 : i32
      %mul3A_346 = arith.constant 128 : i32
      %mul3A_347 = arith.muli %add3A_345, %mul3A_346 : i32
      %add3A_348 = arith.addi %mul3A_60, %mul3A_347 : i32
      %dma_start3A_349 = tpu.memref_slice %arg3[%add3A_348] : memref<335872xi32, #tpu.memory_space<hbm>> -> memref<128xi32, #tpu.memory_space<hbm>>
      %dma_start3A_350 = tpu.memref_slice %arg3[%add3A_348] : memref<335872xi32, #tpu.memory_space<hbm>> -> memref<128xi32, #tpu.memory_space<hbm>>
      tpu.enqueue_dma source(%dma_start3A_350 : memref<128xi32, #tpu.memory_space<hbm>>) target(%arg9 : memref<128xi32, #tpu.memory_space<vmem>>) target_semaphore(%arg19 : memref<!tpu.dma_semaphore, #tpu.memory_space<semaphore_mem>>)
      %dma_start3A_351 = tpu.memref_slice %arg4[%add3A_348] : memref<335872xi32, #tpu.memory_space<hbm>> -> memref<128xi32, #tpu.memory_space<hbm>>
      %dma_start3A_352 = tpu.memref_slice %arg4[%add3A_348] : memref<335872xi32, #tpu.memory_space<hbm>> -> memref<128xi32, #tpu.memory_space<hbm>>
      tpu.enqueue_dma source(%dma_start3A_352 : memref<128xi32, #tpu.memory_space<hbm>>) target(%arg11 : memref<128xi32, #tpu.memory_space<vmem>>) target_semaphore(%arg19 : memref<!tpu.dma_semaphore, #tpu.memory_space<semaphore_mem>>)
      %dma_start3A_353 = tpu.memref_slice %arg5[%add3A_348] : memref<335872xf32, #tpu.memory_space<hbm>> -> memref<128xf32, #tpu.memory_space<hbm>>
      %dma_start3A_354 = tpu.memref_slice %arg5[%add3A_348] : memref<335872xf32, #tpu.memory_space<hbm>> -> memref<128xf32, #tpu.memory_space<hbm>>
      tpu.enqueue_dma source(%dma_start3A_354 : memref<128xf32, #tpu.memory_space<hbm>>) target(%arg13 : memref<128xf32, #tpu.memory_space<vmem>>) target_semaphore(%arg19 : memref<!tpu.dma_semaphore, #tpu.memory_space<semaphore_mem>>)
      %mul3A_355 = arith.constant 2 : i32
      %mul3A_356 = arith.muli %mul3A_355, %while3A_276 : i32
      %add3A_357 = arith.constant 2 : i32
      %add3A_358 = arith.addi %mul3A_356, %add3A_357 : i32
      %add3A_359 = arith.constant 1 : i32
      %add3A_360 = arith.addi %add3A_358, %add3A_359 : i32
      %mul3A_361 = arith.constant 128 : i32
      %mul3A_362 = arith.muli %add3A_360, %mul3A_361 : i32
      %add3A_363 = arith.addi %mul3A_60, %mul3A_362 : i32
      %dma_wait3A_364 = tpu.memref_slice %arg3[%add3A_363] : memref<335872xi32, #tpu.memory_space<hbm>> -> memref<128xi32, #tpu.memory_space<hbm>>
      %dma_wait3A_365 = tpu.memref_slice %arg3[%add3A_363] : memref<335872xi32, #tpu.memory_space<hbm>> -> memref<128xi32, #tpu.memory_space<hbm>>
      tpu.wait_dma2 semaphore(%arg19 : memref<!tpu.dma_semaphore, #tpu.memory_space<semaphore_mem>>) src(%dma_wait3A_365 : memref<128xi32, #tpu.memory_space<hbm>>) dst(%arg9 : memref<128xi32, #tpu.memory_space<vmem>>)
      %dma_wait3A_366 = tpu.memref_slice %arg4[%add3A_363] : memref<335872xi32, #tpu.memory_space<hbm>> -> memref<128xi32, #tpu.memory_space<hbm>>
      %dma_wait3A_367 = tpu.memref_slice %arg4[%add3A_363] : memref<335872xi32, #tpu.memory_space<hbm>> -> memref<128xi32, #tpu.memory_space<hbm>>
      tpu.wait_dma2 semaphore(%arg19 : memref<!tpu.dma_semaphore, #tpu.memory_space<semaphore_mem>>) src(%dma_wait3A_367 : memref<128xi32, #tpu.memory_space<hbm>>) dst(%arg11 : memref<128xi32, #tpu.memory_space<vmem>>)
      %dma_wait3A_368 = tpu.memref_slice %arg5[%add3A_363] : memref<335872xf32, #tpu.memory_space<hbm>> -> memref<128xf32, #tpu.memory_space<hbm>>
      %dma_wait3A_369 = tpu.memref_slice %arg5[%add3A_363] : memref<335872xf32, #tpu.memory_space<hbm>> -> memref<128xf32, #tpu.memory_space<hbm>>
      tpu.wait_dma2 semaphore(%arg19 : memref<!tpu.dma_semaphore, #tpu.memory_space<semaphore_mem>>) src(%dma_wait3A_369 : memref<128xf32, #tpu.memory_space<hbm>>) dst(%arg13 : memref<128xf32, #tpu.memory_space<vmem>>)
      %dma_wait3A_370 = arith.constant 0 : i32
      %dma_wait3A_371 = arith.constant 0 : i32
      %dma_wait3A_372 = tpu.memref_slice %arg7[%dma_wait3A_370, %dma_wait3A_371] : memref<10240x128xf32, #tpu.memory_space<vmem_shared>> -> memref<10240x128xf32, #tpu.memory_space<vmem_shared>>
      tpu.wait_indirect_dma semaphore(%arg23 : memref<!tpu.dma_semaphore, #tpu.memory_space<semaphore_mem>>) src(%arg17 : memref<128x128xf32, #tpu.memory_space<vmem>>) dst(%dma_wait3A_372 : memref<10240x128xf32, #tpu.memory_space<vmem_shared>>)
      %dma_start3A_373 = arith.constant 0 : i32
      %dma_start3A_374 = arith.constant 0 : i32
      %dma_start3A_375 = tpu.memref_slice %arg2[%dma_start3A_373, %dma_start3A_374] : memref<10240x128xf32, #tpu.memory_space<hbm>> -> memref<10240x128xf32, #tpu.memory_space<hbm>>
      tpu.enqueue_indirect_dma source(%dma_start3A_375 : memref<10240x128xf32, #tpu.memory_space<hbm>>) target(%arg17 : memref<128x128xf32, #tpu.memory_space<vmem>>) offsets(%arg9 : memref<128xi32, #tpu.memory_space<vmem>>) semaphore(%arg21 : memref<!tpu.dma_semaphore, #tpu.memory_space<semaphore_mem>>)
      %dma_wait3A_376 = arith.constant 0 : i32
      %dma_wait3A_377 = arith.constant 0 : i32
      %dma_wait3A_378 = tpu.memref_slice %arg2[%dma_wait3A_376, %dma_wait3A_377] : memref<10240x128xf32, #tpu.memory_space<hbm>> -> memref<10240x128xf32, #tpu.memory_space<hbm>>
      tpu.wait_indirect_dma semaphore(%arg20 : memref<!tpu.dma_semaphore, #tpu.memory_space<semaphore_mem>>) src(%dma_wait3A_378 : memref<10240x128xf32, #tpu.memory_space<hbm>>) dst(%arg16 : memref<128x128xf32, #tpu.memory_space<vmem>>)
      %get3A_379 = arith.constant 0 : index
      %get3A_380 = tpu.vector_load %arg10[%get3A_379] {strides = array<i32>} : memref<128xi32, #tpu.memory_space<vmem>>, vector<16xi32>,
      %swap3A_381 = arith.constant 0 : index
      %swap3A_382 = tpu.vector_load %arg14[%swap3A_381] {strides = array<i32>} : memref<128xi32, #tpu.memory_space<vmem>>, vector<16xi32>,
      tpu.vector_store %arg14[%swap3A_381], %get3A_380 {strides = array<i32>} : memref<128xi32, #tpu.memory_space<vmem>>, vector<16xi32>,
      %get3A_383 = arith.constant 16 : index
      %get3A_384 = tpu.vector_load %arg10[%get3A_383] {strides = array<i32>} : memref<128xi32, #tpu.memory_space<vmem>>, vector<16xi32>,
      %swap3A_385 = arith.constant 16 : index
      %swap3A_386 = tpu.vector_load %arg14[%swap3A_385] {strides = array<i32>} : memref<128xi32, #tpu.memory_space<vmem>>, vector<16xi32>,
      tpu.vector_store %arg14[%swap3A_385], %get3A_384 {strides = array<i32>} : memref<128xi32, #tpu.memory_space<vmem>>, vector<16xi32>,
      %get3A_387 = arith.constant 32 : index
      %get3A_388 = tpu.vector_load %arg10[%get3A_387] {strides = array<i32>} : memref<128xi32, #tpu.memory_space<vmem>>, vector<16xi32>,
      %swap3A_389 = arith.constant 32 : index
      %swap3A_390 = tpu.vector_load %arg14[%swap3A_389] {strides = array<i32>} : memref<128xi32, #tpu.memory_space<vmem>>, vector<16xi32>,
      tpu.vector_store %arg14[%swap3A_389], %get3A_388 {strides = array<i32>} : memref<128xi32, #tpu.memory_space<vmem>>, vector<16xi32>,
      %get3A_391 = arith.constant 48 : index
      %get3A_392 = tpu.vector_load %arg10[%get3A_391] {strides = array<i32>} : memref<128xi32, #tpu.memory_space<vmem>>, vector<16xi32>,
      %swap3A_393 = arith.constant 48 : index
      %swap3A_394 = tpu.vector_load %arg14[%swap3A_393] {strides = array<i32>} : memref<128xi32, #tpu.memory_space<vmem>>, vector<16xi32>,
      tpu.vector_store %arg14[%swap3A_393], %get3A_392 {strides = array<i32>} : memref<128xi32, #tpu.memory_space<vmem>>, vector<16xi32>,
      %get3A_395 = arith.constant 64 : index
      %get3A_396 = tpu.vector_load %arg10[%get3A_395] {strides = array<i32>} : memref<128xi32, #tpu.memory_space<vmem>>, vector<16xi32>,
      %swap3A_397 = arith.constant 64 : index
      %swap3A_398 = tpu.vector_load %arg14[%swap3A_397] {strides = array<i32>} : memref<128xi32, #tpu.memory_space<vmem>>, vector<16xi32>,
      tpu.vector_store %arg14[%swap3A_397], %get3A_396 {strides = array<i32>} : memref<128xi32, #tpu.memory_space<vmem>>, vector<16xi32>,
      %get3A_399 = arith.constant 80 : index
      %get3A_400 = tpu.vector_load %arg10[%get3A_399] {strides = array<i32>} : memref<128xi32, #tpu.memory_space<vmem>>, vector<16xi32>,
      %swap3A_401 = arith.constant 80 : index
      %swap3A_402 = tpu.vector_load %arg14[%swap3A_401] {strides = array<i32>} : memref<128xi32, #tpu.memory_space<vmem>>, vector<16xi32>,
      tpu.vector_store %arg14[%swap3A_401], %get3A_400 {strides = array<i32>} : memref<128xi32, #tpu.memory_space<vmem>>, vector<16xi32>,
      %get3A_403 = arith.constant 96 : index
      %get3A_404 = tpu.vector_load %arg10[%get3A_403] {strides = array<i32>} : memref<128xi32, #tpu.memory_space<vmem>>, vector<16xi32>,
      %swap3A_405 = arith.constant 96 : index
      %swap3A_406 = tpu.vector_load %arg14[%swap3A_405] {strides = array<i32>} : memref<128xi32, #tpu.memory_space<vmem>>, vector<16xi32>,
      tpu.vector_store %arg14[%swap3A_405], %get3A_404 {strides = array<i32>} : memref<128xi32, #tpu.memory_space<vmem>>, vector<16xi32>,
      %get3A_407 = arith.constant 112 : index
      %get3A_408 = tpu.vector_load %arg10[%get3A_407] {strides = array<i32>} : memref<128xi32, #tpu.memory_space<vmem>>, vector<16xi32>,
      %swap3A_409 = arith.constant 112 : index
      %swap3A_410 = tpu.vector_load %arg14[%swap3A_409] {strides = array<i32>} : memref<128xi32, #tpu.memory_space<vmem>>, vector<16xi32>,
      tpu.vector_store %arg14[%swap3A_409], %get3A_408 {strides = array<i32>} : memref<128xi32, #tpu.memory_space<vmem>>, vector<16xi32>,
      %scan3A_411 = arith.constant 0 : i32
      %scan3A_412 = arith.constant 0 : i32
      %scan3A_413 = arith.constant 128 : i32
      %scan3A_414 = arith.addi %scan3A_412, %scan3A_413 : i32
      %scan3A_415 = arith.constant 1 : i32
      %scan3A_416 = scf.for %scan3A_433 = %scan3A_412 to %scan3A_414 step %scan3A_415 iter_args(%scan3A_434 = %scan3A_411) -> (i32)  : i32 {
        %broadcast_in_dim3A_435 = vector.broadcast %scan3A_433 : i32 to vector<16xi32>
        %gather3A = tpu.vector_load_idx %arg12[%broadcast_in_dim3A_435] : memref<128xf32, #tpu.memory_space<vmem>>[vector<16xi32>], vector<16xf32>,
        %get3A_436 = arith.index_cast %scan3A_433 : i32 to index
        %get3A_437 = arith.constant 0 : index
        %get3A_438 = tpu.vector_load %arg16[%get3A_436, %get3A_437] {strides = array<i32>} : memref<128x128xf32, #tpu.memory_space<vmem>>, vector<16xf32>,
        %mul3A_439 = arith.mulf %get3A_438, %gather3A : vector<16xf32>
        %swap3A_440 = arith.index_cast %scan3A_433 : i32 to index
        %swap3A_441 = arith.constant 0 : index
        %swap3A_442 = tpu.vector_load %arg16[%swap3A_440, %swap3A_441] {strides = array<i32>} : memref<128x128xf32, #tpu.memory_space<vmem>>, vector<16xf32>,
        tpu.vector_store %arg16[%swap3A_440, %swap3A_441], %mul3A_439 {strides = array<i32>} : memref<128x128xf32, #tpu.memory_space<vmem>>, vector<16xf32>,
        %get3A_443 = arith.index_cast %scan3A_433 : i32 to index
        %get3A_444 = arith.constant 16 : index
        %get3A_445 = tpu.vector_load %arg16[%get3A_443, %get3A_444] {strides = array<i32>} : memref<128x128xf32, #tpu.memory_space<vmem>>, vector<16xf32>,
        %mul3A_446 = arith.mulf %get3A_445, %gather3A : vector<16xf32>
        %swap3A_447 = arith.index_cast %scan3A_433 : i32 to index
        %swap3A_448 = arith.constant 16 : index
        %swap3A_449 = tpu.vector_load %arg16[%swap3A_447, %swap3A_448] {strides = array<i32>} : memref<128x128xf32, #tpu.memory_space<vmem>>, vector<16xf32>,
        tpu.vector_store %arg16[%swap3A_447, %swap3A_448], %mul3A_446 {strides = array<i32>} : memref<128x128xf32, #tpu.memory_space<vmem>>, vector<16xf32>,
        %get3A_450 = arith.index_cast %scan3A_433 : i32 to index
        %get3A_451 = arith.constant 32 : index
        %get3A_452 = tpu.vector_load %arg16[%get3A_450, %get3A_451] {strides = array<i32>} : memref<128x128xf32, #tpu.memory_space<vmem>>, vector<16xf32>,
        %mul3A_453 = arith.mulf %get3A_452, %gather3A : vector<16xf32>
        %swap3A_454 = arith.index_cast %scan3A_433 : i32 to index
        %swap3A_455 = arith.constant 32 : index
        %swap3A_456 = tpu.vector_load %arg16[%swap3A_454, %swap3A_455] {strides = array<i32>} : memref<128x128xf32, #tpu.memory_space<vmem>>, vector<16xf32>,
        tpu.vector_store %arg16[%swap3A_454, %swap3A_455], %mul3A_453 {strides = array<i32>} : memref<128x128xf32, #tpu.memory_space<vmem>>, vector<16xf32>,
        %get3A_457 = arith.index_cast %scan3A_433 : i32 to index
        %get3A_458 = arith.constant 48 : index
        %get3A_459 = tpu.vector_load %arg16[%get3A_457, %get3A_458] {strides = array<i32>} : memref<128x128xf32, #tpu.memory_space<vmem>>, vector<16xf32>,
        %mul3A_460 = arith.mulf %get3A_459, %gather3A : vector<16xf32>
        %swap3A_461 = arith.index_cast %scan3A_433 : i32 to index
        %swap3A_462 = arith.constant 48 : index
        %swap3A_463 = tpu.vector_load %arg16[%swap3A_461, %swap3A_462] {strides = array<i32>} : memref<128x128xf32, #tpu.memory_space<vmem>>, vector<16xf32>,
        tpu.vector_store %arg16[%swap3A_461, %swap3A_462], %mul3A_460 {strides = array<i32>} : memref<128x128xf32, #tpu.memory_space<vmem>>, vector<16xf32>,
        %get3A_464 = arith.index_cast %scan3A_433 : i32 to index
        %get3A_465 = arith.constant 64 : index
        %get3A_466 = tpu.vector_load %arg16[%get3A_464, %get3A_465] {strides = array<i32>} : memref<128x128xf32, #tpu.memory_space<vmem>>, vector<16xf32>,
        %mul3A_467 = arith.mulf %get3A_466, %gather3A : vector<16xf32>
        %swap3A_468 = arith.index_cast %scan3A_433 : i32 to index
        %swap3A_469 = arith.constant 64 : index
        %swap3A_470 = tpu.vector_load %arg16[%swap3A_468, %swap3A_469] {strides = array<i32>} : memref<128x128xf32, #tpu.memory_space<vmem>>, vector<16xf32>,
        tpu.vector_store %arg16[%swap3A_468, %swap3A_469], %mul3A_467 {strides = array<i32>} : memref<128x128xf32, #tpu.memory_space<vmem>>, vector<16xf32>,
        %get3A_471 = arith.index_cast %scan3A_433 : i32 to index
        %get3A_472 = arith.constant 80 : index
        %get3A_473 = tpu.vector_load %arg16[%get3A_471, %get3A_472] {strides = array<i32>} : memref<128x128xf32, #tpu.memory_space<vmem>>, vector<16xf32>,
        %mul3A_474 = arith.mulf %get3A_473, %gather3A : vector<16xf32>
        %swap3A_475 = arith.index_cast %scan3A_433 : i32 to index
        %swap3A_476 = arith.constant 80 : index
        %swap3A_477 = tpu.vector_load %arg16[%swap3A_475, %swap3A_476] {strides = array<i32>} : memref<128x128xf32, #tpu.memory_space<vmem>>, vector<16xf32>,
        tpu.vector_store %arg16[%swap3A_475, %swap3A_476], %mul3A_474 {strides = array<i32>} : memref<128x128xf32, #tpu.memory_space<vmem>>, vector<16xf32>,
        %get3A_478 = arith.index_cast %scan3A_433 : i32 to index
        %get3A_479 = arith.constant 96 : index
        %get3A_480 = tpu.vector_load %arg16[%get3A_478, %get3A_479] {strides = array<i32>} : memref<128x128xf32, #tpu.memory_space<vmem>>, vector<16xf32>,
        %mul3A_481 = arith.mulf %get3A_480, %gather3A : vector<16xf32>
        %swap3A_482 = arith.index_cast %scan3A_433 : i32 to index
        %swap3A_483 = arith.constant 96 : index
        %swap3A_484 = tpu.vector_load %arg16[%swap3A_482, %swap3A_483] {strides = array<i32>} : memref<128x128xf32, #tpu.memory_space<vmem>>, vector<16xf32>,
        tpu.vector_store %arg16[%swap3A_482, %swap3A_483], %mul3A_481 {strides = array<i32>} : memref<128x128xf32, #tpu.memory_space<vmem>>, vector<16xf32>,
        %get3A_485 = arith.index_cast %scan3A_433 : i32 to index
        %get3A_486 = arith.constant 112 : index
        %get3A_487 = tpu.vector_load %arg16[%get3A_485, %get3A_486] {strides = array<i32>} : memref<128x128xf32, #tpu.memory_space<vmem>>, vector<16xf32>,
        %mul3A_488 = arith.mulf %get3A_487, %gather3A : vector<16xf32>
        %swap3A_489 = arith.index_cast %scan3A_433 : i32 to index
        %swap3A_490 = arith.constant 112 : index
        %swap3A_491 = tpu.vector_load %arg16[%swap3A_489, %swap3A_490] {strides = array<i32>} : memref<128x128xf32, #tpu.memory_space<vmem>>, vector<16xf32>,
        tpu.vector_store %arg16[%swap3A_489, %swap3A_490], %mul3A_488 {strides = array<i32>} : memref<128x128xf32, #tpu.memory_space<vmem>>, vector<16xf32>,
        %scan3A_492 = arith.constant 0 : i32
        scf.yield %scan3A_492 : i32
      }
      %scan3A_417 = arith.constant 128 : i32
      %dma_start3A_418 = arith.constant 0 : i32
      %dma_start3A_419 = arith.constant 0 : i32
      %dma_start3A_420 = tpu.memref_slice %arg7[%dma_start3A_418, %dma_start3A_419] : memref<10240x128xf32, #tpu.memory_space<vmem_shared>> -> memref<10240x128xf32, #tpu.memory_space<vmem_shared>>
      tpu.enqueue_indirect_dma source(%arg16 : memref<128x128xf32, #tpu.memory_space<vmem>>) target(%dma_start3A_420 : memref<10240x128xf32, #tpu.memory_space<vmem_shared>>) offsets(%arg14 : memref<128xi32, #tpu.memory_space<vmem>>) semaphore(%arg22 : memref<!tpu.dma_semaphore, #tpu.memory_space<semaphore_mem>>) {add = true}
      %add3A_421 = arith.constant 2 : i32
      %add3A_422 = arith.addi %add3A_358, %add3A_421 : i32
      %mul3A_423 = arith.constant 128 : i32
      %mul3A_424 = arith.muli %add3A_422, %mul3A_423 : i32
      %add3A_425 = arith.addi %mul3A_60, %mul3A_424 : i32
      %dma_start3A_426 = tpu.memref_slice %arg3[%add3A_425] : memref<335872xi32, #tpu.memory_space<hbm>> -> memref<128xi32, #tpu.memory_space<hbm>>
      %dma_start3A_427 = tpu.memref_slice %arg3[%add3A_425] : memref<335872xi32, #tpu.memory_space<hbm>> -> memref<128xi32, #tpu.memory_space<hbm>>
      tpu.enqueue_dma source(%dma_start3A_427 : memref<128xi32, #tpu.memory_space<hbm>>) target(%arg8 : memref<128xi32, #tpu.memory_space<vmem>>) target_semaphore(%arg18 : memref<!tpu.dma_semaphore, #tpu.memory_space<semaphore_mem>>)
      %dma_start3A_428 = tpu.memref_slice %arg4[%add3A_425] : memref<335872xi32, #tpu.memory_space<hbm>> -> memref<128xi32, #tpu.memory_space<hbm>>
      %dma_start3A_429 = tpu.memref_slice %arg4[%add3A_425] : memref<335872xi32, #tpu.memory_space<hbm>> -> memref<128xi32, #tpu.memory_space<hbm>>
      tpu.enqueue_dma source(%dma_start3A_429 : memref<128xi32, #tpu.memory_space<hbm>>) target(%arg10 : memref<128xi32, #tpu.memory_space<vmem>>) target_semaphore(%arg18 : memref<!tpu.dma_semaphore, #tpu.memory_space<semaphore_mem>>)
      %dma_start3A_430 = tpu.memref_slice %arg5[%add3A_425] : memref<335872xf32, #tpu.memory_space<hbm>> -> memref<128xf32, #tpu.memory_space<hbm>>
      %dma_start3A_431 = tpu.memref_slice %arg5[%add3A_425] : memref<335872xf32, #tpu.memory_space<hbm>> -> memref<128xf32, #tpu.memory_space<hbm>>
      tpu.enqueue_dma source(%dma_start3A_431 : memref<128xf32, #tpu.memory_space<hbm>>) target(%arg12 : memref<128xf32, #tpu.memory_space<vmem>>) target_semaphore(%arg18 : memref<!tpu.dma_semaphore, #tpu.memory_space<semaphore_mem>>)
      %while3A_432 = arith.constant 0 : i32
      scf.yield %while3A_432 : i32
    }
    %sub3A_179 = arith.constant 1 : i32
    %sub3A_180 = arith.subi %select_n3A, %sub3A_179 : i32
    %add3A_181 = arith.constant 1 : i32
    %add3A_182 = arith.addi %sub3A_180, %add3A_181 : i32
    %mul3A_183 = arith.constant 128 : i32
    %mul3A_184 = arith.muli %add3A_182, %mul3A_183 : i32
    %add3A_185 = arith.addi %mul3A_60, %mul3A_184 : i32
    %dma_wait3A_186 = tpu.memref_slice %arg3[%add3A_185] : memref<335872xi32, #tpu.memory_space<hbm>> -> memref<128xi32, #tpu.memory_space<hbm>>
    %dma_wait3A_187 = tpu.memref_slice %arg3[%add3A_185] : memref<335872xi32, #tpu.memory_space<hbm>> -> memref<128xi32, #tpu.memory_space<hbm>>
    tpu.wait_dma2 semaphore(%arg18 : memref<!tpu.dma_semaphore, #tpu.memory_space<semaphore_mem>>) src(%dma_wait3A_187 : memref<128xi32, #tpu.memory_space<hbm>>) dst(%arg8 : memref<128xi32, #tpu.memory_space<vmem>>)
    %dma_wait3A_188 = tpu.memref_slice %arg4[%add3A_185] : memref<335872xi32, #tpu.memory_space<hbm>> -> memref<128xi32, #tpu.memory_space<hbm>>
    %dma_wait3A_189 = tpu.memref_slice %arg4[%add3A_185] : memref<335872xi32, #tpu.memory_space<hbm>> -> memref<128xi32, #tpu.memory_space<hbm>>
    tpu.wait_dma2 semaphore(%arg18 : memref<!tpu.dma_semaphore, #tpu.memory_space<semaphore_mem>>) src(%dma_wait3A_189 : memref<128xi32, #tpu.memory_space<hbm>>) dst(%arg10 : memref<128xi32, #tpu.memory_space<vmem>>)
    %dma_wait3A_190 = tpu.memref_slice %arg5[%add3A_185] : memref<335872xf32, #tpu.memory_space<hbm>> -> memref<128xf32, #tpu.memory_space<hbm>>
    %dma_wait3A_191 = tpu.memref_slice %arg5[%add3A_185] : memref<335872xf32, #tpu.memory_space<hbm>> -> memref<128xf32, #tpu.memory_space<hbm>>
    tpu.wait_dma2 semaphore(%arg18 : memref<!tpu.dma_semaphore, #tpu.memory_space<semaphore_mem>>) src(%dma_wait3A_191 : memref<128xf32, #tpu.memory_space<hbm>>) dst(%arg12 : memref<128xf32, #tpu.memory_space<vmem>>)
    %dma_wait3A_192 = arith.constant 0 : i32
    %dma_wait3A_193 = arith.constant 0 : i32
    %dma_wait3A_194 = tpu.memref_slice %arg7[%dma_wait3A_192, %dma_wait3A_193] : memref<10240x128xf32, #tpu.memory_space<vmem_shared>> -> memref<10240x128xf32, #tpu.memory_space<vmem_shared>>
    tpu.wait_indirect_dma semaphore(%arg22 : memref<!tpu.dma_semaphore, #tpu.memory_space<semaphore_mem>>) src(%arg16 : memref<128x128xf32, #tpu.memory_space<vmem>>) dst(%dma_wait3A_194 : memref<10240x128xf32, #tpu.memory_space<vmem_shared>>)
    %dma_start3A_195 = arith.constant 0 : i32
    %dma_start3A_196 = arith.constant 0 : i32
    %dma_start3A_197 = tpu.memref_slice %arg2[%dma_start3A_195, %dma_start3A_196] : memref<10240x128xf32, #tpu.memory_space<hbm>> -> memref<10240x128xf32, #tpu.memory_space<hbm>>
    tpu.enqueue_indirect_dma source(%dma_start3A_197 : memref<10240x128xf32, #tpu.memory_space<hbm>>) target(%arg16 : memref<128x128xf32, #tpu.memory_space<vmem>>) offsets(%arg8 : memref<128xi32, #tpu.memory_space<vmem>>) semaphore(%arg20 : memref<!tpu.dma_semaphore, #tpu.memory_space<semaphore_mem>>)
    %dma_wait3A_198 = arith.constant 0 : i32
    %dma_wait3A_199 = arith.constant 0 : i32
    %dma_wait3A_200 = tpu.memref_slice %arg2[%dma_wait3A_198, %dma_wait3A_199] : memref<10240x128xf32, #tpu.memory_space<hbm>> -> memref<10240x128xf32, #tpu.memory_space<hbm>>
    tpu.wait_indirect_dma semaphore(%arg21 : memref<!tpu.dma_semaphore, #tpu.memory_space<semaphore_mem>>) src(%dma_wait3A_200 : memref<10240x128xf32, #tpu.memory_space<hbm>>) dst(%arg17 : memref<128x128xf32, #tpu.memory_space<vmem>>)
    %get3A_201 = arith.constant 0 : index
    %get3A_202 = tpu.vector_load %arg11[%get3A_201] {strides = array<i32>} : memref<128xi32, #tpu.memory_space<vmem>>, vector<16xi32>,
    %swap3A_203 = arith.constant 0 : index
    %swap3A_204 = tpu.vector_load %arg15[%swap3A_203] {strides = array<i32>} : memref<128xi32, #tpu.memory_space<vmem>>, vector<16xi32>,
    tpu.vector_store %arg15[%swap3A_203], %get3A_202 {strides = array<i32>} : memref<128xi32, #tpu.memory_space<vmem>>, vector<16xi32>,
    %get3A_205 = arith.constant 16 : index
    %get3A_206 = tpu.vector_load %arg11[%get3A_205] {strides = array<i32>} : memref<128xi32, #tpu.memory_space<vmem>>, vector<16xi32>,
    %swap3A_207 = arith.constant 16 : index
    %swap3A_208 = tpu.vector_load %arg15[%swap3A_207] {strides = array<i32>} : memref<128xi32, #tpu.memory_space<vmem>>, vector<16xi32>,
    tpu.vector_store %arg15[%swap3A_207], %get3A_206 {strides = array<i32>} : memref<128xi32, #tpu.memory_space<vmem>>, vector<16xi32>,
    %get3A_209 = arith.constant 32 : index
    %get3A_210 = tpu.vector_load %arg11[%get3A_209] {strides = array<i32>} : memref<128xi32, #tpu.memory_space<vmem>>, vector<16xi32>,
    %swap3A_211 = arith.constant 32 : index
    %swap3A_212 = tpu.vector_load %arg15[%swap3A_211] {strides = array<i32>} : memref<128xi32, #tpu.memory_space<vmem>>, vector<16xi32>,
    tpu.vector_store %arg15[%swap3A_211], %get3A_210 {strides = array<i32>} : memref<128xi32, #tpu.memory_space<vmem>>, vector<16xi32>,
    %get3A_213 = arith.constant 48 : index
    %get3A_214 = tpu.vector_load %arg11[%get3A_213] {strides = array<i32>} : memref<128xi32, #tpu.memory_space<vmem>>, vector<16xi32>,
    %swap3A_215 = arith.constant 48 : index
    %swap3A_216 = tpu.vector_load %arg15[%swap3A_215] {strides = array<i32>} : memref<128xi32, #tpu.memory_space<vmem>>, vector<16xi32>,
    tpu.vector_store %arg15[%swap3A_215], %get3A_214 {strides = array<i32>} : memref<128xi32, #tpu.memory_space<vmem>>, vector<16xi32>,
    %get3A_217 = arith.constant 64 : index
    %get3A_218 = tpu.vector_load %arg11[%get3A_217] {strides = array<i32>} : memref<128xi32, #tpu.memory_space<vmem>>, vector<16xi32>,
    %swap3A_219 = arith.constant 64 : index
    %swap3A_220 = tpu.vector_load %arg15[%swap3A_219] {strides = array<i32>} : memref<128xi32, #tpu.memory_space<vmem>>, vector<16xi32>,
    tpu.vector_store %arg15[%swap3A_219], %get3A_218 {strides = array<i32>} : memref<128xi32, #tpu.memory_space<vmem>>, vector<16xi32>,
    %get3A_221 = arith.constant 80 : index
    %get3A_222 = tpu.vector_load %arg11[%get3A_221] {strides = array<i32>} : memref<128xi32, #tpu.memory_space<vmem>>, vector<16xi32>,
    %swap3A_223 = arith.constant 80 : index
    %swap3A_224 = tpu.vector_load %arg15[%swap3A_223] {strides = array<i32>} : memref<128xi32, #tpu.memory_space<vmem>>, vector<16xi32>,
    tpu.vector_store %arg15[%swap3A_223], %get3A_222 {strides = array<i32>} : memref<128xi32, #tpu.memory_space<vmem>>, vector<16xi32>,
    %get3A_225 = arith.constant 96 : index
    %get3A_226 = tpu.vector_load %arg11[%get3A_225] {strides = array<i32>} : memref<128xi32, #tpu.memory_space<vmem>>, vector<16xi32>,
    %swap3A_227 = arith.constant 96 : index
    %swap3A_228 = tpu.vector_load %arg15[%swap3A_227] {strides = array<i32>} : memref<128xi32, #tpu.memory_space<vmem>>, vector<16xi32>,
    tpu.vector_store %arg15[%swap3A_227], %get3A_226 {strides = array<i32>} : memref<128xi32, #tpu.memory_space<vmem>>, vector<16xi32>,
    %get3A_229 = arith.constant 112 : index
    %get3A_230 = tpu.vector_load %arg11[%get3A_229] {strides = array<i32>} : memref<128xi32, #tpu.memory_space<vmem>>, vector<16xi32>,
    %swap3A_231 = arith.constant 112 : index
    %swap3A_232 = tpu.vector_load %arg15[%swap3A_231] {strides = array<i32>} : memref<128xi32, #tpu.memory_space<vmem>>, vector<16xi32>,
    tpu.vector_store %arg15[%swap3A_231], %get3A_230 {strides = array<i32>} : memref<128xi32, #tpu.memory_space<vmem>>, vector<16xi32>,
    %scan3A_233 = arith.constant 0 : i32
    %scan3A_234 = arith.constant 0 : i32
    %scan3A_235 = arith.constant 128 : i32
    %scan3A_236 = arith.addi %scan3A_234, %scan3A_235 : i32
    %scan3A_237 = arith.constant 1 : i32
    %scan3A_238 = scf.for %scan3A_276 = %scan3A_234 to %scan3A_236 step %scan3A_237 iter_args(%scan3A_277 = %scan3A_233) -> (i32)  : i32 {
      %broadcast_in_dim3A_278 = vector.broadcast %scan3A_276 : i32 to vector<16xi32>
      %gather3A = tpu.vector_load_idx %arg13[%broadcast_in_dim3A_278] : memref<128xf32, #tpu.memory_space<vmem>>[vector<16xi32>], vector<16xf32>,
      %get3A_279 = arith.index_cast %scan3A_276 : i32 to index
      %get3A_280 = arith.constant 0 : index
      %get3A_281 = tpu.vector_load %arg17[%get3A_279, %get3A_280] {strides = array<i32>} : memref<128x128xf32, #tpu.memory_space<vmem>>, vector<16xf32>,
      %mul3A_282 = arith.mulf %get3A_281, %gather3A : vector<16xf32>
      %swap3A_283 = arith.index_cast %scan3A_276 : i32 to index
      %swap3A_284 = arith.constant 0 : index
      %swap3A_285 = tpu.vector_load %arg17[%swap3A_283, %swap3A_284] {strides = array<i32>} : memref<128x128xf32, #tpu.memory_space<vmem>>, vector<16xf32>,
      tpu.vector_store %arg17[%swap3A_283, %swap3A_284], %mul3A_282 {strides = array<i32>} : memref<128x128xf32, #tpu.memory_space<vmem>>, vector<16xf32>,
      %get3A_286 = arith.index_cast %scan3A_276 : i32 to index
      %get3A_287 = arith.constant 16 : index
      %get3A_288 = tpu.vector_load %arg17[%get3A_286, %get3A_287] {strides = array<i32>} : memref<128x128xf32, #tpu.memory_space<vmem>>, vector<16xf32>,
      %mul3A_289 = arith.mulf %get3A_288, %gather3A : vector<16xf32>
      %swap3A_290 = arith.index_cast %scan3A_276 : i32 to index
      %swap3A_291 = arith.constant 16 : index
      %swap3A_292 = tpu.vector_load %arg17[%swap3A_290, %swap3A_291] {strides = array<i32>} : memref<128x128xf32, #tpu.memory_space<vmem>>, vector<16xf32>,
      tpu.vector_store %arg17[%swap3A_290, %swap3A_291], %mul3A_289 {strides = array<i32>} : memref<128x128xf32, #tpu.memory_space<vmem>>, vector<16xf32>,
      %get3A_293 = arith.index_cast %scan3A_276 : i32 to index
      %get3A_294 = arith.constant 32 : index
      %get3A_295 = tpu.vector_load %arg17[%get3A_293, %get3A_294] {strides = array<i32>} : memref<128x128xf32, #tpu.memory_space<vmem>>, vector<16xf32>,
      %mul3A_296 = arith.mulf %get3A_295, %gather3A : vector<16xf32>
      %swap3A_297 = arith.index_cast %scan3A_276 : i32 to index
      %swap3A_298 = arith.constant 32 : index
      %swap3A_299 = tpu.vector_load %arg17[%swap3A_297, %swap3A_298] {strides = array<i32>} : memref<128x128xf32, #tpu.memory_space<vmem>>, vector<16xf32>,
      tpu.vector_store %arg17[%swap3A_297, %swap3A_298], %mul3A_296 {strides = array<i32>} : memref<128x128xf32, #tpu.memory_space<vmem>>, vector<16xf32>,
      %get3A_300 = arith.index_cast %scan3A_276 : i32 to index
      %get3A_301 = arith.constant 48 : index
      %get3A_302 = tpu.vector_load %arg17[%get3A_300, %get3A_301] {strides = array<i32>} : memref<128x128xf32, #tpu.memory_space<vmem>>, vector<16xf32>,
      %mul3A_303 = arith.mulf %get3A_302, %gather3A : vector<16xf32>
      %swap3A_304 = arith.index_cast %scan3A_276 : i32 to index
      %swap3A_305 = arith.constant 48 : index
      %swap3A_306 = tpu.vector_load %arg17[%swap3A_304, %swap3A_305] {strides = array<i32>} : memref<128x128xf32, #tpu.memory_space<vmem>>, vector<16xf32>,
      tpu.vector_store %arg17[%swap3A_304, %swap3A_305], %mul3A_303 {strides = array<i32>} : memref<128x128xf32, #tpu.memory_space<vmem>>, vector<16xf32>,
      %get3A_307 = arith.index_cast %scan3A_276 : i32 to index
      %get3A_308 = arith.constant 64 : index
      %get3A_309 = tpu.vector_load %arg17[%get3A_307, %get3A_308] {strides = array<i32>} : memref<128x128xf32, #tpu.memory_space<vmem>>, vector<16xf32>,
      %mul3A_310 = arith.mulf %get3A_309, %gather3A : vector<16xf32>
      %swap3A_311 = arith.index_cast %scan3A_276 : i32 to index
      %swap3A_312 = arith.constant 64 : index
      %swap3A_313 = tpu.vector_load %arg17[%swap3A_311, %swap3A_312] {strides = array<i32>} : memref<128x128xf32, #tpu.memory_space<vmem>>, vector<16xf32>,
      tpu.vector_store %arg17[%swap3A_311, %swap3A_312], %mul3A_310 {strides = array<i32>} : memref<128x128xf32, #tpu.memory_space<vmem>>, vector<16xf32>,
      %get3A_314 = arith.index_cast %scan3A_276 : i32 to index
      %get3A_315 = arith.constant 80 : index
      %get3A_316 = tpu.vector_load %arg17[%get3A_314, %get3A_315] {strides = array<i32>} : memref<128x128xf32, #tpu.memory_space<vmem>>, vector<16xf32>,
      %mul3A_317 = arith.mulf %get3A_316, %gather3A : vector<16xf32>
      %swap3A_318 = arith.index_cast %scan3A_276 : i32 to index
      %swap3A_319 = arith.constant 80 : index
      %swap3A_320 = tpu.vector_load %arg17[%swap3A_318, %swap3A_319] {strides = array<i32>} : memref<128x128xf32, #tpu.memory_space<vmem>>, vector<16xf32>,
      tpu.vector_store %arg17[%swap3A_318, %swap3A_319], %mul3A_317 {strides = array<i32>} : memref<128x128xf32, #tpu.memory_space<vmem>>, vector<16xf32>,
      %get3A_321 = arith.index_cast %scan3A_276 : i32 to index
      %get3A_322 = arith.constant 96 : index
      %get3A_323 = tpu.vector_load %arg17[%get3A_321, %get3A_322] {strides = array<i32>} : memref<128x128xf32, #tpu.memory_space<vmem>>, vector<16xf32>,
      %mul3A_324 = arith.mulf %get3A_323, %gather3A : vector<16xf32>
      %swap3A_325 = arith.index_cast %scan3A_276 : i32 to index
      %swap3A_326 = arith.constant 96 : index
      %swap3A_327 = tpu.vector_load %arg17[%swap3A_325, %swap3A_326] {strides = array<i32>} : memref<128x128xf32, #tpu.memory_space<vmem>>, vector<16xf32>,
      tpu.vector_store %arg17[%swap3A_325, %swap3A_326], %mul3A_324 {strides = array<i32>} : memref<128x128xf32, #tpu.memory_space<vmem>>, vector<16xf32>,
      %get3A_328 = arith.index_cast %scan3A_276 : i32 to index
      %get3A_329 = arith.constant 112 : index
      %get3A_330 = tpu.vector_load %arg17[%get3A_328, %get3A_329] {strides = array<i32>} : memref<128x128xf32, #tpu.memory_space<vmem>>, vector<16xf32>,
      %mul3A_331 = arith.mulf %get3A_330, %gather3A : vector<16xf32>
      %swap3A_332 = arith.index_cast %scan3A_276 : i32 to index
      %swap3A_333 = arith.constant 112 : index
      %swap3A_334 = tpu.vector_load %arg17[%swap3A_332, %swap3A_333] {strides = array<i32>} : memref<128x128xf32, #tpu.memory_space<vmem>>, vector<16xf32>,
      tpu.vector_store %arg17[%swap3A_332, %swap3A_333], %mul3A_331 {strides = array<i32>} : memref<128x128xf32, #tpu.memory_space<vmem>>, vector<16xf32>,
      %scan3A_335 = arith.constant 0 : i32
      scf.yield %scan3A_335 : i32
    }
    %scan3A_239 = arith.constant 128 : i32
    %dma_start3A_240 = arith.constant 0 : i32
    %dma_start3A_241 = arith.constant 0 : i32
    %dma_start3A_242 = tpu.memref_slice %arg7[%dma_start3A_240, %dma_start3A_241] : memref<10240x128xf32, #tpu.memory_space<vmem_shared>> -> memref<10240x128xf32, #tpu.memory_space<vmem_shared>>
    tpu.enqueue_indirect_dma source(%arg17 : memref<128x128xf32, #tpu.memory_space<vmem>>) target(%dma_start3A_242 : memref<10240x128xf32, #tpu.memory_space<vmem_shared>>) offsets(%arg15 : memref<128xi32, #tpu.memory_space<vmem>>) semaphore(%arg23 : memref<!tpu.dma_semaphore, #tpu.memory_space<semaphore_mem>>) {add = true}
    %add3A_243 = arith.constant 2 : i32
    %add3A_244 = arith.addi %sub3A_180, %add3A_243 : i32
    %mul3A_245 = arith.constant 128 : i32
    %mul3A_246 = arith.muli %add3A_244, %mul3A_245 : i32
    %add3A_247 = arith.addi %mul3A_60, %mul3A_246 : i32
    %dma_start3A_248 = tpu.memref_slice %arg3[%add3A_247] : memref<335872xi32, #tpu.memory_space<hbm>> -> memref<128xi32, #tpu.memory_space<hbm>>
    %dma_start3A_249 = tpu.memref_slice %arg3[%add3A_247] : memref<335872xi32, #tpu.memory_space<hbm>> -> memref<128xi32, #tpu.memory_space<hbm>>
    tpu.enqueue_dma source(%dma_start3A_249 : memref<128xi32, #tpu.memory_space<hbm>>) target(%arg9 : memref<128xi32, #tpu.memory_space<vmem>>) target_semaphore(%arg19 : memref<!tpu.dma_semaphore, #tpu.memory_space<semaphore_mem>>)
    %dma_start3A_250 = tpu.memref_slice %arg4[%add3A_247] : memref<335872xi32, #tpu.memory_space<hbm>> -> memref<128xi32, #tpu.memory_space<hbm>>
    %dma_start3A_251 = tpu.memref_slice %arg4[%add3A_247] : memref<335872xi32, #tpu.memory_space<hbm>> -> memref<128xi32, #tpu.memory_space<hbm>>
    tpu.enqueue_dma source(%dma_start3A_251 : memref<128xi32, #tpu.memory_space<hbm>>) target(%arg11 : memref<128xi32, #tpu.memory_space<vmem>>) target_semaphore(%arg19 : memref<!tpu.dma_semaphore, #tpu.memory_space<semaphore_mem>>)
    %dma_start3A_252 = tpu.memref_slice %arg5[%add3A_247] : memref<335872xf32, #tpu.memory_space<hbm>> -> memref<128xf32, #tpu.memory_space<hbm>>
    %dma_start3A_253 = tpu.memref_slice %arg5[%add3A_247] : memref<335872xf32, #tpu.memory_space<hbm>> -> memref<128xf32, #tpu.memory_space<hbm>>
    tpu.enqueue_dma source(%dma_start3A_253 : memref<128xf32, #tpu.memory_space<hbm>>) target(%arg13 : memref<128xf32, #tpu.memory_space<vmem>>) target_semaphore(%arg19 : memref<!tpu.dma_semaphore, #tpu.memory_space<semaphore_mem>>)
    %add3A_254 = arith.constant 1 : i32
    %add3A_255 = arith.addi %select_n3A, %add3A_254 : i32
    %mul3A_256 = arith.constant 128 : i32
    %mul3A_257 = arith.muli %add3A_255, %mul3A_256 : i32
    %add3A_258 = arith.addi %mul3A_60, %mul3A_257 : i32
    %dma_wait3A_259 = tpu.memref_slice %arg3[%add3A_258] : memref<335872xi32, #tpu.memory_space<hbm>> -> memref<128xi32, #tpu.memory_space<hbm>>
    %dma_wait3A_260 = tpu.memref_slice %arg3[%add3A_258] : memref<335872xi32, #tpu.memory_space<hbm>> -> memref<128xi32, #tpu.memory_space<hbm>>
    tpu.wait_dma2 semaphore(%arg19 : memref<!tpu.dma_semaphore, #tpu.memory_space<semaphore_mem>>) src(%dma_wait3A_260 : memref<128xi32, #tpu.memory_space<hbm>>) dst(%arg9 : memref<128xi32, #tpu.memory_space<vmem>>)
    %dma_wait3A_261 = tpu.memref_slice %arg4[%add3A_258] : memref<335872xi32, #tpu.memory_space<hbm>> -> memref<128xi32, #tpu.memory_space<hbm>>
    %dma_wait3A_262 = tpu.memref_slice %arg4[%add3A_258] : memref<335872xi32, #tpu.memory_space<hbm>> -> memref<128xi32, #tpu.memory_space<hbm>>
    tpu.wait_dma2 semaphore(%arg19 : memref<!tpu.dma_semaphore, #tpu.memory_space<semaphore_mem>>) src(%dma_wait3A_262 : memref<128xi32, #tpu.memory_space<hbm>>) dst(%arg11 : memref<128xi32, #tpu.memory_space<vmem>>)
    %dma_wait3A_263 = tpu.memref_slice %arg5[%add3A_258] : memref<335872xf32, #tpu.memory_space<hbm>> -> memref<128xf32, #tpu.memory_space<hbm>>
    %dma_wait3A_264 = tpu.memref_slice %arg5[%add3A_258] : memref<335872xf32, #tpu.memory_space<hbm>> -> memref<128xf32, #tpu.memory_space<hbm>>
    tpu.wait_dma2 semaphore(%arg19 : memref<!tpu.dma_semaphore, #tpu.memory_space<semaphore_mem>>) src(%dma_wait3A_264 : memref<128xf32, #tpu.memory_space<hbm>>) dst(%arg13 : memref<128xf32, #tpu.memory_space<vmem>>)
    %dma_wait3A_265 = arith.constant 0 : i32
    %dma_wait3A_266 = arith.constant 0 : i32
    %dma_wait3A_267 = tpu.memref_slice %arg2[%dma_wait3A_265, %dma_wait3A_266] : memref<10240x128xf32, #tpu.memory_space<hbm>> -> memref<10240x128xf32, #tpu.memory_space<hbm>>
    tpu.wait_indirect_dma semaphore(%arg20 : memref<!tpu.dma_semaphore, #tpu.memory_space<semaphore_mem>>) src(%dma_wait3A_267 : memref<10240x128xf32, #tpu.memory_space<hbm>>) dst(%arg16 : memref<128x128xf32, #tpu.memory_space<vmem>>)
    %dma_wait3A_268 = arith.constant 0 : i32
    %dma_wait3A_269 = arith.constant 0 : i32
    %dma_wait3A_270 = tpu.memref_slice %arg7[%dma_wait3A_268, %dma_wait3A_269] : memref<10240x128xf32, #tpu.memory_space<vmem_shared>> -> memref<10240x128xf32, #tpu.memory_space<vmem_shared>>
    tpu.wait_indirect_dma semaphore(%arg23 : memref<!tpu.dma_semaphore, #tpu.memory_space<semaphore_mem>>) src(%arg17 : memref<128x128xf32, #tpu.memory_space<vmem>>) dst(%dma_wait3A_270 : memref<10240x128xf32, #tpu.memory_space<vmem_shared>>)
    %barrier3A_271 = arith.constant 0 : index
    tpu.barrier barrier_id(%barrier3A_271)
    %mul3A_272 = arith.constant 640 : i32
    %mul3A_273 = arith.muli %arg1, %mul3A_272 : i32
    %mul3A_274 = arith.constant 640 : i32
    %mul3A_275 = arith.muli %arg1, %mul3A_274 : i32
    "tpu.region"() ({
      %run_scoped3A = tpu.sem_alloc : memref<!tpu.dma_semaphore, #tpu.memory_space<semaphore_mem>>
      %dma_start3A_276 = arith.constant 0 : i32
      %dma_start3A_277 = tpu.memref_slice %arg6[%arg0, %mul3A_275, %dma_start3A_276] : memref<2x10240x128xf32, #tpu.memory_space<hbm>> -> memref<1x640x128xf32, #tpu.memory_space<hbm>>
      %dma_start3A_278 = tpu.memref_squeeze %dma_start3A_277 : memref<1x640x128xf32, #tpu.memory_space<hbm>> -> memref<640x128xf32, #tpu.memory_space<hbm>>
      %dma_start3A_279 = arith.constant 0 : i32
      %dma_start3A_280 = tpu.memref_slice %arg7[%mul3A_273, %dma_start3A_279] : memref<10240x128xf32, #tpu.memory_space<vmem_shared>> -> memref<640x128xf32, #tpu.memory_space<vmem_shared>>
      tpu.enqueue_dma source(%dma_start3A_280 : memref<640x128xf32, #tpu.memory_space<vmem_shared>>) target(%dma_start3A_278 : memref<640x128xf32, #tpu.memory_space<hbm>>) target_semaphore(%run_scoped3A : memref<!tpu.dma_semaphore, #tpu.memory_space<semaphore_mem>>)
      %dma_wait3A_281 = arith.constant 0 : i32
      %dma_wait3A_282 = tpu.memref_slice %arg6[%arg0, %mul3A_275, %dma_wait3A_281] : memref<2x10240x128xf32, #tpu.memory_space<hbm>> -> memref<1x640x128xf32, #tpu.memory_space<hbm>>
      %dma_wait3A_283 = tpu.memref_squeeze %dma_wait3A_282 : memref<1x640x128xf32, #tpu.memory_space<hbm>> -> memref<640x128xf32, #tpu.memory_space<hbm>>
      %dma_wait3A_284 = arith.constant 0 : i32
      %dma_wait3A_285 = tpu.memref_slice %arg7[%mul3A_273, %dma_wait3A_284] : memref<10240x128xf32, #tpu.memory_space<vmem_shared>> -> memref<640x128xf32, #tpu.memory_space<vmem_shared>>
      tpu.wait_dma2 semaphore(%run_scoped3A : memref<!tpu.dma_semaphore, #tpu.memory_space<semaphore_mem>>) src(%dma_wait3A_285 : memref<640x128xf32, #tpu.memory_space<vmem_shared>>) dst(%dma_wait3A_283 : memref<640x128xf32, #tpu.memory_space<hbm>>)
      tpu.yield
    }) : () -> ()
    return
  }
}

#map = affine_map<(d0, d1) -> (0, 0)>
#map1 = affine_map<(d0, d1) -> (0)>
#map2 = affine_map<(d0, d1) -> (0, 0, 0)>
module attributes {stable_mosaic.version = 14 : i64} {
  func.func @_sc_heavy_kernel(%arg0: i32, %arg1: i32, %arg2: memref<10240x128xf32, #tpu.memory_space<hbm>>, %arg3: memref<335872xi32, #tpu.memory_space<hbm>>, %arg4: memref<335872xi32, #tpu.memory_space<hbm>>, %arg5: memref<335872xf32, #tpu.memory_space<hbm>>, %arg6: memref<2x10240x128xf32, #tpu.memory_space<hbm>>, %arg7: memref<10240x128xf32, #tpu.memory_space<vmem_shared>>, %arg8: memref<128xi32, #tpu.memory_space<vmem>>, %arg9: memref<128xi32, #tpu.memory_space<vmem>>, %arg10: memref<128xi32, #tpu.memory_space<vmem>>, %arg11: memref<128xi32, #tpu.memory_space<vmem>>, %arg12: memref<128xf32, #tpu.memory_space<vmem>>, %arg13: memref<128xf32, #tpu.memory_space<vmem>>, %arg14: memref<128xi32, #tpu.memory_space<vmem>>, %arg15: memref<128xi32, #tpu.memory_space<vmem>>, %arg16: memref<128x128xf32, #tpu.memory_space<vmem>>, %arg17: memref<128x128xf32, #tpu.memory_space<vmem>>, %arg18: memref<!tpu.dma_semaphore, #tpu.memory_space<semaphore_mem>>, %arg19: memref<!tpu.dma_semaphore, #tpu.memory_space<semaphore_mem>>, %arg20: memref<!tpu.dma_semaphore, #tpu.memory_space<semaphore_mem>>, %arg21: memref<!tpu.dma_semaphore, #tpu.memory_space<semaphore_mem>>, %arg22: memref<!tpu.dma_semaphore, #tpu.memory_space<semaphore_mem>>, %arg23: memref<!tpu.dma_semaphore, #tpu.memory_space<semaphore_mem>>) attributes {dimension_semantics = [#tpu.dimension_semantics<core_parallel>, #tpu.dimension_semantics<subcore_parallel>], iteration_bounds = array<i64: 2, 16>, scalar_prefetch = 0 : i64, scratch_operands = 17 : i64, tpu.core_type = #tpu.core_type<sc_vector_subcore>, window_params = [{transform_indices = #map}, {transform_indices = #map1}, {transform_indices = #map1}, {transform_indices = #map1}, {transform_indices = #map2}]} {
    %mul3A = arith.constant 16 : i32
    %mul3A_0 = arith.muli %arg0, %mul3A : i32
    %add3A = arith.addi %mul3A_0, %arg1 : i32
    %broadcast_in_dim3A = arith.constant 0.000000e+00 : f32
    %broadcast_in_dim3A_1 = vector.broadcast %broadcast_in_dim3A : f32 to vector<16xf32>
    %scan3A = arith.constant 0 : i32
    %scan3A_2 = arith.constant 0 : i32
    %scan3A_3 = arith.constant 128 : i32
    %scan3A_4 = arith.addi %scan3A_2, %scan3A_3 : i32
    %scan3A_5 = arith.constant 1 : i32
    %scan3A_6 = scf.for %scan3A_276 = %scan3A_2 to %scan3A_4 step %scan3A_5 iter_args(%scan3A_277 = %scan3A) -> (i32)  : i32 {
      %swap3A_278 = arith.index_cast %scan3A_276 : i32 to index
      %swap3A_279 = arith.constant 0 : index
      %swap3A_280 = tpu.vector_load %arg16[%swap3A_278, %swap3A_279] {strides = array<i32>} : memref<128x128xf32, #tpu.memory_space<vmem>>, vector<16xf32>,
      tpu.vector_store %arg16[%swap3A_278, %swap3A_279], %broadcast_in_dim3A_1 {strides = array<i32>} : memref<128x128xf32, #tpu.memory_space<vmem>>, vector<16xf32>,
      %swap3A_281 = arith.index_cast %scan3A_276 : i32 to index
      %swap3A_282 = arith.constant 16 : index
      %swap3A_283 = tpu.vector_load %arg16[%swap3A_281, %swap3A_282] {strides = array<i32>} : memref<128x128xf32, #tpu.memory_space<vmem>>, vector<16xf32>,
      tpu.vector_store %arg16[%swap3A_281, %swap3A_282], %broadcast_in_dim3A_1 {strides = array<i32>} : memref<128x128xf32, #tpu.memory_space<vmem>>, vector<16xf32>,
      %swap3A_284 = arith.index_cast %scan3A_276 : i32 to index
      %swap3A_285 = arith.constant 32 : index
      %swap3A_286 = tpu.vector_load %arg16[%swap3A_284, %swap3A_285] {strides = array<i32>} : memref<128x128xf32, #tpu.memory_space<vmem>>, vector<16xf32>,
      tpu.vector_store %arg16[%swap3A_284, %swap3A_285], %broadcast_in_dim3A_1 {strides = array<i32>} : memref<128x128xf32, #tpu.memory_space<vmem>>, vector<16xf32>,
      %swap3A_287 = arith.index_cast %scan3A_276 : i32 to index
      %swap3A_288 = arith.constant 48 : index
      %swap3A_289 = tpu.vector_load %arg16[%swap3A_287, %swap3A_288] {strides = array<i32>} : memref<128x128xf32, #tpu.memory_space<vmem>>, vector<16xf32>,
      tpu.vector_store %arg16[%swap3A_287, %swap3A_288], %broadcast_in_dim3A_1 {strides = array<i32>} : memref<128x128xf32, #tpu.memory_space<vmem>>, vector<16xf32>,
      %swap3A_290 = arith.index_cast %scan3A_276 : i32 to index
      %swap3A_291 = arith.constant 64 : index
      %swap3A_292 = tpu.vector_load %arg16[%swap3A_290, %swap3A_291] {strides = array<i32>} : memref<128x128xf32, #tpu.memory_space<vmem>>, vector<16xf32>,
      tpu.vector_store %arg16[%swap3A_290, %swap3A_291], %broadcast_in_dim3A_1 {strides = array<i32>} : memref<128x128xf32, #tpu.memory_space<vmem>>, vector<16xf32>,
      %swap3A_293 = arith.index_cast %scan3A_276 : i32 to index
      %swap3A_294 = arith.constant 80 : index
      %swap3A_295 = tpu.vector_load %arg16[%swap3A_293, %swap3A_294] {strides = array<i32>} : memref<128x128xf32, #tpu.memory_space<vmem>>, vector<16xf32>,
      tpu.vector_store %arg16[%swap3A_293, %swap3A_294], %broadcast_in_dim3A_1 {strides = array<i32>} : memref<128x128xf32, #tpu.memory_space<vmem>>, vector<16xf32>,
      %swap3A_296 = arith.index_cast %scan3A_276 : i32 to index
      %swap3A_297 = arith.constant 96 : index
      %swap3A_298 = tpu.vector_load %arg16[%swap3A_296, %swap3A_297] {strides = array<i32>} : memref<128x128xf32, #tpu.memory_space<vmem>>, vector<16xf32>,
      tpu.vector_store %arg16[%swap3A_296, %swap3A_297], %broadcast_in_dim3A_1 {strides = array<i32>} : memref<128x128xf32, #tpu.memory_space<vmem>>, vector<16xf32>,
      %swap3A_299 = arith.index_cast %scan3A_276 : i32 to index
      %swap3A_300 = arith.constant 112 : index
      %swap3A_301 = tpu.vector_load %arg16[%swap3A_299, %swap3A_300] {strides = array<i32>} : memref<128x128xf32, #tpu.memory_space<vmem>>, vector<16xf32>,
      tpu.vector_store %arg16[%swap3A_299, %swap3A_300], %broadcast_in_dim3A_1 {strides = array<i32>} : memref<128x128xf32, #tpu.memory_space<vmem>>, vector<16xf32>,
      %scan3A_302 = arith.constant 0 : i32
      scf.yield %scan3A_302 : i32
    }
    %scan3A_7 = arith.constant 128 : i32
    %mul3A_8 = arith.constant 640 : i32
    %mul3A_9 = arith.muli %arg1, %mul3A_8 : i32
    %add3A_10 = arith.constant 0 : i32
    %add3A_11 = arith.addi %mul3A_9, %add3A_10 : i32
    "tpu.region"() ({
      %run_scoped3A = tpu.sem_alloc : memref<!tpu.dma_semaphore, #tpu.memory_space<semaphore_mem>>
      %dma_start3A_276 = arith.constant 0 : i32
      %dma_start3A_277 = arith.constant 0 : i32
      %dma_start3A_278 = tpu.memref_slice %arg16[%dma_start3A_276, %dma_start3A_277] : memref<128x128xf32, #tpu.memory_space<vmem>> -> memref<64x128xf32, #tpu.memory_space<vmem>>
      %dma_start3A_279 = arith.constant 0 : i32
      %dma_start3A_280 = tpu.memref_slice %arg7[%add3A_11, %dma_start3A_279] : memref<10240x128xf32, #tpu.memory_space<vmem_shared>> -> memref<64x128xf32, #tpu.memory_space<vmem_shared>>
      %dma_start3A_281 = arith.constant 0 : i32
      %dma_start3A_282 = tpu.memref_slice %arg7[%add3A_11, %dma_start3A_281] : memref<10240x128xf32, #tpu.memory_space<vmem_shared>> -> memref<64x128xf32, #tpu.memory_space<vmem_shared>>
      %dma_start3A_283 = arith.constant 0 : i32
      %dma_start3A_284 = arith.constant 0 : i32
      %dma_start3A_285 = tpu.memref_slice %arg16[%dma_start3A_283, %dma_start3A_284] : memref<128x128xf32, #tpu.memory_space<vmem>> -> memref<64x128xf32, #tpu.memory_space<vmem>>
      tpu.enqueue_dma source(%dma_start3A_285 : memref<64x128xf32, #tpu.memory_space<vmem>>) target(%dma_start3A_282 : memref<64x128xf32, #tpu.memory_space<vmem_shared>>) target_semaphore(%run_scoped3A : memref<!tpu.dma_semaphore, #tpu.memory_space<semaphore_mem>>)
      %dma_wait3A_286 = arith.constant 0 : i32
      %dma_wait3A_287 = arith.constant 0 : i32
      %dma_wait3A_288 = tpu.memref_slice %arg16[%dma_wait3A_286, %dma_wait3A_287] : memref<128x128xf32, #tpu.memory_space<vmem>> -> memref<64x128xf32, #tpu.memory_space<vmem>>
      %dma_wait3A_289 = arith.constant 0 : i32
      %dma_wait3A_290 = tpu.memref_slice %arg7[%add3A_11, %dma_wait3A_289] : memref<10240x128xf32, #tpu.memory_space<vmem_shared>> -> memref<64x128xf32, #tpu.memory_space<vmem_shared>>
      %dma_wait3A_291 = arith.constant 0 : i32
      %dma_wait3A_292 = tpu.memref_slice %arg7[%add3A_11, %dma_wait3A_291] : memref<10240x128xf32, #tpu.memory_space<vmem_shared>> -> memref<64x128xf32, #tpu.memory_space<vmem_shared>>
      %dma_wait3A_293 = arith.constant 0 : i32
      %dma_wait3A_294 = arith.constant 0 : i32
      %dma_wait3A_295 = tpu.memref_slice %arg16[%dma_wait3A_293, %dma_wait3A_294] : memref<128x128xf32, #tpu.memory_space<vmem>> -> memref<64x128xf32, #tpu.memory_space<vmem>>
      tpu.wait_dma2 semaphore(%run_scoped3A : memref<!tpu.dma_semaphore, #tpu.memory_space<semaphore_mem>>) src(%dma_wait3A_295 : memref<64x128xf32, #tpu.memory_space<vmem>>) dst(%dma_wait3A_292 : memref<64x128xf32, #tpu.memory_space<vmem_shared>>)
      tpu.yield
    }) : () -> ()
    %mul3A_12 = arith.constant 640 : i32
    %mul3A_13 = arith.muli %arg1, %mul3A_12 : i32
    %add3A_14 = arith.constant 64 : i32
    %add3A_15 = arith.addi %mul3A_13, %add3A_14 : i32
    "tpu.region"() ({
      %run_scoped3A = tpu.sem_alloc : memref<!tpu.dma_semaphore, #tpu.memory_space<semaphore_mem>>
      %dma_start3A_276 = arith.constant 0 : i32
      %dma_start3A_277 = arith.constant 0 : i32
      %dma_start3A_278 = tpu.memref_slice %arg16[%dma_start3A_276, %dma_start3A_277] : memref<128x128xf32, #tpu.memory_space<vmem>> -> memref<64x128xf32, #tpu.memory_space<vmem>>
      %dma_start3A_279 = arith.constant 0 : i32
      %dma_start3A_280 = tpu.memref_slice %arg7[%add3A_15, %dma_start3A_279] : memref<10240x128xf32, #tpu.memory_space<vmem_shared>> -> memref<64x128xf32, #tpu.memory_space<vmem_shared>>
      %dma_start3A_281 = arith.constant 0 : i32
      %dma_start3A_282 = tpu.memref_slice %arg7[%add3A_15, %dma_start3A_281] : memref<10240x128xf32, #tpu.memory_space<vmem_shared>> -> memref<64x128xf32, #tpu.memory_space<vmem_shared>>
      %dma_start3A_283 = arith.constant 0 : i32
      %dma_start3A_284 = arith.constant 0 : i32
      %dma_start3A_285 = tpu.memref_slice %arg16[%dma_start3A_283, %dma_start3A_284] : memref<128x128xf32, #tpu.memory_space<vmem>> -> memref<64x128xf32, #tpu.memory_space<vmem>>
      tpu.enqueue_dma source(%dma_start3A_285 : memref<64x128xf32, #tpu.memory_space<vmem>>) target(%dma_start3A_282 : memref<64x128xf32, #tpu.memory_space<vmem_shared>>) target_semaphore(%run_scoped3A : memref<!tpu.dma_semaphore, #tpu.memory_space<semaphore_mem>>)
      %dma_wait3A_286 = arith.constant 0 : i32
      %dma_wait3A_287 = arith.constant 0 : i32
      %dma_wait3A_288 = tpu.memref_slice %arg16[%dma_wait3A_286, %dma_wait3A_287] : memref<128x128xf32, #tpu.memory_space<vmem>> -> memref<64x128xf32, #tpu.memory_space<vmem>>
      %dma_wait3A_289 = arith.constant 0 : i32
      %dma_wait3A_290 = tpu.memref_slice %arg7[%add3A_15, %dma_wait3A_289] : memref<10240x128xf32, #tpu.memory_space<vmem_shared>> -> memref<64x128xf32, #tpu.memory_space<vmem_shared>>
      %dma_wait3A_291 = arith.constant 0 : i32
      %dma_wait3A_292 = tpu.memref_slice %arg7[%add3A_15, %dma_wait3A_291] : memref<10240x128xf32, #tpu.memory_space<vmem_shared>> -> memref<64x128xf32, #tpu.memory_space<vmem_shared>>
      %dma_wait3A_293 = arith.constant 0 : i32
      %dma_wait3A_294 = arith.constant 0 : i32
      %dma_wait3A_295 = tpu.memref_slice %arg16[%dma_wait3A_293, %dma_wait3A_294] : memref<128x128xf32, #tpu.memory_space<vmem>> -> memref<64x128xf32, #tpu.memory_space<vmem>>
      tpu.wait_dma2 semaphore(%run_scoped3A : memref<!tpu.dma_semaphore, #tpu.memory_space<semaphore_mem>>) src(%dma_wait3A_295 : memref<64x128xf32, #tpu.memory_space<vmem>>) dst(%dma_wait3A_292 : memref<64x128xf32, #tpu.memory_space<vmem_shared>>)
      tpu.yield
    }) : () -> ()
    %mul3A_16 = arith.constant 640 : i32
    %mul3A_17 = arith.muli %arg1, %mul3A_16 : i32
    %add3A_18 = arith.constant 128 : i32
    %add3A_19 = arith.addi %mul3A_17, %add3A_18 : i32
    "tpu.region"() ({
      %run_scoped3A = tpu.sem_alloc : memref<!tpu.dma_semaphore, #tpu.memory_space<semaphore_mem>>
      %dma_start3A_276 = arith.constant 0 : i32
      %dma_start3A_277 = arith.constant 0 : i32
      %dma_start3A_278 = tpu.memref_slice %arg16[%dma_start3A_276, %dma_start3A_277] : memref<128x128xf32, #tpu.memory_space<vmem>> -> memref<64x128xf32, #tpu.memory_space<vmem>>
      %dma_start3A_279 = arith.constant 0 : i32
      %dma_start3A_280 = tpu.memref_slice %arg7[%add3A_19, %dma_start3A_279] : memref<10240x128xf32, #tpu.memory_space<vmem_shared>> -> memref<64x128xf32, #tpu.memory_space<vmem_shared>>
      %dma_start3A_281 = arith.constant 0 : i32
      %dma_start3A_282 = tpu.memref_slice %arg7[%add3A_19, %dma_start3A_281] : memref<10240x128xf32, #tpu.memory_space<vmem_shared>> -> memref<64x128xf32, #tpu.memory_space<vmem_shared>>
      %dma_start3A_283 = arith.constant 0 : i32
      %dma_start3A_284 = arith.constant 0 : i32
      %dma_start3A_285 = tpu.memref_slice %arg16[%dma_start3A_283, %dma_start3A_284] : memref<128x128xf32, #tpu.memory_space<vmem>> -> memref<64x128xf32, #tpu.memory_space<vmem>>
      tpu.enqueue_dma source(%dma_start3A_285 : memref<64x128xf32, #tpu.memory_space<vmem>>) target(%dma_start3A_282 : memref<64x128xf32, #tpu.memory_space<vmem_shared>>) target_semaphore(%run_scoped3A : memref<!tpu.dma_semaphore, #tpu.memory_space<semaphore_mem>>)
      %dma_wait3A_286 = arith.constant 0 : i32
      %dma_wait3A_287 = arith.constant 0 : i32
      %dma_wait3A_288 = tpu.memref_slice %arg16[%dma_wait3A_286, %dma_wait3A_287] : memref<128x128xf32, #tpu.memory_space<vmem>> -> memref<64x128xf32, #tpu.memory_space<vmem>>
      %dma_wait3A_289 = arith.constant 0 : i32
      %dma_wait3A_290 = tpu.memref_slice %arg7[%add3A_19, %dma_wait3A_289] : memref<10240x128xf32, #tpu.memory_space<vmem_shared>> -> memref<64x128xf32, #tpu.memory_space<vmem_shared>>
      %dma_wait3A_291 = arith.constant 0 : i32
      %dma_wait3A_292 = tpu.memref_slice %arg7[%add3A_19, %dma_wait3A_291] : memref<10240x128xf32, #tpu.memory_space<vmem_shared>> -> memref<64x128xf32, #tpu.memory_space<vmem_shared>>
      %dma_wait3A_293 = arith.constant 0 : i32
      %dma_wait3A_294 = arith.constant 0 : i32
      %dma_wait3A_295 = tpu.memref_slice %arg16[%dma_wait3A_293, %dma_wait3A_294] : memref<128x128xf32, #tpu.memory_space<vmem>> -> memref<64x128xf32, #tpu.memory_space<vmem>>
      tpu.wait_dma2 semaphore(%run_scoped3A : memref<!tpu.dma_semaphore, #tpu.memory_space<semaphore_mem>>) src(%dma_wait3A_295 : memref<64x128xf32, #tpu.memory_space<vmem>>) dst(%dma_wait3A_292 : memref<64x128xf32, #tpu.memory_space<vmem_shared>>)
      tpu.yield
    }) : () -> ()
    %mul3A_20 = arith.constant 640 : i32
    %mul3A_21 = arith.muli %arg1, %mul3A_20 : i32
    %add3A_22 = arith.constant 192 : i32
    %add3A_23 = arith.addi %mul3A_21, %add3A_22 : i32
    "tpu.region"() ({
      %run_scoped3A = tpu.sem_alloc : memref<!tpu.dma_semaphore, #tpu.memory_space<semaphore_mem>>
      %dma_start3A_276 = arith.constant 0 : i32
      %dma_start3A_277 = arith.constant 0 : i32
      %dma_start3A_278 = tpu.memref_slice %arg16[%dma_start3A_276, %dma_start3A_277] : memref<128x128xf32, #tpu.memory_space<vmem>> -> memref<64x128xf32, #tpu.memory_space<vmem>>
      %dma_start3A_279 = arith.constant 0 : i32
      %dma_start3A_280 = tpu.memref_slice %arg7[%add3A_23, %dma_start3A_279] : memref<10240x128xf32, #tpu.memory_space<vmem_shared>> -> memref<64x128xf32, #tpu.memory_space<vmem_shared>>
      %dma_start3A_281 = arith.constant 0 : i32
      %dma_start3A_282 = tpu.memref_slice %arg7[%add3A_23, %dma_start3A_281] : memref<10240x128xf32, #tpu.memory_space<vmem_shared>> -> memref<64x128xf32, #tpu.memory_space<vmem_shared>>
      %dma_start3A_283 = arith.constant 0 : i32
      %dma_start3A_284 = arith.constant 0 : i32
      %dma_start3A_285 = tpu.memref_slice %arg16[%dma_start3A_283, %dma_start3A_284] : memref<128x128xf32, #tpu.memory_space<vmem>> -> memref<64x128xf32, #tpu.memory_space<vmem>>
      tpu.enqueue_dma source(%dma_start3A_285 : memref<64x128xf32, #tpu.memory_space<vmem>>) target(%dma_start3A_282 : memref<64x128xf32, #tpu.memory_space<vmem_shared>>) target_semaphore(%run_scoped3A : memref<!tpu.dma_semaphore, #tpu.memory_space<semaphore_mem>>)
      %dma_wait3A_286 = arith.constant 0 : i32
      %dma_wait3A_287 = arith.constant 0 : i32
      %dma_wait3A_288 = tpu.memref_slice %arg16[%dma_wait3A_286, %dma_wait3A_287] : memref<128x128xf32, #tpu.memory_space<vmem>> -> memref<64x128xf32, #tpu.memory_space<vmem>>
      %dma_wait3A_289 = arith.constant 0 : i32
      %dma_wait3A_290 = tpu.memref_slice %arg7[%add3A_23, %dma_wait3A_289] : memref<10240x128xf32, #tpu.memory_space<vmem_shared>> -> memref<64x128xf32, #tpu.memory_space<vmem_shared>>
      %dma_wait3A_291 = arith.constant 0 : i32
      %dma_wait3A_292 = tpu.memref_slice %arg7[%add3A_23, %dma_wait3A_291] : memref<10240x128xf32, #tpu.memory_space<vmem_shared>> -> memref<64x128xf32, #tpu.memory_space<vmem_shared>>
      %dma_wait3A_293 = arith.constant 0 : i32
      %dma_wait3A_294 = arith.constant 0 : i32
      %dma_wait3A_295 = tpu.memref_slice %arg16[%dma_wait3A_293, %dma_wait3A_294] : memref<128x128xf32, #tpu.memory_space<vmem>> -> memref<64x128xf32, #tpu.memory_space<vmem>>
      tpu.wait_dma2 semaphore(%run_scoped3A : memref<!tpu.dma_semaphore, #tpu.memory_space<semaphore_mem>>) src(%dma_wait3A_295 : memref<64x128xf32, #tpu.memory_space<vmem>>) dst(%dma_wait3A_292 : memref<64x128xf32, #tpu.memory_space<vmem_shared>>)
      tpu.yield
    }) : () -> ()
    %mul3A_24 = arith.constant 640 : i32
    %mul3A_25 = arith.muli %arg1, %mul3A_24 : i32
    %add3A_26 = arith.constant 256 : i32
    %add3A_27 = arith.addi %mul3A_25, %add3A_26 : i32
    "tpu.region"() ({
      %run_scoped3A = tpu.sem_alloc : memref<!tpu.dma_semaphore, #tpu.memory_space<semaphore_mem>>
      %dma_start3A_276 = arith.constant 0 : i32
      %dma_start3A_277 = arith.constant 0 : i32
      %dma_start3A_278 = tpu.memref_slice %arg16[%dma_start3A_276, %dma_start3A_277] : memref<128x128xf32, #tpu.memory_space<vmem>> -> memref<64x128xf32, #tpu.memory_space<vmem>>
      %dma_start3A_279 = arith.constant 0 : i32
      %dma_start3A_280 = tpu.memref_slice %arg7[%add3A_27, %dma_start3A_279] : memref<10240x128xf32, #tpu.memory_space<vmem_shared>> -> memref<64x128xf32, #tpu.memory_space<vmem_shared>>
      %dma_start3A_281 = arith.constant 0 : i32
      %dma_start3A_282 = tpu.memref_slice %arg7[%add3A_27, %dma_start3A_281] : memref<10240x128xf32, #tpu.memory_space<vmem_shared>> -> memref<64x128xf32, #tpu.memory_space<vmem_shared>>
      %dma_start3A_283 = arith.constant 0 : i32
      %dma_start3A_284 = arith.constant 0 : i32
      %dma_start3A_285 = tpu.memref_slice %arg16[%dma_start3A_283, %dma_start3A_284] : memref<128x128xf32, #tpu.memory_space<vmem>> -> memref<64x128xf32, #tpu.memory_space<vmem>>
      tpu.enqueue_dma source(%dma_start3A_285 : memref<64x128xf32, #tpu.memory_space<vmem>>) target(%dma_start3A_282 : memref<64x128xf32, #tpu.memory_space<vmem_shared>>) target_semaphore(%run_scoped3A : memref<!tpu.dma_semaphore, #tpu.memory_space<semaphore_mem>>)
      %dma_wait3A_286 = arith.constant 0 : i32
      %dma_wait3A_287 = arith.constant 0 : i32
      %dma_wait3A_288 = tpu.memref_slice %arg16[%dma_wait3A_286, %dma_wait3A_287] : memref<128x128xf32, #tpu.memory_space<vmem>> -> memref<64x128xf32, #tpu.memory_space<vmem>>
      %dma_wait3A_289 = arith.constant 0 : i32
      %dma_wait3A_290 = tpu.memref_slice %arg7[%add3A_27, %dma_wait3A_289] : memref<10240x128xf32, #tpu.memory_space<vmem_shared>> -> memref<64x128xf32, #tpu.memory_space<vmem_shared>>
      %dma_wait3A_291 = arith.constant 0 : i32
      %dma_wait3A_292 = tpu.memref_slice %arg7[%add3A_27, %dma_wait3A_291] : memref<10240x128xf32, #tpu.memory_space<vmem_shared>> -> memref<64x128xf32, #tpu.memory_space<vmem_shared>>
      %dma_wait3A_293 = arith.constant 0 : i32
      %dma_wait3A_294 = arith.constant 0 : i32
      %dma_wait3A_295 = tpu.memref_slice %arg16[%dma_wait3A_293, %dma_wait3A_294] : memref<128x128xf32, #tpu.memory_space<vmem>> -> memref<64x128xf32, #tpu.memory_space<vmem>>
      tpu.wait_dma2 semaphore(%run_scoped3A : memref<!tpu.dma_semaphore, #tpu.memory_space<semaphore_mem>>) src(%dma_wait3A_295 : memref<64x128xf32, #tpu.memory_space<vmem>>) dst(%dma_wait3A_292 : memref<64x128xf32, #tpu.memory_space<vmem_shared>>)
      tpu.yield
    }) : () -> ()
    %mul3A_28 = arith.constant 640 : i32
    %mul3A_29 = arith.muli %arg1, %mul3A_28 : i32
    %add3A_30 = arith.constant 320 : i32
    %add3A_31 = arith.addi %mul3A_29, %add3A_30 : i32
    "tpu.region"() ({
      %run_scoped3A = tpu.sem_alloc : memref<!tpu.dma_semaphore, #tpu.memory_space<semaphore_mem>>
      %dma_start3A_276 = arith.constant 0 : i32
      %dma_start3A_277 = arith.constant 0 : i32
      %dma_start3A_278 = tpu.memref_slice %arg16[%dma_start3A_276, %dma_start3A_277] : memref<128x128xf32, #tpu.memory_space<vmem>> -> memref<64x128xf32, #tpu.memory_space<vmem>>
      %dma_start3A_279 = arith.constant 0 : i32
      %dma_start3A_280 = tpu.memref_slice %arg7[%add3A_31, %dma_start3A_279] : memref<10240x128xf32, #tpu.memory_space<vmem_shared>> -> memref<64x128xf32, #tpu.memory_space<vmem_shared>>
      %dma_start3A_281 = arith.constant 0 : i32
      %dma_start3A_282 = tpu.memref_slice %arg7[%add3A_31, %dma_start3A_281] : memref<10240x128xf32, #tpu.memory_space<vmem_shared>> -> memref<64x128xf32, #tpu.memory_space<vmem_shared>>
      %dma_start3A_283 = arith.constant 0 : i32
      %dma_start3A_284 = arith.constant 0 : i32
      %dma_start3A_285 = tpu.memref_slice %arg16[%dma_start3A_283, %dma_start3A_284] : memref<128x128xf32, #tpu.memory_space<vmem>> -> memref<64x128xf32, #tpu.memory_space<vmem>>
      tpu.enqueue_dma source(%dma_start3A_285 : memref<64x128xf32, #tpu.memory_space<vmem>>) target(%dma_start3A_282 : memref<64x128xf32, #tpu.memory_space<vmem_shared>>) target_semaphore(%run_scoped3A : memref<!tpu.dma_semaphore, #tpu.memory_space<semaphore_mem>>)
      %dma_wait3A_286 = arith.constant 0 : i32
      %dma_wait3A_287 = arith.constant 0 : i32
      %dma_wait3A_288 = tpu.memref_slice %arg16[%dma_wait3A_286, %dma_wait3A_287] : memref<128x128xf32, #tpu.memory_space<vmem>> -> memref<64x128xf32, #tpu.memory_space<vmem>>
      %dma_wait3A_289 = arith.constant 0 : i32
      %dma_wait3A_290 = tpu.memref_slice %arg7[%add3A_31, %dma_wait3A_289] : memref<10240x128xf32, #tpu.memory_space<vmem_shared>> -> memref<64x128xf32, #tpu.memory_space<vmem_shared>>
      %dma_wait3A_291 = arith.constant 0 : i32
      %dma_wait3A_292 = tpu.memref_slice %arg7[%add3A_31, %dma_wait3A_291] : memref<10240x128xf32, #tpu.memory_space<vmem_shared>> -> memref<64x128xf32, #tpu.memory_space<vmem_shared>>
      %dma_wait3A_293 = arith.constant 0 : i32
      %dma_wait3A_294 = arith.constant 0 : i32
      %dma_wait3A_295 = tpu.memref_slice %arg16[%dma_wait3A_293, %dma_wait3A_294] : memref<128x128xf32, #tpu.memory_space<vmem>> -> memref<64x128xf32, #tpu.memory_space<vmem>>
      tpu.wait_dma2 semaphore(%run_scoped3A : memref<!tpu.dma_semaphore, #tpu.memory_space<semaphore_mem>>) src(%dma_wait3A_295 : memref<64x128xf32, #tpu.memory_space<vmem>>) dst(%dma_wait3A_292 : memref<64x128xf32, #tpu.memory_space<vmem_shared>>)
      tpu.yield
    }) : () -> ()
    %mul3A_32 = arith.constant 640 : i32
    %mul3A_33 = arith.muli %arg1, %mul3A_32 : i32
    %add3A_34 = arith.constant 384 : i32
    %add3A_35 = arith.addi %mul3A_33, %add3A_34 : i32
    "tpu.region"() ({
      %run_scoped3A = tpu.sem_alloc : memref<!tpu.dma_semaphore, #tpu.memory_space<semaphore_mem>>
      %dma_start3A_276 = arith.constant 0 : i32
      %dma_start3A_277 = arith.constant 0 : i32
      %dma_start3A_278 = tpu.memref_slice %arg16[%dma_start3A_276, %dma_start3A_277] : memref<128x128xf32, #tpu.memory_space<vmem>> -> memref<64x128xf32, #tpu.memory_space<vmem>>
      %dma_start3A_279 = arith.constant 0 : i32
      %dma_start3A_280 = tpu.memref_slice %arg7[%add3A_35, %dma_start3A_279] : memref<10240x128xf32, #tpu.memory_space<vmem_shared>> -> memref<64x128xf32, #tpu.memory_space<vmem_shared>>
      %dma_start3A_281 = arith.constant 0 : i32
      %dma_start3A_282 = tpu.memref_slice %arg7[%add3A_35, %dma_start3A_281] : memref<10240x128xf32, #tpu.memory_space<vmem_shared>> -> memref<64x128xf32, #tpu.memory_space<vmem_shared>>
      %dma_start3A_283 = arith.constant 0 : i32
      %dma_start3A_284 = arith.constant 0 : i32
      %dma_start3A_285 = tpu.memref_slice %arg16[%dma_start3A_283, %dma_start3A_284] : memref<128x128xf32, #tpu.memory_space<vmem>> -> memref<64x128xf32, #tpu.memory_space<vmem>>
      tpu.enqueue_dma source(%dma_start3A_285 : memref<64x128xf32, #tpu.memory_space<vmem>>) target(%dma_start3A_282 : memref<64x128xf32, #tpu.memory_space<vmem_shared>>) target_semaphore(%run_scoped3A : memref<!tpu.dma_semaphore, #tpu.memory_space<semaphore_mem>>)
      %dma_wait3A_286 = arith.constant 0 : i32
      %dma_wait3A_287 = arith.constant 0 : i32
      %dma_wait3A_288 = tpu.memref_slice %arg16[%dma_wait3A_286, %dma_wait3A_287] : memref<128x128xf32, #tpu.memory_space<vmem>> -> memref<64x128xf32, #tpu.memory_space<vmem>>
      %dma_wait3A_289 = arith.constant 0 : i32
      %dma_wait3A_290 = tpu.memref_slice %arg7[%add3A_35, %dma_wait3A_289] : memref<10240x128xf32, #tpu.memory_space<vmem_shared>> -> memref<64x128xf32, #tpu.memory_space<vmem_shared>>
      %dma_wait3A_291 = arith.constant 0 : i32
      %dma_wait3A_292 = tpu.memref_slice %arg7[%add3A_35, %dma_wait3A_291] : memref<10240x128xf32, #tpu.memory_space<vmem_shared>> -> memref<64x128xf32, #tpu.memory_space<vmem_shared>>
      %dma_wait3A_293 = arith.constant 0 : i32
      %dma_wait3A_294 = arith.constant 0 : i32
      %dma_wait3A_295 = tpu.memref_slice %arg16[%dma_wait3A_293, %dma_wait3A_294] : memref<128x128xf32, #tpu.memory_space<vmem>> -> memref<64x128xf32, #tpu.memory_space<vmem>>
      tpu.wait_dma2 semaphore(%run_scoped3A : memref<!tpu.dma_semaphore, #tpu.memory_space<semaphore_mem>>) src(%dma_wait3A_295 : memref<64x128xf32, #tpu.memory_space<vmem>>) dst(%dma_wait3A_292 : memref<64x128xf32, #tpu.memory_space<vmem_shared>>)
      tpu.yield
    }) : () -> ()
    %mul3A_36 = arith.constant 640 : i32
    %mul3A_37 = arith.muli %arg1, %mul3A_36 : i32
    %add3A_38 = arith.constant 448 : i32
    %add3A_39 = arith.addi %mul3A_37, %add3A_38 : i32
    "tpu.region"() ({
      %run_scoped3A = tpu.sem_alloc : memref<!tpu.dma_semaphore, #tpu.memory_space<semaphore_mem>>
      %dma_start3A_276 = arith.constant 0 : i32
      %dma_start3A_277 = arith.constant 0 : i32
      %dma_start3A_278 = tpu.memref_slice %arg16[%dma_start3A_276, %dma_start3A_277] : memref<128x128xf32, #tpu.memory_space<vmem>> -> memref<64x128xf32, #tpu.memory_space<vmem>>
      %dma_start3A_279 = arith.constant 0 : i32
      %dma_start3A_280 = tpu.memref_slice %arg7[%add3A_39, %dma_start3A_279] : memref<10240x128xf32, #tpu.memory_space<vmem_shared>> -> memref<64x128xf32, #tpu.memory_space<vmem_shared>>
      %dma_start3A_281 = arith.constant 0 : i32
      %dma_start3A_282 = tpu.memref_slice %arg7[%add3A_39, %dma_start3A_281] : memref<10240x128xf32, #tpu.memory_space<vmem_shared>> -> memref<64x128xf32, #tpu.memory_space<vmem_shared>>
      %dma_start3A_283 = arith.constant 0 : i32
      %dma_start3A_284 = arith.constant 0 : i32
      %dma_start3A_285 = tpu.memref_slice %arg16[%dma_start3A_283, %dma_start3A_284] : memref<128x128xf32, #tpu.memory_space<vmem>> -> memref<64x128xf32, #tpu.memory_space<vmem>>
      tpu.enqueue_dma source(%dma_start3A_285 : memref<64x128xf32, #tpu.memory_space<vmem>>) target(%dma_start3A_282 : memref<64x128xf32, #tpu.memory_space<vmem_shared>>) target_semaphore(%run_scoped3A : memref<!tpu.dma_semaphore, #tpu.memory_space<semaphore_mem>>)
      %dma_wait3A_286 = arith.constant 0 : i32
      %dma_wait3A_287 = arith.constant 0 : i32
      %dma_wait3A_288 = tpu.memref_slice %arg16[%dma_wait3A_286, %dma_wait3A_287] : memref<128x128xf32, #tpu.memory_space<vmem>> -> memref<64x128xf32, #tpu.memory_space<vmem>>
      %dma_wait3A_289 = arith.constant 0 : i32
      %dma_wait3A_290 = tpu.memref_slice %arg7[%add3A_39, %dma_wait3A_289] : memref<10240x128xf32, #tpu.memory_space<vmem_shared>> -> memref<64x128xf32, #tpu.memory_space<vmem_shared>>
      %dma_wait3A_291 = arith.constant 0 : i32
      %dma_wait3A_292 = tpu.memref_slice %arg7[%add3A_39, %dma_wait3A_291] : memref<10240x128xf32, #tpu.memory_space<vmem_shared>> -> memref<64x128xf32, #tpu.memory_space<vmem_shared>>
      %dma_wait3A_293 = arith.constant 0 : i32
      %dma_wait3A_294 = arith.constant 0 : i32
      %dma_wait3A_295 = tpu.memref_slice %arg16[%dma_wait3A_293, %dma_wait3A_294] : memref<128x128xf32, #tpu.memory_space<vmem>> -> memref<64x128xf32, #tpu.memory_space<vmem>>
      tpu.wait_dma2 semaphore(%run_scoped3A : memref<!tpu.dma_semaphore, #tpu.memory_space<semaphore_mem>>) src(%dma_wait3A_295 : memref<64x128xf32, #tpu.memory_space<vmem>>) dst(%dma_wait3A_292 : memref<64x128xf32, #tpu.memory_space<vmem_shared>>)
      tpu.yield
    }) : () -> ()
    %mul3A_40 = arith.constant 640 : i32
    %mul3A_41 = arith.muli %arg1, %mul3A_40 : i32
    %add3A_42 = arith.constant 512 : i32
    %add3A_43 = arith.addi %mul3A_41, %add3A_42 : i32
    "tpu.region"() ({
      %run_scoped3A = tpu.sem_alloc : memref<!tpu.dma_semaphore, #tpu.memory_space<semaphore_mem>>
      %dma_start3A_276 = arith.constant 0 : i32
      %dma_start3A_277 = arith.constant 0 : i32
      %dma_start3A_278 = tpu.memref_slice %arg16[%dma_start3A_276, %dma_start3A_277] : memref<128x128xf32, #tpu.memory_space<vmem>> -> memref<64x128xf32, #tpu.memory_space<vmem>>
      %dma_start3A_279 = arith.constant 0 : i32
      %dma_start3A_280 = tpu.memref_slice %arg7[%add3A_43, %dma_start3A_279] : memref<10240x128xf32, #tpu.memory_space<vmem_shared>> -> memref<64x128xf32, #tpu.memory_space<vmem_shared>>
      %dma_start3A_281 = arith.constant 0 : i32
      %dma_start3A_282 = tpu.memref_slice %arg7[%add3A_43, %dma_start3A_281] : memref<10240x128xf32, #tpu.memory_space<vmem_shared>> -> memref<64x128xf32, #tpu.memory_space<vmem_shared>>
      %dma_start3A_283 = arith.constant 0 : i32
      %dma_start3A_284 = arith.constant 0 : i32
      %dma_start3A_285 = tpu.memref_slice %arg16[%dma_start3A_283, %dma_start3A_284] : memref<128x128xf32, #tpu.memory_space<vmem>> -> memref<64x128xf32, #tpu.memory_space<vmem>>
      tpu.enqueue_dma source(%dma_start3A_285 : memref<64x128xf32, #tpu.memory_space<vmem>>) target(%dma_start3A_282 : memref<64x128xf32, #tpu.memory_space<vmem_shared>>) target_semaphore(%run_scoped3A : memref<!tpu.dma_semaphore, #tpu.memory_space<semaphore_mem>>)
      %dma_wait3A_286 = arith.constant 0 : i32
      %dma_wait3A_287 = arith.constant 0 : i32
      %dma_wait3A_288 = tpu.memref_slice %arg16[%dma_wait3A_286, %dma_wait3A_287] : memref<128x128xf32, #tpu.memory_space<vmem>> -> memref<64x128xf32, #tpu.memory_space<vmem>>
      %dma_wait3A_289 = arith.constant 0 : i32
      %dma_wait3A_290 = tpu.memref_slice %arg7[%add3A_43, %dma_wait3A_289] : memref<10240x128xf32, #tpu.memory_space<vmem_shared>> -> memref<64x128xf32, #tpu.memory_space<vmem_shared>>
      %dma_wait3A_291 = arith.constant 0 : i32
      %dma_wait3A_292 = tpu.memref_slice %arg7[%add3A_43, %dma_wait3A_291] : memref<10240x128xf32, #tpu.memory_space<vmem_shared>> -> memref<64x128xf32, #tpu.memory_space<vmem_shared>>
      %dma_wait3A_293 = arith.constant 0 : i32
      %dma_wait3A_294 = arith.constant 0 : i32
      %dma_wait3A_295 = tpu.memref_slice %arg16[%dma_wait3A_293, %dma_wait3A_294] : memref<128x128xf32, #tpu.memory_space<vmem>> -> memref<64x128xf32, #tpu.memory_space<vmem>>
      tpu.wait_dma2 semaphore(%run_scoped3A : memref<!tpu.dma_semaphore, #tpu.memory_space<semaphore_mem>>) src(%dma_wait3A_295 : memref<64x128xf32, #tpu.memory_space<vmem>>) dst(%dma_wait3A_292 : memref<64x128xf32, #tpu.memory_space<vmem_shared>>)
      tpu.yield
    }) : () -> ()
    %mul3A_44 = arith.constant 640 : i32
    %mul3A_45 = arith.muli %arg1, %mul3A_44 : i32
    %add3A_46 = arith.constant 576 : i32
    %add3A_47 = arith.addi %mul3A_45, %add3A_46 : i32
    "tpu.region"() ({
      %run_scoped3A = tpu.sem_alloc : memref<!tpu.dma_semaphore, #tpu.memory_space<semaphore_mem>>
      %dma_start3A_276 = arith.constant 0 : i32
      %dma_start3A_277 = arith.constant 0 : i32
      %dma_start3A_278 = tpu.memref_slice %arg16[%dma_start3A_276, %dma_start3A_277] : memref<128x128xf32, #tpu.memory_space<vmem>> -> memref<64x128xf32, #tpu.memory_space<vmem>>
      %dma_start3A_279 = arith.constant 0 : i32
      %dma_start3A_280 = tpu.memref_slice %arg7[%add3A_47, %dma_start3A_279] : memref<10240x128xf32, #tpu.memory_space<vmem_shared>> -> memref<64x128xf32, #tpu.memory_space<vmem_shared>>
      %dma_start3A_281 = arith.constant 0 : i32
      %dma_start3A_282 = tpu.memref_slice %arg7[%add3A_47, %dma_start3A_281] : memref<10240x128xf32, #tpu.memory_space<vmem_shared>> -> memref<64x128xf32, #tpu.memory_space<vmem_shared>>
      %dma_start3A_283 = arith.constant 0 : i32
      %dma_start3A_284 = arith.constant 0 : i32
      %dma_start3A_285 = tpu.memref_slice %arg16[%dma_start3A_283, %dma_start3A_284] : memref<128x128xf32, #tpu.memory_space<vmem>> -> memref<64x128xf32, #tpu.memory_space<vmem>>
      tpu.enqueue_dma source(%dma_start3A_285 : memref<64x128xf32, #tpu.memory_space<vmem>>) target(%dma_start3A_282 : memref<64x128xf32, #tpu.memory_space<vmem_shared>>) target_semaphore(%run_scoped3A : memref<!tpu.dma_semaphore, #tpu.memory_space<semaphore_mem>>)
      %dma_wait3A_286 = arith.constant 0 : i32
      %dma_wait3A_287 = arith.constant 0 : i32
      %dma_wait3A_288 = tpu.memref_slice %arg16[%dma_wait3A_286, %dma_wait3A_287] : memref<128x128xf32, #tpu.memory_space<vmem>> -> memref<64x128xf32, #tpu.memory_space<vmem>>
      %dma_wait3A_289 = arith.constant 0 : i32
      %dma_wait3A_290 = tpu.memref_slice %arg7[%add3A_47, %dma_wait3A_289] : memref<10240x128xf32, #tpu.memory_space<vmem_shared>> -> memref<64x128xf32, #tpu.memory_space<vmem_shared>>
      %dma_wait3A_291 = arith.constant 0 : i32
      %dma_wait3A_292 = tpu.memref_slice %arg7[%add3A_47, %dma_wait3A_291] : memref<10240x128xf32, #tpu.memory_space<vmem_shared>> -> memref<64x128xf32, #tpu.memory_space<vmem_shared>>
      %dma_wait3A_293 = arith.constant 0 : i32
      %dma_wait3A_294 = arith.constant 0 : i32
      %dma_wait3A_295 = tpu.memref_slice %arg16[%dma_wait3A_293, %dma_wait3A_294] : memref<128x128xf32, #tpu.memory_space<vmem>> -> memref<64x128xf32, #tpu.memory_space<vmem>>
      tpu.wait_dma2 semaphore(%run_scoped3A : memref<!tpu.dma_semaphore, #tpu.memory_space<semaphore_mem>>) src(%dma_wait3A_295 : memref<64x128xf32, #tpu.memory_space<vmem>>) dst(%dma_wait3A_292 : memref<64x128xf32, #tpu.memory_space<vmem_shared>>)
      tpu.yield
    }) : () -> ()
    %barrier3A = arith.constant 0 : index
    tpu.barrier barrier_id(%barrier3A)
    %eq3A = arith.constant 0 : i32
    %eq3A_48 = arith.cmpi eq, %arg0, %eq3A : i32
    %jit3A = arith.constant 80 : i32
    %jit3A_49 = arith.constant 82 : i32
    %select_n3A = arith.select %eq3A_48, %jit3A, %jit3A_49 : i32
    %eq3A_50 = arith.constant 0 : i32
    %eq3A_51 = arith.cmpi eq, %arg0, %eq3A_50 : i32
    %mul3A_52 = arith.constant 80 : i32
    %mul3A_53 = arith.muli %arg1, %mul3A_52 : i32
    %mul3A_54 = arith.constant 82 : i32
    %mul3A_55 = arith.muli %arg1, %mul3A_54 : i32
    %add3A_56 = arith.constant 1280 : i32
    %add3A_57 = arith.addi %add3A_56, %mul3A_55 : i32
    %select_n3A_58 = arith.select %eq3A_51, %mul3A_53, %add3A_57 : i32
    %mul3A_59 = arith.constant 128 : i32
    %mul3A_60 = arith.muli %select_n3A_58, %mul3A_59 : i32
    %add3A_61 = arith.constant 0 : i32
    %add3A_62 = arith.addi %mul3A_60, %add3A_61 : i32
    %dma_start3A = tpu.memref_slice %arg3[%add3A_62] : memref<335872xi32, #tpu.memory_space<hbm>> -> memref<128xi32, #tpu.memory_space<hbm>>
    %dma_start3A_63 = tpu.memref_slice %arg3[%add3A_62] : memref<335872xi32, #tpu.memory_space<hbm>> -> memref<128xi32, #tpu.memory_space<hbm>>
    tpu.enqueue_dma source(%dma_start3A_63 : memref<128xi32, #tpu.memory_space<hbm>>) target(%arg8 : memref<128xi32, #tpu.memory_space<vmem>>) target_semaphore(%arg18 : memref<!tpu.dma_semaphore, #tpu.memory_space<semaphore_mem>>)
    %dma_start3A_64 = tpu.memref_slice %arg4[%add3A_62] : memref<335872xi32, #tpu.memory_space<hbm>> -> memref<128xi32, #tpu.memory_space<hbm>>
    %dma_start3A_65 = tpu.memref_slice %arg4[%add3A_62] : memref<335872xi32, #tpu.memory_space<hbm>> -> memref<128xi32, #tpu.memory_space<hbm>>
    tpu.enqueue_dma source(%dma_start3A_65 : memref<128xi32, #tpu.memory_space<hbm>>) target(%arg10 : memref<128xi32, #tpu.memory_space<vmem>>) target_semaphore(%arg18 : memref<!tpu.dma_semaphore, #tpu.memory_space<semaphore_mem>>)
    %dma_start3A_66 = tpu.memref_slice %arg5[%add3A_62] : memref<335872xf32, #tpu.memory_space<hbm>> -> memref<128xf32, #tpu.memory_space<hbm>>
    %dma_start3A_67 = tpu.memref_slice %arg5[%add3A_62] : memref<335872xf32, #tpu.memory_space<hbm>> -> memref<128xf32, #tpu.memory_space<hbm>>
    tpu.enqueue_dma source(%dma_start3A_67 : memref<128xf32, #tpu.memory_space<hbm>>) target(%arg12 : memref<128xf32, #tpu.memory_space<vmem>>) target_semaphore(%arg18 : memref<!tpu.dma_semaphore, #tpu.memory_space<semaphore_mem>>)
    %add3A_68 = arith.constant 128 : i32
    %add3A_69 = arith.addi %mul3A_60, %add3A_68 : i32
    %dma_start3A_70 = tpu.memref_slice %arg3[%add3A_69] : memref<335872xi32, #tpu.memory_space<hbm>> -> memref<128xi32, #tpu.memory_space<hbm>>
    %dma_start3A_71 = tpu.memref_slice %arg3[%add3A_69] : memref<335872xi32, #tpu.memory_space<hbm>> -> memref<128xi32, #tpu.memory_space<hbm>>
    tpu.enqueue_dma source(%dma_start3A_71 : memref<128xi32, #tpu.memory_space<hbm>>) target(%arg9 : memref<128xi32, #tpu.memory_space<vmem>>) target_semaphore(%arg19 : memref<!tpu.dma_semaphore, #tpu.memory_space<semaphore_mem>>)
    %dma_start3A_72 = tpu.memref_slice %arg4[%add3A_69] : memref<335872xi32, #tpu.memory_space<hbm>> -> memref<128xi32, #tpu.memory_space<hbm>>
    %dma_start3A_73 = tpu.memref_slice %arg4[%add3A_69] : memref<335872xi32, #tpu.memory_space<hbm>> -> memref<128xi32, #tpu.memory_space<hbm>>
    tpu.enqueue_dma source(%dma_start3A_73 : memref<128xi32, #tpu.memory_space<hbm>>) target(%arg11 : memref<128xi32, #tpu.memory_space<vmem>>) target_semaphore(%arg19 : memref<!tpu.dma_semaphore, #tpu.memory_space<semaphore_mem>>)
    %dma_start3A_74 = tpu.memref_slice %arg5[%add3A_69] : memref<335872xf32, #tpu.memory_space<hbm>> -> memref<128xf32, #tpu.memory_space<hbm>>
    %dma_start3A_75 = tpu.memref_slice %arg5[%add3A_69] : memref<335872xf32, #tpu.memory_space<hbm>> -> memref<128xf32, #tpu.memory_space<hbm>>
    tpu.enqueue_dma source(%dma_start3A_75 : memref<128xf32, #tpu.memory_space<hbm>>) target(%arg13 : memref<128xf32, #tpu.memory_space<vmem>>) target_semaphore(%arg19 : memref<!tpu.dma_semaphore, #tpu.memory_space<semaphore_mem>>)
    %add3A_76 = arith.constant 0 : i32
    %add3A_77 = arith.addi %mul3A_60, %add3A_76 : i32
    %dma_wait3A = tpu.memref_slice %arg3[%add3A_77] : memref<335872xi32, #tpu.memory_space<hbm>> -> memref<128xi32, #tpu.memory_space<hbm>>
    %dma_wait3A_78 = tpu.memref_slice %arg3[%add3A_77] : memref<335872xi32, #tpu.memory_space<hbm>> -> memref<128xi32, #tpu.memory_space<hbm>>
    tpu.wait_dma2 semaphore(%arg18 : memref<!tpu.dma_semaphore, #tpu.memory_space<semaphore_mem>>) src(%dma_wait3A_78 : memref<128xi32, #tpu.memory_space<hbm>>) dst(%arg8 : memref<128xi32, #tpu.memory_space<vmem>>)
    %dma_wait3A_79 = tpu.memref_slice %arg4[%add3A_77] : memref<335872xi32, #tpu.memory_space<hbm>> -> memref<128xi32, #tpu.memory_space<hbm>>
    %dma_wait3A_80 = tpu.memref_slice %arg4[%add3A_77] : memref<335872xi32, #tpu.memory_space<hbm>> -> memref<128xi32, #tpu.memory_space<hbm>>
    tpu.wait_dma2 semaphore(%arg18 : memref<!tpu.dma_semaphore, #tpu.memory_space<semaphore_mem>>) src(%dma_wait3A_80 : memref<128xi32, #tpu.memory_space<hbm>>) dst(%arg10 : memref<128xi32, #tpu.memory_space<vmem>>)
    %dma_wait3A_81 = tpu.memref_slice %arg5[%add3A_77] : memref<335872xf32, #tpu.memory_space<hbm>> -> memref<128xf32, #tpu.memory_space<hbm>>
    %dma_wait3A_82 = tpu.memref_slice %arg5[%add3A_77] : memref<335872xf32, #tpu.memory_space<hbm>> -> memref<128xf32, #tpu.memory_space<hbm>>
    tpu.wait_dma2 semaphore(%arg18 : memref<!tpu.dma_semaphore, #tpu.memory_space<semaphore_mem>>) src(%dma_wait3A_82 : memref<128xf32, #tpu.memory_space<hbm>>) dst(%arg12 : memref<128xf32, #tpu.memory_space<vmem>>)
    %dma_start3A_83 = arith.constant 0 : i32
    %dma_start3A_84 = arith.constant 0 : i32
    %dma_start3A_85 = tpu.memref_slice %arg2[%dma_start3A_83, %dma_start3A_84] : memref<10240x128xf32, #tpu.memory_space<hbm>> -> memref<10240x128xf32, #tpu.memory_space<hbm>>
    tpu.enqueue_indirect_dma source(%dma_start3A_85 : memref<10240x128xf32, #tpu.memory_space<hbm>>) target(%arg16 : memref<128x128xf32, #tpu.memory_space<vmem>>) offsets(%arg8 : memref<128xi32, #tpu.memory_space<vmem>>) semaphore(%arg20 : memref<!tpu.dma_semaphore, #tpu.memory_space<semaphore_mem>>)
    %add3A_86 = arith.constant 128 : i32
    %add3A_87 = arith.addi %mul3A_60, %add3A_86 : i32
    %dma_wait3A_88 = tpu.memref_slice %arg3[%add3A_87] : memref<335872xi32, #tpu.memory_space<hbm>> -> memref<128xi32, #tpu.memory_space<hbm>>
    %dma_wait3A_89 = tpu.memref_slice %arg3[%add3A_87] : memref<335872xi32, #tpu.memory_space<hbm>> -> memref<128xi32, #tpu.memory_space<hbm>>
    tpu.wait_dma2 semaphore(%arg19 : memref<!tpu.dma_semaphore, #tpu.memory_space<semaphore_mem>>) src(%dma_wait3A_89 : memref<128xi32, #tpu.memory_space<hbm>>) dst(%arg9 : memref<128xi32, #tpu.memory_space<vmem>>)
    %dma_wait3A_90 = tpu.memref_slice %arg4[%add3A_87] : memref<335872xi32, #tpu.memory_space<hbm>> -> memref<128xi32, #tpu.memory_space<hbm>>
    %dma_wait3A_91 = tpu.memref_slice %arg4[%add3A_87] : memref<335872xi32, #tpu.memory_space<hbm>> -> memref<128xi32, #tpu.memory_space<hbm>>
    tpu.wait_dma2 semaphore(%arg19 : memref<!tpu.dma_semaphore, #tpu.memory_space<semaphore_mem>>) src(%dma_wait3A_91 : memref<128xi32, #tpu.memory_space<hbm>>) dst(%arg11 : memref<128xi32, #tpu.memory_space<vmem>>)
    %dma_wait3A_92 = tpu.memref_slice %arg5[%add3A_87] : memref<335872xf32, #tpu.memory_space<hbm>> -> memref<128xf32, #tpu.memory_space<hbm>>
    %dma_wait3A_93 = tpu.memref_slice %arg5[%add3A_87] : memref<335872xf32, #tpu.memory_space<hbm>> -> memref<128xf32, #tpu.memory_space<hbm>>
    tpu.wait_dma2 semaphore(%arg19 : memref<!tpu.dma_semaphore, #tpu.memory_space<semaphore_mem>>) src(%dma_wait3A_93 : memref<128xf32, #tpu.memory_space<hbm>>) dst(%arg13 : memref<128xf32, #tpu.memory_space<vmem>>)
    %dma_start3A_94 = arith.constant 0 : i32
    %dma_start3A_95 = arith.constant 0 : i32
    %dma_start3A_96 = tpu.memref_slice %arg2[%dma_start3A_94, %dma_start3A_95] : memref<10240x128xf32, #tpu.memory_space<hbm>> -> memref<10240x128xf32, #tpu.memory_space<hbm>>
    tpu.enqueue_indirect_dma source(%dma_start3A_96 : memref<10240x128xf32, #tpu.memory_space<hbm>>) target(%arg17 : memref<128x128xf32, #tpu.memory_space<vmem>>) offsets(%arg9 : memref<128xi32, #tpu.memory_space<vmem>>) semaphore(%arg21 : memref<!tpu.dma_semaphore, #tpu.memory_space<semaphore_mem>>)
    %dma_wait3A_97 = arith.constant 0 : i32
    %dma_wait3A_98 = arith.constant 0 : i32
    %dma_wait3A_99 = tpu.memref_slice %arg2[%dma_wait3A_97, %dma_wait3A_98] : memref<10240x128xf32, #tpu.memory_space<hbm>> -> memref<10240x128xf32, #tpu.memory_space<hbm>>
    tpu.wait_indirect_dma semaphore(%arg20 : memref<!tpu.dma_semaphore, #tpu.memory_space<semaphore_mem>>) src(%dma_wait3A_99 : memref<10240x128xf32, #tpu.memory_space<hbm>>) dst(%arg16 : memref<128x128xf32, #tpu.memory_space<vmem>>)
    %get3A = arith.constant 0 : index
    %get3A_100 = tpu.vector_load %arg10[%get3A] {strides = array<i32>} : memref<128xi32, #tpu.memory_space<vmem>>, vector<16xi32>,
    %swap3A = arith.constant 0 : index
    %swap3A_101 = tpu.vector_load %arg14[%swap3A] {strides = array<i32>} : memref<128xi32, #tpu.memory_space<vmem>>, vector<16xi32>,
    tpu.vector_store %arg14[%swap3A], %get3A_100 {strides = array<i32>} : memref<128xi32, #tpu.memory_space<vmem>>, vector<16xi32>,
    %get3A_102 = arith.constant 16 : index
    %get3A_103 = tpu.vector_load %arg10[%get3A_102] {strides = array<i32>} : memref<128xi32, #tpu.memory_space<vmem>>, vector<16xi32>,
    %swap3A_104 = arith.constant 16 : index
    %swap3A_105 = tpu.vector_load %arg14[%swap3A_104] {strides = array<i32>} : memref<128xi32, #tpu.memory_space<vmem>>, vector<16xi32>,
    tpu.vector_store %arg14[%swap3A_104], %get3A_103 {strides = array<i32>} : memref<128xi32, #tpu.memory_space<vmem>>, vector<16xi32>,
    %get3A_106 = arith.constant 32 : index
    %get3A_107 = tpu.vector_load %arg10[%get3A_106] {strides = array<i32>} : memref<128xi32, #tpu.memory_space<vmem>>, vector<16xi32>,
    %swap3A_108 = arith.constant 32 : index
    %swap3A_109 = tpu.vector_load %arg14[%swap3A_108] {strides = array<i32>} : memref<128xi32, #tpu.memory_space<vmem>>, vector<16xi32>,
    tpu.vector_store %arg14[%swap3A_108], %get3A_107 {strides = array<i32>} : memref<128xi32, #tpu.memory_space<vmem>>, vector<16xi32>,
    %get3A_110 = arith.constant 48 : index
    %get3A_111 = tpu.vector_load %arg10[%get3A_110] {strides = array<i32>} : memref<128xi32, #tpu.memory_space<vmem>>, vector<16xi32>,
    %swap3A_112 = arith.constant 48 : index
    %swap3A_113 = tpu.vector_load %arg14[%swap3A_112] {strides = array<i32>} : memref<128xi32, #tpu.memory_space<vmem>>, vector<16xi32>,
    tpu.vector_store %arg14[%swap3A_112], %get3A_111 {strides = array<i32>} : memref<128xi32, #tpu.memory_space<vmem>>, vector<16xi32>,
    %get3A_114 = arith.constant 64 : index
    %get3A_115 = tpu.vector_load %arg10[%get3A_114] {strides = array<i32>} : memref<128xi32, #tpu.memory_space<vmem>>, vector<16xi32>,
    %swap3A_116 = arith.constant 64 : index
    %swap3A_117 = tpu.vector_load %arg14[%swap3A_116] {strides = array<i32>} : memref<128xi32, #tpu.memory_space<vmem>>, vector<16xi32>,
    tpu.vector_store %arg14[%swap3A_116], %get3A_115 {strides = array<i32>} : memref<128xi32, #tpu.memory_space<vmem>>, vector<16xi32>,
    %get3A_118 = arith.constant 80 : index
    %get3A_119 = tpu.vector_load %arg10[%get3A_118] {strides = array<i32>} : memref<128xi32, #tpu.memory_space<vmem>>, vector<16xi32>,
    %swap3A_120 = arith.constant 80 : index
    %swap3A_121 = tpu.vector_load %arg14[%swap3A_120] {strides = array<i32>} : memref<128xi32, #tpu.memory_space<vmem>>, vector<16xi32>,
    tpu.vector_store %arg14[%swap3A_120], %get3A_119 {strides = array<i32>} : memref<128xi32, #tpu.memory_space<vmem>>, vector<16xi32>,
    %get3A_122 = arith.constant 96 : index
    %get3A_123 = tpu.vector_load %arg10[%get3A_122] {strides = array<i32>} : memref<128xi32, #tpu.memory_space<vmem>>, vector<16xi32>,
    %swap3A_124 = arith.constant 96 : index
    %swap3A_125 = tpu.vector_load %arg14[%swap3A_124] {strides = array<i32>} : memref<128xi32, #tpu.memory_space<vmem>>, vector<16xi32>,
    tpu.vector_store %arg14[%swap3A_124], %get3A_123 {strides = array<i32>} : memref<128xi32, #tpu.memory_space<vmem>>, vector<16xi32>,
    %get3A_126 = arith.constant 112 : index
    %get3A_127 = tpu.vector_load %arg10[%get3A_126] {strides = array<i32>} : memref<128xi32, #tpu.memory_space<vmem>>, vector<16xi32>,
    %swap3A_128 = arith.constant 112 : index
    %swap3A_129 = tpu.vector_load %arg14[%swap3A_128] {strides = array<i32>} : memref<128xi32, #tpu.memory_space<vmem>>, vector<16xi32>,
    tpu.vector_store %arg14[%swap3A_128], %get3A_127 {strides = array<i32>} : memref<128xi32, #tpu.memory_space<vmem>>, vector<16xi32>,
    %scan3A_130 = arith.constant 0 : i32
    %scan3A_131 = arith.constant 0 : i32
    %scan3A_132 = arith.constant 128 : i32
    %scan3A_133 = arith.addi %scan3A_131, %scan3A_132 : i32
    %scan3A_134 = arith.constant 1 : i32
    %scan3A_135 = scf.for %scan3A_276 = %scan3A_131 to %scan3A_133 step %scan3A_134 iter_args(%scan3A_277 = %scan3A_130) -> (i32)  : i32 {
      %broadcast_in_dim3A_278 = vector.broadcast %scan3A_276 : i32 to vector<16xi32>
      %gather3A = tpu.vector_load_idx %arg12[%broadcast_in_dim3A_278] : memref<128xf32, #tpu.memory_space<vmem>>[vector<16xi32>], vector<16xf32>,
      %get3A_279 = arith.index_cast %scan3A_276 : i32 to index
      %get3A_280 = arith.constant 0 : index
      %get3A_281 = tpu.vector_load %arg16[%get3A_279, %get3A_280] {strides = array<i32>} : memref<128x128xf32, #tpu.memory_space<vmem>>, vector<16xf32>,
      %mul3A_282 = arith.mulf %get3A_281, %gather3A : vector<16xf32>
      %swap3A_283 = arith.index_cast %scan3A_276 : i32 to index
      %swap3A_284 = arith.constant 0 : index
      %swap3A_285 = tpu.vector_load %arg16[%swap3A_283, %swap3A_284] {strides = array<i32>} : memref<128x128xf32, #tpu.memory_space<vmem>>, vector<16xf32>,
      tpu.vector_store %arg16[%swap3A_283, %swap3A_284], %mul3A_282 {strides = array<i32>} : memref<128x128xf32, #tpu.memory_space<vmem>>, vector<16xf32>,
      %get3A_286 = arith.index_cast %scan3A_276 : i32 to index
      %get3A_287 = arith.constant 16 : index
      %get3A_288 = tpu.vector_load %arg16[%get3A_286, %get3A_287] {strides = array<i32>} : memref<128x128xf32, #tpu.memory_space<vmem>>, vector<16xf32>,
      %mul3A_289 = arith.mulf %get3A_288, %gather3A : vector<16xf32>
      %swap3A_290 = arith.index_cast %scan3A_276 : i32 to index
      %swap3A_291 = arith.constant 16 : index
      %swap3A_292 = tpu.vector_load %arg16[%swap3A_290, %swap3A_291] {strides = array<i32>} : memref<128x128xf32, #tpu.memory_space<vmem>>, vector<16xf32>,
      tpu.vector_store %arg16[%swap3A_290, %swap3A_291], %mul3A_289 {strides = array<i32>} : memref<128x128xf32, #tpu.memory_space<vmem>>, vector<16xf32>,
      %get3A_293 = arith.index_cast %scan3A_276 : i32 to index
      %get3A_294 = arith.constant 32 : index
      %get3A_295 = tpu.vector_load %arg16[%get3A_293, %get3A_294] {strides = array<i32>} : memref<128x128xf32, #tpu.memory_space<vmem>>, vector<16xf32>,
      %mul3A_296 = arith.mulf %get3A_295, %gather3A : vector<16xf32>
      %swap3A_297 = arith.index_cast %scan3A_276 : i32 to index
      %swap3A_298 = arith.constant 32 : index
      %swap3A_299 = tpu.vector_load %arg16[%swap3A_297, %swap3A_298] {strides = array<i32>} : memref<128x128xf32, #tpu.memory_space<vmem>>, vector<16xf32>,
      tpu.vector_store %arg16[%swap3A_297, %swap3A_298], %mul3A_296 {strides = array<i32>} : memref<128x128xf32, #tpu.memory_space<vmem>>, vector<16xf32>,
      %get3A_300 = arith.index_cast %scan3A_276 : i32 to index
      %get3A_301 = arith.constant 48 : index
      %get3A_302 = tpu.vector_load %arg16[%get3A_300, %get3A_301] {strides = array<i32>} : memref<128x128xf32, #tpu.memory_space<vmem>>, vector<16xf32>,
      %mul3A_303 = arith.mulf %get3A_302, %gather3A : vector<16xf32>
      %swap3A_304 = arith.index_cast %scan3A_276 : i32 to index
      %swap3A_305 = arith.constant 48 : index
      %swap3A_306 = tpu.vector_load %arg16[%swap3A_304, %swap3A_305] {strides = array<i32>} : memref<128x128xf32, #tpu.memory_space<vmem>>, vector<16xf32>,
      tpu.vector_store %arg16[%swap3A_304, %swap3A_305], %mul3A_303 {strides = array<i32>} : memref<128x128xf32, #tpu.memory_space<vmem>>, vector<16xf32>,
      %get3A_307 = arith.index_cast %scan3A_276 : i32 to index
      %get3A_308 = arith.constant 64 : index
      %get3A_309 = tpu.vector_load %arg16[%get3A_307, %get3A_308] {strides = array<i32>} : memref<128x128xf32, #tpu.memory_space<vmem>>, vector<16xf32>,
      %mul3A_310 = arith.mulf %get3A_309, %gather3A : vector<16xf32>
      %swap3A_311 = arith.index_cast %scan3A_276 : i32 to index
      %swap3A_312 = arith.constant 64 : index
      %swap3A_313 = tpu.vector_load %arg16[%swap3A_311, %swap3A_312] {strides = array<i32>} : memref<128x128xf32, #tpu.memory_space<vmem>>, vector<16xf32>,
      tpu.vector_store %arg16[%swap3A_311, %swap3A_312], %mul3A_310 {strides = array<i32>} : memref<128x128xf32, #tpu.memory_space<vmem>>, vector<16xf32>,
      %get3A_314 = arith.index_cast %scan3A_276 : i32 to index
      %get3A_315 = arith.constant 80 : index
      %get3A_316 = tpu.vector_load %arg16[%get3A_314, %get3A_315] {strides = array<i32>} : memref<128x128xf32, #tpu.memory_space<vmem>>, vector<16xf32>,
      %mul3A_317 = arith.mulf %get3A_316, %gather3A : vector<16xf32>
      %swap3A_318 = arith.index_cast %scan3A_276 : i32 to index
      %swap3A_319 = arith.constant 80 : index
      %swap3A_320 = tpu.vector_load %arg16[%swap3A_318, %swap3A_319] {strides = array<i32>} : memref<128x128xf32, #tpu.memory_space<vmem>>, vector<16xf32>,
      tpu.vector_store %arg16[%swap3A_318, %swap3A_319], %mul3A_317 {strides = array<i32>} : memref<128x128xf32, #tpu.memory_space<vmem>>, vector<16xf32>,
      %get3A_321 = arith.index_cast %scan3A_276 : i32 to index
      %get3A_322 = arith.constant 96 : index
      %get3A_323 = tpu.vector_load %arg16[%get3A_321, %get3A_322] {strides = array<i32>} : memref<128x128xf32, #tpu.memory_space<vmem>>, vector<16xf32>,
      %mul3A_324 = arith.mulf %get3A_323, %gather3A : vector<16xf32>
      %swap3A_325 = arith.index_cast %scan3A_276 : i32 to index
      %swap3A_326 = arith.constant 96 : index
      %swap3A_327 = tpu.vector_load %arg16[%swap3A_325, %swap3A_326] {strides = array<i32>} : memref<128x128xf32, #tpu.memory_space<vmem>>, vector<16xf32>,
      tpu.vector_store %arg16[%swap3A_325, %swap3A_326], %mul3A_324 {strides = array<i32>} : memref<128x128xf32, #tpu.memory_space<vmem>>, vector<16xf32>,
      %get3A_328 = arith.index_cast %scan3A_276 : i32 to index
      %get3A_329 = arith.constant 112 : index
      %get3A_330 = tpu.vector_load %arg16[%get3A_328, %get3A_329] {strides = array<i32>} : memref<128x128xf32, #tpu.memory_space<vmem>>, vector<16xf32>,
      %mul3A_331 = arith.mulf %get3A_330, %gather3A : vector<16xf32>
      %swap3A_332 = arith.index_cast %scan3A_276 : i32 to index
      %swap3A_333 = arith.constant 112 : index
      %swap3A_334 = tpu.vector_load %arg16[%swap3A_332, %swap3A_333] {strides = array<i32>} : memref<128x128xf32, #tpu.memory_space<vmem>>, vector<16xf32>,
      tpu.vector_store %arg16[%swap3A_332, %swap3A_333], %mul3A_331 {strides = array<i32>} : memref<128x128xf32, #tpu.memory_space<vmem>>, vector<16xf32>,
      %scan3A_335 = arith.constant 0 : i32
      scf.yield %scan3A_335 : i32
    }
    %scan3A_136 = arith.constant 128 : i32
    %dma_start3A_137 = arith.constant 0 : i32
    %dma_start3A_138 = arith.constant 0 : i32
    %dma_start3A_139 = tpu.memref_slice %arg7[%dma_start3A_137, %dma_start3A_138] : memref<10240x128xf32, #tpu.memory_space<vmem_shared>> -> memref<10240x128xf32, #tpu.memory_space<vmem_shared>>
    tpu.enqueue_indirect_dma source(%arg16 : memref<128x128xf32, #tpu.memory_space<vmem>>) target(%dma_start3A_139 : memref<10240x128xf32, #tpu.memory_space<vmem_shared>>) offsets(%arg14 : memref<128xi32, #tpu.memory_space<vmem>>) semaphore(%arg22 : memref<!tpu.dma_semaphore, #tpu.memory_space<semaphore_mem>>) {add = true}
    %add3A_140 = arith.constant 256 : i32
    %add3A_141 = arith.addi %mul3A_60, %add3A_140 : i32
    %dma_start3A_142 = tpu.memref_slice %arg3[%add3A_141] : memref<335872xi32, #tpu.memory_space<hbm>> -> memref<128xi32, #tpu.memory_space<hbm>>
    %dma_start3A_143 = tpu.memref_slice %arg3[%add3A_141] : memref<335872xi32, #tpu.memory_space<hbm>> -> memref<128xi32, #tpu.memory_space<hbm>>
    tpu.enqueue_dma source(%dma_start3A_143 : memref<128xi32, #tpu.memory_space<hbm>>) target(%arg8 : memref<128xi32, #tpu.memory_space<vmem>>) target_semaphore(%arg18 : memref<!tpu.dma_semaphore, #tpu.memory_space<semaphore_mem>>)
    %dma_start3A_144 = tpu.memref_slice %arg4[%add3A_141] : memref<335872xi32, #tpu.memory_space<hbm>> -> memref<128xi32, #tpu.memory_space<hbm>>
    %dma_start3A_145 = tpu.memref_slice %arg4[%add3A_141] : memref<335872xi32, #tpu.memory_space<hbm>> -> memref<128xi32, #tpu.memory_space<hbm>>
    tpu.enqueue_dma source(%dma_start3A_145 : memref<128xi32, #tpu.memory_space<hbm>>) target(%arg10 : memref<128xi32, #tpu.memory_space<vmem>>) target_semaphore(%arg18 : memref<!tpu.dma_semaphore, #tpu.memory_space<semaphore_mem>>)
    %dma_start3A_146 = tpu.memref_slice %arg5[%add3A_141] : memref<335872xf32, #tpu.memory_space<hbm>> -> memref<128xf32, #tpu.memory_space<hbm>>
    %dma_start3A_147 = tpu.memref_slice %arg5[%add3A_141] : memref<335872xf32, #tpu.memory_space<hbm>> -> memref<128xf32, #tpu.memory_space<hbm>>
    tpu.enqueue_dma source(%dma_start3A_147 : memref<128xf32, #tpu.memory_space<hbm>>) target(%arg12 : memref<128xf32, #tpu.memory_space<vmem>>) target_semaphore(%arg18 : memref<!tpu.dma_semaphore, #tpu.memory_space<semaphore_mem>>)
    %sub3A = arith.constant 2 : i32
    %sub3A_148 = arith.subi %select_n3A, %sub3A : i32
    %jit3A_149 = arith.constant 2 : i32
    %div3A = arith.divsi %sub3A_148, %jit3A_149 : i32
    %sign3A = arith.constant 0 : i32
    %sign3A_150 = arith.cmpi sgt, %sub3A_148, %sign3A : i32
    %sign3A_151 = arith.extui %sign3A_150 : i1 to i32
    %sign3A_152 = arith.constant 0 : i32
    %sign3A_153 = arith.cmpi slt, %sub3A_148, %sign3A_152 : i32
    %sign3A_154 = arith.extui %sign3A_153 : i1 to i32
    %sign3A_155 = arith.subi %sign3A_151, %sign3A_154 : i32
    %sign3A_156 = arith.constant 0 : i32
    %sign3A_157 = arith.cmpi sgt, %jit3A_149, %sign3A_156 : i32
    %sign3A_158 = arith.extui %sign3A_157 : i1 to i32
    %sign3A_159 = arith.constant 0 : i32
    %sign3A_160 = arith.cmpi slt, %jit3A_149, %sign3A_159 : i32
    %sign3A_161 = arith.extui %sign3A_160 : i1 to i32
    %sign3A_162 = arith.subi %sign3A_158, %sign3A_161 : i32
    %ne3A = arith.cmpi ne, %sign3A_155, %sign3A_162 : i32
    %rem3A = arith.remsi %sub3A_148, %jit3A_149 : i32
    %ne3A_163 = arith.constant 0 : i32
    %ne3A_164 = arith.cmpi ne, %rem3A, %ne3A_163 : i32
    %and3A = arith.andi %ne3A, %ne3A_164 : i1
    %sub3A_165 = arith.constant 1 : i32
    %sub3A_166 = arith.subi %div3A, %sub3A_165 : i32
    %select_n3A_167 = arith.select %and3A, %sub3A_166, %div3A : i32
    %while3A = arith.constant 0 : i32
    %while3A_168 = arith.constant 0 : i32
    %while3A_169 = arith.subi %select_n3A_167, %while3A : i32
    %while3A_170 = arith.addi %while3A, %while3A_169 : i32
    %while3A_171 = arith.constant 1 : i32
    %while3A_172 = arith.divsi %while3A_169, %while3A_171 : i32
    %while3A_173 = arith.muli %while3A_172, %while3A_171 : i32
    %while3A_174 = arith.addi %while3A, %while3A_173 : i32
    %while3A_175 = arith.constant 1 : i32
    %while3A_176 = scf.for %while3A_276 = %while3A to %while3A_174 step %while3A_175 iter_args(%while3A_277 = %while3A_168) -> (i32)  : i32 {
      %mul3A_278 = arith.constant 2 : i32
      %mul3A_279 = arith.muli %mul3A_278, %while3A_276 : i32
      %add3A_280 = arith.constant 1 : i32
      %add3A_281 = arith.addi %mul3A_279, %add3A_280 : i32
      %add3A_282 = arith.constant 1 : i32
      %add3A_283 = arith.addi %add3A_281, %add3A_282 : i32
      %mul3A_284 = arith.constant 128 : i32
      %mul3A_285 = arith.muli %add3A_283, %mul3A_284 : i32
      %add3A_286 = arith.addi %mul3A_60, %mul3A_285 : i32
      %dma_wait3A_287 = tpu.memref_slice %arg3[%add3A_286] : memref<335872xi32, #tpu.memory_space<hbm>> -> memref<128xi32, #tpu.memory_space<hbm>>
      %dma_wait3A_288 = tpu.memref_slice %arg3[%add3A_286] : memref<335872xi32, #tpu.memory_space<hbm>> -> memref<128xi32, #tpu.memory_space<hbm>>
      tpu.wait_dma2 semaphore(%arg18 : memref<!tpu.dma_semaphore, #tpu.memory_space<semaphore_mem>>) src(%dma_wait3A_288 : memref<128xi32, #tpu.memory_space<hbm>>) dst(%arg8 : memref<128xi32, #tpu.memory_space<vmem>>)
      %dma_wait3A_289 = tpu.memref_slice %arg4[%add3A_286] : memref<335872xi32, #tpu.memory_space<hbm>> -> memref<128xi32, #tpu.memory_space<hbm>>
      %dma_wait3A_290 = tpu.memref_slice %arg4[%add3A_286] : memref<335872xi32, #tpu.memory_space<hbm>> -> memref<128xi32, #tpu.memory_space<hbm>>
      tpu.wait_dma2 semaphore(%arg18 : memref<!tpu.dma_semaphore, #tpu.memory_space<semaphore_mem>>) src(%dma_wait3A_290 : memref<128xi32, #tpu.memory_space<hbm>>) dst(%arg10 : memref<128xi32, #tpu.memory_space<vmem>>)
      %dma_wait3A_291 = tpu.memref_slice %arg5[%add3A_286] : memref<335872xf32, #tpu.memory_space<hbm>> -> memref<128xf32, #tpu.memory_space<hbm>>
      %dma_wait3A_292 = tpu.memref_slice %arg5[%add3A_286] : memref<335872xf32, #tpu.memory_space<hbm>> -> memref<128xf32, #tpu.memory_space<hbm>>
      tpu.wait_dma2 semaphore(%arg18 : memref<!tpu.dma_semaphore, #tpu.memory_space<semaphore_mem>>) src(%dma_wait3A_292 : memref<128xf32, #tpu.memory_space<hbm>>) dst(%arg12 : memref<128xf32, #tpu.memory_space<vmem>>)
      %dma_wait3A_293 = arith.constant 0 : i32
      %dma_wait3A_294 = arith.constant 0 : i32
      %dma_wait3A_295 = tpu.memref_slice %arg7[%dma_wait3A_293, %dma_wait3A_294] : memref<10240x128xf32, #tpu.memory_space<vmem_shared>> -> memref<10240x128xf32, #tpu.memory_space<vmem_shared>>
      tpu.wait_indirect_dma semaphore(%arg22 : memref<!tpu.dma_semaphore, #tpu.memory_space<semaphore_mem>>) src(%arg16 : memref<128x128xf32, #tpu.memory_space<vmem>>) dst(%dma_wait3A_295 : memref<10240x128xf32, #tpu.memory_space<vmem_shared>>)
      %dma_start3A_296 = arith.constant 0 : i32
      %dma_start3A_297 = arith.constant 0 : i32
      %dma_start3A_298 = tpu.memref_slice %arg2[%dma_start3A_296, %dma_start3A_297] : memref<10240x128xf32, #tpu.memory_space<hbm>> -> memref<10240x128xf32, #tpu.memory_space<hbm>>
      tpu.enqueue_indirect_dma source(%dma_start3A_298 : memref<10240x128xf32, #tpu.memory_space<hbm>>) target(%arg16 : memref<128x128xf32, #tpu.memory_space<vmem>>) offsets(%arg8 : memref<128xi32, #tpu.memory_space<vmem>>) semaphore(%arg20 : memref<!tpu.dma_semaphore, #tpu.memory_space<semaphore_mem>>)
      %dma_wait3A_299 = arith.constant 0 : i32
      %dma_wait3A_300 = arith.constant 0 : i32
      %dma_wait3A_301 = tpu.memref_slice %arg2[%dma_wait3A_299, %dma_wait3A_300] : memref<10240x128xf32, #tpu.memory_space<hbm>> -> memref<10240x128xf32, #tpu.memory_space<hbm>>
      tpu.wait_indirect_dma semaphore(%arg21 : memref<!tpu.dma_semaphore, #tpu.memory_space<semaphore_mem>>) src(%dma_wait3A_301 : memref<10240x128xf32, #tpu.memory_space<hbm>>) dst(%arg17 : memref<128x128xf32, #tpu.memory_space<vmem>>)
      %get3A_302 = arith.constant 0 : index
      %get3A_303 = tpu.vector_load %arg11[%get3A_302] {strides = array<i32>} : memref<128xi32, #tpu.memory_space<vmem>>, vector<16xi32>,
      %swap3A_304 = arith.constant 0 : index
      %swap3A_305 = tpu.vector_load %arg15[%swap3A_304] {strides = array<i32>} : memref<128xi32, #tpu.memory_space<vmem>>, vector<16xi32>,
      tpu.vector_store %arg15[%swap3A_304], %get3A_303 {strides = array<i32>} : memref<128xi32, #tpu.memory_space<vmem>>, vector<16xi32>,
      %get3A_306 = arith.constant 16 : index
      %get3A_307 = tpu.vector_load %arg11[%get3A_306] {strides = array<i32>} : memref<128xi32, #tpu.memory_space<vmem>>, vector<16xi32>,
      %swap3A_308 = arith.constant 16 : index
      %swap3A_309 = tpu.vector_load %arg15[%swap3A_308] {strides = array<i32>} : memref<128xi32, #tpu.memory_space<vmem>>, vector<16xi32>,
      tpu.vector_store %arg15[%swap3A_308], %get3A_307 {strides = array<i32>} : memref<128xi32, #tpu.memory_space<vmem>>, vector<16xi32>,
      %get3A_310 = arith.constant 32 : index
      %get3A_311 = tpu.vector_load %arg11[%get3A_310] {strides = array<i32>} : memref<128xi32, #tpu.memory_space<vmem>>, vector<16xi32>,
      %swap3A_312 = arith.constant 32 : index
      %swap3A_313 = tpu.vector_load %arg15[%swap3A_312] {strides = array<i32>} : memref<128xi32, #tpu.memory_space<vmem>>, vector<16xi32>,
      tpu.vector_store %arg15[%swap3A_312], %get3A_311 {strides = array<i32>} : memref<128xi32, #tpu.memory_space<vmem>>, vector<16xi32>,
      %get3A_314 = arith.constant 48 : index
      %get3A_315 = tpu.vector_load %arg11[%get3A_314] {strides = array<i32>} : memref<128xi32, #tpu.memory_space<vmem>>, vector<16xi32>,
      %swap3A_316 = arith.constant 48 : index
      %swap3A_317 = tpu.vector_load %arg15[%swap3A_316] {strides = array<i32>} : memref<128xi32, #tpu.memory_space<vmem>>, vector<16xi32>,
      tpu.vector_store %arg15[%swap3A_316], %get3A_315 {strides = array<i32>} : memref<128xi32, #tpu.memory_space<vmem>>, vector<16xi32>,
      %get3A_318 = arith.constant 64 : index
      %get3A_319 = tpu.vector_load %arg11[%get3A_318] {strides = array<i32>} : memref<128xi32, #tpu.memory_space<vmem>>, vector<16xi32>,
      %swap3A_320 = arith.constant 64 : index
      %swap3A_321 = tpu.vector_load %arg15[%swap3A_320] {strides = array<i32>} : memref<128xi32, #tpu.memory_space<vmem>>, vector<16xi32>,
      tpu.vector_store %arg15[%swap3A_320], %get3A_319 {strides = array<i32>} : memref<128xi32, #tpu.memory_space<vmem>>, vector<16xi32>,
      %get3A_322 = arith.constant 80 : index
      %get3A_323 = tpu.vector_load %arg11[%get3A_322] {strides = array<i32>} : memref<128xi32, #tpu.memory_space<vmem>>, vector<16xi32>,
      %swap3A_324 = arith.constant 80 : index
      %swap3A_325 = tpu.vector_load %arg15[%swap3A_324] {strides = array<i32>} : memref<128xi32, #tpu.memory_space<vmem>>, vector<16xi32>,
      tpu.vector_store %arg15[%swap3A_324], %get3A_323 {strides = array<i32>} : memref<128xi32, #tpu.memory_space<vmem>>, vector<16xi32>,
      %get3A_326 = arith.constant 96 : index
      %get3A_327 = tpu.vector_load %arg11[%get3A_326] {strides = array<i32>} : memref<128xi32, #tpu.memory_space<vmem>>, vector<16xi32>,
      %swap3A_328 = arith.constant 96 : index
      %swap3A_329 = tpu.vector_load %arg15[%swap3A_328] {strides = array<i32>} : memref<128xi32, #tpu.memory_space<vmem>>, vector<16xi32>,
      tpu.vector_store %arg15[%swap3A_328], %get3A_327 {strides = array<i32>} : memref<128xi32, #tpu.memory_space<vmem>>, vector<16xi32>,
      %get3A_330 = arith.constant 112 : index
      %get3A_331 = tpu.vector_load %arg11[%get3A_330] {strides = array<i32>} : memref<128xi32, #tpu.memory_space<vmem>>, vector<16xi32>,
      %swap3A_332 = arith.constant 112 : index
      %swap3A_333 = tpu.vector_load %arg15[%swap3A_332] {strides = array<i32>} : memref<128xi32, #tpu.memory_space<vmem>>, vector<16xi32>,
      tpu.vector_store %arg15[%swap3A_332], %get3A_331 {strides = array<i32>} : memref<128xi32, #tpu.memory_space<vmem>>, vector<16xi32>,
      %scan3A_334 = arith.constant 0 : i32
      %scan3A_335 = arith.constant 0 : i32
      %scan3A_336 = arith.constant 128 : i32
      %scan3A_337 = arith.addi %scan3A_335, %scan3A_336 : i32
      %scan3A_338 = arith.constant 1 : i32
      %scan3A_339 = scf.for %scan3A_433 = %scan3A_335 to %scan3A_337 step %scan3A_338 iter_args(%scan3A_434 = %scan3A_334) -> (i32)  : i32 {
        %broadcast_in_dim3A_435 = vector.broadcast %scan3A_433 : i32 to vector<16xi32>
        %gather3A = tpu.vector_load_idx %arg13[%broadcast_in_dim3A_435] : memref<128xf32, #tpu.memory_space<vmem>>[vector<16xi32>], vector<16xf32>,
        %get3A_436 = arith.index_cast %scan3A_433 : i32 to index
        %get3A_437 = arith.constant 0 : index
        %get3A_438 = tpu.vector_load %arg17[%get3A_436, %get3A_437] {strides = array<i32>} : memref<128x128xf32, #tpu.memory_space<vmem>>, vector<16xf32>,
        %mul3A_439 = arith.mulf %get3A_438, %gather3A : vector<16xf32>
        %swap3A_440 = arith.index_cast %scan3A_433 : i32 to index
        %swap3A_441 = arith.constant 0 : index
        %swap3A_442 = tpu.vector_load %arg17[%swap3A_440, %swap3A_441] {strides = array<i32>} : memref<128x128xf32, #tpu.memory_space<vmem>>, vector<16xf32>,
        tpu.vector_store %arg17[%swap3A_440, %swap3A_441], %mul3A_439 {strides = array<i32>} : memref<128x128xf32, #tpu.memory_space<vmem>>, vector<16xf32>,
        %get3A_443 = arith.index_cast %scan3A_433 : i32 to index
        %get3A_444 = arith.constant 16 : index
        %get3A_445 = tpu.vector_load %arg17[%get3A_443, %get3A_444] {strides = array<i32>} : memref<128x128xf32, #tpu.memory_space<vmem>>, vector<16xf32>,
        %mul3A_446 = arith.mulf %get3A_445, %gather3A : vector<16xf32>
        %swap3A_447 = arith.index_cast %scan3A_433 : i32 to index
        %swap3A_448 = arith.constant 16 : index
        %swap3A_449 = tpu.vector_load %arg17[%swap3A_447, %swap3A_448] {strides = array<i32>} : memref<128x128xf32, #tpu.memory_space<vmem>>, vector<16xf32>,
        tpu.vector_store %arg17[%swap3A_447, %swap3A_448], %mul3A_446 {strides = array<i32>} : memref<128x128xf32, #tpu.memory_space<vmem>>, vector<16xf32>,
        %get3A_450 = arith.index_cast %scan3A_433 : i32 to index
        %get3A_451 = arith.constant 32 : index
        %get3A_452 = tpu.vector_load %arg17[%get3A_450, %get3A_451] {strides = array<i32>} : memref<128x128xf32, #tpu.memory_space<vmem>>, vector<16xf32>,
        %mul3A_453 = arith.mulf %get3A_452, %gather3A : vector<16xf32>
        %swap3A_454 = arith.index_cast %scan3A_433 : i32 to index
        %swap3A_455 = arith.constant 32 : index
        %swap3A_456 = tpu.vector_load %arg17[%swap3A_454, %swap3A_455] {strides = array<i32>} : memref<128x128xf32, #tpu.memory_space<vmem>>, vector<16xf32>,
        tpu.vector_store %arg17[%swap3A_454, %swap3A_455], %mul3A_453 {strides = array<i32>} : memref<128x128xf32, #tpu.memory_space<vmem>>, vector<16xf32>,
        %get3A_457 = arith.index_cast %scan3A_433 : i32 to index
        %get3A_458 = arith.constant 48 : index
        %get3A_459 = tpu.vector_load %arg17[%get3A_457, %get3A_458] {strides = array<i32>} : memref<128x128xf32, #tpu.memory_space<vmem>>, vector<16xf32>,
        %mul3A_460 = arith.mulf %get3A_459, %gather3A : vector<16xf32>
        %swap3A_461 = arith.index_cast %scan3A_433 : i32 to index
        %swap3A_462 = arith.constant 48 : index
        %swap3A_463 = tpu.vector_load %arg17[%swap3A_461, %swap3A_462] {strides = array<i32>} : memref<128x128xf32, #tpu.memory_space<vmem>>, vector<16xf32>,
        tpu.vector_store %arg17[%swap3A_461, %swap3A_462], %mul3A_460 {strides = array<i32>} : memref<128x128xf32, #tpu.memory_space<vmem>>, vector<16xf32>,
        %get3A_464 = arith.index_cast %scan3A_433 : i32 to index
        %get3A_465 = arith.constant 64 : index
        %get3A_466 = tpu.vector_load %arg17[%get3A_464, %get3A_465] {strides = array<i32>} : memref<128x128xf32, #tpu.memory_space<vmem>>, vector<16xf32>,
        %mul3A_467 = arith.mulf %get3A_466, %gather3A : vector<16xf32>
        %swap3A_468 = arith.index_cast %scan3A_433 : i32 to index
        %swap3A_469 = arith.constant 64 : index
        %swap3A_470 = tpu.vector_load %arg17[%swap3A_468, %swap3A_469] {strides = array<i32>} : memref<128x128xf32, #tpu.memory_space<vmem>>, vector<16xf32>,
        tpu.vector_store %arg17[%swap3A_468, %swap3A_469], %mul3A_467 {strides = array<i32>} : memref<128x128xf32, #tpu.memory_space<vmem>>, vector<16xf32>,
        %get3A_471 = arith.index_cast %scan3A_433 : i32 to index
        %get3A_472 = arith.constant 80 : index
        %get3A_473 = tpu.vector_load %arg17[%get3A_471, %get3A_472] {strides = array<i32>} : memref<128x128xf32, #tpu.memory_space<vmem>>, vector<16xf32>,
        %mul3A_474 = arith.mulf %get3A_473, %gather3A : vector<16xf32>
        %swap3A_475 = arith.index_cast %scan3A_433 : i32 to index
        %swap3A_476 = arith.constant 80 : index
        %swap3A_477 = tpu.vector_load %arg17[%swap3A_475, %swap3A_476] {strides = array<i32>} : memref<128x128xf32, #tpu.memory_space<vmem>>, vector<16xf32>,
        tpu.vector_store %arg17[%swap3A_475, %swap3A_476], %mul3A_474 {strides = array<i32>} : memref<128x128xf32, #tpu.memory_space<vmem>>, vector<16xf32>,
        %get3A_478 = arith.index_cast %scan3A_433 : i32 to index
        %get3A_479 = arith.constant 96 : index
        %get3A_480 = tpu.vector_load %arg17[%get3A_478, %get3A_479] {strides = array<i32>} : memref<128x128xf32, #tpu.memory_space<vmem>>, vector<16xf32>,
        %mul3A_481 = arith.mulf %get3A_480, %gather3A : vector<16xf32>
        %swap3A_482 = arith.index_cast %scan3A_433 : i32 to index
        %swap3A_483 = arith.constant 96 : index
        %swap3A_484 = tpu.vector_load %arg17[%swap3A_482, %swap3A_483] {strides = array<i32>} : memref<128x128xf32, #tpu.memory_space<vmem>>, vector<16xf32>,
        tpu.vector_store %arg17[%swap3A_482, %swap3A_483], %mul3A_481 {strides = array<i32>} : memref<128x128xf32, #tpu.memory_space<vmem>>, vector<16xf32>,
        %get3A_485 = arith.index_cast %scan3A_433 : i32 to index
        %get3A_486 = arith.constant 112 : index
        %get3A_487 = tpu.vector_load %arg17[%get3A_485, %get3A_486] {strides = array<i32>} : memref<128x128xf32, #tpu.memory_space<vmem>>, vector<16xf32>,
        %mul3A_488 = arith.mulf %get3A_487, %gather3A : vector<16xf32>
        %swap3A_489 = arith.index_cast %scan3A_433 : i32 to index
        %swap3A_490 = arith.constant 112 : index
        %swap3A_491 = tpu.vector_load %arg17[%swap3A_489, %swap3A_490] {strides = array<i32>} : memref<128x128xf32, #tpu.memory_space<vmem>>, vector<16xf32>,
        tpu.vector_store %arg17[%swap3A_489, %swap3A_490], %mul3A_488 {strides = array<i32>} : memref<128x128xf32, #tpu.memory_space<vmem>>, vector<16xf32>,
        %scan3A_492 = arith.constant 0 : i32
        scf.yield %scan3A_492 : i32
      }
      %scan3A_340 = arith.constant 128 : i32
      %dma_start3A_341 = arith.constant 0 : i32
      %dma_start3A_342 = arith.constant 0 : i32
      %dma_start3A_343 = tpu.memref_slice %arg7[%dma_start3A_341, %dma_start3A_342] : memref<10240x128xf32, #tpu.memory_space<vmem_shared>> -> memref<10240x128xf32, #tpu.memory_space<vmem_shared>>
      tpu.enqueue_indirect_dma source(%arg17 : memref<128x128xf32, #tpu.memory_space<vmem>>) target(%dma_start3A_343 : memref<10240x128xf32, #tpu.memory_space<vmem_shared>>) offsets(%arg15 : memref<128xi32, #tpu.memory_space<vmem>>) semaphore(%arg23 : memref<!tpu.dma_semaphore, #tpu.memory_space<semaphore_mem>>) {add = true}
      %add3A_344 = arith.constant 2 : i32
      %add3A_345 = arith.addi %add3A_281, %add3A_344 : i32
      %mul3A_346 = arith.constant 128 : i32
      %mul3A_347 = arith.muli %add3A_345, %mul3A_346 : i32
      %add3A_348 = arith.addi %mul3A_60, %mul3A_347 : i32
      %dma_start3A_349 = tpu.memref_slice %arg3[%add3A_348] : memref<335872xi32, #tpu.memory_space<hbm>> -> memref<128xi32, #tpu.memory_space<hbm>>
      %dma_start3A_350 = tpu.memref_slice %arg3[%add3A_348] : memref<335872xi32, #tpu.memory_space<hbm>> -> memref<128xi32, #tpu.memory_space<hbm>>
      tpu.enqueue_dma source(%dma_start3A_350 : memref<128xi32, #tpu.memory_space<hbm>>) target(%arg9 : memref<128xi32, #tpu.memory_space<vmem>>) target_semaphore(%arg19 : memref<!tpu.dma_semaphore, #tpu.memory_space<semaphore_mem>>)
      %dma_start3A_351 = tpu.memref_slice %arg4[%add3A_348] : memref<335872xi32, #tpu.memory_space<hbm>> -> memref<128xi32, #tpu.memory_space<hbm>>
      %dma_start3A_352 = tpu.memref_slice %arg4[%add3A_348] : memref<335872xi32, #tpu.memory_space<hbm>> -> memref<128xi32, #tpu.memory_space<hbm>>
      tpu.enqueue_dma source(%dma_start3A_352 : memref<128xi32, #tpu.memory_space<hbm>>) target(%arg11 : memref<128xi32, #tpu.memory_space<vmem>>) target_semaphore(%arg19 : memref<!tpu.dma_semaphore, #tpu.memory_space<semaphore_mem>>)
      %dma_start3A_353 = tpu.memref_slice %arg5[%add3A_348] : memref<335872xf32, #tpu.memory_space<hbm>> -> memref<128xf32, #tpu.memory_space<hbm>>
      %dma_start3A_354 = tpu.memref_slice %arg5[%add3A_348] : memref<335872xf32, #tpu.memory_space<hbm>> -> memref<128xf32, #tpu.memory_space<hbm>>
      tpu.enqueue_dma source(%dma_start3A_354 : memref<128xf32, #tpu.memory_space<hbm>>) target(%arg13 : memref<128xf32, #tpu.memory_space<vmem>>) target_semaphore(%arg19 : memref<!tpu.dma_semaphore, #tpu.memory_space<semaphore_mem>>)
      %mul3A_355 = arith.constant 2 : i32
      %mul3A_356 = arith.muli %mul3A_355, %while3A_276 : i32
      %add3A_357 = arith.constant 2 : i32
      %add3A_358 = arith.addi %mul3A_356, %add3A_357 : i32
      %add3A_359 = arith.constant 1 : i32
      %add3A_360 = arith.addi %add3A_358, %add3A_359 : i32
      %mul3A_361 = arith.constant 128 : i32
      %mul3A_362 = arith.muli %add3A_360, %mul3A_361 : i32
      %add3A_363 = arith.addi %mul3A_60, %mul3A_362 : i32
      %dma_wait3A_364 = tpu.memref_slice %arg3[%add3A_363] : memref<335872xi32, #tpu.memory_space<hbm>> -> memref<128xi32, #tpu.memory_space<hbm>>
      %dma_wait3A_365 = tpu.memref_slice %arg3[%add3A_363] : memref<335872xi32, #tpu.memory_space<hbm>> -> memref<128xi32, #tpu.memory_space<hbm>>
      tpu.wait_dma2 semaphore(%arg19 : memref<!tpu.dma_semaphore, #tpu.memory_space<semaphore_mem>>) src(%dma_wait3A_365 : memref<128xi32, #tpu.memory_space<hbm>>) dst(%arg9 : memref<128xi32, #tpu.memory_space<vmem>>)
      %dma_wait3A_366 = tpu.memref_slice %arg4[%add3A_363] : memref<335872xi32, #tpu.memory_space<hbm>> -> memref<128xi32, #tpu.memory_space<hbm>>
      %dma_wait3A_367 = tpu.memref_slice %arg4[%add3A_363] : memref<335872xi32, #tpu.memory_space<hbm>> -> memref<128xi32, #tpu.memory_space<hbm>>
      tpu.wait_dma2 semaphore(%arg19 : memref<!tpu.dma_semaphore, #tpu.memory_space<semaphore_mem>>) src(%dma_wait3A_367 : memref<128xi32, #tpu.memory_space<hbm>>) dst(%arg11 : memref<128xi32, #tpu.memory_space<vmem>>)
      %dma_wait3A_368 = tpu.memref_slice %arg5[%add3A_363] : memref<335872xf32, #tpu.memory_space<hbm>> -> memref<128xf32, #tpu.memory_space<hbm>>
      %dma_wait3A_369 = tpu.memref_slice %arg5[%add3A_363] : memref<335872xf32, #tpu.memory_space<hbm>> -> memref<128xf32, #tpu.memory_space<hbm>>
      tpu.wait_dma2 semaphore(%arg19 : memref<!tpu.dma_semaphore, #tpu.memory_space<semaphore_mem>>) src(%dma_wait3A_369 : memref<128xf32, #tpu.memory_space<hbm>>) dst(%arg13 : memref<128xf32, #tpu.memory_space<vmem>>)
      %dma_wait3A_370 = arith.constant 0 : i32
      %dma_wait3A_371 = arith.constant 0 : i32
      %dma_wait3A_372 = tpu.memref_slice %arg7[%dma_wait3A_370, %dma_wait3A_371] : memref<10240x128xf32, #tpu.memory_space<vmem_shared>> -> memref<10240x128xf32, #tpu.memory_space<vmem_shared>>
      tpu.wait_indirect_dma semaphore(%arg23 : memref<!tpu.dma_semaphore, #tpu.memory_space<semaphore_mem>>) src(%arg17 : memref<128x128xf32, #tpu.memory_space<vmem>>) dst(%dma_wait3A_372 : memref<10240x128xf32, #tpu.memory_space<vmem_shared>>)
      %dma_start3A_373 = arith.constant 0 : i32
      %dma_start3A_374 = arith.constant 0 : i32
      %dma_start3A_375 = tpu.memref_slice %arg2[%dma_start3A_373, %dma_start3A_374] : memref<10240x128xf32, #tpu.memory_space<hbm>> -> memref<10240x128xf32, #tpu.memory_space<hbm>>
      tpu.enqueue_indirect_dma source(%dma_start3A_375 : memref<10240x128xf32, #tpu.memory_space<hbm>>) target(%arg17 : memref<128x128xf32, #tpu.memory_space<vmem>>) offsets(%arg9 : memref<128xi32, #tpu.memory_space<vmem>>) semaphore(%arg21 : memref<!tpu.dma_semaphore, #tpu.memory_space<semaphore_mem>>)
      %dma_wait3A_376 = arith.constant 0 : i32
      %dma_wait3A_377 = arith.constant 0 : i32
      %dma_wait3A_378 = tpu.memref_slice %arg2[%dma_wait3A_376, %dma_wait3A_377] : memref<10240x128xf32, #tpu.memory_space<hbm>> -> memref<10240x128xf32, #tpu.memory_space<hbm>>
      tpu.wait_indirect_dma semaphore(%arg20 : memref<!tpu.dma_semaphore, #tpu.memory_space<semaphore_mem>>) src(%dma_wait3A_378 : memref<10240x128xf32, #tpu.memory_space<hbm>>) dst(%arg16 : memref<128x128xf32, #tpu.memory_space<vmem>>)
      %get3A_379 = arith.constant 0 : index
      %get3A_380 = tpu.vector_load %arg10[%get3A_379] {strides = array<i32>} : memref<128xi32, #tpu.memory_space<vmem>>, vector<16xi32>,
      %swap3A_381 = arith.constant 0 : index
      %swap3A_382 = tpu.vector_load %arg14[%swap3A_381] {strides = array<i32>} : memref<128xi32, #tpu.memory_space<vmem>>, vector<16xi32>,
      tpu.vector_store %arg14[%swap3A_381], %get3A_380 {strides = array<i32>} : memref<128xi32, #tpu.memory_space<vmem>>, vector<16xi32>,
      %get3A_383 = arith.constant 16 : index
      %get3A_384 = tpu.vector_load %arg10[%get3A_383] {strides = array<i32>} : memref<128xi32, #tpu.memory_space<vmem>>, vector<16xi32>,
      %swap3A_385 = arith.constant 16 : index
      %swap3A_386 = tpu.vector_load %arg14[%swap3A_385] {strides = array<i32>} : memref<128xi32, #tpu.memory_space<vmem>>, vector<16xi32>,
      tpu.vector_store %arg14[%swap3A_385], %get3A_384 {strides = array<i32>} : memref<128xi32, #tpu.memory_space<vmem>>, vector<16xi32>,
      %get3A_387 = arith.constant 32 : index
      %get3A_388 = tpu.vector_load %arg10[%get3A_387] {strides = array<i32>} : memref<128xi32, #tpu.memory_space<vmem>>, vector<16xi32>,
      %swap3A_389 = arith.constant 32 : index
      %swap3A_390 = tpu.vector_load %arg14[%swap3A_389] {strides = array<i32>} : memref<128xi32, #tpu.memory_space<vmem>>, vector<16xi32>,
      tpu.vector_store %arg14[%swap3A_389], %get3A_388 {strides = array<i32>} : memref<128xi32, #tpu.memory_space<vmem>>, vector<16xi32>,
      %get3A_391 = arith.constant 48 : index
      %get3A_392 = tpu.vector_load %arg10[%get3A_391] {strides = array<i32>} : memref<128xi32, #tpu.memory_space<vmem>>, vector<16xi32>,
      %swap3A_393 = arith.constant 48 : index
      %swap3A_394 = tpu.vector_load %arg14[%swap3A_393] {strides = array<i32>} : memref<128xi32, #tpu.memory_space<vmem>>, vector<16xi32>,
      tpu.vector_store %arg14[%swap3A_393], %get3A_392 {strides = array<i32>} : memref<128xi32, #tpu.memory_space<vmem>>, vector<16xi32>,
      %get3A_395 = arith.constant 64 : index
      %get3A_396 = tpu.vector_load %arg10[%get3A_395] {strides = array<i32>} : memref<128xi32, #tpu.memory_space<vmem>>, vector<16xi32>,
      %swap3A_397 = arith.constant 64 : index
      %swap3A_398 = tpu.vector_load %arg14[%swap3A_397] {strides = array<i32>} : memref<128xi32, #tpu.memory_space<vmem>>, vector<16xi32>,
      tpu.vector_store %arg14[%swap3A_397], %get3A_396 {strides = array<i32>} : memref<128xi32, #tpu.memory_space<vmem>>, vector<16xi32>,
      %get3A_399 = arith.constant 80 : index
      %get3A_400 = tpu.vector_load %arg10[%get3A_399] {strides = array<i32>} : memref<128xi32, #tpu.memory_space<vmem>>, vector<16xi32>,
      %swap3A_401 = arith.constant 80 : index
      %swap3A_402 = tpu.vector_load %arg14[%swap3A_401] {strides = array<i32>} : memref<128xi32, #tpu.memory_space<vmem>>, vector<16xi32>,
      tpu.vector_store %arg14[%swap3A_401], %get3A_400 {strides = array<i32>} : memref<128xi32, #tpu.memory_space<vmem>>, vector<16xi32>,
      %get3A_403 = arith.constant 96 : index
      %get3A_404 = tpu.vector_load %arg10[%get3A_403] {strides = array<i32>} : memref<128xi32, #tpu.memory_space<vmem>>, vector<16xi32>,
      %swap3A_405 = arith.constant 96 : index
      %swap3A_406 = tpu.vector_load %arg14[%swap3A_405] {strides = array<i32>} : memref<128xi32, #tpu.memory_space<vmem>>, vector<16xi32>,
      tpu.vector_store %arg14[%swap3A_405], %get3A_404 {strides = array<i32>} : memref<128xi32, #tpu.memory_space<vmem>>, vector<16xi32>,
      %get3A_407 = arith.constant 112 : index
      %get3A_408 = tpu.vector_load %arg10[%get3A_407] {strides = array<i32>} : memref<128xi32, #tpu.memory_space<vmem>>, vector<16xi32>,
      %swap3A_409 = arith.constant 112 : index
      %swap3A_410 = tpu.vector_load %arg14[%swap3A_409] {strides = array<i32>} : memref<128xi32, #tpu.memory_space<vmem>>, vector<16xi32>,
      tpu.vector_store %arg14[%swap3A_409], %get3A_408 {strides = array<i32>} : memref<128xi32, #tpu.memory_space<vmem>>, vector<16xi32>,
      %scan3A_411 = arith.constant 0 : i32
      %scan3A_412 = arith.constant 0 : i32
      %scan3A_413 = arith.constant 128 : i32
      %scan3A_414 = arith.addi %scan3A_412, %scan3A_413 : i32
      %scan3A_415 = arith.constant 1 : i32
      %scan3A_416 = scf.for %scan3A_433 = %scan3A_412 to %scan3A_414 step %scan3A_415 iter_args(%scan3A_434 = %scan3A_411) -> (i32)  : i32 {
        %broadcast_in_dim3A_435 = vector.broadcast %scan3A_433 : i32 to vector<16xi32>
        %gather3A = tpu.vector_load_idx %arg12[%broadcast_in_dim3A_435] : memref<128xf32, #tpu.memory_space<vmem>>[vector<16xi32>], vector<16xf32>,
        %get3A_436 = arith.index_cast %scan3A_433 : i32 to index
        %get3A_437 = arith.constant 0 : index
        %get3A_438 = tpu.vector_load %arg16[%get3A_436, %get3A_437] {strides = array<i32>} : memref<128x128xf32, #tpu.memory_space<vmem>>, vector<16xf32>,
        %mul3A_439 = arith.mulf %get3A_438, %gather3A : vector<16xf32>
        %swap3A_440 = arith.index_cast %scan3A_433 : i32 to index
        %swap3A_441 = arith.constant 0 : index
        %swap3A_442 = tpu.vector_load %arg16[%swap3A_440, %swap3A_441] {strides = array<i32>} : memref<128x128xf32, #tpu.memory_space<vmem>>, vector<16xf32>,
        tpu.vector_store %arg16[%swap3A_440, %swap3A_441], %mul3A_439 {strides = array<i32>} : memref<128x128xf32, #tpu.memory_space<vmem>>, vector<16xf32>,
        %get3A_443 = arith.index_cast %scan3A_433 : i32 to index
        %get3A_444 = arith.constant 16 : index
        %get3A_445 = tpu.vector_load %arg16[%get3A_443, %get3A_444] {strides = array<i32>} : memref<128x128xf32, #tpu.memory_space<vmem>>, vector<16xf32>,
        %mul3A_446 = arith.mulf %get3A_445, %gather3A : vector<16xf32>
        %swap3A_447 = arith.index_cast %scan3A_433 : i32 to index
        %swap3A_448 = arith.constant 16 : index
        %swap3A_449 = tpu.vector_load %arg16[%swap3A_447, %swap3A_448] {strides = array<i32>} : memref<128x128xf32, #tpu.memory_space<vmem>>, vector<16xf32>,
        tpu.vector_store %arg16[%swap3A_447, %swap3A_448], %mul3A_446 {strides = array<i32>} : memref<128x128xf32, #tpu.memory_space<vmem>>, vector<16xf32>,
        %get3A_450 = arith.index_cast %scan3A_433 : i32 to index
        %get3A_451 = arith.constant 32 : index
        %get3A_452 = tpu.vector_load %arg16[%get3A_450, %get3A_451] {strides = array<i32>} : memref<128x128xf32, #tpu.memory_space<vmem>>, vector<16xf32>,
        %mul3A_453 = arith.mulf %get3A_452, %gather3A : vector<16xf32>
        %swap3A_454 = arith.index_cast %scan3A_433 : i32 to index
        %swap3A_455 = arith.constant 32 : index
        %swap3A_456 = tpu.vector_load %arg16[%swap3A_454, %swap3A_455] {strides = array<i32>} : memref<128x128xf32, #tpu.memory_space<vmem>>, vector<16xf32>,
        tpu.vector_store %arg16[%swap3A_454, %swap3A_455], %mul3A_453 {strides = array<i32>} : memref<128x128xf32, #tpu.memory_space<vmem>>, vector<16xf32>,
        %get3A_457 = arith.index_cast %scan3A_433 : i32 to index
        %get3A_458 = arith.constant 48 : index
        %get3A_459 = tpu.vector_load %arg16[%get3A_457, %get3A_458] {strides = array<i32>} : memref<128x128xf32, #tpu.memory_space<vmem>>, vector<16xf32>,
        %mul3A_460 = arith.mulf %get3A_459, %gather3A : vector<16xf32>
        %swap3A_461 = arith.index_cast %scan3A_433 : i32 to index
        %swap3A_462 = arith.constant 48 : index
        %swap3A_463 = tpu.vector_load %arg16[%swap3A_461, %swap3A_462] {strides = array<i32>} : memref<128x128xf32, #tpu.memory_space<vmem>>, vector<16xf32>,
        tpu.vector_store %arg16[%swap3A_461, %swap3A_462], %mul3A_460 {strides = array<i32>} : memref<128x128xf32, #tpu.memory_space<vmem>>, vector<16xf32>,
        %get3A_464 = arith.index_cast %scan3A_433 : i32 to index
        %get3A_465 = arith.constant 64 : index
        %get3A_466 = tpu.vector_load %arg16[%get3A_464, %get3A_465] {strides = array<i32>} : memref<128x128xf32, #tpu.memory_space<vmem>>, vector<16xf32>,
        %mul3A_467 = arith.mulf %get3A_466, %gather3A : vector<16xf32>
        %swap3A_468 = arith.index_cast %scan3A_433 : i32 to index
        %swap3A_469 = arith.constant 64 : index
        %swap3A_470 = tpu.vector_load %arg16[%swap3A_468, %swap3A_469] {strides = array<i32>} : memref<128x128xf32, #tpu.memory_space<vmem>>, vector<16xf32>,
        tpu.vector_store %arg16[%swap3A_468, %swap3A_469], %mul3A_467 {strides = array<i32>} : memref<128x128xf32, #tpu.memory_space<vmem>>, vector<16xf32>,
        %get3A_471 = arith.index_cast %scan3A_433 : i32 to index
        %get3A_472 = arith.constant 80 : index
        %get3A_473 = tpu.vector_load %arg16[%get3A_471, %get3A_472] {strides = array<i32>} : memref<128x128xf32, #tpu.memory_space<vmem>>, vector<16xf32>,
        %mul3A_474 = arith.mulf %get3A_473, %gather3A : vector<16xf32>
        %swap3A_475 = arith.index_cast %scan3A_433 : i32 to index
        %swap3A_476 = arith.constant 80 : index
        %swap3A_477 = tpu.vector_load %arg16[%swap3A_475, %swap3A_476] {strides = array<i32>} : memref<128x128xf32, #tpu.memory_space<vmem>>, vector<16xf32>,
        tpu.vector_store %arg16[%swap3A_475, %swap3A_476], %mul3A_474 {strides = array<i32>} : memref<128x128xf32, #tpu.memory_space<vmem>>, vector<16xf32>,
        %get3A_478 = arith.index_cast %scan3A_433 : i32 to index
        %get3A_479 = arith.constant 96 : index
        %get3A_480 = tpu.vector_load %arg16[%get3A_478, %get3A_479] {strides = array<i32>} : memref<128x128xf32, #tpu.memory_space<vmem>>, vector<16xf32>,
        %mul3A_481 = arith.mulf %get3A_480, %gather3A : vector<16xf32>
        %swap3A_482 = arith.index_cast %scan3A_433 : i32 to index
        %swap3A_483 = arith.constant 96 : index
        %swap3A_484 = tpu.vector_load %arg16[%swap3A_482, %swap3A_483] {strides = array<i32>} : memref<128x128xf32, #tpu.memory_space<vmem>>, vector<16xf32>,
        tpu.vector_store %arg16[%swap3A_482, %swap3A_483], %mul3A_481 {strides = array<i32>} : memref<128x128xf32, #tpu.memory_space<vmem>>, vector<16xf32>,
        %get3A_485 = arith.index_cast %scan3A_433 : i32 to index
        %get3A_486 = arith.constant 112 : index
        %get3A_487 = tpu.vector_load %arg16[%get3A_485, %get3A_486] {strides = array<i32>} : memref<128x128xf32, #tpu.memory_space<vmem>>, vector<16xf32>,
        %mul3A_488 = arith.mulf %get3A_487, %gather3A : vector<16xf32>
        %swap3A_489 = arith.index_cast %scan3A_433 : i32 to index
        %swap3A_490 = arith.constant 112 : index
        %swap3A_491 = tpu.vector_load %arg16[%swap3A_489, %swap3A_490] {strides = array<i32>} : memref<128x128xf32, #tpu.memory_space<vmem>>, vector<16xf32>,
        tpu.vector_store %arg16[%swap3A_489, %swap3A_490], %mul3A_488 {strides = array<i32>} : memref<128x128xf32, #tpu.memory_space<vmem>>, vector<16xf32>,
        %scan3A_492 = arith.constant 0 : i32
        scf.yield %scan3A_492 : i32
      }
      %scan3A_417 = arith.constant 128 : i32
      %dma_start3A_418 = arith.constant 0 : i32
      %dma_start3A_419 = arith.constant 0 : i32
      %dma_start3A_420 = tpu.memref_slice %arg7[%dma_start3A_418, %dma_start3A_419] : memref<10240x128xf32, #tpu.memory_space<vmem_shared>> -> memref<10240x128xf32, #tpu.memory_space<vmem_shared>>
      tpu.enqueue_indirect_dma source(%arg16 : memref<128x128xf32, #tpu.memory_space<vmem>>) target(%dma_start3A_420 : memref<10240x128xf32, #tpu.memory_space<vmem_shared>>) offsets(%arg14 : memref<128xi32, #tpu.memory_space<vmem>>) semaphore(%arg22 : memref<!tpu.dma_semaphore, #tpu.memory_space<semaphore_mem>>) {add = true}
      %add3A_421 = arith.constant 2 : i32
      %add3A_422 = arith.addi %add3A_358, %add3A_421 : i32
      %mul3A_423 = arith.constant 128 : i32
      %mul3A_424 = arith.muli %add3A_422, %mul3A_423 : i32
      %add3A_425 = arith.addi %mul3A_60, %mul3A_424 : i32
      %dma_start3A_426 = tpu.memref_slice %arg3[%add3A_425] : memref<335872xi32, #tpu.memory_space<hbm>> -> memref<128xi32, #tpu.memory_space<hbm>>
      %dma_start3A_427 = tpu.memref_slice %arg3[%add3A_425] : memref<335872xi32, #tpu.memory_space<hbm>> -> memref<128xi32, #tpu.memory_space<hbm>>
      tpu.enqueue_dma source(%dma_start3A_427 : memref<128xi32, #tpu.memory_space<hbm>>) target(%arg8 : memref<128xi32, #tpu.memory_space<vmem>>) target_semaphore(%arg18 : memref<!tpu.dma_semaphore, #tpu.memory_space<semaphore_mem>>)
      %dma_start3A_428 = tpu.memref_slice %arg4[%add3A_425] : memref<335872xi32, #tpu.memory_space<hbm>> -> memref<128xi32, #tpu.memory_space<hbm>>
      %dma_start3A_429 = tpu.memref_slice %arg4[%add3A_425] : memref<335872xi32, #tpu.memory_space<hbm>> -> memref<128xi32, #tpu.memory_space<hbm>>
      tpu.enqueue_dma source(%dma_start3A_429 : memref<128xi32, #tpu.memory_space<hbm>>) target(%arg10 : memref<128xi32, #tpu.memory_space<vmem>>) target_semaphore(%arg18 : memref<!tpu.dma_semaphore, #tpu.memory_space<semaphore_mem>>)
      %dma_start3A_430 = tpu.memref_slice %arg5[%add3A_425] : memref<335872xf32, #tpu.memory_space<hbm>> -> memref<128xf32, #tpu.memory_space<hbm>>
      %dma_start3A_431 = tpu.memref_slice %arg5[%add3A_425] : memref<335872xf32, #tpu.memory_space<hbm>> -> memref<128xf32, #tpu.memory_space<hbm>>
      tpu.enqueue_dma source(%dma_start3A_431 : memref<128xf32, #tpu.memory_space<hbm>>) target(%arg12 : memref<128xf32, #tpu.memory_space<vmem>>) target_semaphore(%arg18 : memref<!tpu.dma_semaphore, #tpu.memory_space<semaphore_mem>>)
      %while3A_432 = arith.constant 0 : i32
      scf.yield %while3A_432 : i32
    }
    %while3A_177 = arith.constant 1 : i32
    %while3A_178 = scf.for %while3A_276 = %while3A_174 to %while3A_170 step %while3A_177 iter_args(%while3A_277 = %while3A_176) -> (i32)  : i32 {
      %mul3A_278 = arith.constant 2 : i32
      %mul3A_279 = arith.muli %mul3A_278, %while3A_276 : i32
      %add3A_280 = arith.constant 1 : i32
      %add3A_281 = arith.addi %mul3A_279, %add3A_280 : i32
      %add3A_282 = arith.constant 1 : i32
      %add3A_283 = arith.addi %add3A_281, %add3A_282 : i32
      %mul3A_284 = arith.constant 128 : i32
      %mul3A_285 = arith.muli %add3A_283, %mul3A_284 : i32
      %add3A_286 = arith.addi %mul3A_60, %mul3A_285 : i32
      %dma_wait3A_287 = tpu.memref_slice %arg3[%add3A_286] : memref<335872xi32, #tpu.memory_space<hbm>> -> memref<128xi32, #tpu.memory_space<hbm>>
      %dma_wait3A_288 = tpu.memref_slice %arg3[%add3A_286] : memref<335872xi32, #tpu.memory_space<hbm>> -> memref<128xi32, #tpu.memory_space<hbm>>
      tpu.wait_dma2 semaphore(%arg18 : memref<!tpu.dma_semaphore, #tpu.memory_space<semaphore_mem>>) src(%dma_wait3A_288 : memref<128xi32, #tpu.memory_space<hbm>>) dst(%arg8 : memref<128xi32, #tpu.memory_space<vmem>>)
      %dma_wait3A_289 = tpu.memref_slice %arg4[%add3A_286] : memref<335872xi32, #tpu.memory_space<hbm>> -> memref<128xi32, #tpu.memory_space<hbm>>
      %dma_wait3A_290 = tpu.memref_slice %arg4[%add3A_286] : memref<335872xi32, #tpu.memory_space<hbm>> -> memref<128xi32, #tpu.memory_space<hbm>>
      tpu.wait_dma2 semaphore(%arg18 : memref<!tpu.dma_semaphore, #tpu.memory_space<semaphore_mem>>) src(%dma_wait3A_290 : memref<128xi32, #tpu.memory_space<hbm>>) dst(%arg10 : memref<128xi32, #tpu.memory_space<vmem>>)
      %dma_wait3A_291 = tpu.memref_slice %arg5[%add3A_286] : memref<335872xf32, #tpu.memory_space<hbm>> -> memref<128xf32, #tpu.memory_space<hbm>>
      %dma_wait3A_292 = tpu.memref_slice %arg5[%add3A_286] : memref<335872xf32, #tpu.memory_space<hbm>> -> memref<128xf32, #tpu.memory_space<hbm>>
      tpu.wait_dma2 semaphore(%arg18 : memref<!tpu.dma_semaphore, #tpu.memory_space<semaphore_mem>>) src(%dma_wait3A_292 : memref<128xf32, #tpu.memory_space<hbm>>) dst(%arg12 : memref<128xf32, #tpu.memory_space<vmem>>)
      %dma_wait3A_293 = arith.constant 0 : i32
      %dma_wait3A_294 = arith.constant 0 : i32
      %dma_wait3A_295 = tpu.memref_slice %arg7[%dma_wait3A_293, %dma_wait3A_294] : memref<10240x128xf32, #tpu.memory_space<vmem_shared>> -> memref<10240x128xf32, #tpu.memory_space<vmem_shared>>
      tpu.wait_indirect_dma semaphore(%arg22 : memref<!tpu.dma_semaphore, #tpu.memory_space<semaphore_mem>>) src(%arg16 : memref<128x128xf32, #tpu.memory_space<vmem>>) dst(%dma_wait3A_295 : memref<10240x128xf32, #tpu.memory_space<vmem_shared>>)
      %dma_start3A_296 = arith.constant 0 : i32
      %dma_start3A_297 = arith.constant 0 : i32
      %dma_start3A_298 = tpu.memref_slice %arg2[%dma_start3A_296, %dma_start3A_297] : memref<10240x128xf32, #tpu.memory_space<hbm>> -> memref<10240x128xf32, #tpu.memory_space<hbm>>
      tpu.enqueue_indirect_dma source(%dma_start3A_298 : memref<10240x128xf32, #tpu.memory_space<hbm>>) target(%arg16 : memref<128x128xf32, #tpu.memory_space<vmem>>) offsets(%arg8 : memref<128xi32, #tpu.memory_space<vmem>>) semaphore(%arg20 : memref<!tpu.dma_semaphore, #tpu.memory_space<semaphore_mem>>)
      %dma_wait3A_299 = arith.constant 0 : i32
      %dma_wait3A_300 = arith.constant 0 : i32
      %dma_wait3A_301 = tpu.memref_slice %arg2[%dma_wait3A_299, %dma_wait3A_300] : memref<10240x128xf32, #tpu.memory_space<hbm>> -> memref<10240x128xf32, #tpu.memory_space<hbm>>
      tpu.wait_indirect_dma semaphore(%arg21 : memref<!tpu.dma_semaphore, #tpu.memory_space<semaphore_mem>>) src(%dma_wait3A_301 : memref<10240x128xf32, #tpu.memory_space<hbm>>) dst(%arg17 : memref<128x128xf32, #tpu.memory_space<vmem>>)
      %get3A_302 = arith.constant 0 : index
      %get3A_303 = tpu.vector_load %arg11[%get3A_302] {strides = array<i32>} : memref<128xi32, #tpu.memory_space<vmem>>, vector<16xi32>,
      %swap3A_304 = arith.constant 0 : index
      %swap3A_305 = tpu.vector_load %arg15[%swap3A_304] {strides = array<i32>} : memref<128xi32, #tpu.memory_space<vmem>>, vector<16xi32>,
      tpu.vector_store %arg15[%swap3A_304], %get3A_303 {strides = array<i32>} : memref<128xi32, #tpu.memory_space<vmem>>, vector<16xi32>,
      %get3A_306 = arith.constant 16 : index
      %get3A_307 = tpu.vector_load %arg11[%get3A_306] {strides = array<i32>} : memref<128xi32, #tpu.memory_space<vmem>>, vector<16xi32>,
      %swap3A_308 = arith.constant 16 : index
      %swap3A_309 = tpu.vector_load %arg15[%swap3A_308] {strides = array<i32>} : memref<128xi32, #tpu.memory_space<vmem>>, vector<16xi32>,
      tpu.vector_store %arg15[%swap3A_308], %get3A_307 {strides = array<i32>} : memref<128xi32, #tpu.memory_space<vmem>>, vector<16xi32>,
      %get3A_310 = arith.constant 32 : index
      %get3A_311 = tpu.vector_load %arg11[%get3A_310] {strides = array<i32>} : memref<128xi32, #tpu.memory_space<vmem>>, vector<16xi32>,
      %swap3A_312 = arith.constant 32 : index
      %swap3A_313 = tpu.vector_load %arg15[%swap3A_312] {strides = array<i32>} : memref<128xi32, #tpu.memory_space<vmem>>, vector<16xi32>,
      tpu.vector_store %arg15[%swap3A_312], %get3A_311 {strides = array<i32>} : memref<128xi32, #tpu.memory_space<vmem>>, vector<16xi32>,
      %get3A_314 = arith.constant 48 : index
      %get3A_315 = tpu.vector_load %arg11[%get3A_314] {strides = array<i32>} : memref<128xi32, #tpu.memory_space<vmem>>, vector<16xi32>,
      %swap3A_316 = arith.constant 48 : index
      %swap3A_317 = tpu.vector_load %arg15[%swap3A_316] {strides = array<i32>} : memref<128xi32, #tpu.memory_space<vmem>>, vector<16xi32>,
      tpu.vector_store %arg15[%swap3A_316], %get3A_315 {strides = array<i32>} : memref<128xi32, #tpu.memory_space<vmem>>, vector<16xi32>,
      %get3A_318 = arith.constant 64 : index
      %get3A_319 = tpu.vector_load %arg11[%get3A_318] {strides = array<i32>} : memref<128xi32, #tpu.memory_space<vmem>>, vector<16xi32>,
      %swap3A_320 = arith.constant 64 : index
      %swap3A_321 = tpu.vector_load %arg15[%swap3A_320] {strides = array<i32>} : memref<128xi32, #tpu.memory_space<vmem>>, vector<16xi32>,
      tpu.vector_store %arg15[%swap3A_320], %get3A_319 {strides = array<i32>} : memref<128xi32, #tpu.memory_space<vmem>>, vector<16xi32>,
      %get3A_322 = arith.constant 80 : index
      %get3A_323 = tpu.vector_load %arg11[%get3A_322] {strides = array<i32>} : memref<128xi32, #tpu.memory_space<vmem>>, vector<16xi32>,
      %swap3A_324 = arith.constant 80 : index
      %swap3A_325 = tpu.vector_load %arg15[%swap3A_324] {strides = array<i32>} : memref<128xi32, #tpu.memory_space<vmem>>, vector<16xi32>,
      tpu.vector_store %arg15[%swap3A_324], %get3A_323 {strides = array<i32>} : memref<128xi32, #tpu.memory_space<vmem>>, vector<16xi32>,
      %get3A_326 = arith.constant 96 : index
      %get3A_327 = tpu.vector_load %arg11[%get3A_326] {strides = array<i32>} : memref<128xi32, #tpu.memory_space<vmem>>, vector<16xi32>,
      %swap3A_328 = arith.constant 96 : index
      %swap3A_329 = tpu.vector_load %arg15[%swap3A_328] {strides = array<i32>} : memref<128xi32, #tpu.memory_space<vmem>>, vector<16xi32>,
      tpu.vector_store %arg15[%swap3A_328], %get3A_327 {strides = array<i32>} : memref<128xi32, #tpu.memory_space<vmem>>, vector<16xi32>,
      %get3A_330 = arith.constant 112 : index
      %get3A_331 = tpu.vector_load %arg11[%get3A_330] {strides = array<i32>} : memref<128xi32, #tpu.memory_space<vmem>>, vector<16xi32>,
      %swap3A_332 = arith.constant 112 : index
      %swap3A_333 = tpu.vector_load %arg15[%swap3A_332] {strides = array<i32>} : memref<128xi32, #tpu.memory_space<vmem>>, vector<16xi32>,
      tpu.vector_store %arg15[%swap3A_332], %get3A_331 {strides = array<i32>} : memref<128xi32, #tpu.memory_space<vmem>>, vector<16xi32>,
      %scan3A_334 = arith.constant 0 : i32
      %scan3A_335 = arith.constant 0 : i32
      %scan3A_336 = arith.constant 128 : i32
      %scan3A_337 = arith.addi %scan3A_335, %scan3A_336 : i32
      %scan3A_338 = arith.constant 1 : i32
      %scan3A_339 = scf.for %scan3A_433 = %scan3A_335 to %scan3A_337 step %scan3A_338 iter_args(%scan3A_434 = %scan3A_334) -> (i32)  : i32 {
        %broadcast_in_dim3A_435 = vector.broadcast %scan3A_433 : i32 to vector<16xi32>
        %gather3A = tpu.vector_load_idx %arg13[%broadcast_in_dim3A_435] : memref<128xf32, #tpu.memory_space<vmem>>[vector<16xi32>], vector<16xf32>,
        %get3A_436 = arith.index_cast %scan3A_433 : i32 to index
        %get3A_437 = arith.constant 0 : index
        %get3A_438 = tpu.vector_load %arg17[%get3A_436, %get3A_437] {strides = array<i32>} : memref<128x128xf32, #tpu.memory_space<vmem>>, vector<16xf32>,
        %mul3A_439 = arith.mulf %get3A_438, %gather3A : vector<16xf32>
        %swap3A_440 = arith.index_cast %scan3A_433 : i32 to index
        %swap3A_441 = arith.constant 0 : index
        %swap3A_442 = tpu.vector_load %arg17[%swap3A_440, %swap3A_441] {strides = array<i32>} : memref<128x128xf32, #tpu.memory_space<vmem>>, vector<16xf32>,
        tpu.vector_store %arg17[%swap3A_440, %swap3A_441], %mul3A_439 {strides = array<i32>} : memref<128x128xf32, #tpu.memory_space<vmem>>, vector<16xf32>,
        %get3A_443 = arith.index_cast %scan3A_433 : i32 to index
        %get3A_444 = arith.constant 16 : index
        %get3A_445 = tpu.vector_load %arg17[%get3A_443, %get3A_444] {strides = array<i32>} : memref<128x128xf32, #tpu.memory_space<vmem>>, vector<16xf32>,
        %mul3A_446 = arith.mulf %get3A_445, %gather3A : vector<16xf32>
        %swap3A_447 = arith.index_cast %scan3A_433 : i32 to index
        %swap3A_448 = arith.constant 16 : index
        %swap3A_449 = tpu.vector_load %arg17[%swap3A_447, %swap3A_448] {strides = array<i32>} : memref<128x128xf32, #tpu.memory_space<vmem>>, vector<16xf32>,
        tpu.vector_store %arg17[%swap3A_447, %swap3A_448], %mul3A_446 {strides = array<i32>} : memref<128x128xf32, #tpu.memory_space<vmem>>, vector<16xf32>,
        %get3A_450 = arith.index_cast %scan3A_433 : i32 to index
        %get3A_451 = arith.constant 32 : index
        %get3A_452 = tpu.vector_load %arg17[%get3A_450, %get3A_451] {strides = array<i32>} : memref<128x128xf32, #tpu.memory_space<vmem>>, vector<16xf32>,
        %mul3A_453 = arith.mulf %get3A_452, %gather3A : vector<16xf32>
        %swap3A_454 = arith.index_cast %scan3A_433 : i32 to index
        %swap3A_455 = arith.constant 32 : index
        %swap3A_456 = tpu.vector_load %arg17[%swap3A_454, %swap3A_455] {strides = array<i32>} : memref<128x128xf32, #tpu.memory_space<vmem>>, vector<16xf32>,
        tpu.vector_store %arg17[%swap3A_454, %swap3A_455], %mul3A_453 {strides = array<i32>} : memref<128x128xf32, #tpu.memory_space<vmem>>, vector<16xf32>,
        %get3A_457 = arith.index_cast %scan3A_433 : i32 to index
        %get3A_458 = arith.constant 48 : index
        %get3A_459 = tpu.vector_load %arg17[%get3A_457, %get3A_458] {strides = array<i32>} : memref<128x128xf32, #tpu.memory_space<vmem>>, vector<16xf32>,
        %mul3A_460 = arith.mulf %get3A_459, %gather3A : vector<16xf32>
        %swap3A_461 = arith.index_cast %scan3A_433 : i32 to index
        %swap3A_462 = arith.constant 48 : index
        %swap3A_463 = tpu.vector_load %arg17[%swap3A_461, %swap3A_462] {strides = array<i32>} : memref<128x128xf32, #tpu.memory_space<vmem>>, vector<16xf32>,
        tpu.vector_store %arg17[%swap3A_461, %swap3A_462], %mul3A_460 {strides = array<i32>} : memref<128x128xf32, #tpu.memory_space<vmem>>, vector<16xf32>,
        %get3A_464 = arith.index_cast %scan3A_433 : i32 to index
        %get3A_465 = arith.constant 64 : index
        %get3A_466 = tpu.vector_load %arg17[%get3A_464, %get3A_465] {strides = array<i32>} : memref<128x128xf32, #tpu.memory_space<vmem>>, vector<16xf32>,
        %mul3A_467 = arith.mulf %get3A_466, %gather3A : vector<16xf32>
        %swap3A_468 = arith.index_cast %scan3A_433 : i32 to index
        %swap3A_469 = arith.constant 64 : index
        %swap3A_470 = tpu.vector_load %arg17[%swap3A_468, %swap3A_469] {strides = array<i32>} : memref<128x128xf32, #tpu.memory_space<vmem>>, vector<16xf32>,
        tpu.vector_store %arg17[%swap3A_468, %swap3A_469], %mul3A_467 {strides = array<i32>} : memref<128x128xf32, #tpu.memory_space<vmem>>, vector<16xf32>,
        %get3A_471 = arith.index_cast %scan3A_433 : i32 to index
        %get3A_472 = arith.constant 80 : index
        %get3A_473 = tpu.vector_load %arg17[%get3A_471, %get3A_472] {strides = array<i32>} : memref<128x128xf32, #tpu.memory_space<vmem>>, vector<16xf32>,
        %mul3A_474 = arith.mulf %get3A_473, %gather3A : vector<16xf32>
        %swap3A_475 = arith.index_cast %scan3A_433 : i32 to index
        %swap3A_476 = arith.constant 80 : index
        %swap3A_477 = tpu.vector_load %arg17[%swap3A_475, %swap3A_476] {strides = array<i32>} : memref<128x128xf32, #tpu.memory_space<vmem>>, vector<16xf32>,
        tpu.vector_store %arg17[%swap3A_475, %swap3A_476], %mul3A_474 {strides = array<i32>} : memref<128x128xf32, #tpu.memory_space<vmem>>, vector<16xf32>,
        %get3A_478 = arith.index_cast %scan3A_433 : i32 to index
        %get3A_479 = arith.constant 96 : index
        %get3A_480 = tpu.vector_load %arg17[%get3A_478, %get3A_479] {strides = array<i32>} : memref<128x128xf32, #tpu.memory_space<vmem>>, vector<16xf32>,
        %mul3A_481 = arith.mulf %get3A_480, %gather3A : vector<16xf32>
        %swap3A_482 = arith.index_cast %scan3A_433 : i32 to index
        %swap3A_483 = arith.constant 96 : index
        %swap3A_484 = tpu.vector_load %arg17[%swap3A_482, %swap3A_483] {strides = array<i32>} : memref<128x128xf32, #tpu.memory_space<vmem>>, vector<16xf32>,
        tpu.vector_store %arg17[%swap3A_482, %swap3A_483], %mul3A_481 {strides = array<i32>} : memref<128x128xf32, #tpu.memory_space<vmem>>, vector<16xf32>,
        %get3A_485 = arith.index_cast %scan3A_433 : i32 to index
        %get3A_486 = arith.constant 112 : index
        %get3A_487 = tpu.vector_load %arg17[%get3A_485, %get3A_486] {strides = array<i32>} : memref<128x128xf32, #tpu.memory_space<vmem>>, vector<16xf32>,
        %mul3A_488 = arith.mulf %get3A_487, %gather3A : vector<16xf32>
        %swap3A_489 = arith.index_cast %scan3A_433 : i32 to index
        %swap3A_490 = arith.constant 112 : index
        %swap3A_491 = tpu.vector_load %arg17[%swap3A_489, %swap3A_490] {strides = array<i32>} : memref<128x128xf32, #tpu.memory_space<vmem>>, vector<16xf32>,
        tpu.vector_store %arg17[%swap3A_489, %swap3A_490], %mul3A_488 {strides = array<i32>} : memref<128x128xf32, #tpu.memory_space<vmem>>, vector<16xf32>,
        %scan3A_492 = arith.constant 0 : i32
        scf.yield %scan3A_492 : i32
      }
      %scan3A_340 = arith.constant 128 : i32
      %dma_start3A_341 = arith.constant 0 : i32
      %dma_start3A_342 = arith.constant 0 : i32
      %dma_start3A_343 = tpu.memref_slice %arg7[%dma_start3A_341, %dma_start3A_342] : memref<10240x128xf32, #tpu.memory_space<vmem_shared>> -> memref<10240x128xf32, #tpu.memory_space<vmem_shared>>
      tpu.enqueue_indirect_dma source(%arg17 : memref<128x128xf32, #tpu.memory_space<vmem>>) target(%dma_start3A_343 : memref<10240x128xf32, #tpu.memory_space<vmem_shared>>) offsets(%arg15 : memref<128xi32, #tpu.memory_space<vmem>>) semaphore(%arg23 : memref<!tpu.dma_semaphore, #tpu.memory_space<semaphore_mem>>) {add = true}
      %add3A_344 = arith.constant 2 : i32
      %add3A_345 = arith.addi %add3A_281, %add3A_344 : i32
      %mul3A_346 = arith.constant 128 : i32
      %mul3A_347 = arith.muli %add3A_345, %mul3A_346 : i32
      %add3A_348 = arith.addi %mul3A_60, %mul3A_347 : i32
      %dma_start3A_349 = tpu.memref_slice %arg3[%add3A_348] : memref<335872xi32, #tpu.memory_space<hbm>> -> memref<128xi32, #tpu.memory_space<hbm>>
      %dma_start3A_350 = tpu.memref_slice %arg3[%add3A_348] : memref<335872xi32, #tpu.memory_space<hbm>> -> memref<128xi32, #tpu.memory_space<hbm>>
      tpu.enqueue_dma source(%dma_start3A_350 : memref<128xi32, #tpu.memory_space<hbm>>) target(%arg9 : memref<128xi32, #tpu.memory_space<vmem>>) target_semaphore(%arg19 : memref<!tpu.dma_semaphore, #tpu.memory_space<semaphore_mem>>)
      %dma_start3A_351 = tpu.memref_slice %arg4[%add3A_348] : memref<335872xi32, #tpu.memory_space<hbm>> -> memref<128xi32, #tpu.memory_space<hbm>>
      %dma_start3A_352 = tpu.memref_slice %arg4[%add3A_348] : memref<335872xi32, #tpu.memory_space<hbm>> -> memref<128xi32, #tpu.memory_space<hbm>>
      tpu.enqueue_dma source(%dma_start3A_352 : memref<128xi32, #tpu.memory_space<hbm>>) target(%arg11 : memref<128xi32, #tpu.memory_space<vmem>>) target_semaphore(%arg19 : memref<!tpu.dma_semaphore, #tpu.memory_space<semaphore_mem>>)
      %dma_start3A_353 = tpu.memref_slice %arg5[%add3A_348] : memref<335872xf32, #tpu.memory_space<hbm>> -> memref<128xf32, #tpu.memory_space<hbm>>
      %dma_start3A_354 = tpu.memref_slice %arg5[%add3A_348] : memref<335872xf32, #tpu.memory_space<hbm>> -> memref<128xf32, #tpu.memory_space<hbm>>
      tpu.enqueue_dma source(%dma_start3A_354 : memref<128xf32, #tpu.memory_space<hbm>>) target(%arg13 : memref<128xf32, #tpu.memory_space<vmem>>) target_semaphore(%arg19 : memref<!tpu.dma_semaphore, #tpu.memory_space<semaphore_mem>>)
      %mul3A_355 = arith.constant 2 : i32
      %mul3A_356 = arith.muli %mul3A_355, %while3A_276 : i32
      %add3A_357 = arith.constant 2 : i32
      %add3A_358 = arith.addi %mul3A_356, %add3A_357 : i32
      %add3A_359 = arith.constant 1 : i32
      %add3A_360 = arith.addi %add3A_358, %add3A_359 : i32
      %mul3A_361 = arith.constant 128 : i32
      %mul3A_362 = arith.muli %add3A_360, %mul3A_361 : i32
      %add3A_363 = arith.addi %mul3A_60, %mul3A_362 : i32
      %dma_wait3A_364 = tpu.memref_slice %arg3[%add3A_363] : memref<335872xi32, #tpu.memory_space<hbm>> -> memref<128xi32, #tpu.memory_space<hbm>>
      %dma_wait3A_365 = tpu.memref_slice %arg3[%add3A_363] : memref<335872xi32, #tpu.memory_space<hbm>> -> memref<128xi32, #tpu.memory_space<hbm>>
      tpu.wait_dma2 semaphore(%arg19 : memref<!tpu.dma_semaphore, #tpu.memory_space<semaphore_mem>>) src(%dma_wait3A_365 : memref<128xi32, #tpu.memory_space<hbm>>) dst(%arg9 : memref<128xi32, #tpu.memory_space<vmem>>)
      %dma_wait3A_366 = tpu.memref_slice %arg4[%add3A_363] : memref<335872xi32, #tpu.memory_space<hbm>> -> memref<128xi32, #tpu.memory_space<hbm>>
      %dma_wait3A_367 = tpu.memref_slice %arg4[%add3A_363] : memref<335872xi32, #tpu.memory_space<hbm>> -> memref<128xi32, #tpu.memory_space<hbm>>
      tpu.wait_dma2 semaphore(%arg19 : memref<!tpu.dma_semaphore, #tpu.memory_space<semaphore_mem>>) src(%dma_wait3A_367 : memref<128xi32, #tpu.memory_space<hbm>>) dst(%arg11 : memref<128xi32, #tpu.memory_space<vmem>>)
      %dma_wait3A_368 = tpu.memref_slice %arg5[%add3A_363] : memref<335872xf32, #tpu.memory_space<hbm>> -> memref<128xf32, #tpu.memory_space<hbm>>
      %dma_wait3A_369 = tpu.memref_slice %arg5[%add3A_363] : memref<335872xf32, #tpu.memory_space<hbm>> -> memref<128xf32, #tpu.memory_space<hbm>>
      tpu.wait_dma2 semaphore(%arg19 : memref<!tpu.dma_semaphore, #tpu.memory_space<semaphore_mem>>) src(%dma_wait3A_369 : memref<128xf32, #tpu.memory_space<hbm>>) dst(%arg13 : memref<128xf32, #tpu.memory_space<vmem>>)
      %dma_wait3A_370 = arith.constant 0 : i32
      %dma_wait3A_371 = arith.constant 0 : i32
      %dma_wait3A_372 = tpu.memref_slice %arg7[%dma_wait3A_370, %dma_wait3A_371] : memref<10240x128xf32, #tpu.memory_space<vmem_shared>> -> memref<10240x128xf32, #tpu.memory_space<vmem_shared>>
      tpu.wait_indirect_dma semaphore(%arg23 : memref<!tpu.dma_semaphore, #tpu.memory_space<semaphore_mem>>) src(%arg17 : memref<128x128xf32, #tpu.memory_space<vmem>>) dst(%dma_wait3A_372 : memref<10240x128xf32, #tpu.memory_space<vmem_shared>>)
      %dma_start3A_373 = arith.constant 0 : i32
      %dma_start3A_374 = arith.constant 0 : i32
      %dma_start3A_375 = tpu.memref_slice %arg2[%dma_start3A_373, %dma_start3A_374] : memref<10240x128xf32, #tpu.memory_space<hbm>> -> memref<10240x128xf32, #tpu.memory_space<hbm>>
      tpu.enqueue_indirect_dma source(%dma_start3A_375 : memref<10240x128xf32, #tpu.memory_space<hbm>>) target(%arg17 : memref<128x128xf32, #tpu.memory_space<vmem>>) offsets(%arg9 : memref<128xi32, #tpu.memory_space<vmem>>) semaphore(%arg21 : memref<!tpu.dma_semaphore, #tpu.memory_space<semaphore_mem>>)
      %dma_wait3A_376 = arith.constant 0 : i32
      %dma_wait3A_377 = arith.constant 0 : i32
      %dma_wait3A_378 = tpu.memref_slice %arg2[%dma_wait3A_376, %dma_wait3A_377] : memref<10240x128xf32, #tpu.memory_space<hbm>> -> memref<10240x128xf32, #tpu.memory_space<hbm>>
      tpu.wait_indirect_dma semaphore(%arg20 : memref<!tpu.dma_semaphore, #tpu.memory_space<semaphore_mem>>) src(%dma_wait3A_378 : memref<10240x128xf32, #tpu.memory_space<hbm>>) dst(%arg16 : memref<128x128xf32, #tpu.memory_space<vmem>>)
      %get3A_379 = arith.constant 0 : index
      %get3A_380 = tpu.vector_load %arg10[%get3A_379] {strides = array<i32>} : memref<128xi32, #tpu.memory_space<vmem>>, vector<16xi32>,
      %swap3A_381 = arith.constant 0 : index
      %swap3A_382 = tpu.vector_load %arg14[%swap3A_381] {strides = array<i32>} : memref<128xi32, #tpu.memory_space<vmem>>, vector<16xi32>,
      tpu.vector_store %arg14[%swap3A_381], %get3A_380 {strides = array<i32>} : memref<128xi32, #tpu.memory_space<vmem>>, vector<16xi32>,
      %get3A_383 = arith.constant 16 : index
      %get3A_384 = tpu.vector_load %arg10[%get3A_383] {strides = array<i32>} : memref<128xi32, #tpu.memory_space<vmem>>, vector<16xi32>,
      %swap3A_385 = arith.constant 16 : index
      %swap3A_386 = tpu.vector_load %arg14[%swap3A_385] {strides = array<i32>} : memref<128xi32, #tpu.memory_space<vmem>>, vector<16xi32>,
      tpu.vector_store %arg14[%swap3A_385], %get3A_384 {strides = array<i32>} : memref<128xi32, #tpu.memory_space<vmem>>, vector<16xi32>,
      %get3A_387 = arith.constant 32 : index
      %get3A_388 = tpu.vector_load %arg10[%get3A_387] {strides = array<i32>} : memref<128xi32, #tpu.memory_space<vmem>>, vector<16xi32>,
      %swap3A_389 = arith.constant 32 : index
      %swap3A_390 = tpu.vector_load %arg14[%swap3A_389] {strides = array<i32>} : memref<128xi32, #tpu.memory_space<vmem>>, vector<16xi32>,
      tpu.vector_store %arg14[%swap3A_389], %get3A_388 {strides = array<i32>} : memref<128xi32, #tpu.memory_space<vmem>>, vector<16xi32>,
      %get3A_391 = arith.constant 48 : index
      %get3A_392 = tpu.vector_load %arg10[%get3A_391] {strides = array<i32>} : memref<128xi32, #tpu.memory_space<vmem>>, vector<16xi32>,
      %swap3A_393 = arith.constant 48 : index
      %swap3A_394 = tpu.vector_load %arg14[%swap3A_393] {strides = array<i32>} : memref<128xi32, #tpu.memory_space<vmem>>, vector<16xi32>,
      tpu.vector_store %arg14[%swap3A_393], %get3A_392 {strides = array<i32>} : memref<128xi32, #tpu.memory_space<vmem>>, vector<16xi32>,
      %get3A_395 = arith.constant 64 : index
      %get3A_396 = tpu.vector_load %arg10[%get3A_395] {strides = array<i32>} : memref<128xi32, #tpu.memory_space<vmem>>, vector<16xi32>,
      %swap3A_397 = arith.constant 64 : index
      %swap3A_398 = tpu.vector_load %arg14[%swap3A_397] {strides = array<i32>} : memref<128xi32, #tpu.memory_space<vmem>>, vector<16xi32>,
      tpu.vector_store %arg14[%swap3A_397], %get3A_396 {strides = array<i32>} : memref<128xi32, #tpu.memory_space<vmem>>, vector<16xi32>,
      %get3A_399 = arith.constant 80 : index
      %get3A_400 = tpu.vector_load %arg10[%get3A_399] {strides = array<i32>} : memref<128xi32, #tpu.memory_space<vmem>>, vector<16xi32>,
      %swap3A_401 = arith.constant 80 : index
      %swap3A_402 = tpu.vector_load %arg14[%swap3A_401] {strides = array<i32>} : memref<128xi32, #tpu.memory_space<vmem>>, vector<16xi32>,
      tpu.vector_store %arg14[%swap3A_401], %get3A_400 {strides = array<i32>} : memref<128xi32, #tpu.memory_space<vmem>>, vector<16xi32>,
      %get3A_403 = arith.constant 96 : index
      %get3A_404 = tpu.vector_load %arg10[%get3A_403] {strides = array<i32>} : memref<128xi32, #tpu.memory_space<vmem>>, vector<16xi32>,
      %swap3A_405 = arith.constant 96 : index
      %swap3A_406 = tpu.vector_load %arg14[%swap3A_405] {strides = array<i32>} : memref<128xi32, #tpu.memory_space<vmem>>, vector<16xi32>,
      tpu.vector_store %arg14[%swap3A_405], %get3A_404 {strides = array<i32>} : memref<128xi32, #tpu.memory_space<vmem>>, vector<16xi32>,
      %get3A_407 = arith.constant 112 : index
      %get3A_408 = tpu.vector_load %arg10[%get3A_407] {strides = array<i32>} : memref<128xi32, #tpu.memory_space<vmem>>, vector<16xi32>,
      %swap3A_409 = arith.constant 112 : index
      %swap3A_410 = tpu.vector_load %arg14[%swap3A_409] {strides = array<i32>} : memref<128xi32, #tpu.memory_space<vmem>>, vector<16xi32>,
      tpu.vector_store %arg14[%swap3A_409], %get3A_408 {strides = array<i32>} : memref<128xi32, #tpu.memory_space<vmem>>, vector<16xi32>,
      %scan3A_411 = arith.constant 0 : i32
      %scan3A_412 = arith.constant 0 : i32
      %scan3A_413 = arith.constant 128 : i32
      %scan3A_414 = arith.addi %scan3A_412, %scan3A_413 : i32
      %scan3A_415 = arith.constant 1 : i32
      %scan3A_416 = scf.for %scan3A_433 = %scan3A_412 to %scan3A_414 step %scan3A_415 iter_args(%scan3A_434 = %scan3A_411) -> (i32)  : i32 {
        %broadcast_in_dim3A_435 = vector.broadcast %scan3A_433 : i32 to vector<16xi32>
        %gather3A = tpu.vector_load_idx %arg12[%broadcast_in_dim3A_435] : memref<128xf32, #tpu.memory_space<vmem>>[vector<16xi32>], vector<16xf32>,
        %get3A_436 = arith.index_cast %scan3A_433 : i32 to index
        %get3A_437 = arith.constant 0 : index
        %get3A_438 = tpu.vector_load %arg16[%get3A_436, %get3A_437] {strides = array<i32>} : memref<128x128xf32, #tpu.memory_space<vmem>>, vector<16xf32>,
        %mul3A_439 = arith.mulf %get3A_438, %gather3A : vector<16xf32>
        %swap3A_440 = arith.index_cast %scan3A_433 : i32 to index
        %swap3A_441 = arith.constant 0 : index
        %swap3A_442 = tpu.vector_load %arg16[%swap3A_440, %swap3A_441] {strides = array<i32>} : memref<128x128xf32, #tpu.memory_space<vmem>>, vector<16xf32>,
        tpu.vector_store %arg16[%swap3A_440, %swap3A_441], %mul3A_439 {strides = array<i32>} : memref<128x128xf32, #tpu.memory_space<vmem>>, vector<16xf32>,
        %get3A_443 = arith.index_cast %scan3A_433 : i32 to index
        %get3A_444 = arith.constant 16 : index
        %get3A_445 = tpu.vector_load %arg16[%get3A_443, %get3A_444] {strides = array<i32>} : memref<128x128xf32, #tpu.memory_space<vmem>>, vector<16xf32>,
        %mul3A_446 = arith.mulf %get3A_445, %gather3A : vector<16xf32>
        %swap3A_447 = arith.index_cast %scan3A_433 : i32 to index
        %swap3A_448 = arith.constant 16 : index
        %swap3A_449 = tpu.vector_load %arg16[%swap3A_447, %swap3A_448] {strides = array<i32>} : memref<128x128xf32, #tpu.memory_space<vmem>>, vector<16xf32>,
        tpu.vector_store %arg16[%swap3A_447, %swap3A_448], %mul3A_446 {strides = array<i32>} : memref<128x128xf32, #tpu.memory_space<vmem>>, vector<16xf32>,
        %get3A_450 = arith.index_cast %scan3A_433 : i32 to index
        %get3A_451 = arith.constant 32 : index
        %get3A_452 = tpu.vector_load %arg16[%get3A_450, %get3A_451] {strides = array<i32>} : memref<128x128xf32, #tpu.memory_space<vmem>>, vector<16xf32>,
        %mul3A_453 = arith.mulf %get3A_452, %gather3A : vector<16xf32>
        %swap3A_454 = arith.index_cast %scan3A_433 : i32 to index
        %swap3A_455 = arith.constant 32 : index
        %swap3A_456 = tpu.vector_load %arg16[%swap3A_454, %swap3A_455] {strides = array<i32>} : memref<128x128xf32, #tpu.memory_space<vmem>>, vector<16xf32>,
        tpu.vector_store %arg16[%swap3A_454, %swap3A_455], %mul3A_453 {strides = array<i32>} : memref<128x128xf32, #tpu.memory_space<vmem>>, vector<16xf32>,
        %get3A_457 = arith.index_cast %scan3A_433 : i32 to index
        %get3A_458 = arith.constant 48 : index
        %get3A_459 = tpu.vector_load %arg16[%get3A_457, %get3A_458] {strides = array<i32>} : memref<128x128xf32, #tpu.memory_space<vmem>>, vector<16xf32>,
        %mul3A_460 = arith.mulf %get3A_459, %gather3A : vector<16xf32>
        %swap3A_461 = arith.index_cast %scan3A_433 : i32 to index
        %swap3A_462 = arith.constant 48 : index
        %swap3A_463 = tpu.vector_load %arg16[%swap3A_461, %swap3A_462] {strides = array<i32>} : memref<128x128xf32, #tpu.memory_space<vmem>>, vector<16xf32>,
        tpu.vector_store %arg16[%swap3A_461, %swap3A_462], %mul3A_460 {strides = array<i32>} : memref<128x128xf32, #tpu.memory_space<vmem>>, vector<16xf32>,
        %get3A_464 = arith.index_cast %scan3A_433 : i32 to index
        %get3A_465 = arith.constant 64 : index
        %get3A_466 = tpu.vector_load %arg16[%get3A_464, %get3A_465] {strides = array<i32>} : memref<128x128xf32, #tpu.memory_space<vmem>>, vector<16xf32>,
        %mul3A_467 = arith.mulf %get3A_466, %gather3A : vector<16xf32>
        %swap3A_468 = arith.index_cast %scan3A_433 : i32 to index
        %swap3A_469 = arith.constant 64 : index
        %swap3A_470 = tpu.vector_load %arg16[%swap3A_468, %swap3A_469] {strides = array<i32>} : memref<128x128xf32, #tpu.memory_space<vmem>>, vector<16xf32>,
        tpu.vector_store %arg16[%swap3A_468, %swap3A_469], %mul3A_467 {strides = array<i32>} : memref<128x128xf32, #tpu.memory_space<vmem>>, vector<16xf32>,
        %get3A_471 = arith.index_cast %scan3A_433 : i32 to index
        %get3A_472 = arith.constant 80 : index
        %get3A_473 = tpu.vector_load %arg16[%get3A_471, %get3A_472] {strides = array<i32>} : memref<128x128xf32, #tpu.memory_space<vmem>>, vector<16xf32>,
        %mul3A_474 = arith.mulf %get3A_473, %gather3A : vector<16xf32>
        %swap3A_475 = arith.index_cast %scan3A_433 : i32 to index
        %swap3A_476 = arith.constant 80 : index
        %swap3A_477 = tpu.vector_load %arg16[%swap3A_475, %swap3A_476] {strides = array<i32>} : memref<128x128xf32, #tpu.memory_space<vmem>>, vector<16xf32>,
        tpu.vector_store %arg16[%swap3A_475, %swap3A_476], %mul3A_474 {strides = array<i32>} : memref<128x128xf32, #tpu.memory_space<vmem>>, vector<16xf32>,
        %get3A_478 = arith.index_cast %scan3A_433 : i32 to index
        %get3A_479 = arith.constant 96 : index
        %get3A_480 = tpu.vector_load %arg16[%get3A_478, %get3A_479] {strides = array<i32>} : memref<128x128xf32, #tpu.memory_space<vmem>>, vector<16xf32>,
        %mul3A_481 = arith.mulf %get3A_480, %gather3A : vector<16xf32>
        %swap3A_482 = arith.index_cast %scan3A_433 : i32 to index
        %swap3A_483 = arith.constant 96 : index
        %swap3A_484 = tpu.vector_load %arg16[%swap3A_482, %swap3A_483] {strides = array<i32>} : memref<128x128xf32, #tpu.memory_space<vmem>>, vector<16xf32>,
        tpu.vector_store %arg16[%swap3A_482, %swap3A_483], %mul3A_481 {strides = array<i32>} : memref<128x128xf32, #tpu.memory_space<vmem>>, vector<16xf32>,
        %get3A_485 = arith.index_cast %scan3A_433 : i32 to index
        %get3A_486 = arith.constant 112 : index
        %get3A_487 = tpu.vector_load %arg16[%get3A_485, %get3A_486] {strides = array<i32>} : memref<128x128xf32, #tpu.memory_space<vmem>>, vector<16xf32>,
        %mul3A_488 = arith.mulf %get3A_487, %gather3A : vector<16xf32>
        %swap3A_489 = arith.index_cast %scan3A_433 : i32 to index
        %swap3A_490 = arith.constant 112 : index
        %swap3A_491 = tpu.vector_load %arg16[%swap3A_489, %swap3A_490] {strides = array<i32>} : memref<128x128xf32, #tpu.memory_space<vmem>>, vector<16xf32>,
        tpu.vector_store %arg16[%swap3A_489, %swap3A_490], %mul3A_488 {strides = array<i32>} : memref<128x128xf32, #tpu.memory_space<vmem>>, vector<16xf32>,
        %scan3A_492 = arith.constant 0 : i32
        scf.yield %scan3A_492 : i32
      }
      %scan3A_417 = arith.constant 128 : i32
      %dma_start3A_418 = arith.constant 0 : i32
      %dma_start3A_419 = arith.constant 0 : i32
      %dma_start3A_420 = tpu.memref_slice %arg7[%dma_start3A_418, %dma_start3A_419] : memref<10240x128xf32, #tpu.memory_space<vmem_shared>> -> memref<10240x128xf32, #tpu.memory_space<vmem_shared>>
      tpu.enqueue_indirect_dma source(%arg16 : memref<128x128xf32, #tpu.memory_space<vmem>>) target(%dma_start3A_420 : memref<10240x128xf32, #tpu.memory_space<vmem_shared>>) offsets(%arg14 : memref<128xi32, #tpu.memory_space<vmem>>) semaphore(%arg22 : memref<!tpu.dma_semaphore, #tpu.memory_space<semaphore_mem>>) {add = true}
      %add3A_421 = arith.constant 2 : i32
      %add3A_422 = arith.addi %add3A_358, %add3A_421 : i32
      %mul3A_423 = arith.constant 128 : i32
      %mul3A_424 = arith.muli %add3A_422, %mul3A_423 : i32
      %add3A_425 = arith.addi %mul3A_60, %mul3A_424 : i32
      %dma_start3A_426 = tpu.memref_slice %arg3[%add3A_425] : memref<335872xi32, #tpu.memory_space<hbm>> -> memref<128xi32, #tpu.memory_space<hbm>>
      %dma_start3A_427 = tpu.memref_slice %arg3[%add3A_425] : memref<335872xi32, #tpu.memory_space<hbm>> -> memref<128xi32, #tpu.memory_space<hbm>>
      tpu.enqueue_dma source(%dma_start3A_427 : memref<128xi32, #tpu.memory_space<hbm>>) target(%arg8 : memref<128xi32, #tpu.memory_space<vmem>>) target_semaphore(%arg18 : memref<!tpu.dma_semaphore, #tpu.memory_space<semaphore_mem>>)
      %dma_start3A_428 = tpu.memref_slice %arg4[%add3A_425] : memref<335872xi32, #tpu.memory_space<hbm>> -> memref<128xi32, #tpu.memory_space<hbm>>
      %dma_start3A_429 = tpu.memref_slice %arg4[%add3A_425] : memref<335872xi32, #tpu.memory_space<hbm>> -> memref<128xi32, #tpu.memory_space<hbm>>
      tpu.enqueue_dma source(%dma_start3A_429 : memref<128xi32, #tpu.memory_space<hbm>>) target(%arg10 : memref<128xi32, #tpu.memory_space<vmem>>) target_semaphore(%arg18 : memref<!tpu.dma_semaphore, #tpu.memory_space<semaphore_mem>>)
      %dma_start3A_430 = tpu.memref_slice %arg5[%add3A_425] : memref<335872xf32, #tpu.memory_space<hbm>> -> memref<128xf32, #tpu.memory_space<hbm>>
      %dma_start3A_431 = tpu.memref_slice %arg5[%add3A_425] : memref<335872xf32, #tpu.memory_space<hbm>> -> memref<128xf32, #tpu.memory_space<hbm>>
      tpu.enqueue_dma source(%dma_start3A_431 : memref<128xf32, #tpu.memory_space<hbm>>) target(%arg12 : memref<128xf32, #tpu.memory_space<vmem>>) target_semaphore(%arg18 : memref<!tpu.dma_semaphore, #tpu.memory_space<semaphore_mem>>)
      %while3A_432 = arith.constant 0 : i32
      scf.yield %while3A_432 : i32
    }
    %sub3A_179 = arith.constant 1 : i32
    %sub3A_180 = arith.subi %select_n3A, %sub3A_179 : i32
    %add3A_181 = arith.constant 1 : i32
    %add3A_182 = arith.addi %sub3A_180, %add3A_181 : i32
    %mul3A_183 = arith.constant 128 : i32
    %mul3A_184 = arith.muli %add3A_182, %mul3A_183 : i32
    %add3A_185 = arith.addi %mul3A_60, %mul3A_184 : i32
    %dma_wait3A_186 = tpu.memref_slice %arg3[%add3A_185] : memref<335872xi32, #tpu.memory_space<hbm>> -> memref<128xi32, #tpu.memory_space<hbm>>
    %dma_wait3A_187 = tpu.memref_slice %arg3[%add3A_185] : memref<335872xi32, #tpu.memory_space<hbm>> -> memref<128xi32, #tpu.memory_space<hbm>>
    tpu.wait_dma2 semaphore(%arg18 : memref<!tpu.dma_semaphore, #tpu.memory_space<semaphore_mem>>) src(%dma_wait3A_187 : memref<128xi32, #tpu.memory_space<hbm>>) dst(%arg8 : memref<128xi32, #tpu.memory_space<vmem>>)
    %dma_wait3A_188 = tpu.memref_slice %arg4[%add3A_185] : memref<335872xi32, #tpu.memory_space<hbm>> -> memref<128xi32, #tpu.memory_space<hbm>>
    %dma_wait3A_189 = tpu.memref_slice %arg4[%add3A_185] : memref<335872xi32, #tpu.memory_space<hbm>> -> memref<128xi32, #tpu.memory_space<hbm>>
    tpu.wait_dma2 semaphore(%arg18 : memref<!tpu.dma_semaphore, #tpu.memory_space<semaphore_mem>>) src(%dma_wait3A_189 : memref<128xi32, #tpu.memory_space<hbm>>) dst(%arg10 : memref<128xi32, #tpu.memory_space<vmem>>)
    %dma_wait3A_190 = tpu.memref_slice %arg5[%add3A_185] : memref<335872xf32, #tpu.memory_space<hbm>> -> memref<128xf32, #tpu.memory_space<hbm>>
    %dma_wait3A_191 = tpu.memref_slice %arg5[%add3A_185] : memref<335872xf32, #tpu.memory_space<hbm>> -> memref<128xf32, #tpu.memory_space<hbm>>
    tpu.wait_dma2 semaphore(%arg18 : memref<!tpu.dma_semaphore, #tpu.memory_space<semaphore_mem>>) src(%dma_wait3A_191 : memref<128xf32, #tpu.memory_space<hbm>>) dst(%arg12 : memref<128xf32, #tpu.memory_space<vmem>>)
    %dma_wait3A_192 = arith.constant 0 : i32
    %dma_wait3A_193 = arith.constant 0 : i32
    %dma_wait3A_194 = tpu.memref_slice %arg7[%dma_wait3A_192, %dma_wait3A_193] : memref<10240x128xf32, #tpu.memory_space<vmem_shared>> -> memref<10240x128xf32, #tpu.memory_space<vmem_shared>>
    tpu.wait_indirect_dma semaphore(%arg22 : memref<!tpu.dma_semaphore, #tpu.memory_space<semaphore_mem>>) src(%arg16 : memref<128x128xf32, #tpu.memory_space<vmem>>) dst(%dma_wait3A_194 : memref<10240x128xf32, #tpu.memory_space<vmem_shared>>)
    %dma_start3A_195 = arith.constant 0 : i32
    %dma_start3A_196 = arith.constant 0 : i32
    %dma_start3A_197 = tpu.memref_slice %arg2[%dma_start3A_195, %dma_start3A_196] : memref<10240x128xf32, #tpu.memory_space<hbm>> -> memref<10240x128xf32, #tpu.memory_space<hbm>>
    tpu.enqueue_indirect_dma source(%dma_start3A_197 : memref<10240x128xf32, #tpu.memory_space<hbm>>) target(%arg16 : memref<128x128xf32, #tpu.memory_space<vmem>>) offsets(%arg8 : memref<128xi32, #tpu.memory_space<vmem>>) semaphore(%arg20 : memref<!tpu.dma_semaphore, #tpu.memory_space<semaphore_mem>>)
    %dma_wait3A_198 = arith.constant 0 : i32
    %dma_wait3A_199 = arith.constant 0 : i32
    %dma_wait3A_200 = tpu.memref_slice %arg2[%dma_wait3A_198, %dma_wait3A_199] : memref<10240x128xf32, #tpu.memory_space<hbm>> -> memref<10240x128xf32, #tpu.memory_space<hbm>>
    tpu.wait_indirect_dma semaphore(%arg21 : memref<!tpu.dma_semaphore, #tpu.memory_space<semaphore_mem>>) src(%dma_wait3A_200 : memref<10240x128xf32, #tpu.memory_space<hbm>>) dst(%arg17 : memref<128x128xf32, #tpu.memory_space<vmem>>)
    %get3A_201 = arith.constant 0 : index
    %get3A_202 = tpu.vector_load %arg11[%get3A_201] {strides = array<i32>} : memref<128xi32, #tpu.memory_space<vmem>>, vector<16xi32>,
    %swap3A_203 = arith.constant 0 : index
    %swap3A_204 = tpu.vector_load %arg15[%swap3A_203] {strides = array<i32>} : memref<128xi32, #tpu.memory_space<vmem>>, vector<16xi32>,
    tpu.vector_store %arg15[%swap3A_203], %get3A_202 {strides = array<i32>} : memref<128xi32, #tpu.memory_space<vmem>>, vector<16xi32>,
    %get3A_205 = arith.constant 16 : index
    %get3A_206 = tpu.vector_load %arg11[%get3A_205] {strides = array<i32>} : memref<128xi32, #tpu.memory_space<vmem>>, vector<16xi32>,
    %swap3A_207 = arith.constant 16 : index
    %swap3A_208 = tpu.vector_load %arg15[%swap3A_207] {strides = array<i32>} : memref<128xi32, #tpu.memory_space<vmem>>, vector<16xi32>,
    tpu.vector_store %arg15[%swap3A_207], %get3A_206 {strides = array<i32>} : memref<128xi32, #tpu.memory_space<vmem>>, vector<16xi32>,
    %get3A_209 = arith.constant 32 : index
    %get3A_210 = tpu.vector_load %arg11[%get3A_209] {strides = array<i32>} : memref<128xi32, #tpu.memory_space<vmem>>, vector<16xi32>,
    %swap3A_211 = arith.constant 32 : index
    %swap3A_212 = tpu.vector_load %arg15[%swap3A_211] {strides = array<i32>} : memref<128xi32, #tpu.memory_space<vmem>>, vector<16xi32>,
    tpu.vector_store %arg15[%swap3A_211], %get3A_210 {strides = array<i32>} : memref<128xi32, #tpu.memory_space<vmem>>, vector<16xi32>,
    %get3A_213 = arith.constant 48 : index
    %get3A_214 = tpu.vector_load %arg11[%get3A_213] {strides = array<i32>} : memref<128xi32, #tpu.memory_space<vmem>>, vector<16xi32>,
    %swap3A_215 = arith.constant 48 : index
    %swap3A_216 = tpu.vector_load %arg15[%swap3A_215] {strides = array<i32>} : memref<128xi32, #tpu.memory_space<vmem>>, vector<16xi32>,
    tpu.vector_store %arg15[%swap3A_215], %get3A_214 {strides = array<i32>} : memref<128xi32, #tpu.memory_space<vmem>>, vector<16xi32>,
    %get3A_217 = arith.constant 64 : index
    %get3A_218 = tpu.vector_load %arg11[%get3A_217] {strides = array<i32>} : memref<128xi32, #tpu.memory_space<vmem>>, vector<16xi32>,
    %swap3A_219 = arith.constant 64 : index
    %swap3A_220 = tpu.vector_load %arg15[%swap3A_219] {strides = array<i32>} : memref<128xi32, #tpu.memory_space<vmem>>, vector<16xi32>,
    tpu.vector_store %arg15[%swap3A_219], %get3A_218 {strides = array<i32>} : memref<128xi32, #tpu.memory_space<vmem>>, vector<16xi32>,
    %get3A_221 = arith.constant 80 : index
    %get3A_222 = tpu.vector_load %arg11[%get3A_221] {strides = array<i32>} : memref<128xi32, #tpu.memory_space<vmem>>, vector<16xi32>,
    %swap3A_223 = arith.constant 80 : index
    %swap3A_224 = tpu.vector_load %arg15[%swap3A_223] {strides = array<i32>} : memref<128xi32, #tpu.memory_space<vmem>>, vector<16xi32>,
    tpu.vector_store %arg15[%swap3A_223], %get3A_222 {strides = array<i32>} : memref<128xi32, #tpu.memory_space<vmem>>, vector<16xi32>,
    %get3A_225 = arith.constant 96 : index
    %get3A_226 = tpu.vector_load %arg11[%get3A_225] {strides = array<i32>} : memref<128xi32, #tpu.memory_space<vmem>>, vector<16xi32>,
    %swap3A_227 = arith.constant 96 : index
    %swap3A_228 = tpu.vector_load %arg15[%swap3A_227] {strides = array<i32>} : memref<128xi32, #tpu.memory_space<vmem>>, vector<16xi32>,
    tpu.vector_store %arg15[%swap3A_227], %get3A_226 {strides = array<i32>} : memref<128xi32, #tpu.memory_space<vmem>>, vector<16xi32>,
    %get3A_229 = arith.constant 112 : index
    %get3A_230 = tpu.vector_load %arg11[%get3A_229] {strides = array<i32>} : memref<128xi32, #tpu.memory_space<vmem>>, vector<16xi32>,
    %swap3A_231 = arith.constant 112 : index
    %swap3A_232 = tpu.vector_load %arg15[%swap3A_231] {strides = array<i32>} : memref<128xi32, #tpu.memory_space<vmem>>, vector<16xi32>,
    tpu.vector_store %arg15[%swap3A_231], %get3A_230 {strides = array<i32>} : memref<128xi32, #tpu.memory_space<vmem>>, vector<16xi32>,
    %scan3A_233 = arith.constant 0 : i32
    %scan3A_234 = arith.constant 0 : i32
    %scan3A_235 = arith.constant 128 : i32
    %scan3A_236 = arith.addi %scan3A_234, %scan3A_235 : i32
    %scan3A_237 = arith.constant 1 : i32
    %scan3A_238 = scf.for %scan3A_276 = %scan3A_234 to %scan3A_236 step %scan3A_237 iter_args(%scan3A_277 = %scan3A_233) -> (i32)  : i32 {
      %broadcast_in_dim3A_278 = vector.broadcast %scan3A_276 : i32 to vector<16xi32>
      %gather3A = tpu.vector_load_idx %arg13[%broadcast_in_dim3A_278] : memref<128xf32, #tpu.memory_space<vmem>>[vector<16xi32>], vector<16xf32>,
      %get3A_279 = arith.index_cast %scan3A_276 : i32 to index
      %get3A_280 = arith.constant 0 : index
      %get3A_281 = tpu.vector_load %arg17[%get3A_279, %get3A_280] {strides = array<i32>} : memref<128x128xf32, #tpu.memory_space<vmem>>, vector<16xf32>,
      %mul3A_282 = arith.mulf %get3A_281, %gather3A : vector<16xf32>
      %swap3A_283 = arith.index_cast %scan3A_276 : i32 to index
      %swap3A_284 = arith.constant 0 : index
      %swap3A_285 = tpu.vector_load %arg17[%swap3A_283, %swap3A_284] {strides = array<i32>} : memref<128x128xf32, #tpu.memory_space<vmem>>, vector<16xf32>,
      tpu.vector_store %arg17[%swap3A_283, %swap3A_284], %mul3A_282 {strides = array<i32>} : memref<128x128xf32, #tpu.memory_space<vmem>>, vector<16xf32>,
      %get3A_286 = arith.index_cast %scan3A_276 : i32 to index
      %get3A_287 = arith.constant 16 : index
      %get3A_288 = tpu.vector_load %arg17[%get3A_286, %get3A_287] {strides = array<i32>} : memref<128x128xf32, #tpu.memory_space<vmem>>, vector<16xf32>,
      %mul3A_289 = arith.mulf %get3A_288, %gather3A : vector<16xf32>
      %swap3A_290 = arith.index_cast %scan3A_276 : i32 to index
      %swap3A_291 = arith.constant 16 : index
      %swap3A_292 = tpu.vector_load %arg17[%swap3A_290, %swap3A_291] {strides = array<i32>} : memref<128x128xf32, #tpu.memory_space<vmem>>, vector<16xf32>,
      tpu.vector_store %arg17[%swap3A_290, %swap3A_291], %mul3A_289 {strides = array<i32>} : memref<128x128xf32, #tpu.memory_space<vmem>>, vector<16xf32>,
      %get3A_293 = arith.index_cast %scan3A_276 : i32 to index
      %get3A_294 = arith.constant 32 : index
      %get3A_295 = tpu.vector_load %arg17[%get3A_293, %get3A_294] {strides = array<i32>} : memref<128x128xf32, #tpu.memory_space<vmem>>, vector<16xf32>,
      %mul3A_296 = arith.mulf %get3A_295, %gather3A : vector<16xf32>
      %swap3A_297 = arith.index_cast %scan3A_276 : i32 to index
      %swap3A_298 = arith.constant 32 : index
      %swap3A_299 = tpu.vector_load %arg17[%swap3A_297, %swap3A_298] {strides = array<i32>} : memref<128x128xf32, #tpu.memory_space<vmem>>, vector<16xf32>,
      tpu.vector_store %arg17[%swap3A_297, %swap3A_298], %mul3A_296 {strides = array<i32>} : memref<128x128xf32, #tpu.memory_space<vmem>>, vector<16xf32>,
      %get3A_300 = arith.index_cast %scan3A_276 : i32 to index
      %get3A_301 = arith.constant 48 : index
      %get3A_302 = tpu.vector_load %arg17[%get3A_300, %get3A_301] {strides = array<i32>} : memref<128x128xf32, #tpu.memory_space<vmem>>, vector<16xf32>,
      %mul3A_303 = arith.mulf %get3A_302, %gather3A : vector<16xf32>
      %swap3A_304 = arith.index_cast %scan3A_276 : i32 to index
      %swap3A_305 = arith.constant 48 : index
      %swap3A_306 = tpu.vector_load %arg17[%swap3A_304, %swap3A_305] {strides = array<i32>} : memref<128x128xf32, #tpu.memory_space<vmem>>, vector<16xf32>,
      tpu.vector_store %arg17[%swap3A_304, %swap3A_305], %mul3A_303 {strides = array<i32>} : memref<128x128xf32, #tpu.memory_space<vmem>>, vector<16xf32>,
      %get3A_307 = arith.index_cast %scan3A_276 : i32 to index
      %get3A_308 = arith.constant 64 : index
      %get3A_309 = tpu.vector_load %arg17[%get3A_307, %get3A_308] {strides = array<i32>} : memref<128x128xf32, #tpu.memory_space<vmem>>, vector<16xf32>,
      %mul3A_310 = arith.mulf %get3A_309, %gather3A : vector<16xf32>
      %swap3A_311 = arith.index_cast %scan3A_276 : i32 to index
      %swap3A_312 = arith.constant 64 : index
      %swap3A_313 = tpu.vector_load %arg17[%swap3A_311, %swap3A_312] {strides = array<i32>} : memref<128x128xf32, #tpu.memory_space<vmem>>, vector<16xf32>,
      tpu.vector_store %arg17[%swap3A_311, %swap3A_312], %mul3A_310 {strides = array<i32>} : memref<128x128xf32, #tpu.memory_space<vmem>>, vector<16xf32>,
      %get3A_314 = arith.index_cast %scan3A_276 : i32 to index
      %get3A_315 = arith.constant 80 : index
      %get3A_316 = tpu.vector_load %arg17[%get3A_314, %get3A_315] {strides = array<i32>} : memref<128x128xf32, #tpu.memory_space<vmem>>, vector<16xf32>,
      %mul3A_317 = arith.mulf %get3A_316, %gather3A : vector<16xf32>
      %swap3A_318 = arith.index_cast %scan3A_276 : i32 to index
      %swap3A_319 = arith.constant 80 : index
      %swap3A_320 = tpu.vector_load %arg17[%swap3A_318, %swap3A_319] {strides = array<i32>} : memref<128x128xf32, #tpu.memory_space<vmem>>, vector<16xf32>,
      tpu.vector_store %arg17[%swap3A_318, %swap3A_319], %mul3A_317 {strides = array<i32>} : memref<128x128xf32, #tpu.memory_space<vmem>>, vector<16xf32>,
      %get3A_321 = arith.index_cast %scan3A_276 : i32 to index
      %get3A_322 = arith.constant 96 : index
      %get3A_323 = tpu.vector_load %arg17[%get3A_321, %get3A_322] {strides = array<i32>} : memref<128x128xf32, #tpu.memory_space<vmem>>, vector<16xf32>,
      %mul3A_324 = arith.mulf %get3A_323, %gather3A : vector<16xf32>
      %swap3A_325 = arith.index_cast %scan3A_276 : i32 to index
      %swap3A_326 = arith.constant 96 : index
      %swap3A_327 = tpu.vector_load %arg17[%swap3A_325, %swap3A_326] {strides = array<i32>} : memref<128x128xf32, #tpu.memory_space<vmem>>, vector<16xf32>,
      tpu.vector_store %arg17[%swap3A_325, %swap3A_326], %mul3A_324 {strides = array<i32>} : memref<128x128xf32, #tpu.memory_space<vmem>>, vector<16xf32>,
      %get3A_328 = arith.index_cast %scan3A_276 : i32 to index
      %get3A_329 = arith.constant 112 : index
      %get3A_330 = tpu.vector_load %arg17[%get3A_328, %get3A_329] {strides = array<i32>} : memref<128x128xf32, #tpu.memory_space<vmem>>, vector<16xf32>,
      %mul3A_331 = arith.mulf %get3A_330, %gather3A : vector<16xf32>
      %swap3A_332 = arith.index_cast %scan3A_276 : i32 to index
      %swap3A_333 = arith.constant 112 : index
      %swap3A_334 = tpu.vector_load %arg17[%swap3A_332, %swap3A_333] {strides = array<i32>} : memref<128x128xf32, #tpu.memory_space<vmem>>, vector<16xf32>,
      tpu.vector_store %arg17[%swap3A_332, %swap3A_333], %mul3A_331 {strides = array<i32>} : memref<128x128xf32, #tpu.memory_space<vmem>>, vector<16xf32>,
      %scan3A_335 = arith.constant 0 : i32
      scf.yield %scan3A_335 : i32
    }
    %scan3A_239 = arith.constant 128 : i32
    %dma_start3A_240 = arith.constant 0 : i32
    %dma_start3A_241 = arith.constant 0 : i32
    %dma_start3A_242 = tpu.memref_slice %arg7[%dma_start3A_240, %dma_start3A_241] : memref<10240x128xf32, #tpu.memory_space<vmem_shared>> -> memref<10240x128xf32, #tpu.memory_space<vmem_shared>>
    tpu.enqueue_indirect_dma source(%arg17 : memref<128x128xf32, #tpu.memory_space<vmem>>) target(%dma_start3A_242 : memref<10240x128xf32, #tpu.memory_space<vmem_shared>>) offsets(%arg15 : memref<128xi32, #tpu.memory_space<vmem>>) semaphore(%arg23 : memref<!tpu.dma_semaphore, #tpu.memory_space<semaphore_mem>>) {add = true}
    %add3A_243 = arith.constant 2 : i32
    %add3A_244 = arith.addi %sub3A_180, %add3A_243 : i32
    %mul3A_245 = arith.constant 128 : i32
    %mul3A_246 = arith.muli %add3A_244, %mul3A_245 : i32
    %add3A_247 = arith.addi %mul3A_60, %mul3A_246 : i32
    %dma_start3A_248 = tpu.memref_slice %arg3[%add3A_247] : memref<335872xi32, #tpu.memory_space<hbm>> -> memref<128xi32, #tpu.memory_space<hbm>>
    %dma_start3A_249 = tpu.memref_slice %arg3[%add3A_247] : memref<335872xi32, #tpu.memory_space<hbm>> -> memref<128xi32, #tpu.memory_space<hbm>>
    tpu.enqueue_dma source(%dma_start3A_249 : memref<128xi32, #tpu.memory_space<hbm>>) target(%arg9 : memref<128xi32, #tpu.memory_space<vmem>>) target_semaphore(%arg19 : memref<!tpu.dma_semaphore, #tpu.memory_space<semaphore_mem>>)
    %dma_start3A_250 = tpu.memref_slice %arg4[%add3A_247] : memref<335872xi32, #tpu.memory_space<hbm>> -> memref<128xi32, #tpu.memory_space<hbm>>
    %dma_start3A_251 = tpu.memref_slice %arg4[%add3A_247] : memref<335872xi32, #tpu.memory_space<hbm>> -> memref<128xi32, #tpu.memory_space<hbm>>
    tpu.enqueue_dma source(%dma_start3A_251 : memref<128xi32, #tpu.memory_space<hbm>>) target(%arg11 : memref<128xi32, #tpu.memory_space<vmem>>) target_semaphore(%arg19 : memref<!tpu.dma_semaphore, #tpu.memory_space<semaphore_mem>>)
    %dma_start3A_252 = tpu.memref_slice %arg5[%add3A_247] : memref<335872xf32, #tpu.memory_space<hbm>> -> memref<128xf32, #tpu.memory_space<hbm>>
    %dma_start3A_253 = tpu.memref_slice %arg5[%add3A_247] : memref<335872xf32, #tpu.memory_space<hbm>> -> memref<128xf32, #tpu.memory_space<hbm>>
    tpu.enqueue_dma source(%dma_start3A_253 : memref<128xf32, #tpu.memory_space<hbm>>) target(%arg13 : memref<128xf32, #tpu.memory_space<vmem>>) target_semaphore(%arg19 : memref<!tpu.dma_semaphore, #tpu.memory_space<semaphore_mem>>)
    %add3A_254 = arith.constant 1 : i32
    %add3A_255 = arith.addi %select_n3A, %add3A_254 : i32
    %mul3A_256 = arith.constant 128 : i32
    %mul3A_257 = arith.muli %add3A_255, %mul3A_256 : i32
    %add3A_258 = arith.addi %mul3A_60, %mul3A_257 : i32
    %dma_wait3A_259 = tpu.memref_slice %arg3[%add3A_258] : memref<335872xi32, #tpu.memory_space<hbm>> -> memref<128xi32, #tpu.memory_space<hbm>>
    %dma_wait3A_260 = tpu.memref_slice %arg3[%add3A_258] : memref<335872xi32, #tpu.memory_space<hbm>> -> memref<128xi32, #tpu.memory_space<hbm>>
    tpu.wait_dma2 semaphore(%arg19 : memref<!tpu.dma_semaphore, #tpu.memory_space<semaphore_mem>>) src(%dma_wait3A_260 : memref<128xi32, #tpu.memory_space<hbm>>) dst(%arg9 : memref<128xi32, #tpu.memory_space<vmem>>)
    %dma_wait3A_261 = tpu.memref_slice %arg4[%add3A_258] : memref<335872xi32, #tpu.memory_space<hbm>> -> memref<128xi32, #tpu.memory_space<hbm>>
    %dma_wait3A_262 = tpu.memref_slice %arg4[%add3A_258] : memref<335872xi32, #tpu.memory_space<hbm>> -> memref<128xi32, #tpu.memory_space<hbm>>
    tpu.wait_dma2 semaphore(%arg19 : memref<!tpu.dma_semaphore, #tpu.memory_space<semaphore_mem>>) src(%dma_wait3A_262 : memref<128xi32, #tpu.memory_space<hbm>>) dst(%arg11 : memref<128xi32, #tpu.memory_space<vmem>>)
    %dma_wait3A_263 = tpu.memref_slice %arg5[%add3A_258] : memref<335872xf32, #tpu.memory_space<hbm>> -> memref<128xf32, #tpu.memory_space<hbm>>
    %dma_wait3A_264 = tpu.memref_slice %arg5[%add3A_258] : memref<335872xf32, #tpu.memory_space<hbm>> -> memref<128xf32, #tpu.memory_space<hbm>>
    tpu.wait_dma2 semaphore(%arg19 : memref<!tpu.dma_semaphore, #tpu.memory_space<semaphore_mem>>) src(%dma_wait3A_264 : memref<128xf32, #tpu.memory_space<hbm>>) dst(%arg13 : memref<128xf32, #tpu.memory_space<vmem>>)
    %dma_wait3A_265 = arith.constant 0 : i32
    %dma_wait3A_266 = arith.constant 0 : i32
    %dma_wait3A_267 = tpu.memref_slice %arg2[%dma_wait3A_265, %dma_wait3A_266] : memref<10240x128xf32, #tpu.memory_space<hbm>> -> memref<10240x128xf32, #tpu.memory_space<hbm>>
    tpu.wait_indirect_dma semaphore(%arg20 : memref<!tpu.dma_semaphore, #tpu.memory_space<semaphore_mem>>) src(%dma_wait3A_267 : memref<10240x128xf32, #tpu.memory_space<hbm>>) dst(%arg16 : memref<128x128xf32, #tpu.memory_space<vmem>>)
    %dma_wait3A_268 = arith.constant 0 : i32
    %dma_wait3A_269 = arith.constant 0 : i32
    %dma_wait3A_270 = tpu.memref_slice %arg7[%dma_wait3A_268, %dma_wait3A_269] : memref<10240x128xf32, #tpu.memory_space<vmem_shared>> -> memref<10240x128xf32, #tpu.memory_space<vmem_shared>>
    tpu.wait_indirect_dma semaphore(%arg23 : memref<!tpu.dma_semaphore, #tpu.memory_space<semaphore_mem>>) src(%arg17 : memref<128x128xf32, #tpu.memory_space<vmem>>) dst(%dma_wait3A_270 : memref<10240x128xf32, #tpu.memory_space<vmem_shared>>)
    %barrier3A_271 = arith.constant 0 : index
    tpu.barrier barrier_id(%barrier3A_271)
    %mul3A_272 = arith.constant 640 : i32
    %mul3A_273 = arith.muli %arg1, %mul3A_272 : i32
    %mul3A_274 = arith.constant 640 : i32
    %mul3A_275 = arith.muli %arg1, %mul3A_274 : i32
    "tpu.region"() ({
      %run_scoped3A = tpu.sem_alloc : memref<!tpu.dma_semaphore, #tpu.memory_space<semaphore_mem>>
      %dma_start3A_276 = arith.constant 0 : i32
      %dma_start3A_277 = tpu.memref_slice %arg6[%arg0, %mul3A_275, %dma_start3A_276] : memref<2x10240x128xf32, #tpu.memory_space<hbm>> -> memref<1x640x128xf32, #tpu.memory_space<hbm>>
      %dma_start3A_278 = tpu.memref_squeeze %dma_start3A_277 : memref<1x640x128xf32, #tpu.memory_space<hbm>> -> memref<640x128xf32, #tpu.memory_space<hbm>>
      %dma_start3A_279 = arith.constant 0 : i32
      %dma_start3A_280 = tpu.memref_slice %arg7[%mul3A_273, %dma_start3A_279] : memref<10240x128xf32, #tpu.memory_space<vmem_shared>> -> memref<640x128xf32, #tpu.memory_space<vmem_shared>>
      tpu.enqueue_dma source(%dma_start3A_280 : memref<640x128xf32, #tpu.memory_space<vmem_shared>>) target(%dma_start3A_278 : memref<640x128xf32, #tpu.memory_space<hbm>>) target_semaphore(%run_scoped3A : memref<!tpu.dma_semaphore, #tpu.memory_space<semaphore_mem>>)
      %dma_wait3A_281 = arith.constant 0 : i32
      %dma_wait3A_282 = tpu.memref_slice %arg6[%arg0, %mul3A_275, %dma_wait3A_281] : memref<2x10240x128xf32, #tpu.memory_space<hbm>> -> memref<1x640x128xf32, #tpu.memory_space<hbm>>
      %dma_wait3A_283 = tpu.memref_squeeze %dma_wait3A_282 : memref<1x640x128xf32, #tpu.memory_space<hbm>> -> memref<640x128xf32, #tpu.memory_space<hbm>>
      %dma_wait3A_284 = arith.constant 0 : i32
      %dma_wait3A_285 = tpu.memref_slice %arg7[%mul3A_273, %dma_wait3A_284] : memref<10240x128xf32, #tpu.memory_space<vmem_shared>> -> memref<640x128xf32, #tpu.memory_space<vmem_shared>>
      tpu.wait_dma2 semaphore(%run_scoped3A : memref<!tpu.dma_semaphore, #tpu.memory_space<semaphore_mem>>) src(%dma_wait3A_285 : memref<640x128xf32, #tpu.memory_space<vmem_shared>>) dst(%dma_wait3A_283 : memref<640x128xf32, #tpu.memory_space<hbm>>)
      tpu.yield
    }) : () -> ()
    return
  }
}

#map = affine_map<(d0, d1) -> (0)>
#map1 = affine_map<(d0, d1) -> (0, 0, 0)>
module attributes {stable_mosaic.version = 14 : i64} {
  func.func @_sc_scalar_kernel(%arg0: i32, %arg1: i32, %arg2: memref<10240xf32, #tpu.memory_space<hbm>>, %arg3: memref<10240xf32, #tpu.memory_space<hbm>>, %arg4: memref<335872xi32, #tpu.memory_space<hbm>>, %arg5: memref<335872xi32, #tpu.memory_space<hbm>>, %arg6: memref<335872xf32, #tpu.memory_space<hbm>>, %arg7: memref<32x1x10240xf32, #tpu.memory_space<hbm>>, %arg8: memref<10240xf32, #tpu.memory_space<vmem>>, %arg9: memref<10240xf32, #tpu.memory_space<vmem>>, %arg10: memref<10240xf32, #tpu.memory_space<vmem>>, %arg11: memref<10496xi32, #tpu.memory_space<vmem>>, %arg12: memref<10496xi32, #tpu.memory_space<vmem>>, %arg13: memref<10496xf32, #tpu.memory_space<vmem>>) attributes {dimension_semantics = [#tpu.dimension_semantics<core_parallel>, #tpu.dimension_semantics<subcore_parallel>], iteration_bounds = array<i64: 2, 16>, scalar_prefetch = 0 : i64, scratch_operands = 6 : i64, tpu.core_type = #tpu.core_type<sc_vector_subcore>, window_params = [{transform_indices = #map}, {transform_indices = #map}, {transform_indices = #map}, {transform_indices = #map}, {transform_indices = #map}, {transform_indices = #map1}]} {
    %mul3A = arith.constant 16 : i32
    %mul3A_0 = arith.muli %arg0, %mul3A : i32
    %add3A = arith.addi %mul3A_0, %arg1 : i32
    %broadcast_in_dim3A = arith.constant 0.000000e+00 : f32
    %broadcast_in_dim3A_1 = vector.broadcast %broadcast_in_dim3A : f32 to vector<16xf32>
    %scan3A = arith.constant 0 : i32
    %scan3A_2 = arith.constant 0 : i32
    %scan3A_3 = arith.constant 640 : i32
    %scan3A_4 = arith.addi %scan3A_2, %scan3A_3 : i32
    %scan3A_5 = arith.constant 1 : i32
    %scan3A_6 = scf.for %scan3A_21 = %scan3A_2 to %scan3A_4 step %scan3A_5 iter_args(%scan3A_22 = %scan3A) -> (i32)  : i32 {
      %mul3A_23 = arith.constant 16 : i32
      %mul3A_24 = arith.muli %scan3A_21, %mul3A_23 : i32
      %swap3A = arith.index_cast %mul3A_24 : i32 to index
      %swap3A_25 = tpu.vector_load %arg10[%swap3A] {strides = array<i32>} : memref<10240xf32, #tpu.memory_space<vmem>>, vector<16xf32>,
      tpu.vector_store %arg10[%swap3A], %broadcast_in_dim3A_1 {strides = array<i32>} : memref<10240xf32, #tpu.memory_space<vmem>>, vector<16xf32>,
      %scan3A_26 = arith.constant 0 : i32
      scf.yield %scan3A_26 : i32
    }
    %scan3A_7 = arith.constant 640 : i32
    "tpu.region"() ({
      %run_scoped3A_21 = tpu.sem_alloc : memref<!tpu.dma_semaphore, #tpu.memory_space<semaphore_mem>>
      %dma_start3A = arith.constant 0 : i32
      %dma_start3A_22 = tpu.memref_slice %arg2[%dma_start3A] : memref<10240xf32, #tpu.memory_space<hbm>> -> memref<10240xf32, #tpu.memory_space<hbm>>
      %dma_start3A_23 = arith.constant 0 : i32
      %dma_start3A_24 = tpu.memref_slice %arg2[%dma_start3A_23] : memref<10240xf32, #tpu.memory_space<hbm>> -> memref<10240xf32, #tpu.memory_space<hbm>>
      tpu.enqueue_dma source(%dma_start3A_24 : memref<10240xf32, #tpu.memory_space<hbm>>) target(%arg8 : memref<10240xf32, #tpu.memory_space<vmem>>) target_semaphore(%run_scoped3A_21 : memref<!tpu.dma_semaphore, #tpu.memory_space<semaphore_mem>>)
      %dma_wait3A = arith.constant 0 : i32
      %dma_wait3A_25 = tpu.memref_slice %arg2[%dma_wait3A] : memref<10240xf32, #tpu.memory_space<hbm>> -> memref<10240xf32, #tpu.memory_space<hbm>>
      %dma_wait3A_26 = arith.constant 0 : i32
      %dma_wait3A_27 = tpu.memref_slice %arg2[%dma_wait3A_26] : memref<10240xf32, #tpu.memory_space<hbm>> -> memref<10240xf32, #tpu.memory_space<hbm>>
      tpu.wait_dma2 semaphore(%run_scoped3A_21 : memref<!tpu.dma_semaphore, #tpu.memory_space<semaphore_mem>>) src(%dma_wait3A_27 : memref<10240xf32, #tpu.memory_space<hbm>>) dst(%arg8 : memref<10240xf32, #tpu.memory_space<vmem>>)
      tpu.yield
    }) : () -> ()
    "tpu.region"() ({
      %run_scoped3A_21 = tpu.sem_alloc : memref<!tpu.dma_semaphore, #tpu.memory_space<semaphore_mem>>
      %dma_start3A = arith.constant 0 : i32
      %dma_start3A_22 = tpu.memref_slice %arg3[%dma_start3A] : memref<10240xf32, #tpu.memory_space<hbm>> -> memref<10240xf32, #tpu.memory_space<hbm>>
      %dma_start3A_23 = arith.constant 0 : i32
      %dma_start3A_24 = tpu.memref_slice %arg3[%dma_start3A_23] : memref<10240xf32, #tpu.memory_space<hbm>> -> memref<10240xf32, #tpu.memory_space<hbm>>
      tpu.enqueue_dma source(%dma_start3A_24 : memref<10240xf32, #tpu.memory_space<hbm>>) target(%arg9 : memref<10240xf32, #tpu.memory_space<vmem>>) target_semaphore(%run_scoped3A_21 : memref<!tpu.dma_semaphore, #tpu.memory_space<semaphore_mem>>)
      %dma_wait3A = arith.constant 0 : i32
      %dma_wait3A_25 = tpu.memref_slice %arg3[%dma_wait3A] : memref<10240xf32, #tpu.memory_space<hbm>> -> memref<10240xf32, #tpu.memory_space<hbm>>
      %dma_wait3A_26 = arith.constant 0 : i32
      %dma_wait3A_27 = tpu.memref_slice %arg3[%dma_wait3A_26] : memref<10240xf32, #tpu.memory_space<hbm>> -> memref<10240xf32, #tpu.memory_space<hbm>>
      tpu.wait_dma2 semaphore(%run_scoped3A_21 : memref<!tpu.dma_semaphore, #tpu.memory_space<semaphore_mem>>) src(%dma_wait3A_27 : memref<10240xf32, #tpu.memory_space<hbm>>) dst(%arg9 : memref<10240xf32, #tpu.memory_space<vmem>>)
      tpu.yield
    }) : () -> ()
    %mul3A_8 = arith.constant 10496 : i32
    %mul3A_9 = arith.muli %add3A, %mul3A_8 : i32
    "tpu.region"() ({
      %run_scoped3A_21 = tpu.sem_alloc : memref<!tpu.dma_semaphore, #tpu.memory_space<semaphore_mem>>
      %dma_start3A = tpu.memref_slice %arg4[%mul3A_9] : memref<335872xi32, #tpu.memory_space<hbm>> -> memref<10496xi32, #tpu.memory_space<hbm>>
      %dma_start3A_22 = tpu.memref_slice %arg4[%mul3A_9] : memref<335872xi32, #tpu.memory_space<hbm>> -> memref<10496xi32, #tpu.memory_space<hbm>>
      tpu.enqueue_dma source(%dma_start3A_22 : memref<10496xi32, #tpu.memory_space<hbm>>) target(%arg11 : memref<10496xi32, #tpu.memory_space<vmem>>) target_semaphore(%run_scoped3A_21 : memref<!tpu.dma_semaphore, #tpu.memory_space<semaphore_mem>>)
      %dma_wait3A = tpu.memref_slice %arg4[%mul3A_9] : memref<335872xi32, #tpu.memory_space<hbm>> -> memref<10496xi32, #tpu.memory_space<hbm>>
      %dma_wait3A_23 = tpu.memref_slice %arg4[%mul3A_9] : memref<335872xi32, #tpu.memory_space<hbm>> -> memref<10496xi32, #tpu.memory_space<hbm>>
      tpu.wait_dma2 semaphore(%run_scoped3A_21 : memref<!tpu.dma_semaphore, #tpu.memory_space<semaphore_mem>>) src(%dma_wait3A_23 : memref<10496xi32, #tpu.memory_space<hbm>>) dst(%arg11 : memref<10496xi32, #tpu.memory_space<vmem>>)
      tpu.yield
    }) : () -> ()
    %mul3A_10 = arith.constant 10496 : i32
    %mul3A_11 = arith.muli %add3A, %mul3A_10 : i32
    "tpu.region"() ({
      %run_scoped3A_21 = tpu.sem_alloc : memref<!tpu.dma_semaphore, #tpu.memory_space<semaphore_mem>>
      %dma_start3A = tpu.memref_slice %arg5[%mul3A_11] : memref<335872xi32, #tpu.memory_space<hbm>> -> memref<10496xi32, #tpu.memory_space<hbm>>
      %dma_start3A_22 = tpu.memref_slice %arg5[%mul3A_11] : memref<335872xi32, #tpu.memory_space<hbm>> -> memref<10496xi32, #tpu.memory_space<hbm>>
      tpu.enqueue_dma source(%dma_start3A_22 : memref<10496xi32, #tpu.memory_space<hbm>>) target(%arg12 : memref<10496xi32, #tpu.memory_space<vmem>>) target_semaphore(%run_scoped3A_21 : memref<!tpu.dma_semaphore, #tpu.memory_space<semaphore_mem>>)
      %dma_wait3A = tpu.memref_slice %arg5[%mul3A_11] : memref<335872xi32, #tpu.memory_space<hbm>> -> memref<10496xi32, #tpu.memory_space<hbm>>
      %dma_wait3A_23 = tpu.memref_slice %arg5[%mul3A_11] : memref<335872xi32, #tpu.memory_space<hbm>> -> memref<10496xi32, #tpu.memory_space<hbm>>
      tpu.wait_dma2 semaphore(%run_scoped3A_21 : memref<!tpu.dma_semaphore, #tpu.memory_space<semaphore_mem>>) src(%dma_wait3A_23 : memref<10496xi32, #tpu.memory_space<hbm>>) dst(%arg12 : memref<10496xi32, #tpu.memory_space<vmem>>)
      tpu.yield
    }) : () -> ()
    %iota3A = tpu.iota {dimensions = array<i32: 0>} : vector<16xi32>
    %scan3A_12 = arith.constant 0 : i32
    %scan3A_13 = arith.constant 0 : i32
    %scan3A_14 = arith.constant 656 : i32
    %scan3A_15 = arith.addi %scan3A_13, %scan3A_14 : i32
    %scan3A_16 = arith.constant 1 : i32
    %scan3A_17 = scf.for %scan3A_21 = %scan3A_13 to %scan3A_15 step %scan3A_16 iter_args(%scan3A_22 = %scan3A_12) -> (i32)  : i32 {
      %mul3A_23 = arith.constant 16 : i32
      %mul3A_24 = arith.muli %scan3A_21, %mul3A_23 : i32
      %get3A = arith.index_cast %mul3A_24 : i32 to index
      %get3A_25 = tpu.vector_load %arg11[%get3A] {strides = array<i32>} : memref<10496xi32, #tpu.memory_space<vmem>>, vector<16xi32>,
      %mul3A_26 = arith.constant 16 : i32
      %mul3A_27 = arith.muli %scan3A_21, %mul3A_26 : i32
      %get3A_28 = arith.index_cast %mul3A_27 : i32 to index
      %get3A_29 = tpu.vector_load %arg12[%get3A_28] {strides = array<i32>} : memref<10496xi32, #tpu.memory_space<vmem>>, vector<16xi32>,
      %gather3A = tpu.vector_load_idx %arg8[%get3A_25] : memref<10240xf32, #tpu.memory_space<vmem>>[vector<16xi32>], vector<16xf32>,
      %gather3A_30 = tpu.vector_load_idx %arg9[%get3A_29] : memref<10240xf32, #tpu.memory_space<vmem>>[vector<16xi32>], vector<16xf32>,
      %add3A_31 = arith.addf %gather3A, %gather3A_30 : vector<16xf32>
      %ge3A = arith.constant 0.000000e+00 : f32
      %ge3A_32 = vector.broadcast %ge3A : f32 to vector<16xf32>
      %ge3A_33 = arith.cmpf oge, %add3A_31, %ge3A_32 : vector<16xf32>
      %mul3A_34 = arith.constant 2.000000e-01 : f32
      %mul3A_35 = vector.broadcast %mul3A_34 : f32 to vector<16xf32>
      %mul3A_36 = arith.mulf %mul3A_35, %add3A_31 : vector<16xf32>
      %select_n3A = arith.select %ge3A_33, %add3A_31, %mul3A_36 : vector<16xi1>, vector<16xf32>
      %exp3A = math.exp %select_n3A : vector<16xf32>
      %mul3A_37 = arith.constant 16 : i32
      %mul3A_38 = arith.muli %scan3A_21, %mul3A_37 : i32
      %swap3A = arith.index_cast %mul3A_38 : i32 to index
      %swap3A_39 = tpu.vector_load %arg13[%swap3A] {strides = array<i32>} : memref<10496xf32, #tpu.memory_space<vmem>>, vector<16xf32>,
      tpu.vector_store %arg13[%swap3A], %exp3A {strides = array<i32>} : memref<10496xf32, #tpu.memory_space<vmem>>, vector<16xf32>,
      %eq3A = arith.constant 0 : i32
      %eq3A_40 = vector.broadcast %eq3A : i32 to vector<16xi32>
      %eq3A_41 = arith.cmpi eq, %iota3A, %eq3A_40 : vector<16xi32>
      tpu.vector_store_idx %arg10[%get3A_29], %exp3A masked %eq3A_41 {add = true} : memref<10240xf32, #tpu.memory_space<vmem>>[vector<16xi32>], vector<16xf32>, vector<16xi1>
      %eq3A_42 = arith.constant 1 : i32
      %eq3A_43 = vector.broadcast %eq3A_42 : i32 to vector<16xi32>
      %eq3A_44 = arith.cmpi eq, %iota3A, %eq3A_43 : vector<16xi32>
      tpu.vector_store_idx %arg10[%get3A_29], %exp3A masked %eq3A_44 {add = true} : memref<10240xf32, #tpu.memory_space<vmem>>[vector<16xi32>], vector<16xf32>, vector<16xi1>
      %eq3A_45 = arith.constant 2 : i32
      %eq3A_46 = vector.broadcast %eq3A_45 : i32 to vector<16xi32>
      %eq3A_47 = arith.cmpi eq, %iota3A, %eq3A_46 : vector<16xi32>
      tpu.vector_store_idx %arg10[%get3A_29], %exp3A masked %eq3A_47 {add = true} : memref<10240xf32, #tpu.memory_space<vmem>>[vector<16xi32>], vector<16xf32>, vector<16xi1>
      %eq3A_48 = arith.constant 3 : i32
      %eq3A_49 = vector.broadcast %eq3A_48 : i32 to vector<16xi32>
      %eq3A_50 = arith.cmpi eq, %iota3A, %eq3A_49 : vector<16xi32>
      tpu.vector_store_idx %arg10[%get3A_29], %exp3A masked %eq3A_50 {add = true} : memref<10240xf32, #tpu.memory_space<vmem>>[vector<16xi32>], vector<16xf32>, vector<16xi1>
      %eq3A_51 = arith.constant 4 : i32
      %eq3A_52 = vector.broadcast %eq3A_51 : i32 to vector<16xi32>
      %eq3A_53 = arith.cmpi eq, %iota3A, %eq3A_52 : vector<16xi32>
      tpu.vector_store_idx %arg10[%get3A_29], %exp3A masked %eq3A_53 {add = true} : memref<10240xf32, #tpu.memory_space<vmem>>[vector<16xi32>], vector<16xf32>, vector<16xi1>
      %eq3A_54 = arith.constant 5 : i32
      %eq3A_55 = vector.broadcast %eq3A_54 : i32 to vector<16xi32>
      %eq3A_56 = arith.cmpi eq, %iota3A, %eq3A_55 : vector<16xi32>
      tpu.vector_store_idx %arg10[%get3A_29], %exp3A masked %eq3A_56 {add = true} : memref<10240xf32, #tpu.memory_space<vmem>>[vector<16xi32>], vector<16xf32>, vector<16xi1>
      %eq3A_57 = arith.constant 6 : i32
      %eq3A_58 = vector.broadcast %eq3A_57 : i32 to vector<16xi32>
      %eq3A_59 = arith.cmpi eq, %iota3A, %eq3A_58 : vector<16xi32>
      tpu.vector_store_idx %arg10[%get3A_29], %exp3A masked %eq3A_59 {add = true} : memref<10240xf32, #tpu.memory_space<vmem>>[vector<16xi32>], vector<16xf32>, vector<16xi1>
      %eq3A_60 = arith.constant 7 : i32
      %eq3A_61 = vector.broadcast %eq3A_60 : i32 to vector<16xi32>
      %eq3A_62 = arith.cmpi eq, %iota3A, %eq3A_61 : vector<16xi32>
      tpu.vector_store_idx %arg10[%get3A_29], %exp3A masked %eq3A_62 {add = true} : memref<10240xf32, #tpu.memory_space<vmem>>[vector<16xi32>], vector<16xf32>, vector<16xi1>
      %eq3A_63 = arith.constant 8 : i32
      %eq3A_64 = vector.broadcast %eq3A_63 : i32 to vector<16xi32>
      %eq3A_65 = arith.cmpi eq, %iota3A, %eq3A_64 : vector<16xi32>
      tpu.vector_store_idx %arg10[%get3A_29], %exp3A masked %eq3A_65 {add = true} : memref<10240xf32, #tpu.memory_space<vmem>>[vector<16xi32>], vector<16xf32>, vector<16xi1>
      %eq3A_66 = arith.constant 9 : i32
      %eq3A_67 = vector.broadcast %eq3A_66 : i32 to vector<16xi32>
      %eq3A_68 = arith.cmpi eq, %iota3A, %eq3A_67 : vector<16xi32>
      tpu.vector_store_idx %arg10[%get3A_29], %exp3A masked %eq3A_68 {add = true} : memref<10240xf32, #tpu.memory_space<vmem>>[vector<16xi32>], vector<16xf32>, vector<16xi1>
      %eq3A_69 = arith.constant 10 : i32
      %eq3A_70 = vector.broadcast %eq3A_69 : i32 to vector<16xi32>
      %eq3A_71 = arith.cmpi eq, %iota3A, %eq3A_70 : vector<16xi32>
      tpu.vector_store_idx %arg10[%get3A_29], %exp3A masked %eq3A_71 {add = true} : memref<10240xf32, #tpu.memory_space<vmem>>[vector<16xi32>], vector<16xf32>, vector<16xi1>
      %eq3A_72 = arith.constant 11 : i32
      %eq3A_73 = vector.broadcast %eq3A_72 : i32 to vector<16xi32>
      %eq3A_74 = arith.cmpi eq, %iota3A, %eq3A_73 : vector<16xi32>
      tpu.vector_store_idx %arg10[%get3A_29], %exp3A masked %eq3A_74 {add = true} : memref<10240xf32, #tpu.memory_space<vmem>>[vector<16xi32>], vector<16xf32>, vector<16xi1>
      %eq3A_75 = arith.constant 12 : i32
      %eq3A_76 = vector.broadcast %eq3A_75 : i32 to vector<16xi32>
      %eq3A_77 = arith.cmpi eq, %iota3A, %eq3A_76 : vector<16xi32>
      tpu.vector_store_idx %arg10[%get3A_29], %exp3A masked %eq3A_77 {add = true} : memref<10240xf32, #tpu.memory_space<vmem>>[vector<16xi32>], vector<16xf32>, vector<16xi1>
      %eq3A_78 = arith.constant 13 : i32
      %eq3A_79 = vector.broadcast %eq3A_78 : i32 to vector<16xi32>
      %eq3A_80 = arith.cmpi eq, %iota3A, %eq3A_79 : vector<16xi32>
      tpu.vector_store_idx %arg10[%get3A_29], %exp3A masked %eq3A_80 {add = true} : memref<10240xf32, #tpu.memory_space<vmem>>[vector<16xi32>], vector<16xf32>, vector<16xi1>
      %eq3A_81 = arith.constant 14 : i32
      %eq3A_82 = vector.broadcast %eq3A_81 : i32 to vector<16xi32>
      %eq3A_83 = arith.cmpi eq, %iota3A, %eq3A_82 : vector<16xi32>
      tpu.vector_store_idx %arg10[%get3A_29], %exp3A masked %eq3A_83 {add = true} : memref<10240xf32, #tpu.memory_space<vmem>>[vector<16xi32>], vector<16xf32>, vector<16xi1>
      %eq3A_84 = arith.constant 15 : i32
      %eq3A_85 = vector.broadcast %eq3A_84 : i32 to vector<16xi32>
      %eq3A_86 = arith.cmpi eq, %iota3A, %eq3A_85 : vector<16xi32>
      tpu.vector_store_idx %arg10[%get3A_29], %exp3A masked %eq3A_86 {add = true} : memref<10240xf32, #tpu.memory_space<vmem>>[vector<16xi32>], vector<16xf32>, vector<16xi1>
      %scan3A_87 = arith.constant 0 : i32
      scf.yield %scan3A_87 : i32
    }
    %scan3A_18 = arith.constant 656 : i32
    %mul3A_19 = arith.constant 10496 : i32
    %mul3A_20 = arith.muli %add3A, %mul3A_19 : i32
    "tpu.region"() ({
      %run_scoped3A_21 = tpu.sem_alloc : memref<!tpu.dma_semaphore, #tpu.memory_space<semaphore_mem>>
      %dma_start3A = tpu.memref_slice %arg6[%mul3A_20] : memref<335872xf32, #tpu.memory_space<hbm>> -> memref<10496xf32, #tpu.memory_space<hbm>>
      %dma_start3A_22 = tpu.memref_slice %arg6[%mul3A_20] : memref<335872xf32, #tpu.memory_space<hbm>> -> memref<10496xf32, #tpu.memory_space<hbm>>
      tpu.enqueue_dma source(%arg13 : memref<10496xf32, #tpu.memory_space<vmem>>) target(%dma_start3A_22 : memref<10496xf32, #tpu.memory_space<hbm>>) target_semaphore(%run_scoped3A_21 : memref<!tpu.dma_semaphore, #tpu.memory_space<semaphore_mem>>)
      %dma_wait3A = tpu.memref_slice %arg6[%mul3A_20] : memref<335872xf32, #tpu.memory_space<hbm>> -> memref<10496xf32, #tpu.memory_space<hbm>>
      %dma_wait3A_23 = tpu.memref_slice %arg6[%mul3A_20] : memref<335872xf32, #tpu.memory_space<hbm>> -> memref<10496xf32, #tpu.memory_space<hbm>>
      tpu.wait_dma2 semaphore(%run_scoped3A_21 : memref<!tpu.dma_semaphore, #tpu.memory_space<semaphore_mem>>) src(%arg13 : memref<10496xf32, #tpu.memory_space<vmem>>) dst(%dma_wait3A_23 : memref<10496xf32, #tpu.memory_space<hbm>>)
      tpu.yield
    }) : () -> ()
    %run_scoped3A = arith.constant 0 : i32
    "tpu.region"() ({
      %run_scoped3A_21 = tpu.sem_alloc : memref<!tpu.dma_semaphore, #tpu.memory_space<semaphore_mem>>
      %dma_start3A = arith.constant 0 : i32
      %dma_start3A_22 = tpu.memref_slice %arg7[%add3A, %run_scoped3A, %dma_start3A] : memref<32x1x10240xf32, #tpu.memory_space<hbm>> -> memref<1x1x10240xf32, #tpu.memory_space<hbm>>
      %dma_start3A_23 = tpu.memref_squeeze %dma_start3A_22 : memref<1x1x10240xf32, #tpu.memory_space<hbm>> -> memref<10240xf32, #tpu.memory_space<hbm>>
      %dma_start3A_24 = arith.constant 0 : i32
      %dma_start3A_25 = tpu.memref_slice %arg7[%add3A, %run_scoped3A, %dma_start3A_24] : memref<32x1x10240xf32, #tpu.memory_space<hbm>> -> memref<1x1x10240xf32, #tpu.memory_space<hbm>>
      %dma_start3A_26 = tpu.memref_squeeze %dma_start3A_25 : memref<1x1x10240xf32, #tpu.memory_space<hbm>> -> memref<10240xf32, #tpu.memory_space<hbm>>
      tpu.enqueue_dma source(%arg10 : memref<10240xf32, #tpu.memory_space<vmem>>) target(%dma_start3A_26 : memref<10240xf32, #tpu.memory_space<hbm>>) target_semaphore(%run_scoped3A_21 : memref<!tpu.dma_semaphore, #tpu.memory_space<semaphore_mem>>)
      %dma_wait3A = arith.constant 0 : i32
      %dma_wait3A_27 = tpu.memref_slice %arg7[%add3A, %run_scoped3A, %dma_wait3A] : memref<32x1x10240xf32, #tpu.memory_space<hbm>> -> memref<1x1x10240xf32, #tpu.memory_space<hbm>>
      %dma_wait3A_28 = tpu.memref_squeeze %dma_wait3A_27 : memref<1x1x10240xf32, #tpu.memory_space<hbm>> -> memref<10240xf32, #tpu.memory_space<hbm>>
      %dma_wait3A_29 = arith.constant 0 : i32
      %dma_wait3A_30 = tpu.memref_slice %arg7[%add3A, %run_scoped3A, %dma_wait3A_29] : memref<32x1x10240xf32, #tpu.memory_space<hbm>> -> memref<1x1x10240xf32, #tpu.memory_space<hbm>>
      %dma_wait3A_31 = tpu.memref_squeeze %dma_wait3A_30 : memref<1x1x10240xf32, #tpu.memory_space<hbm>> -> memref<10240xf32, #tpu.memory_space<hbm>>
      tpu.wait_dma2 semaphore(%run_scoped3A_21 : memref<!tpu.dma_semaphore, #tpu.memory_space<semaphore_mem>>) src(%arg10 : memref<10240xf32, #tpu.memory_space<vmem>>) dst(%dma_wait3A_31 : memref<10240xf32, #tpu.memory_space<hbm>>)
      tpu.yield
    }) : () -> ()
    return
  }
}

#map = affine_map<(d0, d1) -> (0)>
#map1 = affine_map<(d0, d1) -> (0, 0, 0)>
module attributes {stable_mosaic.version = 14 : i64} {
  func.func @_sc_scalar_kernel(%arg0: i32, %arg1: i32, %arg2: memref<10240xf32, #tpu.memory_space<hbm>>, %arg3: memref<10240xf32, #tpu.memory_space<hbm>>, %arg4: memref<335872xi32, #tpu.memory_space<hbm>>, %arg5: memref<335872xi32, #tpu.memory_space<hbm>>, %arg6: memref<335872xf32, #tpu.memory_space<hbm>>, %arg7: memref<32x1x10240xf32, #tpu.memory_space<hbm>>, %arg8: memref<10240xf32, #tpu.memory_space<vmem>>, %arg9: memref<10240xf32, #tpu.memory_space<vmem>>, %arg10: memref<10240xf32, #tpu.memory_space<vmem>>, %arg11: memref<10496xi32, #tpu.memory_space<vmem>>, %arg12: memref<10496xi32, #tpu.memory_space<vmem>>, %arg13: memref<10496xf32, #tpu.memory_space<vmem>>) attributes {dimension_semantics = [#tpu.dimension_semantics<core_parallel>, #tpu.dimension_semantics<subcore_parallel>], iteration_bounds = array<i64: 2, 16>, scalar_prefetch = 0 : i64, scratch_operands = 6 : i64, tpu.core_type = #tpu.core_type<sc_vector_subcore>, window_params = [{transform_indices = #map}, {transform_indices = #map}, {transform_indices = #map}, {transform_indices = #map}, {transform_indices = #map}, {transform_indices = #map1}]} {
    %mul3A = arith.constant 16 : i32
    %mul3A_0 = arith.muli %arg0, %mul3A : i32
    %add3A = arith.addi %mul3A_0, %arg1 : i32
    %broadcast_in_dim3A = arith.constant 0.000000e+00 : f32
    %broadcast_in_dim3A_1 = vector.broadcast %broadcast_in_dim3A : f32 to vector<16xf32>
    %scan3A = arith.constant 0 : i32
    %scan3A_2 = arith.constant 0 : i32
    %scan3A_3 = arith.constant 640 : i32
    %scan3A_4 = arith.addi %scan3A_2, %scan3A_3 : i32
    %scan3A_5 = arith.constant 1 : i32
    %scan3A_6 = scf.for %scan3A_21 = %scan3A_2 to %scan3A_4 step %scan3A_5 iter_args(%scan3A_22 = %scan3A) -> (i32)  : i32 {
      %mul3A_23 = arith.constant 16 : i32
      %mul3A_24 = arith.muli %scan3A_21, %mul3A_23 : i32
      %swap3A = arith.index_cast %mul3A_24 : i32 to index
      %swap3A_25 = tpu.vector_load %arg10[%swap3A] {strides = array<i32>} : memref<10240xf32, #tpu.memory_space<vmem>>, vector<16xf32>,
      tpu.vector_store %arg10[%swap3A], %broadcast_in_dim3A_1 {strides = array<i32>} : memref<10240xf32, #tpu.memory_space<vmem>>, vector<16xf32>,
      %scan3A_26 = arith.constant 0 : i32
      scf.yield %scan3A_26 : i32
    }
    %scan3A_7 = arith.constant 640 : i32
    "tpu.region"() ({
      %run_scoped3A_21 = tpu.sem_alloc : memref<!tpu.dma_semaphore, #tpu.memory_space<semaphore_mem>>
      %dma_start3A = arith.constant 0 : i32
      %dma_start3A_22 = tpu.memref_slice %arg2[%dma_start3A] : memref<10240xf32, #tpu.memory_space<hbm>> -> memref<10240xf32, #tpu.memory_space<hbm>>
      %dma_start3A_23 = arith.constant 0 : i32
      %dma_start3A_24 = tpu.memref_slice %arg2[%dma_start3A_23] : memref<10240xf32, #tpu.memory_space<hbm>> -> memref<10240xf32, #tpu.memory_space<hbm>>
      tpu.enqueue_dma source(%dma_start3A_24 : memref<10240xf32, #tpu.memory_space<hbm>>) target(%arg8 : memref<10240xf32, #tpu.memory_space<vmem>>) target_semaphore(%run_scoped3A_21 : memref<!tpu.dma_semaphore, #tpu.memory_space<semaphore_mem>>)
      %dma_wait3A = arith.constant 0 : i32
      %dma_wait3A_25 = tpu.memref_slice %arg2[%dma_wait3A] : memref<10240xf32, #tpu.memory_space<hbm>> -> memref<10240xf32, #tpu.memory_space<hbm>>
      %dma_wait3A_26 = arith.constant 0 : i32
      %dma_wait3A_27 = tpu.memref_slice %arg2[%dma_wait3A_26] : memref<10240xf32, #tpu.memory_space<hbm>> -> memref<10240xf32, #tpu.memory_space<hbm>>
      tpu.wait_dma2 semaphore(%run_scoped3A_21 : memref<!tpu.dma_semaphore, #tpu.memory_space<semaphore_mem>>) src(%dma_wait3A_27 : memref<10240xf32, #tpu.memory_space<hbm>>) dst(%arg8 : memref<10240xf32, #tpu.memory_space<vmem>>)
      tpu.yield
    }) : () -> ()
    "tpu.region"() ({
      %run_scoped3A_21 = tpu.sem_alloc : memref<!tpu.dma_semaphore, #tpu.memory_space<semaphore_mem>>
      %dma_start3A = arith.constant 0 : i32
      %dma_start3A_22 = tpu.memref_slice %arg3[%dma_start3A] : memref<10240xf32, #tpu.memory_space<hbm>> -> memref<10240xf32, #tpu.memory_space<hbm>>
      %dma_start3A_23 = arith.constant 0 : i32
      %dma_start3A_24 = tpu.memref_slice %arg3[%dma_start3A_23] : memref<10240xf32, #tpu.memory_space<hbm>> -> memref<10240xf32, #tpu.memory_space<hbm>>
      tpu.enqueue_dma source(%dma_start3A_24 : memref<10240xf32, #tpu.memory_space<hbm>>) target(%arg9 : memref<10240xf32, #tpu.memory_space<vmem>>) target_semaphore(%run_scoped3A_21 : memref<!tpu.dma_semaphore, #tpu.memory_space<semaphore_mem>>)
      %dma_wait3A = arith.constant 0 : i32
      %dma_wait3A_25 = tpu.memref_slice %arg3[%dma_wait3A] : memref<10240xf32, #tpu.memory_space<hbm>> -> memref<10240xf32, #tpu.memory_space<hbm>>
      %dma_wait3A_26 = arith.constant 0 : i32
      %dma_wait3A_27 = tpu.memref_slice %arg3[%dma_wait3A_26] : memref<10240xf32, #tpu.memory_space<hbm>> -> memref<10240xf32, #tpu.memory_space<hbm>>
      tpu.wait_dma2 semaphore(%run_scoped3A_21 : memref<!tpu.dma_semaphore, #tpu.memory_space<semaphore_mem>>) src(%dma_wait3A_27 : memref<10240xf32, #tpu.memory_space<hbm>>) dst(%arg9 : memref<10240xf32, #tpu.memory_space<vmem>>)
      tpu.yield
    }) : () -> ()
    %mul3A_8 = arith.constant 10496 : i32
    %mul3A_9 = arith.muli %add3A, %mul3A_8 : i32
    "tpu.region"() ({
      %run_scoped3A_21 = tpu.sem_alloc : memref<!tpu.dma_semaphore, #tpu.memory_space<semaphore_mem>>
      %dma_start3A = tpu.memref_slice %arg4[%mul3A_9] : memref<335872xi32, #tpu.memory_space<hbm>> -> memref<10496xi32, #tpu.memory_space<hbm>>
      %dma_start3A_22 = tpu.memref_slice %arg4[%mul3A_9] : memref<335872xi32, #tpu.memory_space<hbm>> -> memref<10496xi32, #tpu.memory_space<hbm>>
      tpu.enqueue_dma source(%dma_start3A_22 : memref<10496xi32, #tpu.memory_space<hbm>>) target(%arg11 : memref<10496xi32, #tpu.memory_space<vmem>>) target_semaphore(%run_scoped3A_21 : memref<!tpu.dma_semaphore, #tpu.memory_space<semaphore_mem>>)
      %dma_wait3A = tpu.memref_slice %arg4[%mul3A_9] : memref<335872xi32, #tpu.memory_space<hbm>> -> memref<10496xi32, #tpu.memory_space<hbm>>
      %dma_wait3A_23 = tpu.memref_slice %arg4[%mul3A_9] : memref<335872xi32, #tpu.memory_space<hbm>> -> memref<10496xi32, #tpu.memory_space<hbm>>
      tpu.wait_dma2 semaphore(%run_scoped3A_21 : memref<!tpu.dma_semaphore, #tpu.memory_space<semaphore_mem>>) src(%dma_wait3A_23 : memref<10496xi32, #tpu.memory_space<hbm>>) dst(%arg11 : memref<10496xi32, #tpu.memory_space<vmem>>)
      tpu.yield
    }) : () -> ()
    %mul3A_10 = arith.constant 10496 : i32
    %mul3A_11 = arith.muli %add3A, %mul3A_10 : i32
    "tpu.region"() ({
      %run_scoped3A_21 = tpu.sem_alloc : memref<!tpu.dma_semaphore, #tpu.memory_space<semaphore_mem>>
      %dma_start3A = tpu.memref_slice %arg5[%mul3A_11] : memref<335872xi32, #tpu.memory_space<hbm>> -> memref<10496xi32, #tpu.memory_space<hbm>>
      %dma_start3A_22 = tpu.memref_slice %arg5[%mul3A_11] : memref<335872xi32, #tpu.memory_space<hbm>> -> memref<10496xi32, #tpu.memory_space<hbm>>
      tpu.enqueue_dma source(%dma_start3A_22 : memref<10496xi32, #tpu.memory_space<hbm>>) target(%arg12 : memref<10496xi32, #tpu.memory_space<vmem>>) target_semaphore(%run_scoped3A_21 : memref<!tpu.dma_semaphore, #tpu.memory_space<semaphore_mem>>)
      %dma_wait3A = tpu.memref_slice %arg5[%mul3A_11] : memref<335872xi32, #tpu.memory_space<hbm>> -> memref<10496xi32, #tpu.memory_space<hbm>>
      %dma_wait3A_23 = tpu.memref_slice %arg5[%mul3A_11] : memref<335872xi32, #tpu.memory_space<hbm>> -> memref<10496xi32, #tpu.memory_space<hbm>>
      tpu.wait_dma2 semaphore(%run_scoped3A_21 : memref<!tpu.dma_semaphore, #tpu.memory_space<semaphore_mem>>) src(%dma_wait3A_23 : memref<10496xi32, #tpu.memory_space<hbm>>) dst(%arg12 : memref<10496xi32, #tpu.memory_space<vmem>>)
      tpu.yield
    }) : () -> ()
    %iota3A = tpu.iota {dimensions = array<i32: 0>} : vector<16xi32>
    %scan3A_12 = arith.constant 0 : i32
    %scan3A_13 = arith.constant 0 : i32
    %scan3A_14 = arith.constant 656 : i32
    %scan3A_15 = arith.addi %scan3A_13, %scan3A_14 : i32
    %scan3A_16 = arith.constant 1 : i32
    %scan3A_17 = scf.for %scan3A_21 = %scan3A_13 to %scan3A_15 step %scan3A_16 iter_args(%scan3A_22 = %scan3A_12) -> (i32)  : i32 {
      %mul3A_23 = arith.constant 16 : i32
      %mul3A_24 = arith.muli %scan3A_21, %mul3A_23 : i32
      %get3A = arith.index_cast %mul3A_24 : i32 to index
      %get3A_25 = tpu.vector_load %arg11[%get3A] {strides = array<i32>} : memref<10496xi32, #tpu.memory_space<vmem>>, vector<16xi32>,
      %mul3A_26 = arith.constant 16 : i32
      %mul3A_27 = arith.muli %scan3A_21, %mul3A_26 : i32
      %get3A_28 = arith.index_cast %mul3A_27 : i32 to index
      %get3A_29 = tpu.vector_load %arg12[%get3A_28] {strides = array<i32>} : memref<10496xi32, #tpu.memory_space<vmem>>, vector<16xi32>,
      %gather3A = tpu.vector_load_idx %arg8[%get3A_25] : memref<10240xf32, #tpu.memory_space<vmem>>[vector<16xi32>], vector<16xf32>,
      %gather3A_30 = tpu.vector_load_idx %arg9[%get3A_29] : memref<10240xf32, #tpu.memory_space<vmem>>[vector<16xi32>], vector<16xf32>,
      %add3A_31 = arith.addf %gather3A, %gather3A_30 : vector<16xf32>
      %ge3A = arith.constant 0.000000e+00 : f32
      %ge3A_32 = vector.broadcast %ge3A : f32 to vector<16xf32>
      %ge3A_33 = arith.cmpf oge, %add3A_31, %ge3A_32 : vector<16xf32>
      %mul3A_34 = arith.constant 2.000000e-01 : f32
      %mul3A_35 = vector.broadcast %mul3A_34 : f32 to vector<16xf32>
      %mul3A_36 = arith.mulf %mul3A_35, %add3A_31 : vector<16xf32>
      %select_n3A = arith.select %ge3A_33, %add3A_31, %mul3A_36 : vector<16xi1>, vector<16xf32>
      %exp3A = math.exp %select_n3A : vector<16xf32>
      %mul3A_37 = arith.constant 16 : i32
      %mul3A_38 = arith.muli %scan3A_21, %mul3A_37 : i32
      %swap3A = arith.index_cast %mul3A_38 : i32 to index
      %swap3A_39 = tpu.vector_load %arg13[%swap3A] {strides = array<i32>} : memref<10496xf32, #tpu.memory_space<vmem>>, vector<16xf32>,
      tpu.vector_store %arg13[%swap3A], %exp3A {strides = array<i32>} : memref<10496xf32, #tpu.memory_space<vmem>>, vector<16xf32>,
      %eq3A = arith.constant 0 : i32
      %eq3A_40 = vector.broadcast %eq3A : i32 to vector<16xi32>
      %eq3A_41 = arith.cmpi eq, %iota3A, %eq3A_40 : vector<16xi32>
      tpu.vector_store_idx %arg10[%get3A_29], %exp3A masked %eq3A_41 {add = true} : memref<10240xf32, #tpu.memory_space<vmem>>[vector<16xi32>], vector<16xf32>, vector<16xi1>
      %eq3A_42 = arith.constant 1 : i32
      %eq3A_43 = vector.broadcast %eq3A_42 : i32 to vector<16xi32>
      %eq3A_44 = arith.cmpi eq, %iota3A, %eq3A_43 : vector<16xi32>
      tpu.vector_store_idx %arg10[%get3A_29], %exp3A masked %eq3A_44 {add = true} : memref<10240xf32, #tpu.memory_space<vmem>>[vector<16xi32>], vector<16xf32>, vector<16xi1>
      %eq3A_45 = arith.constant 2 : i32
      %eq3A_46 = vector.broadcast %eq3A_45 : i32 to vector<16xi32>
      %eq3A_47 = arith.cmpi eq, %iota3A, %eq3A_46 : vector<16xi32>
      tpu.vector_store_idx %arg10[%get3A_29], %exp3A masked %eq3A_47 {add = true} : memref<10240xf32, #tpu.memory_space<vmem>>[vector<16xi32>], vector<16xf32>, vector<16xi1>
      %eq3A_48 = arith.constant 3 : i32
      %eq3A_49 = vector.broadcast %eq3A_48 : i32 to vector<16xi32>
      %eq3A_50 = arith.cmpi eq, %iota3A, %eq3A_49 : vector<16xi32>
      tpu.vector_store_idx %arg10[%get3A_29], %exp3A masked %eq3A_50 {add = true} : memref<10240xf32, #tpu.memory_space<vmem>>[vector<16xi32>], vector<16xf32>, vector<16xi1>
      %eq3A_51 = arith.constant 4 : i32
      %eq3A_52 = vector.broadcast %eq3A_51 : i32 to vector<16xi32>
      %eq3A_53 = arith.cmpi eq, %iota3A, %eq3A_52 : vector<16xi32>
      tpu.vector_store_idx %arg10[%get3A_29], %exp3A masked %eq3A_53 {add = true} : memref<10240xf32, #tpu.memory_space<vmem>>[vector<16xi32>], vector<16xf32>, vector<16xi1>
      %eq3A_54 = arith.constant 5 : i32
      %eq3A_55 = vector.broadcast %eq3A_54 : i32 to vector<16xi32>
      %eq3A_56 = arith.cmpi eq, %iota3A, %eq3A_55 : vector<16xi32>
      tpu.vector_store_idx %arg10[%get3A_29], %exp3A masked %eq3A_56 {add = true} : memref<10240xf32, #tpu.memory_space<vmem>>[vector<16xi32>], vector<16xf32>, vector<16xi1>
      %eq3A_57 = arith.constant 6 : i32
      %eq3A_58 = vector.broadcast %eq3A_57 : i32 to vector<16xi32>
      %eq3A_59 = arith.cmpi eq, %iota3A, %eq3A_58 : vector<16xi32>
      tpu.vector_store_idx %arg10[%get3A_29], %exp3A masked %eq3A_59 {add = true} : memref<10240xf32, #tpu.memory_space<vmem>>[vector<16xi32>], vector<16xf32>, vector<16xi1>
      %eq3A_60 = arith.constant 7 : i32
      %eq3A_61 = vector.broadcast %eq3A_60 : i32 to vector<16xi32>
      %eq3A_62 = arith.cmpi eq, %iota3A, %eq3A_61 : vector<16xi32>
      tpu.vector_store_idx %arg10[%get3A_29], %exp3A masked %eq3A_62 {add = true} : memref<10240xf32, #tpu.memory_space<vmem>>[vector<16xi32>], vector<16xf32>, vector<16xi1>
      %eq3A_63 = arith.constant 8 : i32
      %eq3A_64 = vector.broadcast %eq3A_63 : i32 to vector<16xi32>
      %eq3A_65 = arith.cmpi eq, %iota3A, %eq3A_64 : vector<16xi32>
      tpu.vector_store_idx %arg10[%get3A_29], %exp3A masked %eq3A_65 {add = true} : memref<10240xf32, #tpu.memory_space<vmem>>[vector<16xi32>], vector<16xf32>, vector<16xi1>
      %eq3A_66 = arith.constant 9 : i32
      %eq3A_67 = vector.broadcast %eq3A_66 : i32 to vector<16xi32>
      %eq3A_68 = arith.cmpi eq, %iota3A, %eq3A_67 : vector<16xi32>
      tpu.vector_store_idx %arg10[%get3A_29], %exp3A masked %eq3A_68 {add = true} : memref<10240xf32, #tpu.memory_space<vmem>>[vector<16xi32>], vector<16xf32>, vector<16xi1>
      %eq3A_69 = arith.constant 10 : i32
      %eq3A_70 = vector.broadcast %eq3A_69 : i32 to vector<16xi32>
      %eq3A_71 = arith.cmpi eq, %iota3A, %eq3A_70 : vector<16xi32>
      tpu.vector_store_idx %arg10[%get3A_29], %exp3A masked %eq3A_71 {add = true} : memref<10240xf32, #tpu.memory_space<vmem>>[vector<16xi32>], vector<16xf32>, vector<16xi1>
      %eq3A_72 = arith.constant 11 : i32
      %eq3A_73 = vector.broadcast %eq3A_72 : i32 to vector<16xi32>
      %eq3A_74 = arith.cmpi eq, %iota3A, %eq3A_73 : vector<16xi32>
      tpu.vector_store_idx %arg10[%get3A_29], %exp3A masked %eq3A_74 {add = true} : memref<10240xf32, #tpu.memory_space<vmem>>[vector<16xi32>], vector<16xf32>, vector<16xi1>
      %eq3A_75 = arith.constant 12 : i32
      %eq3A_76 = vector.broadcast %eq3A_75 : i32 to vector<16xi32>
      %eq3A_77 = arith.cmpi eq, %iota3A, %eq3A_76 : vector<16xi32>
      tpu.vector_store_idx %arg10[%get3A_29], %exp3A masked %eq3A_77 {add = true} : memref<10240xf32, #tpu.memory_space<vmem>>[vector<16xi32>], vector<16xf32>, vector<16xi1>
      %eq3A_78 = arith.constant 13 : i32
      %eq3A_79 = vector.broadcast %eq3A_78 : i32 to vector<16xi32>
      %eq3A_80 = arith.cmpi eq, %iota3A, %eq3A_79 : vector<16xi32>
      tpu.vector_store_idx %arg10[%get3A_29], %exp3A masked %eq3A_80 {add = true} : memref<10240xf32, #tpu.memory_space<vmem>>[vector<16xi32>], vector<16xf32>, vector<16xi1>
      %eq3A_81 = arith.constant 14 : i32
      %eq3A_82 = vector.broadcast %eq3A_81 : i32 to vector<16xi32>
      %eq3A_83 = arith.cmpi eq, %iota3A, %eq3A_82 : vector<16xi32>
      tpu.vector_store_idx %arg10[%get3A_29], %exp3A masked %eq3A_83 {add = true} : memref<10240xf32, #tpu.memory_space<vmem>>[vector<16xi32>], vector<16xf32>, vector<16xi1>
      %eq3A_84 = arith.constant 15 : i32
      %eq3A_85 = vector.broadcast %eq3A_84 : i32 to vector<16xi32>
      %eq3A_86 = arith.cmpi eq, %iota3A, %eq3A_85 : vector<16xi32>
      tpu.vector_store_idx %arg10[%get3A_29], %exp3A masked %eq3A_86 {add = true} : memref<10240xf32, #tpu.memory_space<vmem>>[vector<16xi32>], vector<16xf32>, vector<16xi1>
      %scan3A_87 = arith.constant 0 : i32
      scf.yield %scan3A_87 : i32
    }
    %scan3A_18 = arith.constant 656 : i32
    %mul3A_19 = arith.constant 10496 : i32
    %mul3A_20 = arith.muli %add3A, %mul3A_19 : i32
    "tpu.region"() ({
      %run_scoped3A_21 = tpu.sem_alloc : memref<!tpu.dma_semaphore, #tpu.memory_space<semaphore_mem>>
      %dma_start3A = tpu.memref_slice %arg6[%mul3A_20] : memref<335872xf32, #tpu.memory_space<hbm>> -> memref<10496xf32, #tpu.memory_space<hbm>>
      %dma_start3A_22 = tpu.memref_slice %arg6[%mul3A_20] : memref<335872xf32, #tpu.memory_space<hbm>> -> memref<10496xf32, #tpu.memory_space<hbm>>
      tpu.enqueue_dma source(%arg13 : memref<10496xf32, #tpu.memory_space<vmem>>) target(%dma_start3A_22 : memref<10496xf32, #tpu.memory_space<hbm>>) target_semaphore(%run_scoped3A_21 : memref<!tpu.dma_semaphore, #tpu.memory_space<semaphore_mem>>)
      %dma_wait3A = tpu.memref_slice %arg6[%mul3A_20] : memref<335872xf32, #tpu.memory_space<hbm>> -> memref<10496xf32, #tpu.memory_space<hbm>>
      %dma_wait3A_23 = tpu.memref_slice %arg6[%mul3A_20] : memref<335872xf32, #tpu.memory_space<hbm>> -> memref<10496xf32, #tpu.memory_space<hbm>>
      tpu.wait_dma2 semaphore(%run_scoped3A_21 : memref<!tpu.dma_semaphore, #tpu.memory_space<semaphore_mem>>) src(%arg13 : memref<10496xf32, #tpu.memory_space<vmem>>) dst(%dma_wait3A_23 : memref<10496xf32, #tpu.memory_space<hbm>>)
      tpu.yield
    }) : () -> ()
    %run_scoped3A = arith.constant 0 : i32
    "tpu.region"() ({
      %run_scoped3A_21 = tpu.sem_alloc : memref<!tpu.dma_semaphore, #tpu.memory_space<semaphore_mem>>
      %dma_start3A = arith.constant 0 : i32
      %dma_start3A_22 = tpu.memref_slice %arg7[%add3A, %run_scoped3A, %dma_start3A] : memref<32x1x10240xf32, #tpu.memory_space<hbm>> -> memref<1x1x10240xf32, #tpu.memory_space<hbm>>
      %dma_start3A_23 = tpu.memref_squeeze %dma_start3A_22 : memref<1x1x10240xf32, #tpu.memory_space<hbm>> -> memref<10240xf32, #tpu.memory_space<hbm>>
      %dma_start3A_24 = arith.constant 0 : i32
      %dma_start3A_25 = tpu.memref_slice %arg7[%add3A, %run_scoped3A, %dma_start3A_24] : memref<32x1x10240xf32, #tpu.memory_space<hbm>> -> memref<1x1x10240xf32, #tpu.memory_space<hbm>>
      %dma_start3A_26 = tpu.memref_squeeze %dma_start3A_25 : memref<1x1x10240xf32, #tpu.memory_space<hbm>> -> memref<10240xf32, #tpu.memory_space<hbm>>
      tpu.enqueue_dma source(%arg10 : memref<10240xf32, #tpu.memory_space<vmem>>) target(%dma_start3A_26 : memref<10240xf32, #tpu.memory_space<hbm>>) target_semaphore(%run_scoped3A_21 : memref<!tpu.dma_semaphore, #tpu.memory_space<semaphore_mem>>)
      %dma_wait3A = arith.constant 0 : i32
      %dma_wait3A_27 = tpu.memref_slice %arg7[%add3A, %run_scoped3A, %dma_wait3A] : memref<32x1x10240xf32, #tpu.memory_space<hbm>> -> memref<1x1x10240xf32, #tpu.memory_space<hbm>>
      %dma_wait3A_28 = tpu.memref_squeeze %dma_wait3A_27 : memref<1x1x10240xf32, #tpu.memory_space<hbm>> -> memref<10240xf32, #tpu.memory_space<hbm>>
      %dma_wait3A_29 = arith.constant 0 : i32
      %dma_wait3A_30 = tpu.memref_slice %arg7[%add3A, %run_scoped3A, %dma_wait3A_29] : memref<32x1x10240xf32, #tpu.memory_space<hbm>> -> memref<1x1x10240xf32, #tpu.memory_space<hbm>>
      %dma_wait3A_31 = tpu.memref_squeeze %dma_wait3A_30 : memref<1x1x10240xf32, #tpu.memory_space<hbm>> -> memref<10240xf32, #tpu.memory_space<hbm>>
      tpu.wait_dma2 semaphore(%run_scoped3A_21 : memref<!tpu.dma_semaphore, #tpu.memory_space<semaphore_mem>>) src(%arg10 : memref<10240xf32, #tpu.memory_space<vmem>>) dst(%dma_wait3A_31 : memref<10240xf32, #tpu.memory_space<hbm>>)
      tpu.yield
    }) : () -> ()
    return
  }
}

module attributes {stable_mosaic.version = 14 : i64} {
  func.func @_tc_embed_body(%arg0: i32, %arg1: memref<512x128xf32, #tpu.memory_space<vmem>>, %arg2: memref<128x128xf32, #tpu.memory_space<vmem>>, %arg3: memref<128x16xf32, #tpu.memory_space<vmem>>, %arg4: memref<512x128xf32, #tpu.memory_space<vmem>>, %arg5: memref<512x16xf32, #tpu.memory_space<vmem>>) attributes {dimension_semantics = [#tpu.dimension_semantics<arbitrary>], iteration_bounds = array<i64: 20>, scalar_prefetch = 0 : i64, scratch_operands = 0 : i64, tpu.core_type = #tpu.core_type<tc>, window_params = [{transform_indices = @transform_0, window_bounds = array<i64: 512, 128>}, {pipeline_mode = #tpu.pipeline_mode<synchronous>, transform_indices = @transform_1, window_bounds = array<i64: 128, 128>}, {pipeline_mode = #tpu.pipeline_mode<synchronous>, transform_indices = @transform_2, window_bounds = array<i64: 128, 16>}, {transform_indices = @transform_3, window_bounds = array<i64: 512, 128>}, {transform_indices = @transform_4, window_bounds = array<i64: 512, 16>}]} {
    %get3A = arith.constant 0 : index
    %get3A_0 = arith.constant 0 : index
    %get3A_1 = vector.load %arg1[%get3A, %get3A_0] : memref<512x128xf32, #tpu.memory_space<vmem>>, vector<512x128xf32>
    %max3A = arith.constant 0.000000e+00 : f32
    %max3A_2 = vector.broadcast %max3A : f32 to vector<512x128xf32>
    %max3A_3 = arith.maximumf %get3A_1, %max3A_2 : vector<512x128xf32>
    %get3A_4 = arith.constant 0 : index
    %get3A_5 = arith.constant 0 : index
    %get3A_6 = vector.load %arg2[%get3A_4, %get3A_5] : memref<128x128xf32, #tpu.memory_space<vmem>>, vector<128x128xf32>
    %dot_general3A = arith.constant dense<0.000000e+00> : vector<512x128xf32>
    %dot_general3A_7 = tpu.matmul %max3A_3, %get3A_6, %dot_general3A {dimension_numbers = #tpu.dot_dimension_numbers<[1], [0], [0], [1], [0, 0, 1, 1], [], []>, transpose_lhs_hint = false} : vector<512x128xf32>, vector<128x128xf32>, vector<512x128xf32> -> vector<512x128xf32>
    %swap3A = arith.constant 0 : index
    %swap3A_8 = arith.constant 0 : index
    %swap3A_9 = vector.load %arg4[%swap3A, %swap3A_8] : memref<512x128xf32, #tpu.memory_space<vmem>>, vector<512x128xf32>
    tpu.vector_store %arg4[%swap3A, %swap3A_8], %dot_general3A_7 {strides = array<i32>} : memref<512x128xf32, #tpu.memory_space<vmem>>, vector<512x128xf32>,
    %get3A_10 = arith.constant 0 : index
    %get3A_11 = arith.constant 0 : index
    %get3A_12 = vector.load %arg3[%get3A_10, %get3A_11] : memref<128x16xf32, #tpu.memory_space<vmem>>, vector<128x16xf32>
    %dot_general3A_13 = arith.constant dense<0.000000e+00> : vector<512x16xf32>
    %dot_general3A_14 = tpu.matmul %dot_general3A_7, %get3A_12, %dot_general3A_13 {dimension_numbers = #tpu.dot_dimension_numbers<[1], [0], [0], [1], [0, 0, 1, 1], [], []>, transpose_lhs_hint = false} : vector<512x128xf32>, vector<128x16xf32>, vector<512x16xf32> -> vector<512x16xf32>
    %swap3A_15 = arith.constant 0 : index
    %swap3A_16 = arith.constant 0 : index
    %swap3A_17 = vector.load %arg5[%swap3A_15, %swap3A_16] : memref<512x16xf32, #tpu.memory_space<vmem>>, vector<512x16xf32>
    tpu.vector_store %arg5[%swap3A_15, %swap3A_16], %dot_general3A_14 {strides = array<i32>} : memref<512x16xf32, #tpu.memory_space<vmem>>, vector<512x16xf32>,
    return
  }
  func.func @transform_0(%arg0: i32) -> (i32, i32) {
    %c0_i32 = arith.constant 0 : i32
    %c0_i32_0 = arith.constant 0 : i32
    return %arg0, %c0_i32 : i32, i32
  }
  func.func @transform_1(%arg0: i32) -> (i32, i32) {
    %c0_i32 = arith.constant 0 : i32
    %c0_i32_0 = arith.constant 0 : i32
    %c0_i32_1 = arith.constant 0 : i32
    return %c0_i32, %c0_i32_0 : i32, i32
  }
  func.func @transform_2(%arg0: i32) -> (i32, i32) {
    %c0_i32 = arith.constant 0 : i32
    %c0_i32_0 = arith.constant 0 : i32
    %c0_i32_1 = arith.constant 0 : i32
    return %c0_i32, %c0_i32_0 : i32, i32
  }
  func.func @transform_3(%arg0: i32) -> (i32, i32) {
    %c0_i32 = arith.constant 0 : i32
    %c0_i32_0 = arith.constant 0 : i32
    return %arg0, %c0_i32 : i32, i32
  }
  func.func @transform_4(%arg0: i32) -> (i32, i32) {
    %c0_i32 = arith.constant 0 : i32
    %c0_i32_0 = arith.constant 0 : i32
    return %arg0, %c0_i32 : i32, i32
  }
}

module attributes {stable_mosaic.version = 14 : i64} {
  func.func @_tc_mid_body(%arg0: i32, %arg1: memref<512x128xf32, #tpu.memory_space<vmem>>, %arg2: memref<512x128xf32, #tpu.memory_space<vmem>>, %arg3: memref<32x512xf32, #tpu.memory_space<vmem>>, %arg4: memref<1x128xf32, #tpu.memory_space<vmem>>, %arg5: memref<128x128xf32, #tpu.memory_space<vmem>>, %arg6: memref<128x16xf32, #tpu.memory_space<vmem>>, %arg7: memref<512x128xf32, #tpu.memory_space<vmem>>, %arg8: memref<512x16xf32, #tpu.memory_space<vmem>>) attributes {dimension_semantics = [#tpu.dimension_semantics<arbitrary>], iteration_bounds = array<i64: 20>, scalar_prefetch = 0 : i64, scratch_operands = 0 : i64, tpu.core_type = #tpu.core_type<tc>, window_params = [{transform_indices = @transform_0, window_bounds = array<i64: 512, 128>}, {transform_indices = @transform_1, window_bounds = array<i64: 512, 128>}, {transform_indices = @transform_2, window_bounds = array<i64: 32, 512>}, {pipeline_mode = #tpu.pipeline_mode<synchronous>, transform_indices = @transform_3, window_bounds = array<i64: 1, 128>}, {pipeline_mode = #tpu.pipeline_mode<synchronous>, transform_indices = @transform_4, window_bounds = array<i64: 128, 128>}, {pipeline_mode = #tpu.pipeline_mode<synchronous>, transform_indices = @transform_5, window_bounds = array<i64: 128, 16>}, {transform_indices = @transform_6, window_bounds = array<i64: 512, 128>}, {transform_indices = @transform_7, window_bounds = array<i64: 512, 16>}]} {
    %get3A = arith.constant 0 : index
    %get3A_0 = arith.constant 0 : index
    %get3A_1 = vector.load %arg1[%get3A, %get3A_0] : memref<512x128xf32, #tpu.memory_space<vmem>>, vector<512x128xf32>
    %get3A_2 = arith.constant 0 : index
    %get3A_3 = arith.constant 0 : index
    %get3A_4 = vector.load %arg2[%get3A_2, %get3A_3] : memref<512x128xf32, #tpu.memory_space<vmem>>, vector<512x128xf32>
    %add3A = arith.addf %get3A_1, %get3A_4 : vector<512x128xf32>
    %get3A_5 = arith.constant 0 : index
    %get3A_6 = arith.constant 0 : index
    %get3A_7 = vector.load %arg3[%get3A_5, %get3A_6] : memref<32x512xf32, #tpu.memory_space<vmem>>, vector<32x512xf32>
    %broadcast_in_dim3A = arith.constant 1.000000e+00 : f32
    %broadcast_in_dim3A_8 = vector.broadcast %broadcast_in_dim3A : f32 to vector<32x8xf32>
    %dot_general3A = arith.constant dense<0.000000e+00> : vector<512x8xf32>
    %dot_general3A_9 = tpu.matmul %get3A_7, %broadcast_in_dim3A_8, %dot_general3A {dimension_numbers = #tpu.dot_dimension_numbers<[0], [0], [1], [1], [0, 1, 1, 1], [], []>, transpose_lhs_hint = false} : vector<32x512xf32>, vector<32x8xf32>, vector<512x8xf32> -> vector<512x8xf32>
    %slice3A = vector.extract_strided_slice %dot_general3A_9 {offsets = [0, 0], sizes = [512, 1], strides = [1, 1]} : vector<512x8xf32> to vector<512x1xf32>
    %max3A = arith.constant 1.000000e-16 : f32
    %max3A_10 = vector.broadcast %max3A : f32 to vector<512x1xf32>
    %max3A_11 = arith.maximumf %slice3A, %max3A_10 : vector<512x1xf32>
    %div3A = vector.broadcast %max3A_11 : vector<512x1xf32> to vector<512x128xf32>
    %div3A_12 = arith.divf %add3A, %div3A : vector<512x128xf32>
    %get3A_13 = arith.constant 0 : index
    %get3A_14 = arith.constant 0 : index
    %get3A_15 = vector.load %arg4[%get3A_13, %get3A_14] : memref<1x128xf32, #tpu.memory_space<vmem>>, vector<1x128xf32>
    %add3A_16 = vector.broadcast %get3A_15 : vector<1x128xf32> to vector<512x128xf32>
    %add3A_17 = arith.addf %div3A_12, %add3A_16 : vector<512x128xf32>
    %max3A_18 = arith.constant 0.000000e+00 : f32
    %max3A_19 = vector.broadcast %max3A_18 : f32 to vector<512x128xf32>
    %max3A_20 = arith.maximumf %add3A_17, %max3A_19 : vector<512x128xf32>
    %iota3A = tpu.iota {dimensions = array<i32: 0>} : vector<512x1xi32>
    %mul3A = arith.constant 512 : i32
    %mul3A_21 = arith.muli %arg0, %mul3A : i32
    %add3A_22 = vector.broadcast %mul3A_21 : i32 to vector<512x1xi32>
    %add3A_23 = arith.addi %iota3A, %add3A_22 : vector<512x1xi32>
    %lt3A = arith.constant 10000 : i32
    %lt3A_24 = vector.broadcast %lt3A : i32 to vector<512x1xi32>
    %lt3A_25 = arith.cmpi slt, %add3A_23, %lt3A_24 : vector<512x1xi32>
    %jit3A = arith.constant 0.000000e+00 : f32
    %broadcast_in_dim3A_26 = vector.shape_cast %lt3A_25 : vector<512x1xi1> to vector<512x1xi1>
    %broadcast_in_dim3A_27 = vector.broadcast %broadcast_in_dim3A_26 : vector<512x1xi1> to vector<512x128xi1>
    %broadcast_in_dim3A_28 = vector.broadcast %jit3A : f32 to vector<512x128xf32>
    %select_n3A = arith.select %broadcast_in_dim3A_27, %max3A_20, %broadcast_in_dim3A_28 : vector<512x128xi1>, vector<512x128xf32>
    %get3A_29 = arith.constant 0 : index
    %get3A_30 = arith.constant 0 : index
    %get3A_31 = vector.load %arg5[%get3A_29, %get3A_30] : memref<128x128xf32, #tpu.memory_space<vmem>>, vector<128x128xf32>
    %dot_general3A_32 = arith.constant dense<0.000000e+00> : vector<512x128xf32>
    %dot_general3A_33 = tpu.matmul %select_n3A, %get3A_31, %dot_general3A_32 {dimension_numbers = #tpu.dot_dimension_numbers<[1], [0], [0], [1], [0, 0, 1, 1], [], []>, transpose_lhs_hint = false} : vector<512x128xf32>, vector<128x128xf32>, vector<512x128xf32> -> vector<512x128xf32>
    %swap3A = arith.constant 0 : index
    %swap3A_34 = arith.constant 0 : index
    %swap3A_35 = vector.load %arg7[%swap3A, %swap3A_34] : memref<512x128xf32, #tpu.memory_space<vmem>>, vector<512x128xf32>
    tpu.vector_store %arg7[%swap3A, %swap3A_34], %dot_general3A_33 {strides = array<i32>} : memref<512x128xf32, #tpu.memory_space<vmem>>, vector<512x128xf32>,
    %get3A_36 = arith.constant 0 : index
    %get3A_37 = arith.constant 0 : index
    %get3A_38 = vector.load %arg6[%get3A_36, %get3A_37] : memref<128x16xf32, #tpu.memory_space<vmem>>, vector<128x16xf32>
    %dot_general3A_39 = arith.constant dense<0.000000e+00> : vector<512x16xf32>
    %dot_general3A_40 = tpu.matmul %dot_general3A_33, %get3A_38, %dot_general3A_39 {dimension_numbers = #tpu.dot_dimension_numbers<[1], [0], [0], [1], [0, 0, 1, 1], [], []>, transpose_lhs_hint = false} : vector<512x128xf32>, vector<128x16xf32>, vector<512x16xf32> -> vector<512x16xf32>
    %swap3A_41 = arith.constant 0 : index
    %swap3A_42 = arith.constant 0 : index
    %swap3A_43 = vector.load %arg8[%swap3A_41, %swap3A_42] : memref<512x16xf32, #tpu.memory_space<vmem>>, vector<512x16xf32>
    tpu.vector_store %arg8[%swap3A_41, %swap3A_42], %dot_general3A_40 {strides = array<i32>} : memref<512x16xf32, #tpu.memory_space<vmem>>, vector<512x16xf32>,
    return
  }
  func.func @transform_0(%arg0: i32) -> (i32, i32) {
    %c0_i32 = arith.constant 0 : i32
    %c0_i32_0 = arith.constant 0 : i32
    return %arg0, %c0_i32 : i32, i32
  }
  func.func @transform_1(%arg0: i32) -> (i32, i32) {
    %c0_i32 = arith.constant 0 : i32
    %c0_i32_0 = arith.constant 0 : i32
    return %arg0, %c0_i32 : i32, i32
  }
  func.func @transform_2(%arg0: i32) -> (i32, i32) {
    %c0_i32 = arith.constant 0 : i32
    %c0_i32_0 = arith.constant 0 : i32
    return %c0_i32, %arg0 : i32, i32
  }
  func.func @transform_3(%arg0: i32) -> (i32, i32) {
    %c0_i32 = arith.constant 0 : i32
    %c0_i32_0 = arith.constant 0 : i32
    %c0_i32_1 = arith.constant 0 : i32
    return %c0_i32, %c0_i32_0 : i32, i32
  }
  func.func @transform_4(%arg0: i32) -> (i32, i32) {
    %c0_i32 = arith.constant 0 : i32
    %c0_i32_0 = arith.constant 0 : i32
    %c0_i32_1 = arith.constant 0 : i32
    return %c0_i32, %c0_i32_0 : i32, i32
  }
  func.func @transform_5(%arg0: i32) -> (i32, i32) {
    %c0_i32 = arith.constant 0 : i32
    %c0_i32_0 = arith.constant 0 : i32
    %c0_i32_1 = arith.constant 0 : i32
    return %c0_i32, %c0_i32_0 : i32, i32
  }
  func.func @transform_6(%arg0: i32) -> (i32, i32) {
    %c0_i32 = arith.constant 0 : i32
    %c0_i32_0 = arith.constant 0 : i32
    return %arg0, %c0_i32 : i32, i32
  }
  func.func @transform_7(%arg0: i32) -> (i32, i32) {
    %c0_i32 = arith.constant 0 : i32
    %c0_i32_0 = arith.constant 0 : i32
    return %arg0, %c0_i32 : i32, i32
  }
}

module attributes {stable_mosaic.version = 14 : i64} {
  func.func @_tc_pool_body(%arg0: i32, %arg1: memref<512x128xf32, #tpu.memory_space<vmem>>, %arg2: memref<512x128xf32, #tpu.memory_space<vmem>>, %arg3: memref<32x512xf32, #tpu.memory_space<vmem>>, %arg4: memref<1x128xf32, #tpu.memory_space<vmem>>, %arg5: memref<512x1xi32, #tpu.memory_space<vmem>>, %arg6: memref<256x128xf32, #tpu.memory_space<vmem>>, %arg7: memref<1x128xf32, #tpu.memory_space<vmem>>, %arg8: memref<64x128xf32, #tpu.memory_space<vmem>>, %arg9: memref<72x128xf32, #tpu.memory_space<vmem>>, %arg10: memref<72x128xf32, #tpu.memory_space<vmem>>, %arg11: memref<72x128xf32, #tpu.memory_space<vmem>>) attributes {dimension_semantics = [#tpu.dimension_semantics<arbitrary>], iteration_bounds = array<i64: 20>, scalar_prefetch = 0 : i64, scratch_operands = 3 : i64, tpu.core_type = #tpu.core_type<tc>, window_params = [{transform_indices = @transform_0, window_bounds = array<i64: 512, 128>}, {transform_indices = @transform_1, window_bounds = array<i64: 512, 128>}, {transform_indices = @transform_2, window_bounds = array<i64: 32, 512>}, {pipeline_mode = #tpu.pipeline_mode<synchronous>, transform_indices = @transform_3, window_bounds = array<i64: 1, 128>}, {transform_indices = @transform_4, window_bounds = array<i64: 512, 1>}, {pipeline_mode = #tpu.pipeline_mode<synchronous>, transform_indices = @transform_5, window_bounds = array<i64: 256, 128>}, {pipeline_mode = #tpu.pipeline_mode<synchronous>, transform_indices = @transform_6, window_bounds = array<i64: 1, 128>}, {pipeline_mode = #tpu.pipeline_mode<synchronous>, transform_indices = @transform_7, window_bounds = array<i64: 64, 128>}]} {
    %eq3A = arith.constant 0 : i32
    %eq3A_0 = arith.cmpi eq, %arg0, %eq3A : i32
    %convert_element_type3A = arith.extui %eq3A_0 : i1 to i32
    %cond3A = arith.constant 0 : i32
    %cond3A_1 = arith.cmpi ne, %convert_element_type3A, %cond3A : i32
    scf.if %cond3A_1 {
      %broadcast_in_dim3A_72 = arith.constant 0.000000e+00 : f32
      %broadcast_in_dim3A_73 = vector.broadcast %broadcast_in_dim3A_72 : f32 to vector<72x128xf32>
      %swap3A_74 = arith.constant 0 : index
      %swap3A_75 = arith.constant 0 : index
      %swap3A_76 = vector.load %arg9[%swap3A_74, %swap3A_75] : memref<72x128xf32, #tpu.memory_space<vmem>>, vector<72x128xf32>
      tpu.vector_store %arg9[%swap3A_74, %swap3A_75], %broadcast_in_dim3A_73 {strides = array<i32>} : memref<72x128xf32, #tpu.memory_space<vmem>>, vector<72x128xf32>,
      %broadcast_in_dim3A_77 = arith.constant 0.000000e+00 : f32
      %broadcast_in_dim3A_78 = vector.broadcast %broadcast_in_dim3A_77 : f32 to vector<72x128xf32>
      %swap3A_79 = arith.constant 0 : index
      %swap3A_80 = arith.constant 0 : index
      %swap3A_81 = vector.load %arg11[%swap3A_79, %swap3A_80] : memref<72x128xf32, #tpu.memory_space<vmem>>, vector<72x128xf32>
      tpu.vector_store %arg11[%swap3A_79, %swap3A_80], %broadcast_in_dim3A_78 {strides = array<i32>} : memref<72x128xf32, #tpu.memory_space<vmem>>, vector<72x128xf32>,
      %broadcast_in_dim3A_82 = arith.constant 0xFF800000 : f32
      %broadcast_in_dim3A_83 = vector.broadcast %broadcast_in_dim3A_82 : f32 to vector<72x128xf32>
      %swap3A_84 = arith.constant 0 : index
      %swap3A_85 = arith.constant 0 : index
      %swap3A_86 = vector.load %arg10[%swap3A_84, %swap3A_85] : memref<72x128xf32, #tpu.memory_space<vmem>>, vector<72x128xf32>
      tpu.vector_store %arg10[%swap3A_84, %swap3A_85], %broadcast_in_dim3A_83 {strides = array<i32>} : memref<72x128xf32, #tpu.memory_space<vmem>>, vector<72x128xf32>,
    } else {
    }
    %get3A = arith.constant 0 : index
    %get3A_2 = arith.constant 0 : index
    %get3A_3 = vector.load %arg1[%get3A, %get3A_2] : memref<512x128xf32, #tpu.memory_space<vmem>>, vector<512x128xf32>
    %get3A_4 = arith.constant 0 : index
    %get3A_5 = arith.constant 0 : index
    %get3A_6 = vector.load %arg2[%get3A_4, %get3A_5] : memref<512x128xf32, #tpu.memory_space<vmem>>, vector<512x128xf32>
    %add3A = arith.addf %get3A_3, %get3A_6 : vector<512x128xf32>
    %get3A_7 = arith.constant 0 : index
    %get3A_8 = arith.constant 0 : index
    %get3A_9 = vector.load %arg3[%get3A_7, %get3A_8] : memref<32x512xf32, #tpu.memory_space<vmem>>, vector<32x512xf32>
    %broadcast_in_dim3A = arith.constant 1.000000e+00 : f32
    %broadcast_in_dim3A_10 = vector.broadcast %broadcast_in_dim3A : f32 to vector<32x8xf32>
    %dot_general3A = arith.constant dense<0.000000e+00> : vector<512x8xf32>
    %dot_general3A_11 = tpu.matmul %get3A_9, %broadcast_in_dim3A_10, %dot_general3A {dimension_numbers = #tpu.dot_dimension_numbers<[0], [0], [1], [1], [0, 1, 1, 1], [], []>, transpose_lhs_hint = false} : vector<32x512xf32>, vector<32x8xf32>, vector<512x8xf32> -> vector<512x8xf32>
    %slice3A = vector.extract_strided_slice %dot_general3A_11 {offsets = [0, 0], sizes = [512, 1], strides = [1, 1]} : vector<512x8xf32> to vector<512x1xf32>
    %max3A = arith.constant 1.000000e-16 : f32
    %max3A_12 = vector.broadcast %max3A : f32 to vector<512x1xf32>
    %max3A_13 = arith.maximumf %slice3A, %max3A_12 : vector<512x1xf32>
    %div3A = vector.broadcast %max3A_13 : vector<512x1xf32> to vector<512x128xf32>
    %div3A_14 = arith.divf %add3A, %div3A : vector<512x128xf32>
    %get3A_15 = arith.constant 0 : index
    %get3A_16 = arith.constant 0 : index
    %get3A_17 = vector.load %arg4[%get3A_15, %get3A_16] : memref<1x128xf32, #tpu.memory_space<vmem>>, vector<1x128xf32>
    %add3A_18 = vector.broadcast %get3A_17 : vector<1x128xf32> to vector<512x128xf32>
    %add3A_19 = arith.addf %div3A_14, %add3A_18 : vector<512x128xf32>
    %iota3A = tpu.iota {dimensions = array<i32: 0>} : vector<512x1xi32>
    %mul3A = arith.constant 512 : i32
    %mul3A_20 = arith.muli %arg0, %mul3A : i32
    %add3A_21 = vector.broadcast %mul3A_20 : i32 to vector<512x1xi32>
    %add3A_22 = arith.addi %iota3A, %add3A_21 : vector<512x1xi32>
    %lt3A = arith.constant 10000 : i32
    %lt3A_23 = vector.broadcast %lt3A : i32 to vector<512x1xi32>
    %lt3A_24 = arith.cmpi slt, %add3A_22, %lt3A_23 : vector<512x1xi32>
    %jit3A = arith.constant 0.000000e+00 : f32
    %broadcast_in_dim3A_25 = vector.shape_cast %lt3A_24 : vector<512x1xi1> to vector<512x1xi1>
    %broadcast_in_dim3A_26 = vector.broadcast %broadcast_in_dim3A_25 : vector<512x1xi1> to vector<512x128xi1>
    %broadcast_in_dim3A_27 = vector.broadcast %jit3A : f32 to vector<512x128xf32>
    %select_n3A = arith.select %broadcast_in_dim3A_26, %add3A_19, %broadcast_in_dim3A_27 : vector<512x128xi1>, vector<512x128xf32>
    %get3A_28 = arith.constant 0 : index
    %get3A_29 = arith.constant 0 : index
    %get3A_30 = vector.load %arg5[%get3A_28, %get3A_29] : memref<512x1xi32, #tpu.memory_space<vmem>>, vector<512x1xi32>
    %iota3A_31 = tpu.iota {dimensions = array<i32: 1>} : vector<512x72xi32>
    %eq3A_32 = vector.broadcast %get3A_30 : vector<512x1xi32> to vector<512x72xi32>
    %eq3A_33 = arith.cmpi eq, %eq3A_32, %iota3A_31 : vector<512x72xi32>
    %convert_element_type3A_34 = arith.extui %eq3A_33 : vector<512x72xi1> to vector<512x72xi32>
    %convert_element_type3A_35 = arith.sitofp %convert_element_type3A_34 : vector<512x72xi32> to vector<512x72xf32>
    %get3A_36 = arith.constant 0 : index
    %get3A_37 = arith.constant 0 : index
    %get3A_38 = vector.load %arg9[%get3A_36, %get3A_37] : memref<72x128xf32, #tpu.memory_space<vmem>>, vector<72x128xf32>
    %dot_general3A_39 = arith.constant dense<0.000000e+00> : vector<72x128xf32>
    %dot_general3A_40 = tpu.matmul %convert_element_type3A_35, %select_n3A, %dot_general3A_39 {dimension_numbers = #tpu.dot_dimension_numbers<[0], [0], [1], [1], [0, 1, 1, 1], [], []>, transpose_lhs_hint = false} : vector<512x72xf32>, vector<512x128xf32>, vector<72x128xf32> -> vector<72x128xf32>
    %add3A_41 = arith.addf %get3A_38, %dot_general3A_40 : vector<72x128xf32>
    %swap3A = arith.constant 0 : index
    %swap3A_42 = arith.constant 0 : index
    %swap3A_43 = vector.load %arg9[%swap3A, %swap3A_42] : memref<72x128xf32, #tpu.memory_space<vmem>>, vector<72x128xf32>
    tpu.vector_store %arg9[%swap3A, %swap3A_42], %add3A_41 {strides = array<i32>} : memref<72x128xf32, #tpu.memory_space<vmem>>, vector<72x128xf32>,
    %get3A_44 = arith.constant 0 : index
    %get3A_45 = arith.constant 0 : index
    %get3A_46 = vector.load %arg11[%get3A_44, %get3A_45] : memref<72x128xf32, #tpu.memory_space<vmem>>, vector<72x128xf32>
    %broadcast_in_dim3A_47 = arith.constant 1.000000e+00 : f32
    %broadcast_in_dim3A_48 = vector.broadcast %broadcast_in_dim3A_47 : f32 to vector<512x128xf32>
    %dot_general3A_49 = arith.constant dense<0.000000e+00> : vector<72x128xf32>
    %dot_general3A_50 = tpu.matmul %convert_element_type3A_35, %broadcast_in_dim3A_48, %dot_general3A_49 {dimension_numbers = #tpu.dot_dimension_numbers<[0], [0], [1], [1], [0, 1, 1, 1], [], []>, transpose_lhs_hint = false} : vector<512x72xf32>, vector<512x128xf32>, vector<72x128xf32> -> vector<72x128xf32>
    %add3A_51 = arith.addf %get3A_46, %dot_general3A_50 : vector<72x128xf32>
    %swap3A_52 = arith.constant 0 : index
    %swap3A_53 = arith.constant 0 : index
    %swap3A_54 = vector.load %arg11[%swap3A_52, %swap3A_53] : memref<72x128xf32, #tpu.memory_space<vmem>>, vector<72x128xf32>
    tpu.vector_store %arg11[%swap3A_52, %swap3A_53], %add3A_51 {strides = array<i32>} : memref<72x128xf32, #tpu.memory_space<vmem>>, vector<72x128xf32>,
    %reduce_min3A = vector.shape_cast %get3A_30 : vector<512x1xi32> to vector<1x512x1xi32>
    %reduce_min3A_55 = arith.constant dense<2147483647> : vector<1xi32>
    %reduce_min3A_56 = vector.multi_reduction <minsi>, %reduce_min3A, %reduce_min3A_55 [1, 2] : vector<1x512x1xi32> to vector<1xi32>
    %reduce_min3A_57 = vector.shape_cast %reduce_min3A_56 : vector<1xi32> to vector<1x1x1xi32>
    %reduce_min3A_58 = vector.extract %reduce_min3A_57[0, 0, 0] : i32 from vector<1x1x1xi32>
    %reduce_max3A = vector.shape_cast %get3A_30 : vector<512x1xi32> to vector<1x512x1xi32>
    %reduce_max3A_59 = arith.constant dense<-2147483648> : vector<1xi32>
    %reduce_max3A_60 = vector.multi_reduction <maxsi>, %reduce_max3A, %reduce_max3A_59 [1, 2] : vector<1x512x1xi32> to vector<1xi32>
    %reduce_max3A_61 = vector.shape_cast %reduce_max3A_60 : vector<1xi32> to vector<1x1x1xi32>
    %reduce_max3A_62 = vector.extract %reduce_max3A_61[0, 0, 0] : i32 from vector<1x1x1xi32>
    %scan3A = arith.constant 0 : i32
    %scan3A_63 = arith.constant 64 : i32
    %scan3A_64 = arith.addi %scan3A, %scan3A_63 : i32
    %scan3A_65 = arith.constant 1 : i32
    scf.for %scan3A_72 = %scan3A to %scan3A_64 step %scan3A_65  : i32 {
      %ge3A = arith.cmpi sge, %scan3A_72, %reduce_min3A_58 : i32
      %le3A = arith.cmpi sle, %scan3A_72, %reduce_max3A_62 : i32
      %and3A = arith.andi %ge3A, %le3A : i1
      %convert_element_type3A_73 = arith.extui %and3A : i1 to i32
      %cond3A_74 = arith.constant 0 : i32
      %cond3A_75 = arith.cmpi ne, %convert_element_type3A_73, %cond3A_74 : i32
      scf.if %cond3A_75 {
        %eq3A_76 = vector.broadcast %scan3A_72 : i32 to vector<512x1xi32>
        %eq3A_77 = arith.cmpi eq, %get3A_30, %eq3A_76 : vector<512x1xi32>
        %jit3A_78 = arith.constant 0xFF800000 : f32
        %broadcast_in_dim3A_79 = vector.shape_cast %eq3A_77 : vector<512x1xi1> to vector<512x1xi1>
        %broadcast_in_dim3A_80 = vector.broadcast %broadcast_in_dim3A_79 : vector<512x1xi1> to vector<512x128xi1>
        %broadcast_in_dim3A_81 = vector.broadcast %jit3A_78 : f32 to vector<512x128xf32>
        %select_n3A_82 = arith.select %broadcast_in_dim3A_80, %select_n3A, %broadcast_in_dim3A_81 : vector<512x128xi1>, vector<512x128xf32>
        %reduce_max3A_83 = arith.constant dense<0xFF800000> : vector<128xf32>
        %reduce_max3A_84 = vector.multi_reduction <maximumf>, %select_n3A_82, %reduce_max3A_83 [0] : vector<512x128xf32> to vector<128xf32>
        %broadcast_in_dim3A_85 = vector.shape_cast %reduce_max3A_84 : vector<128xf32> to vector<1x128xf32>
        %get3A_86 = arith.index_cast %scan3A_72 : i32 to index
        %get3A_87 = arith.constant 0 : index
        %get3A_88 = vector.load %arg10[%get3A_86, %get3A_87] : memref<72x128xf32, #tpu.memory_space<vmem>>, vector<1x128xf32>
        %max3A_89 = arith.maximumf %get3A_88, %broadcast_in_dim3A_85 : vector<1x128xf32>
        %swap3A_90 = arith.index_cast %scan3A_72 : i32 to index
        %swap3A_91 = arith.constant 0 : index
        %swap3A_92 = vector.load %arg10[%swap3A_90, %swap3A_91] : memref<72x128xf32, #tpu.memory_space<vmem>>, vector<1x128xf32>
        tpu.vector_store %arg10[%swap3A_90, %swap3A_91], %max3A_89 {strides = array<i32>} : memref<72x128xf32, #tpu.memory_space<vmem>>, vector<1x128xf32>,
      } else {
      }
    }
    %scan3A_66 = arith.constant 64 : i32
    %eq3A_67 = arith.constant 19 : i32
    %eq3A_68 = arith.cmpi eq, %arg0, %eq3A_67 : i32
    %convert_element_type3A_69 = arith.extui %eq3A_68 : i1 to i32
    %cond3A_70 = arith.constant 0 : i32
    %cond3A_71 = arith.cmpi ne, %convert_element_type3A_69, %cond3A_70 : i32
    scf.if %cond3A_71 {
      %get3A_72 = arith.constant 0 : index
      %get3A_73 = arith.constant 0 : index
      %get3A_74 = vector.load %arg11[%get3A_72, %get3A_73] : memref<72x128xf32, #tpu.memory_space<vmem>>, vector<72x128xf32>
      %gt3A = arith.constant 0.000000e+00 : f32
      %gt3A_75 = vector.broadcast %gt3A : f32 to vector<72x128xf32>
      %gt3A_76 = arith.cmpf ogt, %get3A_74, %gt3A_75 : vector<72x128xf32>
      %get3A_77 = arith.constant 0 : index
      %get3A_78 = arith.constant 0 : index
      %get3A_79 = vector.load %arg10[%get3A_77, %get3A_78] : memref<72x128xf32, #tpu.memory_space<vmem>>, vector<72x128xf32>
      %jit3A_80 = arith.constant 0.000000e+00 : f32
      %broadcast_in_dim3A_81 = vector.broadcast %jit3A_80 : f32 to vector<72x128xf32>
      %select_n3A_82 = arith.select %gt3A_76, %get3A_79, %broadcast_in_dim3A_81 : vector<72x128xi1>, vector<72x128xf32>
      %get3A_83 = arith.constant 0 : index
      %get3A_84 = arith.constant 0 : index
      %get3A_85 = vector.load %arg9[%get3A_83, %get3A_84] : memref<72x128xf32, #tpu.memory_space<vmem>>, vector<72x128xf32>
      %max3A_86 = arith.constant 1.000000e+00 : f32
      %max3A_87 = vector.broadcast %max3A_86 : f32 to vector<72x128xf32>
      %max3A_88 = arith.maximumf %get3A_74, %max3A_87 : vector<72x128xf32>
      %div3A_89 = arith.divf %get3A_85, %max3A_88 : vector<72x128xf32>
      %slice3A_90 = vector.extract_strided_slice %select_n3A_82 {offsets = [0, 0], sizes = [64, 128], strides = [1, 1]} : vector<72x128xf32> to vector<64x128xf32>
      %slice3A_91 = vector.extract_strided_slice %div3A_89 {offsets = [0, 0], sizes = [64, 128], strides = [1, 1]} : vector<72x128xf32> to vector<64x128xf32>
      %concatenate3A = tpu.concatenate %slice3A_90, %slice3A_91 in 1 : vector<64x128xf32>, vector<64x128xf32> -> vector<64x256xf32>
      %get3A_92 = arith.constant 0 : index
      %get3A_93 = arith.constant 0 : index
      %get3A_94 = vector.load %arg6[%get3A_92, %get3A_93] : memref<256x128xf32, #tpu.memory_space<vmem>>, vector<256x128xf32>
      %dot_general3A_95 = arith.constant dense<0.000000e+00> : vector<64x128xf32>
      %dot_general3A_96 = tpu.matmul %concatenate3A, %get3A_94, %dot_general3A_95 {dimension_numbers = #tpu.dot_dimension_numbers<[1], [0], [0], [1], [0, 0, 1, 1], [], []>, transpose_lhs_hint = false} : vector<64x256xf32>, vector<256x128xf32>, vector<64x128xf32> -> vector<64x128xf32>
      %get3A_97 = arith.constant 0 : index
      %get3A_98 = arith.constant 0 : index
      %get3A_99 = vector.load %arg7[%get3A_97, %get3A_98] : memref<1x128xf32, #tpu.memory_space<vmem>>, vector<1x128xf32>
      %add3A_100 = vector.broadcast %get3A_99 : vector<1x128xf32> to vector<64x128xf32>
      %add3A_101 = arith.addf %dot_general3A_96, %add3A_100 : vector<64x128xf32>
      %swap3A_102 = arith.constant 0 : index
      %swap3A_103 = arith.constant 0 : index
      %swap3A_104 = vector.load %arg8[%swap3A_102, %swap3A_103] : memref<64x128xf32, #tpu.memory_space<vmem>>, vector<64x128xf32>
      tpu.vector_store %arg8[%swap3A_102, %swap3A_103], %add3A_101 {strides = array<i32>} : memref<64x128xf32, #tpu.memory_space<vmem>>, vector<64x128xf32>,
    } else {
    }
    return
  }
  func.func @transform_0(%arg0: i32) -> (i32, i32) {
    %c0_i32 = arith.constant 0 : i32
    %c0_i32_0 = arith.constant 0 : i32
    return %arg0, %c0_i32 : i32, i32
  }
  func.func @transform_1(%arg0: i32) -> (i32, i32) {
    %c0_i32 = arith.constant 0 : i32
    %c0_i32_0 = arith.constant 0 : i32
    return %arg0, %c0_i32 : i32, i32
  }
  func.func @transform_2(%arg0: i32) -> (i32, i32) {
    %c0_i32 = arith.constant 0 : i32
    %c0_i32_0 = arith.constant 0 : i32
    return %c0_i32, %arg0 : i32, i32
  }
  func.func @transform_3(%arg0: i32) -> (i32, i32) {
    %c0_i32 = arith.constant 0 : i32
    %c0_i32_0 = arith.constant 0 : i32
    %c0_i32_1 = arith.constant 0 : i32
    return %c0_i32, %c0_i32_0 : i32, i32
  }
  func.func @transform_4(%arg0: i32) -> (i32, i32) {
    %c0_i32 = arith.constant 0 : i32
    %c0_i32_0 = arith.constant 0 : i32
    return %arg0, %c0_i32 : i32, i32
  }
  func.func @transform_5(%arg0: i32) -> (i32, i32) {
    %c0_i32 = arith.constant 0 : i32
    %c0_i32_0 = arith.constant 0 : i32
    %c0_i32_1 = arith.constant 0 : i32
    return %c0_i32, %c0_i32_0 : i32, i32
  }
  func.func @transform_6(%arg0: i32) -> (i32, i32) {
    %c0_i32 = arith.constant 0 : i32
    %c0_i32_0 = arith.constant 0 : i32
    %c0_i32_1 = arith.constant 0 : i32
    return %c0_i32, %c0_i32_0 : i32, i32
  }
  func.func @transform_7(%arg0: i32) -> (i32, i32) {
    %c0_i32 = arith.constant 0 : i32
    %c0_i32_0 = arith.constant 0 : i32
    %c0_i32_1 = arith.constant 0 : i32
    return %c0_i32, %c0_i32_0 : i32, i32
  }
}

</mosaic_0001>

<sc_bundles>
// kernel: kernel.12.cloned.1.call-start
scs
__scs_entry_jumppad:
0x0: {  	(pc) =	sbr.rel $0x88, $3  }
0x1: {  	(tag) =	ssettag $0x0;
	lr =	simm.s32 $0x1  }
0x2: {  	[smem:$0x3F94] =	sst lr;
	_ =	strace $0xD0000000  }
0x3: {  	_ = 	snop  }
0x4: {  	_ = 	snop  }
0x5: {  	_ = 	snop  }
0x6: {  	_ = 	snop  }
0x7: {  	_ = 	snop  }
__scs_overlays_trampoline_lowered:
0x8: {  	[smem:$0x3FA3] =	sst s0  }
0x9: {  	[smem:$0x3FA4] =	sst s1  }
0xa: {  	[smem:$0x3FA5] =	sst s2  }
0xb: {  	[smem:$0x3FA6] =	sst s3  }
0xc: {  	[smem:$0x3FA7] =	sst s4  }
0xd: {  	[smem:$0x3FA8] =	sst s5  }
0xe: {  	[smem:$0x3FA9] =	sst s6  }
0xf: {  	[smem:$0x3FAA] =	sst s7  }
0x10: {  	[smem:$0x3FAB] =	sst s8  }
0x11: {  	[smem:$0x3FAC] =	sst s9;
	s0 =	simm.s32 @!p0 $0x0  }
0x12: {  	s1 =	sld [smem:$0x3F92];
	s0 =	simm.s32 @p0 $0x1  }
0x13: {  	[smem:$0x3FAD] =	sst s0;
	s0 =	simm.s32 @!p1 $0x0  }
0x14: {  	s2 =	sld [smem:$0x3F91];
	s0 =	simm.s32 @p1 $0x1  }
0x15: {  	[smem:$0x3FAE] =	sst s0;
	s0 =	simm.s32 @!p2 $0x0  }
0x16: {  	s3 =	sld [smem:$0x3FDB];
	s0 =	simm.s32 @p2 $0x1  }
0x17: {  	s4 =	simm.s32 $0x1BF5;
	[smem:$0x3FB0] =	sst s0  }
0x18: {  	s0 =	sld [smem:$0x3F93];
	_ =	swait.ge [sflag:s4], $0x0  }
0x19: {  	s7 =	sld [smem:$0x3F94]  }
0x1a: {  	s8 =	sadd.s32 $0xFFFFE003, lr  }
0x1b: {  	s9 =	sadd.s32 $0xFFFFFEF7, lr;
	s5 =	simm.s32 $0xFFFFFFFF;
	p2 =	slt.u32 s8, $0xFFFFF086  }
0x1c: {  	p1 =	slt.u32 s9, $0xF7A;
	s5 =	simm.s32 @!p2 $0x0  }
0x1d: {  	s5 =	simm.s32 @p1 $0x1;
	p0 =	seq.s32 s7, s2  }
0x1e: {  	s7 =	smul.u32 @!p0 $0xF7A, s2;
	p2 =	seq.s32 @!p0 s5, $0x0  }
0x1f: {  	s9 =	smul.u32 $0xF7A, s1;
	s8 =	simm.s32 @!p0 $0x1BF5;
	p2 =	por !p2, p0  }
0x20: {  	[sflag:s8] =	ssyncset.s32 @!p0 $0xFFFFF086;
	s6 =	sadd.s32 @!p0 s3, s7;
	s7 =	simm.s32 @!p0 $0x108  }
0x21: {  	s3 =	sadd.s32 s3, s9;
	s6 =	sadd.s32 @!p0 $0x88, s6;
	s7 =	simm.s32 @p2 $0x1082  }
0x22: {  	[simem:s7], [sflag:s8] =	dma.local @!p0 [hbm:s6], $0xF7A  }
0x23: {  	s9 =	sor.u32 $0xD0000000, s2;
	s6 =	simm.s32 $0x108;
	_ =	swait.ge @!p0 [sflag:s8], $0x0  }
0x24: {  	s3 =	sadd.s32 $0x88, s3;
	s6 =	simm.s32 @!p1 $0x1082;
	[sflag:s4] =	ssyncset.s32 $0xFFFFF086  }
0x25: {  	[simem:s6], [sflag:s4] =	dma.local [hbm:s3], $0xF7A  }
0x26: {  	[smem:$0x3F94] =	sst s1;
	(tag) =	ssettag s2;
	_ =	strace s9  }
0x27: {  	s1 =	sld [smem:$0x3FA4]  }
0x28: {  	s2 =	sld [smem:$0x3FA5]  }
0x29: {  	s4 =	sld [smem:$0x3FA7]  }
0x2a: {  	p0 =	seq.s32 s5, $0x0;
	s5 =	sld [smem:$0x3FA8]  }
0x2b: {  	s6 =	sld [smem:$0x3FA9]  }
0x2c: {  	s7 =	sld [smem:$0x3FAA]  }
0x2d: {  	s3 =	simm.s32 $0x108;
	s8 =	sld [smem:$0x3FAB]  }
0x2e: {  	s3 =	simm.s32 @!p0 $0x1082;
	s9 =	sld [smem:$0x3FAC]  }
0x2f: {  	lr =	sadd.s32 s0, s3;
	s0 =	sld [smem:$0x3FA3]  }
0x30: {  	s3 =	sld [smem:$0x3FA6]  }
0x31: {  	[smem:$0x3FAF] =	sst s10  }
0x32: {  	s10 =	sld [smem:$0x3FAD];
	_ =	sdelay $0x3  }
0x33: {  	p0 =	seq.s32 s10, $0x1;
	s10 =	sld [smem:$0x3FAF];
	_ =	sdelay $0x3  }
0x34: {  	[smem:$0x3FAF] =	sst s10  }
0x35: {  	s10 =	sld [smem:$0x3FAE];
	_ =	sdelay $0x3  }
0x36: {  	p1 =	seq.s32 s10, $0x1;
	s10 =	sld [smem:$0x3FAF];
	_ =	sdelay $0x3  }
0x37: {  	[smem:$0x3FAF] =	sst s10  }
0x38: {  	s10 =	sld [smem:$0x3FB0]  }
0x39: {  	_ = 	snop;
	(pc) =	sbr.ind lr, $3  }
0x3a: {  	_ = 	snop  }
0x3b: {  	_ = 	snop  }
0x3c: {  	p2 =	seq.s32 s10, $0x1;
	s10 =	sld [smem:$0x3FAF]  }
0x3d: {  	_ =	shalt  }
0x3e: {  	_ =	shalt  }
0x3f: {  	_ =	shalt  }
0x40: {  	_ =	shalt  }
0x41: {  	_ =	shalt  }
0x42: {  	_ =	shalt  }
0x43: {  	_ =	shalt  }
0x44: {  	_ =	shalt  }
0x45: {  	_ =	shalt  }
0x46: {  	_ =	shalt  }
0x47: {  	_ =	shalt  }
0x48: {  	_ =	shalt  }
0x49: {  	_ =	shalt  }
0x4a: {  	_ =	shalt  }
0x4b: {  	_ =	shalt  }
0x4c: {  	_ =	shalt  }
0x4d: {  	_ =	shalt  }
0x4e: {  	_ =	shalt  }
0x4f: {  	_ =	shalt  }
0x50: {  	_ =	shalt  }
0x51: {  	_ =	shalt  }
0x52: {  	_ =	shalt  }
0x53: {  	_ =	shalt  }
0x54: {  	_ =	shalt  }
0x55: {  	_ =	shalt  }
0x56: {  	_ =	shalt  }
0x57: {  	_ =	shalt  }
0x58: {  	_ =	shalt  }
0x59: {  	_ =	shalt  }
0x5a: {  	_ =	shalt  }
0x5b: {  	_ =	shalt  }
0x5c: {  	_ =	shalt  }
0x5d: {  	_ =	shalt  }
0x5e: {  	_ =	shalt  }
0x5f: {  	_ =	shalt  }
0x60: {  	_ =	shalt  }
0x61: {  	_ =	shalt  }
0x62: {  	_ =	shalt  }
0x63: {  	_ =	shalt  }
0x64: {  	_ =	shalt  }
0x65: {  	_ =	shalt  }
0x66: {  	_ =	shalt  }
0x67: {  	_ =	shalt  }
0x68: {  	_ =	shalt  }
0x69: {  	_ =	shalt  }
0x6a: {  	_ =	shalt  }
0x6b: {  	_ =	shalt  }
0x6c: {  	_ =	shalt  }
0x6d: {  	_ =	shalt  }
0x6e: {  	_ =	shalt  }
0x6f: {  	_ =	shalt  }
0x70: {  	_ =	shalt  }
0x71: {  	_ =	shalt  }
0x72: {  	_ =	shalt  }
0x73: {  	_ =	shalt  }
0x74: {  	_ =	shalt  }
0x75: {  	_ =	shalt  }
0x76: {  	_ =	shalt  }
0x77: {  	_ =	shalt  }
0x78: {  	_ =	shalt  }
0x79: {  	_ =	shalt  }
0x7a: {  	_ =	shalt  }
0x7b: {  	_ =	shalt  }
0x7c: {  	_ =	shalt  }
0x7d: {  	_ =	shalt  }
0x7e: {  	_ =	shalt  }
0x7f: {  	_ =	shalt  }
0x80: {  	_ =	shalt  }
0x81: {  	_ =	shalt  }
0x82: {  	_ =	shalt  }
0x83: {  	_ =	shalt  }
0x84: {  	_ =	shalt  }
0x85: {  	_ =	shalt  }
0x86: {  	_ =	shalt  }
0x87: {  	_ =	shalt  }
.Lfunc_end0:
.L_simem_size_0:
called_computation.1_lowered:
.L_overlay_start_0:
0x88: {  	s2 =	sld [smem:$0x3FD9]  }
0x89: {  	s3 =	sld [smem:$0x3FFE];
	_ =	sdelay $0x1  }
0x8a: {  	s1 =	srdreg.scid  }
0x8b: {  	s0 =	sand.u32 $0x1, s1  }
0x8c: {  	s16 =	sshll.u32 s0, $0xA;
	s2 =	sadd.s32 s3, s2  }
0x8d: {  	s2 =	sadd.s32 s2, s16  }
0x8e: {  	[smem:$0x3FBB] =	sst s2  }
0x8f: {  	_ = 	snop  }
0x90: {  	(tm) =	ssettm $0x1  }
0x91: {  	s17 =	sld [smem:$0x3FFB];
	_ =	sdelay $0x3  }
0x92: {  	_ =	strace s17  }
0x93: {  	s2 =	sld [smem:$0x3FFC];
	_ =	sdelay $0x3  }
0x94: {  	_ =	strace s2  }
0x95: {  	s2 =	sld [smem:$0x3FFD];
	_ =	sdelay $0x3  }
0x96: {  	_ =	strace s2  }
0x97: {  	_ =	strace $0x8FFFFFFF  }
0x98: {  	s18 =	sld [smem:$0x3FDB];
	_ =	sdelay $0x1  }
0x99: {  	s19 =	simm.s32 $_scs_section_size  }
0x9a: {  	s4 =	simm.s32 $_size__tile_overlayer_lowered;
	s5 =	simm.s32 $_tile_overlayer_lowered  }
0x9b: {  	s22 =	simm.s32 $0x1BFF;
	s21 =	sshll.u32 s5, $0x1;
	s2 =	sadd.s32 s19, s18  }
0x9c: {  	s6 =	simm.s32 $0x0;
	s20 =	sshll.u32 s4, $0x1;
	s4 =	sadd.s32 s21, s2  }
0x9d: {  	[timem:s6], [sflag:s22] =	dma.local [hbm:s4], s20  }
0x9e: {  	_ =	swait.ge [sflag:s22], s20  }
0x9f: {  	s3 =	ssub.s32 $0x0, s20;
	[sflag:s22] =	ssyncset.done $0x0  }
0xa0: {  	[sflag:s22] =	ssyncadd.s32 s3;
	_ =	sdelay $0x1  }
0xa1: {  	s23 =	simm.s32 $0x1B8B  }
0xa2: {  	_ =	swait.ge [sflag:s23], $0x1  }
0xa3: {  	[sflag:s23] =	ssyncset.done $0x0  }
0xa4: {  	s25 =	simm.s32 $0x1B8E;
	s24 =	sld [smem:$0x3FFE];
	[sflag:s23] =	ssyncadd.s32 $0xFFFFFFFF  }
0xa5: {  	s26 =	simm.s32 $execute0_lowered;
	[smem:$0x3FD2] =	sst s25  }
0xa6: {  	s4 =	sshll.u32 s26, $0x1;
	_ =	strace $0x80000049;
	[dreg:$0x1] =	wrdreg $0xFFFFFFFF  }
0xa7: {  	s28 =	simm.s32 $_size_execute0_lowered;
	s2 =	sadd.s32 s2, s4;
	[dreg:$0x0] =	wrdreg $0x0  }
0xa8: {  	s4 =	sshll.u32 s28, $0x1;
	[dreg:$0x2] =	wrdreg s2  }
0xa9: {  	[dreg:$0x3] =	wrdreg s4  }
0xaa: {  	[dreg:$0x4] =	wrdreg $0xC0  }
0xab: {  	_ =	task [dreg:s6], $0x5FFFF  }
0xac: {  	[dreg:$0x1] =	wrdreg $0xFFFFFFFF  }
0xad: {  	[dreg:$0x0] =	wrdreg $0x60  }
0xae: {  	[dreg:$0x2] =	wrdreg s24  }
0xaf: {  	[dreg:$0x3] =	wrdreg $0x0  }
0xb0: {  	[dreg:$0x4] =	wrdreg $0x9  }
0xb1: {  	_ =	task.clear_ibuf [dreg:s6], $0x5FFFF;
	_ =	strace $0x90000049  }
0xb2: {  	s29 =	simm.s32 $0x9;
	_ =	strace $0x8000004B  }
0xb3: {  	_ =	swait.ge [sflag:s29], $0x1  }
0xb4: {  	[sflag:s29] =	ssyncadd.s32 $0xFFFFFFFF  }
0xb5: {  	_ =	strace $0x9000004B  }
0xb6: {  	_ =	sfence  }
0xb7: {  	s30 =	sld [smem:$0x0];
	_ =	sdelay $0x2  }
0xb8: {  	s31 =	sshll.u32 s1, $0xD;
	s1 =	sshrl.u32 s1, $0x2  }
0xb9: {  	s3 =	sand.u32 $0x4000, s31;
	s1 =	sadd.s32 s1, s30  }
0xba: {  	s0 =	sor.u32 s3, s0;
	s1 =	sshll.u32 s1, $0x11  }
0xbb: {  	s0 =	sor.u32 s1, s0  }
0xbc: {  	s0 =	sadd.s32 $0x8F2B, s0  }
0xbd: {  	[sflag:s0] =	ssyncadd.remote.s32 $0x1  }
0xbe: {  	_ =	sfence.sel $0xFFFF  }
0xbf: {  	[dreg:$0x0] =	wrdreg $0xFFFFFFFF;
	(pc) =	sbr.abs _section_cstart, $3  }
0xc0: {  	[dreg:$0x1] =	wrdreg $0xFFFFFFFF  }
0xc1: {  	_ =	task.clear_ibuf [dreg:s6], $0x2FFFF;
	_ =	strace $0x9FFFFFFF  }
0xc2: {  	(tm) =	ssettm $0x7FFFFFFF  }
0xc3: {  	_ =	shalt  }
tec
execute0_lowered:
.L_overlay_start_1:
0x0: {  	(tag) =	ssettag $0x1  }
0x1: {  	s0 =	rddreg [dreg:$0x0]  }
0x2: {  	s1 =	rddreg [dreg:$0x1]  }
0x3: {  	s3 =	simm.s32 $0x0;
	s2 =	srdreg.scid;
	s12 =	stileid.u32  }
0x4: {  	s29 =	simm.s32 $0x5;
	s30 =	simm.s32 $0x4;
	s9 =	smul.u32 $0x14000, s12  }
0x5: {  	[smem:$0x7FF] =	sst s3;
	s2 =	sand.u32 $0x1, s2;
	s18 =	smul.u32 $0x50000, s12  }
0x6: {  	s4 =	sadd.s32 $0x16600, s0;
	s5 =	sadd.s32 $0x1E00, s0;
	s11 =	smul.u32 $0x52, s12  }
0x7: {  	s6 =	sadd.s32 $0xC200, s0;
	s7 =	sadd.s32 $0x49200, s0;
	s12 =	smul.u32 $0x50, s12  }
0x8: {  	s8 =	smul.u32 $0x140000, s2;
	_ =	strace $0x8000004A;
	s10 =	ssub.s32 $0x2, s2  }
0x9: {  	p0 =	seq.s32 s2, $0x0;
	s19 =	sshrl.u32 s10, $0x1;
	s2 =	sadd.s32 $0x500, s11  }
0xa: {  	s8 =	sadd.s32 s9, s8;
	s9 =	sshrl.u32 s18, $0x2;
	s2 =	smov.u32 @p0 s12  }
0xb: {  	s8 =	sshrl.u32 s8, $0x3;
	s12 =	sadd.s32 s9, s1;
	s20 =	sshll.u32 s2, $0x4  }
0xc: {  	s2 =	sshll.u32 s2, $0x7;
	s0 =	sadd.s32 s8, s0;
	s8 =	ssub.s32 s10, s19  }
0xd: {  	s10 =	simm.s32 $0x50;
	s21 =	sadd.s32 s5, s20;
	[dreg:$0x3] =	wrdreg s12  }
0xe: {  	s22 =	sadd.s32 s6, s20;
	s23 =	sadd.s32 s7, s20;
	[dreg:$0x4] =	wrdreg s21  }
0xf: {  	s9 =	sor.u32 $0x10, s20;
	s24 =	sshrl.u32 s2, $0x3;
	[dreg:$0x5] =	wrdreg s22  }
0x10: {  	s19 =	sadd.s32 $0x180, s2;
	s17 =	sadd.s32 $0x2000, s12;
	[dreg:$0x6] =	wrdreg s23  }
0x11: {  	s20 =	sadd.s32 $0x200, s2;
	s13 =	sadd.s32 s5, s9;
	[dreg:$0x12] =	wrdreg s17  }
0x12: {  	s10 =	simm.s32 @!p0 $0x52;
	s25 =	sadd.s32 s6, s9;
	[dreg:$0x7] =	wrdreg s13  }
0x13: {  	s11 =	sadd.s32 $0x20, s24;
	s9 =	sadd.s32 s7, s9;
	[dreg:$0x8] =	wrdreg s25  }
0x14: {  	s0 =	sadd.s32 $0x53600, s0;
	s16 =	smax.u32 s8, $0x1;
	[dreg:$0x9] =	wrdreg s9  }
0x15: {  	s21 =	sadd.s32 $0x4000, s12;
	s22 =	sadd.s32 $0x6000, s12;
	[dreg:$0x10] =	wrdreg s0  }
0x16: {  	s23 =	sadd.s32 $0x8000, s12;
	s24 =	sadd.s32 $0xA000, s12;
	[dreg:$0x11] =	wrdreg s16  }
0x17: {  	s17 =	simm.s32 $0x14180;
	s8 =	simm.s32 $0x0;
	[dreg:$0x13] =	wrdreg s21  }
0x18: {  	s26 =	sadd.s32 s5, s11;
	s28 =	sshll.u32 s10, $0x7;
	[dreg:$0x14] =	wrdreg s22  }
0x19: {  	s31 =	sadd.s32 s6, s11;
	s10 =	sadd.s32 $0xFFFFFFFE, s10;
	[dreg:$0x15] =	wrdreg s23  }
0x1a: {  	s11 =	sadd.s32 s7, s11;
	[dreg:$0x16] =	wrdreg s24;
	s25 =	sadd.s32 $0xC000, s12  }
0x1b: {  	s13 =	simm.s32 $0x14000;
	s16 =	simm.s32 $0x14080;
	s21 =	simm.s32 $0x14280  }
0x1c: {  	s22 =	simm.s32 $0x1;
	s23 =	simm.s32 $0x80;
	[dreg:$0xa] =	wrdreg s26  }
0x1d: {  	s24 =	simm.s32 $0x2;
	s0 =	simm.s32 $0x6;
	[dreg:$0xb] =	wrdreg s31  }
0x1e: {  	s9 =	sadd.s32 s28, s2;
	[dreg:$0xc] =	wrdreg s11;
	s18 =	sshrl.u32 s10, $0x1  }
0x1f: {  	[dreg:$0x17] =	wrdreg s25;
	s26 =	sadd.s32 $0xE000, s12;
	s28 =	sadd.s32 $0x10000, s12  }
0x20: {  	s31 =	sadd.s32 $0x12000, s12;
	s9 =	sor.u32 $0x80, s9;
	[dreg:$0x18] =	wrdreg s26  }
0x21: {  	s11 =	simm.s32 $0x14400;
	[dreg:$0x19] =	wrdreg s28;
	s14 =	sshrl.u32 s9, $0x3  }
0x22: {  	s25 =	simm.s32 $0x18400;
	[dreg:$0x1a] =	wrdreg s31;
	s9 =	sadd.s32 s5, s14  }
0x23: {  	s26 =	simm.s32 $0x3;
	s15 =	sadd.s32 s6, s14;
	[dreg:$0xd] =	wrdreg s9  }
0x24: {  	s2 =	sadd.s32 s7, s14;
	s14 =	simm.s32 $0x14100;
	[dreg:$0xe] =	wrdreg s15  }
0x25: {  	v0 =	vimm.f32 $0.0e+00;
	[dreg:$0xf] =	wrdreg s2;
	s9 =	simm.s32 $0x7;
	s15 =	simm.s32 $0x14200  }
.LBB2_1:
0x26: {  	[dreg:$0x1b] =	wrdreg s8;
	s2 =	simm.s32 $0x0;
	s8 =	simm.s32 $0x200  }
.LBB2_2:
0x27: {  	p0 =	sne.s32 s8, $0xFE00;
	[tilespmem:s2+$0x14470] =	vst v0  }
0x28: {  	[tilespmem:s2+$0x14400] =	vst v0  }
0x29: {  	[tilespmem:s2+$0x14410] =	vst v0  }
.Ltmp0:
0x2a: {  	[tilespmem:s2+$0x14420] =	vst v0;
	(pc) =	sbr.rel @p0 .LBB2_2-.Ltmp0, $4  }
0x2b: {  	[tilespmem:s2+$0x14430] =	vst v0  }
0x2c: {  	[tilespmem:s2+$0x14440] =	vst v0  }
0x2d: {  	[tilespmem:s2+$0x14450] =	vst v0  }
0x2e: {  	[tilespmem:s2+$0x14460] =	vst v0;
	s2 =	sshra.s32 s8, $0x2;
	s8 =	sadd.s32 $0x200, s8  }
0x2f: {  	[tilespmem:s2+$0x14470] =	vst v0  }
0x30: {  	[tilespmem:s2+$0x14400] =	vst v0  }
0x31: {  	[tilespmem:s2+$0x14410] =	vst v0  }
0x32: {  	[tilespmem:s2+$0x14420] =	vst v0  }
0x33: {  	[tilespmem:s2+$0x14430] =	vst v0  }
0x34: {  	[tilespmem:s2+$0x14440] =	vst v0  }
0x35: {  	[tilespmem:s2+$0x14450] =	vst v0  }
0x36: {  	[tilespmem:s2+$0x14460] =	vst v0  }
0x37: {  	[spmem:s12] =	stream.linear.scatter [tilespmem:s11], [sflag:$0x7], $0x2000, $0x38;
	[tilespmem:$0x1C400] =	vst v63  }
0x38: {  	_ =	swait.ge [sflag:s9], $0x2000  }
0x39: {  	[sflag:s9] =	ssyncset.done $0x0  }
0x3a: {  	s12 =	rddreg [dreg:$0x12];
	[sflag:s9] =	ssyncadd.s32 $0xFFFFE000  }
0x3b: {  	[spmem:s12] =	stream.linear.scatter [tilespmem:s11], [sflag:$0x7], $0x2000, $0x38;
	[tilespmem:$0x1C400] =	vst v63  }
0x3c: {  	_ =	swait.ge [sflag:s9], $0x2000  }
0x3d: {  	[sflag:s9] =	ssyncset.done $0x0  }
0x3e: {  	s28 =	rddreg [dreg:$0x13];
	[sflag:s9] =	ssyncadd.s32 $0xFFFFE000  }
0x3f: {  	[spmem:s28] =	stream.linear.scatter [tilespmem:s11], [sflag:$0x7], $0x2000, $0x38;
	[tilespmem:$0x1C400] =	vst v63  }
0x40: {  	_ =	swait.ge [sflag:s9], $0x2000  }
0x41: {  	[sflag:s9] =	ssyncset.done $0x0  }
0x42: {  	s31 =	rddreg [dreg:$0x14];
	[sflag:s9] =	ssyncadd.s32 $0xFFFFE000  }
0x43: {  	[spmem:s31] =	stream.linear.scatter [tilespmem:s11], [sflag:$0x7], $0x2000, $0x38;
	[tilespmem:$0x1C400] =	vst v63  }
0x44: {  	_ =	swait.ge [sflag:s9], $0x2000  }
0x45: {  	[sflag:s9] =	ssyncset.done $0x0  }
0x46: {  	s8 =	rddreg [dreg:$0x15];
	[sflag:s9] =	ssyncadd.s32 $0xFFFFE000  }
0x47: {  	[spmem:s8] =	stream.linear.scatter [tilespmem:s11], [sflag:$0x7], $0x2000, $0x38;
	[tilespmem:$0x1C400] =	vst v63  }
0x48: {  	_ =	swait.ge [sflag:s9], $0x2000  }
0x49: {  	[sflag:s9] =	ssyncset.done $0x0  }
0x4a: {  	s10 =	rddreg [dreg:$0x16];
	[sflag:s9] =	ssyncadd.s32 $0xFFFFE000  }
0x4b: {  	[spmem:s10] =	stream.linear.scatter [tilespmem:s11], [sflag:$0x7], $0x2000, $0x38;
	[tilespmem:$0x1C400] =	vst v63  }
0x4c: {  	_ =	swait.ge [sflag:s9], $0x2000  }
0x4d: {  	[sflag:s9] =	ssyncset.done $0x0  }
0x4e: {  	s12 =	rddreg [dreg:$0x17];
	[sflag:s9] =	ssyncadd.s32 $0xFFFFE000  }
0x4f: {  	[spmem:s12] =	stream.linear.scatter [tilespmem:s11], [sflag:$0x7], $0x2000, $0x38;
	[tilespmem:$0x1C400] =	vst v63  }
0x50: {  	_ =	swait.ge [sflag:s9], $0x2000  }
0x51: {  	[sflag:s9] =	ssyncset.done $0x0  }
0x52: {  	s28 =	rddreg [dreg:$0x18];
	[sflag:s9] =	ssyncadd.s32 $0xFFFFE000  }
0x53: {  	[spmem:s28] =	stream.linear.scatter [tilespmem:s11], [sflag:$0x7], $0x2000, $0x38;
	[tilespmem:$0x1C400] =	vst v63  }
0x54: {  	_ =	swait.ge [sflag:s9], $0x2000  }
0x55: {  	[sflag:s9] =	ssyncset.done $0x0  }
0x56: {  	s31 =	rddreg [dreg:$0x19];
	[sflag:s9] =	ssyncadd.s32 $0xFFFFE000  }
0x57: {  	[spmem:s31] =	stream.linear.scatter [tilespmem:s11], [sflag:$0x7], $0x2000, $0x38;
	[tilespmem:$0x1C400] =	vst v63  }
0x58: {  	_ =	swait.ge [sflag:s9], $0x2000  }
0x59: {  	[sflag:s9] =	ssyncset.done $0x0  }
0x5a: {  	s8 =	rddreg [dreg:$0x1a];
	[sflag:s9] =	ssyncadd.s32 $0xFFFFE000  }
0x5b: {  	[spmem:s8] =	stream.linear.scatter [tilespmem:s11], [sflag:$0x7], $0x2000, $0x38;
	[tilespmem:$0x1C400] =	vst v63  }
0x5c: {  	_ =	swait.ge [sflag:s9], $0x2000  }
0x5d: {  	[sflag:s9] =	ssyncset.done $0x0  }
0x5e: {  	[sflag:s9] =	ssyncadd.s32 $0xFFFFE000  }
0x5f: {  	[bflag:$0x0] =	sbarrier.arrive $0xFFFF  }
0x60: {  	s2 =	simm.s32 $0x0;
	s8 =	rddreg [dreg:$0x4]  }
0x61: {  	[tilespmem:s13], [sflag:$0x1] =	stream.linear.gather [hbm4b:s8+s2], $0x80, $0x38;
	[tilespmem:$0x1C400] =	vst v63  }
0x62: {  	s9 =	rddreg [dreg:$0x5]  }
0x63: {  	[tilespmem:s14], [sflag:$0x1] =	stream.linear.gather [hbm4b:s9+s2], $0x80, $0x38;
	[tilespmem:$0x1C400] =	vst v63  }
0x64: {  	s10 =	rddreg [dreg:$0x6]  }
0x65: {  	[tilespmem:s15], [sflag:$0x1] =	stream.linear.gather [hbm4b:s10+s2], $0x80, $0x38;
	[tilespmem:$0x1C400] =	vst v63  }
0x66: {  	s12 =	rddreg [dreg:$0x7]  }
0x67: {  	[tilespmem:s16], [sflag:$0x2] =	stream.linear.gather [hbm4b:s12+s2], $0x80, $0x38;
	[tilespmem:$0x1C400] =	vst v63  }
0x68: {  	s28 =	rddreg [dreg:$0x8]  }
0x69: {  	[tilespmem:s17], [sflag:$0x2] =	stream.linear.gather [hbm4b:s28+s2], $0x80, $0x38;
	[tilespmem:$0x1C400] =	vst v63  }
0x6a: {  	s31 =	rddreg [dreg:$0x9]  }
0x6b: {  	[tilespmem:s21], [sflag:$0x2] =	stream.linear.gather [hbm4b:s31+s2], $0x80, $0x38;
	[tilespmem:$0x1C400] =	vst v63  }
0x6c: {  	_ =	swait.ge [sflag:s22], $0x80  }
0x6d: {  	[sflag:s22] =	ssyncset.done $0x0  }
0x6e: {  	[sflag:s22] =	ssyncadd.s32 $0xFFFFFF80  }
0x6f: {  	_ =	swait.ge [sflag:s22], $0x80  }
0x70: {  	[sflag:s22] =	ssyncset.done $0x0  }
0x71: {  	[sflag:s22] =	ssyncadd.s32 $0xFFFFFF80  }
0x72: {  	_ =	swait.ge [sflag:s22], $0x80  }
0x73: {  	[sflag:s22] =	ssyncset.done $0x0  }
0x74: {  	[sflag:s22] =	ssyncadd.s32 $0xFFFFFF80  }
0x75: {  	[tilespmem:s11], [sflag:$0x3] =	stream.indirect.gather [hbm4b:s4+s23], $0x80, s13, s23, $0xb8;
	[tilespmem:$0x1C400] =	vst v63  }
0x76: {  	_ =	swait.ge [sflag:s24], $0x80  }
0x77: {  	[sflag:s24] =	ssyncset.done $0x0  }
0x78: {  	[sflag:s24] =	ssyncadd.s32 $0xFFFFFF80  }
0x79: {  	_ =	swait.ge [sflag:s24], $0x80  }
0x7a: {  	[sflag:s24] =	ssyncset.done $0x0  }
0x7b: {  	[sflag:s24] =	ssyncadd.s32 $0xFFFFFF80  }
0x7c: {  	_ =	swait.ge [sflag:s24], $0x80  }
0x7d: {  	[sflag:s24] =	ssyncset.done $0x0  }
0x7e: {  	[sflag:s24] =	ssyncadd.s32 $0xFFFFFF80  }
0x7f: {  	[tilespmem:s25], [sflag:$0x4] =	stream.indirect.gather [hbm4b:s4+s23], $0x80, s16, s23, $0xb8;
	[tilespmem:$0x1C400] =	vst v63  }
0x80: {  	_ =	swait.ge [sflag:s26], $0x4000  }
0x81: {  	[sflag:s26] =	ssyncset.done $0x0  }
0x82: {  	[sflag:s26] =	ssyncadd.s32 $0xFFFFC000  }
0x83: {  	v1 =	vld [tilespmem:$0x14100]  }
0x84: {  	v2 =	vld [tilespmem:$0x14110]  }
0x85: {  	v3 =	vld [tilespmem:$0x14120]  }
0x86: {  	v4 =	vld [tilespmem:$0x14130]  }
0x87: {  	v5 =	vld [tilespmem:$0x14140]  }
0x88: {  	[tilespmem:$0x14300] =	vst v1;
	v1 =	vld [tilespmem:$0x14150]  }
0x89: {  	[tilespmem:$0x14310] =	vst v2;
	v2 =	vld [tilespmem:$0x14160]  }
0x8a: {  	[tilespmem:$0x14320] =	vst v3;
	v3 =	vld [tilespmem:$0x14170]  }
0x8b: {  	[tilespmem:$0x14330] =	vst v4  }
0x8c: {  	[tilespmem:$0x14340] =	vst v5  }
0x8d: {  	[tilespmem:$0x14350] =	vst v1  }
0x8e: {  	[tilespmem:$0x14360] =	vst v2;
	v1 =	vmov s2  }
0x8f: {  	s8 =	simm.s32 $0x14440;
	[tilespmem:$0x14370] =	vst v3  }
0x90: {  	v5 =	vld [tilespmem:s8+$0x30]  }
0x91: {  	v8 =	vld [tilespmem:s8+$0x10]  }
0x92: {  	v6 =	vld [tilespmem:s8+$0xFFFFFFC0]  }
0x93: {  	v2 =	vld.idx.msk [tilespmem:v1+s15+$0x0], $0xffff  }
0x94: {  	v10 =	vld [tilespmem:s8+$0xFFFFFFE0]  }
0x95: {  	v3 =	vld [tilespmem:s8+$0x20]  }
0x96: {  	v4 =	vld [tilespmem:s8+$0xFFFFFFD0]  }
0x97: {  	v1 =	vld [tilespmem:s8+$0xFFFFFFF0]  }
0x98: {  	v9 =	vmul.f32 v5, v2;
	v5 =	vld [tilespmem:s8+$0x0]  }
0x99: {  	v7 =	vmul.f32 v6, v2  }
0x9a: {  	s9 =	simm.s32 $0x14440;
	s2 =	simm.s32 $0x1;
	v6 =	vmul.f32 v10, v2;
	v8 =	vmul.f32 v8, v2  }
.LBB2_4:
0x9b: {  	p0 =	sne.s32 s2, $0x7F  }
0x9c: {  	v4 =	vmul.f32 v4, v2;
	v3 =	vmul.f32 v3, v2;
	[tilespmem:s8+$0x30] =	vst v9;
	s9 =	sadd.s32 $0x80, s9;
	s10 =	smov.u32 s2;
	s2 =	sadd.s32 $0x1, s2  }
0x9d: {  	[tilespmem:s8+$0xFFFFFFC0] =	vst v7;
	v7 =	vmul.f32 v1, v2;
	v2 =	vmul.f32 v5, v2  }
0x9e: {  	[tilespmem:s8+$0x10] =	vst v8  }
0x9f: {  	v5 =	vmov s10;
	[tilespmem:s8+$0xFFFFFFE0] =	vst v6  }
0xa0: {  	v1 =	vld [tilespmem:s9+$0xFFFFFFF0];
	[tilespmem:s8+$0xFFFFFFF0] =	vst v7  }
0xa1: {  	v6 =	vld [tilespmem:s9+$0x30];
	[tilespmem:s8+$0x0] =	vst v2  }
0xa2: {  	v8 =	vld [tilespmem:s9+$0x10];
	[tilespmem:s8+$0x20] =	vst v3  }
0xa3: {  	v7 =	vld [tilespmem:s9+$0xFFFFFFC0];
	[tilespmem:s8+$0xFFFFFFD0] =	vst v4;
	s8 =	smov.u32 s9  }
0xa4: {  	v2 =	vld.idx.msk [tilespmem:v5+s15+$0x0], $0xffff  }
0xa5: {  	v10 =	vld [tilespmem:s9+$0xFFFFFFE0]  }
0xa6: {  	v3 =	vld [tilespmem:s9+$0x20]  }
.Ltmp1:
0xa7: {  	v4 =	vld [tilespmem:s9+$0xFFFFFFD0];
	(pc) =	sbr.rel @p0 .LBB2_4-.Ltmp1, $3  }
0xa8: {  	v5 =	vld [tilespmem:s9+$0x0];
	_ =	sdelay $0x1  }
0xa9: {  	v7 =	vmul.f32 v7, v2;
	v9 =	vmul.f32 v6, v2  }
0xaa: {  	v8 =	vmul.f32 v8, v2;
	v6 =	vmul.f32 v10, v2  }
0xab: {  	[tilespmem:s8+$0x30] =	vst v9  }
0xac: {  	[tilespmem:s8+$0xFFFFFFC0] =	vst v7  }
0xad: {  	v1 =	vmul.f32 v1, v2;
	[tilespmem:s8+$0x10] =	vst v8  }
0xae: {  	v3 =	vmul.f32 v3, v2;
	[tilespmem:s8+$0xFFFFFFE0] =	vst v6  }
0xaf: {  	v5 =	vmul.f32 v5, v2;
	[tilespmem:s8+$0xFFFFFFF0] =	vst v1  }
0xb0: {  	v1 =	vmul.f32 v4, v2;
	[tilespmem:s8+$0x20] =	vst v3  }
0xb1: {  	[tilespmem:s8+$0x0] =	vst v5  }
0xb2: {  	s2 =	simm.s32 $0x14300;
	[tilespmem:s8+$0xFFFFFFD0] =	vst v1  }
0xb3: {  	[spmem:s1] =	stream.indirect.scatter.add.f32 [tilespmem:s11], [sflag:$0x5], $0x80, s2, s23, $0xb8;
	[tilespmem:$0x1C400] =	vst v63  }
0xb4: {  	s9 =	simm.s32 $0x0;
	s12 =	rddreg [dreg:$0xa]  }
0xb5: {  	[tilespmem:s13], [sflag:$0x1] =	stream.linear.gather [hbm4b:s12+s9], $0x80, $0x38;
	[tilespmem:$0x1C400] =	vst v63  }
0xb6: {  	s28 =	rddreg [dreg:$0xb]  }
0xb7: {  	[tilespmem:s14], [sflag:$0x1] =	stream.linear.gather [hbm4b:s28+s9], $0x80, $0x38;
	[tilespmem:$0x1C400] =	vst v63  }
0xb8: {  	s31 =	rddreg [dreg:$0xc];
	s10 =	simm.s32 $0x0  }
0xb9: {  	[tilespmem:s15], [sflag:$0x1] =	stream.linear.gather [hbm4b:s31+s9], $0x80, $0x38;
	[tilespmem:$0x1C400] =	vst v63  }
.LBB2_6:
0xba: {  	_ =	swait.ge [sflag:s22], $0x80  }
0xbb: {  	[sflag:s22] =	ssyncset.done $0x0  }
0xbc: {  	[sflag:s22] =	ssyncadd.s32 $0xFFFFFF80  }
0xbd: {  	_ =	swait.ge [sflag:s22], $0x80  }
0xbe: {  	[sflag:s22] =	ssyncset.done $0x0  }
0xbf: {  	[sflag:s22] =	ssyncadd.s32 $0xFFFFFF80  }
0xc0: {  	_ =	swait.ge [sflag:s22], $0x80  }
0xc1: {  	[sflag:s22] =	ssyncset.done $0x0  }
0xc2: {  	[sflag:s22] =	ssyncadd.s32 $0xFFFFFF80  }
0xc3: {  	_ =	swait.ge [sflag:s29], $0x4000  }
0xc4: {  	[sflag:s29] =	ssyncset.done $0x0  }
0xc5: {  	[sflag:s29] =	ssyncadd.s32 $0xFFFFC000  }
0xc6: {  	[tilespmem:s11], [sflag:$0x3] =	stream.indirect.gather [hbm4b:s4+s23], $0x80, s13, s23, $0xb8;
	[tilespmem:$0x1C400] =	vst v63  }
0xc7: {  	_ =	swait.ge [sflag:s30], $0x4000  }
0xc8: {  	[sflag:s30] =	ssyncset.done $0x0  }
0xc9: {  	[sflag:s30] =	ssyncadd.s32 $0xFFFFC000  }
0xca: {  	v1 =	vld [tilespmem:$0x14180]  }
0xcb: {  	v2 =	vld [tilespmem:$0x14190]  }
0xcc: {  	v3 =	vld [tilespmem:$0x141A0]  }
0xcd: {  	v4 =	vld [tilespmem:$0x141B0]  }
0xce: {  	v5 =	vld [tilespmem:$0x141C0]  }
0xcf: {  	[tilespmem:$0x14380] =	vst v1;
	v1 =	vld [tilespmem:$0x141D0]  }
0xd0: {  	[tilespmem:$0x14390] =	vst v2;
	v2 =	vld [tilespmem:$0x141E0]  }
0xd1: {  	[tilespmem:$0x143A0] =	vst v3;
	v3 =	vld [tilespmem:$0x141F0]  }
0xd2: {  	[tilespmem:$0x143B0] =	vst v4  }
0xd3: {  	[tilespmem:$0x143C0] =	vst v5  }
0xd4: {  	[tilespmem:$0x143D0] =	vst v1  }
0xd5: {  	[tilespmem:$0x143E0] =	vst v2;
	v1 =	vmov s9  }
0xd6: {  	s8 =	simm.s32 $0x18440;
	[tilespmem:$0x143F0] =	vst v3  }
0xd7: {  	v5 =	vld [tilespmem:s8+$0x30]  }
0xd8: {  	v8 =	vld [tilespmem:s8+$0x10]  }
0xd9: {  	v6 =	vld [tilespmem:s8+$0xFFFFFFC0]  }
0xda: {  	v2 =	vld.idx.msk [tilespmem:v1+s21+$0x0], $0xffff  }
0xdb: {  	v10 =	vld [tilespmem:s8+$0xFFFFFFE0]  }
0xdc: {  	v3 =	vld [tilespmem:s8+$0x20]  }
0xdd: {  	v4 =	vld [tilespmem:s8+$0xFFFFFFD0]  }
0xde: {  	v1 =	vld [tilespmem:s8+$0xFFFFFFF0]  }
0xdf: {  	v9 =	vmul.f32 v5, v2;
	v5 =	vld [tilespmem:s8+$0x0]  }
0xe0: {  	v7 =	vmul.f32 v6, v2  }
0xe1: {  	s2 =	simm.s32 $0x1;
	s12 =	simm.s32 $0x18440;
	v6 =	vmul.f32 v10, v2;
	v8 =	vmul.f32 v8, v2  }
.LBB2_7:
0xe2: {  	p0 =	sne.s32 s2, $0x7F  }
0xe3: {  	v4 =	vmul.f32 v4, v2;
	v3 =	vmul.f32 v3, v2;
	[tilespmem:s8+$0x30] =	vst v9;
	s12 =	sadd.s32 $0x80, s12;
	s28 =	smov.u32 s2;
	s2 =	sadd.s32 $0x1, s2  }
0xe4: {  	[tilespmem:s8+$0xFFFFFFC0] =	vst v7;
	v7 =	vmul.f32 v1, v2;
	v2 =	vmul.f32 v5, v2  }
0xe5: {  	[tilespmem:s8+$0x10] =	vst v8  }
0xe6: {  	v5 =	vmov s28;
	[tilespmem:s8+$0xFFFFFFE0] =	vst v6  }
0xe7: {  	v1 =	vld [tilespmem:s12+$0xFFFFFFF0];
	[tilespmem:s8+$0xFFFFFFF0] =	vst v7  }
0xe8: {  	v6 =	vld [tilespmem:s12+$0x30];
	[tilespmem:s8+$0x0] =	vst v2  }
0xe9: {  	v8 =	vld [tilespmem:s12+$0x10];
	[tilespmem:s8+$0x20] =	vst v3  }
0xea: {  	v7 =	vld [tilespmem:s12+$0xFFFFFFC0];
	[tilespmem:s8+$0xFFFFFFD0] =	vst v4;
	s8 =	smov.u32 s12  }
0xeb: {  	v2 =	vld.idx.msk [tilespmem:v5+s21+$0x0], $0xffff  }
0xec: {  	v10 =	vld [tilespmem:s12+$0xFFFFFFE0]  }
0xed: {  	v3 =	vld [tilespmem:s12+$0x20]  }
.Ltmp2:
0xee: {  	v4 =	vld [tilespmem:s12+$0xFFFFFFD0];
	(pc) =	sbr.rel @p0 .LBB2_7-.Ltmp2, $3  }
0xef: {  	v5 =	vld [tilespmem:s12+$0x0];
	_ =	sdelay $0x1  }
0xf0: {  	v7 =	vmul.f32 v7, v2;
	v9 =	vmul.f32 v6, v2  }
0xf1: {  	v8 =	vmul.f32 v8, v2;
	v6 =	vmul.f32 v10, v2  }
0xf2: {  	[tilespmem:s8+$0x30] =	vst v9  }
0xf3: {  	[tilespmem:s8+$0xFFFFFFC0] =	vst v7  }
0xf4: {  	v1 =	vmul.f32 v1, v2;
	[tilespmem:s8+$0x10] =	vst v8  }
0xf5: {  	v3 =	vmul.f32 v3, v2;
	[tilespmem:s8+$0xFFFFFFE0] =	vst v6  }
0xf6: {  	v5 =	vmul.f32 v5, v2;
	[tilespmem:s8+$0xFFFFFFF0] =	vst v1  }
0xf7: {  	v1 =	vmul.f32 v4, v2;
	[tilespmem:s8+$0x20] =	vst v3  }
0xf8: {  	[tilespmem:s8+$0x0] =	vst v5  }
0xf9: {  	s2 =	simm.s32 $0x14380;
	[tilespmem:s8+$0xFFFFFFD0] =	vst v1;
	s8 =	sshll.u32 s10, $0x8  }
0xfa: {  	[spmem:s1] =	stream.indirect.scatter.add.f32 [tilespmem:s25], [sflag:$0x6], $0x80, s2, s23, $0xb8;
	[tilespmem:$0x1C400] =	vst v63  }
0xfb: {  	s12 =	sadd.s32 s8, s19  }
0xfc: {  	s2 =	sshrl.u32 s12, $0x3  }
0xfd: {  	s28 =	simm.s32 $0x0;
	s12 =	sadd.s32 s5, s2  }
0xfe: {  	[tilespmem:s16], [sflag:$0x2] =	stream.linear.gather [hbm4b:s12+s28], $0x80, $0x38;
	[tilespmem:$0x1C400] =	vst v63  }
0xff: {  	s31 =	sadd.s32 s6, s2  }
0x100: {  	[tilespmem:s17], [sflag:$0x2] =	stream.linear.gather [hbm4b:s31+s28], $0x80, $0x38;
	[tilespmem:$0x1C400] =	vst v63  }
0x101: {  	s2 =	sadd.s32 s7, s2  }
0x102: {  	[tilespmem:s21], [sflag:$0x2] =	stream.linear.gather [hbm4b:s2+s28], $0x80, $0x38;
	[tilespmem:$0x1C400] =	vst v63  }
0x103: {  	_ =	swait.ge [sflag:s24], $0x80  }
0x104: {  	[sflag:s24] =	ssyncset.done $0x0  }
0x105: {  	[sflag:s24] =	ssyncadd.s32 $0xFFFFFF80  }
0x106: {  	_ =	swait.ge [sflag:s24], $0x80  }
0x107: {  	[sflag:s24] =	ssyncset.done $0x0  }
0x108: {  	[sflag:s24] =	ssyncadd.s32 $0xFFFFFF80  }
0x109: {  	_ =	swait.ge [sflag:s24], $0x80  }
0x10a: {  	[sflag:s24] =	ssyncset.done $0x0  }
0x10b: {  	[sflag:s24] =	ssyncadd.s32 $0xFFFFFF80  }
0x10c: {  	_ =	swait.ge [sflag:s0], $0x4000  }
0x10d: {  	[sflag:s0] =	ssyncset.done $0x0  }
0x10e: {  	[sflag:s0] =	ssyncadd.s32 $0xFFFFC000  }
0x10f: {  	[tilespmem:s25], [sflag:$0x4] =	stream.indirect.gather [hbm4b:s4+s23], $0x80, s16, s23, $0xb8;
	[tilespmem:$0x1C400] =	vst v63  }
0x110: {  	_ =	swait.ge [sflag:s26], $0x4000  }
0x111: {  	[sflag:s26] =	ssyncset.done $0x0  }
0x112: {  	[sflag:s26] =	ssyncadd.s32 $0xFFFFC000  }
0x113: {  	v1 =	vld [tilespmem:$0x14100]  }
0x114: {  	v2 =	vld [tilespmem:$0x14110]  }
0x115: {  	v3 =	vld [tilespmem:$0x14120]  }
0x116: {  	v4 =	vld [tilespmem:$0x14130]  }
0x117: {  	v5 =	vld [tilespmem:$0x14140]  }
0x118: {  	[tilespmem:$0x14300] =	vst v1;
	v1 =	vld [tilespmem:$0x14150]  }
0x119: {  	[tilespmem:$0x14310] =	vst v2;
	v2 =	vld [tilespmem:$0x14160]  }
0x11a: {  	[tilespmem:$0x14320] =	vst v3;
	v3 =	vld [tilespmem:$0x14170]  }
0x11b: {  	[tilespmem:$0x14330] =	vst v4  }
0x11c: {  	[tilespmem:$0x14340] =	vst v5  }
0x11d: {  	[tilespmem:$0x14350] =	vst v1  }
0x11e: {  	[tilespmem:$0x14360] =	vst v2;
	v1 =	vmov s28  }
0x11f: {  	s2 =	simm.s32 $0x14440;
	[tilespmem:$0x14370] =	vst v3  }
0x120: {  	v5 =	vld [tilespmem:s2+$0x30]  }
0x121: {  	v8 =	vld [tilespmem:s2+$0x10]  }
0x122: {  	v6 =	vld [tilespmem:s2+$0xFFFFFFC0]  }
0x123: {  	v2 =	vld.idx.msk [tilespmem:v1+s15+$0x0], $0xffff  }
0x124: {  	v10 =	vld [tilespmem:s2+$0xFFFFFFE0]  }
0x125: {  	v3 =	vld [tilespmem:s2+$0x20]  }
0x126: {  	v4 =	vld [tilespmem:s2+$0xFFFFFFD0]  }
0x127: {  	v1 =	vld [tilespmem:s2+$0xFFFFFFF0]  }
0x128: {  	v9 =	vmul.f32 v5, v2;
	v5 =	vld [tilespmem:s2+$0x0]  }
0x129: {  	v7 =	vmul.f32 v6, v2  }
0x12a: {  	s12 =	simm.s32 $0x1;
	s28 =	simm.s32 $0x14440;
	v6 =	vmul.f32 v10, v2;
	v8 =	vmul.f32 v8, v2  }
.LBB2_9:
0x12b: {  	p0 =	sne.s32 s12, $0x7F  }
0x12c: {  	v4 =	vmul.f32 v4, v2;
	v3 =	vmul.f32 v3, v2;
	[tilespmem:s2+$0x30] =	vst v9;
	s28 =	sadd.s32 $0x80, s28;
	s31 =	smov.u32 s12;
	s12 =	sadd.s32 $0x1, s12  }
0x12d: {  	[tilespmem:s2+$0xFFFFFFC0] =	vst v7;
	v7 =	vmul.f32 v1, v2;
	v2 =	vmul.f32 v5, v2  }
0x12e: {  	[tilespmem:s2+$0x10] =	vst v8  }
0x12f: {  	v5 =	vmov s31;
	[tilespmem:s2+$0xFFFFFFE0] =	vst v6  }
0x130: {  	v1 =	vld [tilespmem:s28+$0xFFFFFFF0];
	[tilespmem:s2+$0xFFFFFFF0] =	vst v7  }
0x131: {  	v6 =	vld [tilespmem:s28+$0x30];
	[tilespmem:s2+$0x0] =	vst v2  }
0x132: {  	v8 =	vld [tilespmem:s28+$0x10];
	[tilespmem:s2+$0x20] =	vst v3  }
0x133: {  	v7 =	vld [tilespmem:s28+$0xFFFFFFC0];
	[tilespmem:s2+$0xFFFFFFD0] =	vst v4;
	s2 =	smov.u32 s28  }
0x134: {  	v2 =	vld.idx.msk [tilespmem:v5+s15+$0x0], $0xffff  }
0x135: {  	v10 =	vld [tilespmem:s28+$0xFFFFFFE0]  }
0x136: {  	v3 =	vld [tilespmem:s28+$0x20]  }
.Ltmp3:
0x137: {  	v4 =	vld [tilespmem:s28+$0xFFFFFFD0];
	(pc) =	sbr.rel @p0 .LBB2_9-.Ltmp3, $3  }
0x138: {  	v5 =	vld [tilespmem:s28+$0x0];
	_ =	sdelay $0x1  }
0x139: {  	v7 =	vmul.f32 v7, v2;
	v9 =	vmul.f32 v6, v2  }
0x13a: {  	v8 =	vmul.f32 v8, v2;
	v6 =	vmul.f32 v10, v2  }
0x13b: {  	[tilespmem:s2+$0x30] =	vst v9  }
0x13c: {  	[tilespmem:s2+$0xFFFFFFC0] =	vst v7  }
0x13d: {  	v1 =	vmul.f32 v1, v2;
	[tilespmem:s2+$0x10] =	vst v8  }
0x13e: {  	v3 =	vmul.f32 v3, v2;
	[tilespmem:s2+$0xFFFFFFE0] =	vst v6  }
0x13f: {  	v5 =	vmul.f32 v5, v2;
	[tilespmem:s2+$0xFFFFFFF0] =	vst v1  }
0x140: {  	v1 =	vmul.f32 v4, v2;
	[tilespmem:s2+$0x20] =	vst v3  }
0x141: {  	s12 =	sadd.s32 s8, s20;
	[tilespmem:s2+$0x0] =	vst v5  }
0x142: {  	s31 =	simm.s32 $0x14300;
	s10 =	sadd.s32 $0x1, s10;
	[tilespmem:s2+$0xFFFFFFD0] =	vst v1;
	s2 =	sshrl.u32 s12, $0x3  }
0x143: {  	[spmem:s1] =	stream.indirect.scatter.add.f32 [tilespmem:s11], [sflag:$0x5], $0x80, s31, s23, $0xb8;
	[tilespmem:$0x1C400] =	vst v63  }
0x144: {  	p0 =	sne.s32 s10, s18;
	s28 =	sadd.s32 s5, s2  }
0x145: {  	[tilespmem:s13], [sflag:$0x1] =	stream.linear.gather [hbm4b:s28+s3], $0x80, $0x38;
	[tilespmem:$0x1C400] =	vst v63  }
.Ltmp4:
0x146: {  	_ = 	snop;
	(pc) =	sbr.rel @p0 .LBB2_6-.Ltmp4, $4  }
0x147: {  	s31 =	sadd.s32 s6, s2  }
0x148: {  	[tilespmem:s14], [sflag:$0x1] =	stream.linear.gather [hbm4b:s31+s3], $0x80, $0x38;
	[tilespmem:$0x1C400] =	vst v63  }
0x149: {  	s2 =	sadd.s32 s7, s2  }
0x14a: {  	[tilespmem:s15], [sflag:$0x1] =	stream.linear.gather [hbm4b:s2+s3], $0x80, $0x38;
	[tilespmem:$0x1C400] =	vst v63  }
0x14b: {  	_ =	swait.ge [sflag:s22], $0x80  }
0x14c: {  	[sflag:s22] =	ssyncset.done $0x0  }
0x14d: {  	[sflag:s22] =	ssyncadd.s32 $0xFFFFFF80  }
0x14e: {  	_ =	swait.ge [sflag:s22], $0x80  }
0x14f: {  	[sflag:s22] =	ssyncset.done $0x0  }
0x150: {  	[sflag:s22] =	ssyncadd.s32 $0xFFFFFF80  }
0x151: {  	_ =	swait.ge [sflag:s22], $0x80  }
0x152: {  	[sflag:s22] =	ssyncset.done $0x0  }
0x153: {  	[sflag:s22] =	ssyncadd.s32 $0xFFFFFF80  }
0x154: {  	_ =	swait.ge [sflag:s29], $0x4000  }
0x155: {  	[sflag:s29] =	ssyncset.done $0x0  }
0x156: {  	[sflag:s29] =	ssyncadd.s32 $0xFFFFC000  }
0x157: {  	[tilespmem:s11], [sflag:$0x3] =	stream.indirect.gather [hbm4b:s4+s23], $0x80, s13, s23, $0xb8;
	[tilespmem:$0x1C400] =	vst v63  }
0x158: {  	_ =	swait.ge [sflag:s30], $0x4000  }
0x159: {  	[sflag:s30] =	ssyncset.done $0x0  }
0x15a: {  	[sflag:s30] =	ssyncadd.s32 $0xFFFFC000  }
0x15b: {  	v1 =	vld [tilespmem:$0x14180]  }
0x15c: {  	v2 =	vld [tilespmem:$0x14190]  }
0x15d: {  	v3 =	vld [tilespmem:$0x141A0]  }
0x15e: {  	v4 =	vld [tilespmem:$0x141B0]  }
0x15f: {  	v5 =	vld [tilespmem:$0x141C0]  }
0x160: {  	[tilespmem:$0x14380] =	vst v1;
	v1 =	vld [tilespmem:$0x141D0]  }
0x161: {  	[tilespmem:$0x14390] =	vst v2;
	v2 =	vld [tilespmem:$0x141E0]  }
0x162: {  	[tilespmem:$0x143A0] =	vst v3;
	v3 =	vld [tilespmem:$0x141F0]  }
0x163: {  	[tilespmem:$0x143B0] =	vst v4  }
0x164: {  	[tilespmem:$0x143C0] =	vst v5  }
0x165: {  	s2 =	simm.s32 $0x0;
	[tilespmem:$0x143D0] =	vst v1  }
0x166: {  	[tilespmem:$0x143E0] =	vst v2;
	v1 =	vmov s2  }
0x167: {  	[tilespmem:$0x143F0] =	vst v3;
	s2 =	simm.s32 $0x18440  }
0x168: {  	v5 =	vld [tilespmem:s2+$0x30]  }
0x169: {  	v8 =	vld [tilespmem:s2+$0x10]  }
0x16a: {  	v6 =	vld [tilespmem:s2+$0xFFFFFFC0]  }
0x16b: {  	v2 =	vld.idx.msk [tilespmem:v1+s21+$0x0], $0xffff  }
0x16c: {  	v10 =	vld [tilespmem:s2+$0xFFFFFFE0]  }
0x16d: {  	v3 =	vld [tilespmem:s2+$0x20]  }
0x16e: {  	v4 =	vld [tilespmem:s2+$0xFFFFFFD0]  }
0x16f: {  	v1 =	vld [tilespmem:s2+$0xFFFFFFF0]  }
0x170: {  	v9 =	vmul.f32 v5, v2;
	v5 =	vld [tilespmem:s2+$0x0]  }
0x171: {  	v7 =	vmul.f32 v6, v2  }
0x172: {  	s8 =	simm.s32 $0x1;
	s9 =	simm.s32 $0x18440;
	v6 =	vmul.f32 v10, v2;
	v8 =	vmul.f32 v8, v2  }
.LBB2_12:
0x173: {  	p0 =	sne.s32 s8, $0x7F  }
0x174: {  	v4 =	vmul.f32 v4, v2;
	v3 =	vmul.f32 v3, v2;
	[tilespmem:s2+$0x30] =	vst v9;
	s9 =	sadd.s32 $0x80, s9;
	s10 =	smov.u32 s8;
	s8 =	sadd.s32 $0x1, s8  }
0x175: {  	[tilespmem:s2+$0xFFFFFFC0] =	vst v7;
	v7 =	vmul.f32 v1, v2;
	v2 =	vmul.f32 v5, v2  }
0x176: {  	[tilespmem:s2+$0x10] =	vst v8  }
0x177: {  	v5 =	vmov s10;
	[tilespmem:s2+$0xFFFFFFE0] =	vst v6  }
0x178: {  	v1 =	vld [tilespmem:s9+$0xFFFFFFF0];
	[tilespmem:s2+$0xFFFFFFF0] =	vst v7  }
0x179: {  	v6 =	vld [tilespmem:s9+$0x30];
	[tilespmem:s2+$0x0] =	vst v2  }
0x17a: {  	v8 =	vld [tilespmem:s9+$0x10];
	[tilespmem:s2+$0x20] =	vst v3  }
0x17b: {  	v7 =	vld [tilespmem:s9+$0xFFFFFFC0];
	[tilespmem:s2+$0xFFFFFFD0] =	vst v4;
	s2 =	smov.u32 s9  }
0x17c: {  	v2 =	vld.idx.msk [tilespmem:v5+s21+$0x0], $0xffff  }
0x17d: {  	v10 =	vld [tilespmem:s9+$0xFFFFFFE0]  }
0x17e: {  	v3 =	vld [tilespmem:s9+$0x20]  }
.Ltmp5:
0x17f: {  	v4 =	vld [tilespmem:s9+$0xFFFFFFD0];
	(pc) =	sbr.rel @p0 .LBB2_12-.Ltmp5, $3  }
0x180: {  	v5 =	vld [tilespmem:s9+$0x0];
	_ =	sdelay $0x1  }
0x181: {  	v7 =	vmul.f32 v7, v2;
	v9 =	vmul.f32 v6, v2  }
0x182: {  	v8 =	vmul.f32 v8, v2;
	v6 =	vmul.f32 v10, v2  }
0x183: {  	[tilespmem:s2+$0x30] =	vst v9  }
0x184: {  	[tilespmem:s2+$0xFFFFFFC0] =	vst v7  }
0x185: {  	v1 =	vmul.f32 v1, v2;
	[tilespmem:s2+$0x10] =	vst v8  }
0x186: {  	v3 =	vmul.f32 v3, v2;
	[tilespmem:s2+$0xFFFFFFE0] =	vst v6  }
0x187: {  	v5 =	vmul.f32 v5, v2;
	[tilespmem:s2+$0xFFFFFFF0] =	vst v1  }
0x188: {  	v1 =	vmul.f32 v4, v2;
	[tilespmem:s2+$0x20] =	vst v3  }
0x189: {  	[tilespmem:s2+$0x0] =	vst v5  }
0x18a: {  	s31 =	simm.s32 $0x14380;
	[tilespmem:s2+$0xFFFFFFD0] =	vst v1  }
0x18b: {  	[spmem:s1] =	stream.indirect.scatter.add.f32 [tilespmem:s25], [sflag:$0x6], $0x80, s31, s23, $0xb8;
	[tilespmem:$0x1C400] =	vst v63  }
0x18c: {  	s8 =	rddreg [dreg:$0xd]  }
0x18d: {  	[tilespmem:s16], [sflag:$0x2] =	stream.linear.gather [hbm4b:s8+s3], $0x80, $0x38;
	[tilespmem:$0x1C400] =	vst v63  }
0x18e: {  	s9 =	rddreg [dreg:$0xe]  }
0x18f: {  	[tilespmem:s17], [sflag:$0x2] =	stream.linear.gather [hbm4b:s9+s3], $0x80, $0x38;
	[tilespmem:$0x1C400] =	vst v63  }
0x190: {  	s10 =	rddreg [dreg:$0xf]  }
0x191: {  	[tilespmem:s21], [sflag:$0x2] =	stream.linear.gather [hbm4b:s10+s3], $0x80, $0x38;
	[tilespmem:$0x1C400] =	vst v63  }
0x192: {  	_ =	swait.ge [sflag:s24], $0x80  }
0x193: {  	[sflag:s24] =	ssyncset.done $0x0  }
0x194: {  	[sflag:s24] =	ssyncadd.s32 $0xFFFFFF80  }
0x195: {  	_ =	swait.ge [sflag:s24], $0x80  }
0x196: {  	[sflag:s24] =	ssyncset.done $0x0  }
0x197: {  	[sflag:s24] =	ssyncadd.s32 $0xFFFFFF80  }
0x198: {  	_ =	swait.ge [sflag:s24], $0x80  }
0x199: {  	[sflag:s24] =	ssyncset.done $0x0  }
0x19a: {  	[sflag:s24] =	ssyncadd.s32 $0xFFFFFF80  }
0x19b: {  	_ =	swait.ge [sflag:s26], $0x4000  }
0x19c: {  	[sflag:s26] =	ssyncset.done $0x0  }
0x19d: {  	[sflag:s26] =	ssyncadd.s32 $0xFFFFC000  }
0x19e: {  	_ =	swait.ge [sflag:s0], $0x4000  }
0x19f: {  	[sflag:s0] =	ssyncset.done $0x0  }
0x1a0: {  	[sflag:s0] =	ssyncadd.s32 $0xFFFFC000  }
0x1a1: {  	s12 =	stileid.u32;
	[bflag:$0x0] =	sbarrier.arrive $0xFFFF  }
0x1a2: {  	s2 =	sshll.u32 s12, $0x6;
	s12 =	rddreg [dreg:$0x3]  }
0x1a3: {  	s2 =	sor.u32 $0x1C07, s2;
	s9 =	rddreg [dreg:$0x10];
	s8 =	sshrl.u32 s12, $0x3  }
0x1a4: {  	[hbm:s9], [sflag:s2] =	dma.local [spmem:s8], $0x2800  }
0x1a5: {  	s9 =	simm.s32 $0x7  }
0x1a6: {  	_ =	swait.ge [sflag:s9], $0x2800  }
0x1a7: {  	s28 =	rddreg [dreg:$0x1b]  }
0x1a8: {  	s31 =	rddreg [dreg:$0x11];
	s8 =	sadd.s32 $0x1, s28  }
0x1a9: {  	p0 =	sne.s32 s8, s31  }
.Ltmp6:
0x1aa: {  	_ = 	snop;
	(pc) =	sbr.rel @p0 .LBB2_1-.Ltmp6, $3  }
0x1ab: {  	_ =	sdelay $0x1  }
0x1ac: {  	[sflag:s9] =	ssyncset.done $0x0  }
0x1ad: {  	[sflag:s9] =	ssyncadd.s32 $0xFFFFD800  }
0x1ae: {  	_ =	sfence.sel $0x180000  }
0x1af: {  	[bflag:$0x0] =	sbarrier.arrive $0xFFFF  }
0x1b0: {  	_ =	strace $0x9000004A  }
0x1b1: {  	s0 =	stileid.u32;
	[bflag:$0x2] =	sbarrier.arrive $0xFFFF  }
0x1b2: {  	p0 =	sne.s32 s0, $0x0;
	s0 =	rddreg [dreg:$0x2]  }
0x1b3: {  	s0 =	sadd.s32 @!p0 $0x100000, s0  }
0x1b4: {  	[sflag:s0] =	ssyncadd.tile.s32 @!p0 $0x1;
	_ =	shalt  }
.Lfunc_end2:
_tile_overlayer_lowered:
.L_overlay_start_2:
0x1b5: {  	(tag) =	ssettag $0x2  }
0x1b6: {  	s0 =	rddreg [dreg:$0x0];
	s2 =	stileid.u32  }
0x1b7: {  	s1 =	rddreg [dreg:$0x1];
	p0 =	sne.s32 s2, $0x0  }
0x1b8: {  	s3 =	rddreg [dreg:$0x2];
	[bflag:$0x3] =	sbarrier.arrive $0xFFFF;
	s2 =	simm.s32 @!p0 $0x1C07  }
0x1b9: {  	[timem:s3], [sflag:s2] =	dma.local @!p0 [hbm:s0], s1  }
0x1ba: {  	s0 =	simm.s32 @!p0 $0x7  }
0x1bb: {  	_ =	swait.ge @!p0 [sflag:s0], s1  }
0x1bc: {  	s1 =	ssub.s32 @!p0 $0x0, s1;
	[sflag:s0] =	ssyncset.done @!p0 $0x0  }
0x1bd: {  	[sflag:s0] =	ssyncadd.s32 @!p0 s1  }
0x1be: {  	[bflag:$0x3] =	sbarrier.arrive $0xFFFF  }
0x1bf: {  	_ =	shalt  }

// kernel: kernel.15.cloned.1.call-start
scs
__scs_entry_jumppad:
0x0: {  	(pc) =	sbr.rel $0x88, $3  }
0x1: {  	(tag) =	ssettag $0x0;
	lr =	simm.s32 $0x1  }
0x2: {  	[smem:$0x3F94] =	sst lr;
	_ =	strace $0xD0000000  }
0x3: {  	_ = 	snop  }
0x4: {  	_ = 	snop  }
0x5: {  	_ = 	snop  }
0x6: {  	_ = 	snop  }
0x7: {  	_ = 	snop  }
__scs_overlays_trampoline_lowered:
0x8: {  	[smem:$0x3FA3] =	sst s0  }
0x9: {  	[smem:$0x3FA4] =	sst s1  }
0xa: {  	[smem:$0x3FA5] =	sst s2  }
0xb: {  	[smem:$0x3FA6] =	sst s3  }
0xc: {  	[smem:$0x3FA7] =	sst s4  }
0xd: {  	[smem:$0x3FA8] =	sst s5  }
0xe: {  	[smem:$0x3FA9] =	sst s6  }
0xf: {  	[smem:$0x3FAA] =	sst s7  }
0x10: {  	[smem:$0x3FAB] =	sst s8  }
0x11: {  	[smem:$0x3FAC] =	sst s9;
	s0 =	simm.s32 @!p0 $0x0  }
0x12: {  	s1 =	sld [smem:$0x3F92];
	s0 =	simm.s32 @p0 $0x1  }
0x13: {  	[smem:$0x3FAD] =	sst s0;
	s0 =	simm.s32 @!p1 $0x0  }
0x14: {  	s2 =	sld [smem:$0x3F91];
	s0 =	simm.s32 @p1 $0x1  }
0x15: {  	[smem:$0x3FAE] =	sst s0;
	s0 =	simm.s32 @!p2 $0x0  }
0x16: {  	s3 =	sld [smem:$0x3FDB];
	s0 =	simm.s32 @p2 $0x1  }
0x17: {  	s4 =	simm.s32 $0x1BF5;
	[smem:$0x3FB0] =	sst s0  }
0x18: {  	s0 =	sld [smem:$0x3F93];
	_ =	swait.ge [sflag:s4], $0x0  }
0x19: {  	s7 =	sld [smem:$0x3F94]  }
0x1a: {  	s8 =	sadd.s32 $0xFFFFE003, lr  }
0x1b: {  	s9 =	sadd.s32 $0xFFFFFEF7, lr;
	s5 =	simm.s32 $0xFFFFFFFF;
	p2 =	slt.u32 s8, $0xFFFFF086  }
0x1c: {  	p1 =	slt.u32 s9, $0xF7A;
	s5 =	simm.s32 @!p2 $0x0  }
0x1d: {  	s5 =	simm.s32 @p1 $0x1;
	p0 =	seq.s32 s7, s2  }
0x1e: {  	s7 =	smul.u32 @!p0 $0xF7A, s2;
	p2 =	seq.s32 @!p0 s5, $0x0  }
0x1f: {  	s9 =	smul.u32 $0xF7A, s1;
	s8 =	simm.s32 @!p0 $0x1BF5;
	p2 =	por !p2, p0  }
0x20: {  	[sflag:s8] =	ssyncset.s32 @!p0 $0xFFFFF086;
	s6 =	sadd.s32 @!p0 s3, s7;
	s7 =	simm.s32 @!p0 $0x108  }
0x21: {  	s3 =	sadd.s32 s3, s9;
	s6 =	sadd.s32 @!p0 $0x88, s6;
	s7 =	simm.s32 @p2 $0x1082  }
0x22: {  	[simem:s7], [sflag:s8] =	dma.local @!p0 [hbm:s6], $0xF7A  }
0x23: {  	s9 =	sor.u32 $0xD0000000, s2;
	s6 =	simm.s32 $0x108;
	_ =	swait.ge @!p0 [sflag:s8], $0x0  }
0x24: {  	s3 =	sadd.s32 $0x88, s3;
	s6 =	simm.s32 @!p1 $0x1082;
	[sflag:s4] =	ssyncset.s32 $0xFFFFF086  }
0x25: {  	[simem:s6], [sflag:s4] =	dma.local [hbm:s3], $0xF7A  }
0x26: {  	[smem:$0x3F94] =	sst s1;
	(tag) =	ssettag s2;
	_ =	strace s9  }
0x27: {  	s1 =	sld [smem:$0x3FA4]  }
0x28: {  	s2 =	sld [smem:$0x3FA5]  }
0x29: {  	s4 =	sld [smem:$0x3FA7]  }
0x2a: {  	p0 =	seq.s32 s5, $0x0;
	s5 =	sld [smem:$0x3FA8]  }
0x2b: {  	s6 =	sld [smem:$0x3FA9]  }
0x2c: {  	s7 =	sld [smem:$0x3FAA]  }
0x2d: {  	s3 =	simm.s32 $0x108;
	s8 =	sld [smem:$0x3FAB]  }
0x2e: {  	s3 =	simm.s32 @!p0 $0x1082;
	s9 =	sld [smem:$0x3FAC]  }
0x2f: {  	lr =	sadd.s32 s0, s3;
	s0 =	sld [smem:$0x3FA3]  }
0x30: {  	s3 =	sld [smem:$0x3FA6]  }
0x31: {  	[smem:$0x3FAF] =	sst s10  }
0x32: {  	s10 =	sld [smem:$0x3FAD];
	_ =	sdelay $0x3  }
0x33: {  	p0 =	seq.s32 s10, $0x1;
	s10 =	sld [smem:$0x3FAF];
	_ =	sdelay $0x3  }
0x34: {  	[smem:$0x3FAF] =	sst s10  }
0x35: {  	s10 =	sld [smem:$0x3FAE];
	_ =	sdelay $0x3  }
0x36: {  	p1 =	seq.s32 s10, $0x1;
	s10 =	sld [smem:$0x3FAF];
	_ =	sdelay $0x3  }
0x37: {  	[smem:$0x3FAF] =	sst s10  }
0x38: {  	s10 =	sld [smem:$0x3FB0]  }
0x39: {  	_ = 	snop;
	(pc) =	sbr.ind lr, $3  }
0x3a: {  	_ = 	snop  }
0x3b: {  	_ = 	snop  }
0x3c: {  	p2 =	seq.s32 s10, $0x1;
	s10 =	sld [smem:$0x3FAF]  }
0x3d: {  	_ =	shalt  }
0x3e: {  	_ =	shalt  }
0x3f: {  	_ =	shalt  }
0x40: {  	_ =	shalt  }
0x41: {  	_ =	shalt  }
0x42: {  	_ =	shalt  }
0x43: {  	_ =	shalt  }
0x44: {  	_ =	shalt  }
0x45: {  	_ =	shalt  }
0x46: {  	_ =	shalt  }
0x47: {  	_ =	shalt  }
0x48: {  	_ =	shalt  }
0x49: {  	_ =	shalt  }
0x4a: {  	_ =	shalt  }
0x4b: {  	_ =	shalt  }
0x4c: {  	_ =	shalt  }
0x4d: {  	_ =	shalt  }
0x4e: {  	_ =	shalt  }
0x4f: {  	_ =	shalt  }
0x50: {  	_ =	shalt  }
0x51: {  	_ =	shalt  }
0x52: {  	_ =	shalt  }
0x53: {  	_ =	shalt  }
0x54: {  	_ =	shalt  }
0x55: {  	_ =	shalt  }
0x56: {  	_ =	shalt  }
0x57: {  	_ =	shalt  }
0x58: {  	_ =	shalt  }
0x59: {  	_ =	shalt  }
0x5a: {  	_ =	shalt  }
0x5b: {  	_ =	shalt  }
0x5c: {  	_ =	shalt  }
0x5d: {  	_ =	shalt  }
0x5e: {  	_ =	shalt  }
0x5f: {  	_ =	shalt  }
0x60: {  	_ =	shalt  }
0x61: {  	_ =	shalt  }
0x62: {  	_ =	shalt  }
0x63: {  	_ =	shalt  }
0x64: {  	_ =	shalt  }
0x65: {  	_ =	shalt  }
0x66: {  	_ =	shalt  }
0x67: {  	_ =	shalt  }
0x68: {  	_ =	shalt  }
0x69: {  	_ =	shalt  }
0x6a: {  	_ =	shalt  }
0x6b: {  	_ =	shalt  }
0x6c: {  	_ =	shalt  }
0x6d: {  	_ =	shalt  }
0x6e: {  	_ =	shalt  }
0x6f: {  	_ =	shalt  }
0x70: {  	_ =	shalt  }
0x71: {  	_ =	shalt  }
0x72: {  	_ =	shalt  }
0x73: {  	_ =	shalt  }
0x74: {  	_ =	shalt  }
0x75: {  	_ =	shalt  }
0x76: {  	_ =	shalt  }
0x77: {  	_ =	shalt  }
0x78: {  	_ =	shalt  }
0x79: {  	_ =	shalt  }
0x7a: {  	_ =	shalt  }
0x7b: {  	_ =	shalt  }
0x7c: {  	_ =	shalt  }
0x7d: {  	_ =	shalt  }
0x7e: {  	_ =	shalt  }
0x7f: {  	_ =	shalt  }
0x80: {  	_ =	shalt  }
0x81: {  	_ =	shalt  }
0x82: {  	_ =	shalt  }
0x83: {  	_ =	shalt  }
0x84: {  	_ =	shalt  }
0x85: {  	_ =	shalt  }
0x86: {  	_ =	shalt  }
0x87: {  	_ =	shalt  }
.Lfunc_end0:
.L_simem_size_0:
called_computation.2_lowered:
.L_overlay_start_0:
0x88: {  	s2 =	sld [smem:$0x3FD9]  }
0x89: {  	s3 =	sld [smem:$0x3FFE];
	_ =	sdelay $0x1  }
0x8a: {  	s1 =	srdreg.scid  }
0x8b: {  	s0 =	sand.u32 $0x1, s1  }
0x8c: {  	s16 =	sshll.u32 s0, $0xA;
	s2 =	sadd.s32 s3, s2  }
0x8d: {  	s2 =	sadd.s32 s2, s16  }
0x8e: {  	[smem:$0x3FBB] =	sst s2  }
0x8f: {  	_ = 	snop  }
0x90: {  	(tm) =	ssettm $0x1  }
0x91: {  	s17 =	sld [smem:$0x3FFB];
	_ =	sdelay $0x3  }
0x92: {  	_ =	strace s17  }
0x93: {  	s2 =	sld [smem:$0x3FFC];
	_ =	sdelay $0x3  }
0x94: {  	_ =	strace s2  }
0x95: {  	s2 =	sld [smem:$0x3FFD];
	_ =	sdelay $0x3  }
0x96: {  	_ =	strace s2  }
0x97: {  	_ =	strace $0x8FFFFFFF  }
0x98: {  	s18 =	sld [smem:$0x3FDB];
	_ =	sdelay $0x1  }
0x99: {  	s19 =	simm.s32 $_scs_section_size  }
0x9a: {  	s4 =	simm.s32 $_size__tile_overlayer_lowered;
	s5 =	simm.s32 $_tile_overlayer_lowered  }
0x9b: {  	s22 =	simm.s32 $0x1BFF;
	s21 =	sshll.u32 s5, $0x1;
	s2 =	sadd.s32 s19, s18  }
0x9c: {  	s6 =	simm.s32 $0x0;
	s20 =	sshll.u32 s4, $0x1;
	s4 =	sadd.s32 s21, s2  }
0x9d: {  	[timem:s6], [sflag:s22] =	dma.local [hbm:s4], s20  }
0x9e: {  	_ =	swait.ge [sflag:s22], s20  }
0x9f: {  	s3 =	ssub.s32 $0x0, s20;
	[sflag:s22] =	ssyncset.done $0x0  }
0xa0: {  	[sflag:s22] =	ssyncadd.s32 s3;
	_ =	sdelay $0x1  }
0xa1: {  	s23 =	simm.s32 $0x1B8B  }
0xa2: {  	_ =	swait.ge [sflag:s23], $0x1  }
0xa3: {  	[sflag:s23] =	ssyncset.done $0x0  }
0xa4: {  	s25 =	simm.s32 $0x1B8E;
	s24 =	sld [smem:$0x3FFE];
	[sflag:s23] =	ssyncadd.s32 $0xFFFFFFFF  }
0xa5: {  	s26 =	simm.s32 $execute0_lowered;
	[smem:$0x3FD2] =	sst s25  }
0xa6: {  	s4 =	sshll.u32 s26, $0x1;
	_ =	strace $0x8000004C;
	[dreg:$0x1] =	wrdreg $0xFFFFFFFF  }
0xa7: {  	s28 =	simm.s32 $_size_execute0_lowered;
	s2 =	sadd.s32 s2, s4;
	[dreg:$0x0] =	wrdreg $0x0  }
0xa8: {  	s4 =	sshll.u32 s28, $0x1;
	[dreg:$0x2] =	wrdreg s2  }
0xa9: {  	[dreg:$0x3] =	wrdreg s4  }
0xaa: {  	[dreg:$0x4] =	wrdreg $0xC0  }
0xab: {  	_ =	task [dreg:s6], $0x5FFFF  }
0xac: {  	[dreg:$0x1] =	wrdreg $0xFFFFFFFF  }
0xad: {  	[dreg:$0x0] =	wrdreg $0x60  }
0xae: {  	[dreg:$0x2] =	wrdreg s24  }
0xaf: {  	[dreg:$0x3] =	wrdreg $0x9  }
0xb0: {  	_ =	task.clear_ibuf [dreg:s6], $0x4FFFF;
	_ =	strace $0x9000004C  }
0xb1: {  	s29 =	simm.s32 $0x9;
	_ =	strace $0x8000004E  }
0xb2: {  	_ =	swait.ge [sflag:s29], $0x1  }
0xb3: {  	[sflag:s29] =	ssyncadd.s32 $0xFFFFFFFF  }
0xb4: {  	_ =	strace $0x9000004E  }
0xb5: {  	_ =	sfence  }
0xb6: {  	s30 =	sld [smem:$0x0];
	_ =	sdelay $0x2  }
0xb7: {  	s31 =	sshll.u32 s1, $0xD;
	s1 =	sshrl.u32 s1, $0x2  }
0xb8: {  	s3 =	sand.u32 $0x4000, s31;
	s1 =	sadd.s32 s1, s30  }
0xb9: {  	s0 =	sor.u32 s3, s0;
	s1 =	sshll.u32 s1, $0x11  }
0xba: {  	s0 =	sor.u32 s1, s0  }
0xbb: {  	s0 =	sadd.s32 $0x8F2B, s0  }
0xbc: {  	[sflag:s0] =	ssyncadd.remote.s32 $0x1  }
0xbd: {  	_ =	sfence.sel $0xFFFF  }
0xbe: {  	[dreg:$0x0] =	wrdreg $0xFFFFFFFF;
	(pc) =	sbr.abs _section_cstart, $3  }
0xbf: {  	[dreg:$0x1] =	wrdreg $0xFFFFFFFF  }
0xc0: {  	_ =	task.clear_ibuf [dreg:s6], $0x2FFFF;
	_ =	strace $0x9FFFFFFF  }
0xc1: {  	(tm) =	ssettm $0x7FFFFFFF  }
tec
execute0_lowered:
.L_overlay_start_1:
0x0: {  	(tag) =	ssettag $0x1  }
0x1: {  	s0 =	srdreg.scid  }
0x2: {  	s5 =	rddreg [dreg:$0x0];
	s1 =	stileid.u32;
	s2 =	simm.s32 $0x0  }
0x3: {  	s12 =	simm.s32 $0x7800;
	s13 =	simm.s32 $0xA100;
	s3 =	sand.u32 $0x1, s0  }
0x4: {  	s14 =	simm.s32 $0x5000;
	s15 =	simm.s32 $0xCA00;
	s4 =	sshll.u32 s3, $0x4  }
0x5: {  	s16 =	simm.s32 $0x0;
	s0 =	rddreg [dreg:$0x1];
	s4 =	sor.u32 s1, s4  }
0x6: {  	vm13 =	vcmask $0x3B38;
	[smem:$0x7FF] =	sst s2;
	s8 =	ssub.s32 $0x2, s3;
	s6 =	smul.u32 $0x520, s4  }
0x7: {  	v0 =	vimm.f32 $0.0e+00;
	vm0 =	vcmask $0x704;
	vm14 =	vcmask $0x3F3C;
	_ =	strace $0x8000004D;
	s9 =	sshrl.u32 s8, $0x1;
	s7 =	smul.u32 $0x500, s4  }
0x8: {  	vm1 =	vcmask $0xB08;
	vm2 =	vcmask $0xF0C;
	vm3 =	vcmask $0x1310;
	s3 =	sadd.s32 $0x3EC00, s5;
	s4 =	sadd.s32 $0x3E600, s5;
	s9 =	ssub.s32 s8, s9  }
0x9: {  	vm4 =	vcmask $0x1714;
	vm5 =	vcmask $0x1B18;
	vm6 =	vcmask $0x1F1C;
	s9 =	smax.u32 s9, $0x1;
	s10 =	sadd.s32 s6, s5;
	s11 =	sadd.s32 s7, s5  }
0xa: {  	vm7 =	vcmask $0x2320;
	vm8 =	vcmask $0x2724;
	vm9 =	vcmask $0x2B28;
	s5 =	sadd.s32 $0x1E00, s10;
	s6 =	sadd.s32 $0xC200, s10;
	s7 =	sadd.s32 $0x49200, s10  }
0xb: {  	vm10 =	vcmask $0x2F2C;
	vm11 =	vcmask $0x3330;
	vm12 =	vcmask $0x3734;
	s8 =	sadd.s32 $0x3F200, s11;
	s10 =	simm.s32 $0x1;
	s11 =	simm.s32 $0x2800  }
.LBB2_1:
0xc: {  	s17 =	simm.s32 $0x40;
	s18 =	simm.s32 $0x0  }
.LBB2_2:
0xd: {  	p0 =	sne.s32 s17, $0x9FC0;
	[tilespmem:s18+$0x5000] =	vst v0;
	s18 =	smov.u32 s17;
	s17 =	sadd.s32 $0x40, s17  }
.Ltmp0:
0xe: {  	(pc) =	sbr.rel @p0 .LBB2_2-.Ltmp0, $2  }
0xf: {  	_ =	sdelay $0x2  }
0x10: {  	s18 =	sshra.s32 s18, $0x2  }
0x11: {  	[tilespmem:s18+$0x5000] =	vst v0;
	s17 =	simm.s32 $0x0  }
0x12: {  	[tilespmem:s17], [sflag:$0x1] =	stream.linear.gather [hbm4b:s3+s17], $0x2800, $0x38;
	[tilespmem:$0xF300] =	vst v63  }
0x13: {  	_ =	swait.ge [sflag:s10], $0x2800  }
0x14: {  	[sflag:s10] =	ssyncset.done $0x0  }
0x15: {  	[sflag:s10] =	ssyncadd.s32 $0xFFFFD800  }
0x16: {  	[tilespmem:s11], [sflag:$0x1] =	stream.linear.gather [hbm4b:s4+s17], $0x2800, $0x38;
	[tilespmem:$0xF300] =	vst v63  }
0x17: {  	_ =	swait.ge [sflag:s10], $0x2800  }
0x18: {  	[sflag:s10] =	ssyncset.done $0x0  }
0x19: {  	[sflag:s10] =	ssyncadd.s32 $0xFFFFD800  }
0x1a: {  	[tilespmem:s12], [sflag:$0x1] =	stream.linear.gather [hbm4b:s5+s17], $0x2900, $0x38;
	[tilespmem:$0xF300] =	vst v63  }
0x1b: {  	_ =	swait.ge [sflag:s10], $0x2900  }
0x1c: {  	[sflag:s10] =	ssyncset.done $0x0  }
0x1d: {  	[sflag:s10] =	ssyncadd.s32 $0xFFFFD700  }
0x1e: {  	[tilespmem:s13], [sflag:$0x1] =	stream.linear.gather [hbm4b:s6+s17], $0x2900, $0x38;
	[tilespmem:$0xF300] =	vst v63  }
0x1f: {  	_ =	swait.ge [sflag:s10], $0x2900  }
0x20: {  	[sflag:s10] =	ssyncset.done $0x0  }
0x21: {  	s31 =	simm.s32 $0x0;
	[sflag:s10] =	ssyncadd.s32 $0xFFFFD700  }
0x22: {  	v2 =	vld [tilespmem:s31+$0x7800]  }
0x23: {  	v1 =	vld [tilespmem:s31+$0xA100];
	_ =	sdelay $0x6  }
0x24: {  	v2 =	vld.idx.msk [tilespmem:v2+s2+$0x0], $0xffff  }
0x25: {  	v3 =	vld.idx.msk [tilespmem:v1+s11+$0x0], $0xffff;
	_ =	sdelay $0x4  }
0x26: {  	v2 =	vadd.f32 v3, v2;
	_ =	sdelay $0x1  }
0x27: {  	v3 =	vmul.f32 $2.000000030e-01, v2  }
0x28: {  	vm15 =	vge.f32 v2, $0.0e+00  }
0x29: {  	v2 =	vsel vm15, v2, v3  }
0x2a: {  	v2 =	vmul.f32 $1.442695020e+00, v2;
	_ =	sdelay $0x1  }
0x2b: {  	(erf) = vpow2.f32 v2;
	_ =	sdelay $0x8  }
0x2c: {  	v2 =	vpop (erf)  }
0x2d: {  	[tilespmem:s31+$0xCA00] =	vst v2  }
0x2e: {  	[tilespmem:v1+s14+$0x0] =	vst.idx.add.f32.msk $0x1, v2  }
0x2f: {  	[tilespmem:v1+s14+$0x0] =	vst.idx.add.f32.msk vm0, v2  }
0x30: {  	[tilespmem:v1+s14+$0x0] =	vst.idx.add.f32.msk vm1, v2  }
0x31: {  	[tilespmem:v1+s14+$0x0] =	vst.idx.add.f32.msk vm2, v2  }
0x32: {  	[tilespmem:v1+s14+$0x0] =	vst.idx.add.f32.msk vm3, v2  }
0x33: {  	[tilespmem:v1+s14+$0x0] =	vst.idx.add.f32.msk vm4, v2  }
0x34: {  	[tilespmem:v1+s14+$0x0] =	vst.idx.add.f32.msk vm5, v2  }
0x35: {  	[tilespmem:v1+s14+$0x0] =	vst.idx.add.f32.msk vm6, v2  }
0x36: {  	[tilespmem:v1+s14+$0x0] =	vst.idx.add.f32.msk vm7, v2  }
0x37: {  	[tilespmem:v1+s14+$0x0] =	vst.idx.add.f32.msk vm8, v2  }
0x38: {  	[tilespmem:v1+s14+$0x0] =	vst.idx.add.f32.msk vm9, v2  }
0x39: {  	[tilespmem:v1+s14+$0x0] =	vst.idx.add.f32.msk vm10, v2  }
0x3a: {  	[tilespmem:v1+s14+$0x0] =	vst.idx.add.f32.msk vm11, v2  }
0x3b: {  	s17 =	simm.s32 $0x40;
	[tilespmem:v1+s14+$0x0] =	vst.idx.add.f32.msk vm12, v2  }
.LBB2_4:
0x3c: {  	p0 =	sne.s32 s17, $0xA3C0;
	[tilespmem:v1+s14+$0x0] =	vst.idx.add.f32.msk vm13, v2;
	s18 =	smov.u32 s17;
	s17 =	sadd.s32 $0x40, s17  }
0x3d: {  	s18 =	sshra.s32 s18, $0x2;
	[tilespmem:v1+s14+$0x0] =	vst.idx.add.f32.msk vm14, v2  }
0x3e: {  	v2 =	vld [tilespmem:s18+$0x7800]  }
0x3f: {  	v1 =	vld [tilespmem:s18+$0xA100];
	_ =	sdelay $0x6  }
0x40: {  	v2 =	vld.idx.msk [tilespmem:v2+s2+$0x0], $0xffff  }
0x41: {  	v3 =	vld.idx.msk [tilespmem:v1+s11+$0x0], $0xffff;
	_ =	sdelay $0x5  }
0x42: {  	v2 =	vadd.f32 v3, v2;
	_ =	sdelay $0x1  }
0x43: {  	vm15 =	vge.f32 v2, $0.0e+00;
	v3 =	vmul.f32 $2.000000030e-01, v2;
	_ =	sdelay $0x1  }
0x44: {  	v2 =	vsel vm15, v2, v3  }
0x45: {  	v2 =	vmul.f32 $1.442695020e+00, v2;
	_ =	sdelay $0x1  }
0x46: {  	(erf) = vpow2.f32 v2;
	_ =	sdelay $0x8  }
0x47: {  	v2 =	vpop (erf)  }
0x48: {  	[tilespmem:s18+$0xCA00] =	vst v2  }
0x49: {  	[tilespmem:v1+s14+$0x0] =	vst.idx.add.f32.msk $0x1, v2  }
0x4a: {  	[tilespmem:v1+s14+$0x0] =	vst.idx.add.f32.msk vm0, v2  }
0x4b: {  	[tilespmem:v1+s14+$0x0] =	vst.idx.add.f32.msk vm1, v2  }
0x4c: {  	[tilespmem:v1+s14+$0x0] =	vst.idx.add.f32.msk vm2, v2  }
0x4d: {  	[tilespmem:v1+s14+$0x0] =	vst.idx.add.f32.msk vm3, v2  }
0x4e: {  	[tilespmem:v1+s14+$0x0] =	vst.idx.add.f32.msk vm4, v2  }
0x4f: {  	[tilespmem:v1+s14+$0x0] =	vst.idx.add.f32.msk vm5, v2  }
0x50: {  	[tilespmem:v1+s14+$0x0] =	vst.idx.add.f32.msk vm6, v2  }
0x51: {  	[tilespmem:v1+s14+$0x0] =	vst.idx.add.f32.msk vm7, v2  }
.Ltmp1:
0x52: {  	[tilespmem:v1+s14+$0x0] =	vst.idx.add.f32.msk vm8, v2;
	(pc) =	sbr.rel @p0 .LBB2_4-.Ltmp1, $4  }
0x53: {  	[tilespmem:v1+s14+$0x0] =	vst.idx.add.f32.msk vm9, v2  }
0x54: {  	[tilespmem:v1+s14+$0x0] =	vst.idx.add.f32.msk vm10, v2  }
0x55: {  	[tilespmem:v1+s14+$0x0] =	vst.idx.add.f32.msk vm11, v2  }
0x56: {  	[tilespmem:v1+s14+$0x0] =	vst.idx.add.f32.msk vm12, v2  }
0x57: {  	_ =	sdelay $0x4  }
0x58: {  	[tilespmem:v1+s14+$0x0] =	vst.idx.add.f32.msk vm13, v2  }
0x59: {  	[tilespmem:v1+s14+$0x0] =	vst.idx.add.f32.msk vm14, v2  }
0x5a: {  	[hbm4b:s7+s2] =	stream.linear.scatter [tilespmem:s15], [sflag:$0x1], $0x2900, $0x38;
	[tilespmem:$0xF300] =	vst v63  }
0x5b: {  	s16 =	sadd.s32 $0x1, s16;
	_ =	swait.ge [sflag:s10], $0x2900  }
0x5c: {  	p0 =	sne.s32 s16, s9;
	[sflag:s10] =	ssyncset.done $0x0  }
.Ltmp2:
0x5d: {  	[sflag:s10] =	ssyncadd.s32 $0xFFFFD700;
	(pc) =	sbr.rel @p0 .LBB2_1-.Ltmp2, $4  }
0x5e: {  	[hbm4b:s8+s2] =	stream.linear.scatter [tilespmem:s14], [sflag:$0x1], $0x2800, $0x38;
	[tilespmem:$0xF300] =	vst v63  }
0x5f: {  	_ =	swait.ge [sflag:s10], $0x2800  }
0x60: {  	[sflag:s10] =	ssyncset.done $0x0  }
0x61: {  	[sflag:s10] =	ssyncadd.s32 $0xFFFFD800  }
0x62: {  	_ =	sfence.sel $0x180000  }
0x63: {  	[bflag:$0x0] =	sbarrier.arrive $0xFFFF  }
0x64: {  	p0 =	sne.s32 s1, $0x0;
	_ =	strace $0x9000004D  }
0x65: {  	s0 =	sadd.s32 @!p0 $0x100000, s0;
	[bflag:$0x2] =	sbarrier.arrive $0xFFFF  }
0x66: {  	[sflag:s0] =	ssyncadd.tile.s32 @!p0 $0x1;
	_ =	shalt  }
.Lfunc_end2:
_tile_overlayer_lowered:
.L_overlay_start_2:
0x67: {  	(tag) =	ssettag $0x2  }
0x68: {  	s0 =	rddreg [dreg:$0x0];
	s2 =	stileid.u32  }
0x69: {  	s1 =	rddreg [dreg:$0x1];
	p0 =	sne.s32 s2, $0x0  }
0x6a: {  	s3 =	rddreg [dreg:$0x2];
	[bflag:$0x3] =	sbarrier.arrive $0xFFFF;
	s2 =	simm.s32 @!p0 $0x1C01  }
0x6b: {  	[timem:s3], [sflag:s2] =	dma.local @!p0 [hbm:s0], s1  }
0x6c: {  	s0 =	simm.s32 @!p0 $0x1  }
0x6d: {  	_ =	swait.ge @!p0 [sflag:s0], s1  }
0x6e: {  	s1 =	ssub.s32 @!p0 $0x0, s1;
	[sflag:s0] =	ssyncset.done @!p0 $0x0  }
0x6f: {  	[sflag:s0] =	ssyncadd.s32 @!p0 s1  }
0x70: {  	[bflag:$0x3] =	sbarrier.arrive $0xFFFF  }
0x71: {  	_ =	shalt  }

// kernel: kernel.18.cloned.1.call-start
scs
__scs_entry_jumppad:
0x0: {  	(pc) =	sbr.rel $0x88, $3  }
0x1: {  	(tag) =	ssettag $0x0;
	lr =	simm.s32 $0x1  }
0x2: {  	[smem:$0x3F94] =	sst lr;
	_ =	strace $0xD0000000  }
0x3: {  	_ = 	snop  }
0x4: {  	_ = 	snop  }
0x5: {  	_ = 	snop  }
0x6: {  	_ = 	snop  }
0x7: {  	_ = 	snop  }
__scs_overlays_trampoline_lowered:
0x8: {  	[smem:$0x3FA3] =	sst s0  }
0x9: {  	[smem:$0x3FA4] =	sst s1  }
0xa: {  	[smem:$0x3FA5] =	sst s2  }
0xb: {  	[smem:$0x3FA6] =	sst s3  }
0xc: {  	[smem:$0x3FA7] =	sst s4  }
0xd: {  	[smem:$0x3FA8] =	sst s5  }
0xe: {  	[smem:$0x3FA9] =	sst s6  }
0xf: {  	[smem:$0x3FAA] =	sst s7  }
0x10: {  	[smem:$0x3FAB] =	sst s8  }
0x11: {  	[smem:$0x3FAC] =	sst s9;
	s0 =	simm.s32 @!p0 $0x0  }
0x12: {  	s1 =	sld [smem:$0x3F92];
	s0 =	simm.s32 @p0 $0x1  }
0x13: {  	[smem:$0x3FAD] =	sst s0;
	s0 =	simm.s32 @!p1 $0x0  }
0x14: {  	s2 =	sld [smem:$0x3F91];
	s0 =	simm.s32 @p1 $0x1  }
0x15: {  	[smem:$0x3FAE] =	sst s0;
	s0 =	simm.s32 @!p2 $0x0  }
0x16: {  	s3 =	sld [smem:$0x3FDB];
	s0 =	simm.s32 @p2 $0x1  }
0x17: {  	s4 =	simm.s32 $0x1BF5;
	[smem:$0x3FB0] =	sst s0  }
0x18: {  	s0 =	sld [smem:$0x3F93];
	_ =	swait.ge [sflag:s4], $0x0  }
0x19: {  	s7 =	sld [smem:$0x3F94]  }
0x1a: {  	s8 =	sadd.s32 $0xFFFFE003, lr  }
0x1b: {  	s9 =	sadd.s32 $0xFFFFFEF7, lr;
	s5 =	simm.s32 $0xFFFFFFFF;
	p2 =	slt.u32 s8, $0xFFFFF086  }
0x1c: {  	p1 =	slt.u32 s9, $0xF7A;
	s5 =	simm.s32 @!p2 $0x0  }
0x1d: {  	s5 =	simm.s32 @p1 $0x1;
	p0 =	seq.s32 s7, s2  }
0x1e: {  	s7 =	smul.u32 @!p0 $0xF7A, s2;
	p2 =	seq.s32 @!p0 s5, $0x0  }
0x1f: {  	s9 =	smul.u32 $0xF7A, s1;
	s8 =	simm.s32 @!p0 $0x1BF5;
	p2 =	por !p2, p0  }
0x20: {  	[sflag:s8] =	ssyncset.s32 @!p0 $0xFFFFF086;
	s6 =	sadd.s32 @!p0 s3, s7;
	s7 =	simm.s32 @!p0 $0x108  }
0x21: {  	s3 =	sadd.s32 s3, s9;
	s6 =	sadd.s32 @!p0 $0x88, s6;
	s7 =	simm.s32 @p2 $0x1082  }
0x22: {  	[simem:s7], [sflag:s8] =	dma.local @!p0 [hbm:s6], $0xF7A  }
0x23: {  	s9 =	sor.u32 $0xD0000000, s2;
	s6 =	simm.s32 $0x108;
	_ =	swait.ge @!p0 [sflag:s8], $0x0  }
0x24: {  	s3 =	sadd.s32 $0x88, s3;
	s6 =	simm.s32 @!p1 $0x1082;
	[sflag:s4] =	ssyncset.s32 $0xFFFFF086  }
0x25: {  	[simem:s6], [sflag:s4] =	dma.local [hbm:s3], $0xF7A  }
0x26: {  	[smem:$0x3F94] =	sst s1;
	(tag) =	ssettag s2;
	_ =	strace s9  }
0x27: {  	s1 =	sld [smem:$0x3FA4]  }
0x28: {  	s2 =	sld [smem:$0x3FA5]  }
0x29: {  	s4 =	sld [smem:$0x3FA7]  }
0x2a: {  	p0 =	seq.s32 s5, $0x0;
	s5 =	sld [smem:$0x3FA8]  }
0x2b: {  	s6 =	sld [smem:$0x3FA9]  }
0x2c: {  	s7 =	sld [smem:$0x3FAA]  }
0x2d: {  	s3 =	simm.s32 $0x108;
	s8 =	sld [smem:$0x3FAB]  }
0x2e: {  	s3 =	simm.s32 @!p0 $0x1082;
	s9 =	sld [smem:$0x3FAC]  }
0x2f: {  	lr =	sadd.s32 s0, s3;
	s0 =	sld [smem:$0x3FA3]  }
0x30: {  	s3 =	sld [smem:$0x3FA6]  }
0x31: {  	[smem:$0x3FAF] =	sst s10  }
0x32: {  	s10 =	sld [smem:$0x3FAD];
	_ =	sdelay $0x3  }
0x33: {  	p0 =	seq.s32 s10, $0x1;
	s10 =	sld [smem:$0x3FAF];
	_ =	sdelay $0x3  }
0x34: {  	[smem:$0x3FAF] =	sst s10  }
0x35: {  	s10 =	sld [smem:$0x3FAE];
	_ =	sdelay $0x3  }
0x36: {  	p1 =	seq.s32 s10, $0x1;
	s10 =	sld [smem:$0x3FAF];
	_ =	sdelay $0x3  }
0x37: {  	[smem:$0x3FAF] =	sst s10  }
0x38: {  	s10 =	sld [smem:$0x3FB0]  }
0x39: {  	_ = 	snop;
	(pc) =	sbr.ind lr, $3  }
0x3a: {  	_ = 	snop  }
0x3b: {  	_ = 	snop  }
0x3c: {  	p2 =	seq.s32 s10, $0x1;
	s10 =	sld [smem:$0x3FAF]  }
0x3d: {  	_ =	shalt  }
0x3e: {  	_ =	shalt  }
0x3f: {  	_ =	shalt  }
0x40: {  	_ =	shalt  }
0x41: {  	_ =	shalt  }
0x42: {  	_ =	shalt  }
0x43: {  	_ =	shalt  }
0x44: {  	_ =	shalt  }
0x45: {  	_ =	shalt  }
0x46: {  	_ =	shalt  }
0x47: {  	_ =	shalt  }
0x48: {  	_ =	shalt  }
0x49: {  	_ =	shalt  }
0x4a: {  	_ =	shalt  }
0x4b: {  	_ =	shalt  }
0x4c: {  	_ =	shalt  }
0x4d: {  	_ =	shalt  }
0x4e: {  	_ =	shalt  }
0x4f: {  	_ =	shalt  }
0x50: {  	_ =	shalt  }
0x51: {  	_ =	shalt  }
0x52: {  	_ =	shalt  }
0x53: {  	_ =	shalt  }
0x54: {  	_ =	shalt  }
0x55: {  	_ =	shalt  }
0x56: {  	_ =	shalt  }
0x57: {  	_ =	shalt  }
0x58: {  	_ =	shalt  }
0x59: {  	_ =	shalt  }
0x5a: {  	_ =	shalt  }
0x5b: {  	_ =	shalt  }
0x5c: {  	_ =	shalt  }
0x5d: {  	_ =	shalt  }
0x5e: {  	_ =	shalt  }
0x5f: {  	_ =	shalt  }
0x60: {  	_ =	shalt  }
0x61: {  	_ =	shalt  }
0x62: {  	_ =	shalt  }
0x63: {  	_ =	shalt  }
0x64: {  	_ =	shalt  }
0x65: {  	_ =	shalt  }
0x66: {  	_ =	shalt  }
0x67: {  	_ =	shalt  }
0x68: {  	_ =	shalt  }
0x69: {  	_ =	shalt  }
0x6a: {  	_ =	shalt  }
0x6b: {  	_ =	shalt  }
0x6c: {  	_ =	shalt  }
0x6d: {  	_ =	shalt  }
0x6e: {  	_ =	shalt  }
0x6f: {  	_ =	shalt  }
0x70: {  	_ =	shalt  }
0x71: {  	_ =	shalt  }
0x72: {  	_ =	shalt  }
0x73: {  	_ =	shalt  }
0x74: {  	_ =	shalt  }
0x75: {  	_ =	shalt  }
0x76: {  	_ =	shalt  }
0x77: {  	_ =	shalt  }
0x78: {  	_ =	shalt  }
0x79: {  	_ =	shalt  }
0x7a: {  	_ =	shalt  }
0x7b: {  	_ =	shalt  }
0x7c: {  	_ =	shalt  }
0x7d: {  	_ =	shalt  }
0x7e: {  	_ =	shalt  }
0x7f: {  	_ =	shalt  }
0x80: {  	_ =	shalt  }
0x81: {  	_ =	shalt  }
0x82: {  	_ =	shalt  }
0x83: {  	_ =	shalt  }
0x84: {  	_ =	shalt  }
0x85: {  	_ =	shalt  }
0x86: {  	_ =	shalt  }
0x87: {  	_ =	shalt  }
.Lfunc_end0:
.L_simem_size_0:
called_computation.3_lowered:
.L_overlay_start_0:
0x88: {  	s2 =	sld [smem:$0x3FD9]  }
0x89: {  	s3 =	sld [smem:$0x3FFE];
	_ =	sdelay $0x1  }
0x8a: {  	s1 =	srdreg.scid  }
0x8b: {  	s0 =	sand.u32 $0x1, s1  }
0x8c: {  	s16 =	sshll.u32 s0, $0xA;
	s2 =	sadd.s32 s3, s2  }
0x8d: {  	s2 =	sadd.s32 s2, s16  }
0x8e: {  	[smem:$0x3FBB] =	sst s2  }
0x8f: {  	_ = 	snop  }
0x90: {  	(tm) =	ssettm $0x1  }
0x91: {  	s17 =	sld [smem:$0x3FFB];
	_ =	sdelay $0x3  }
0x92: {  	_ =	strace s17  }
0x93: {  	s2 =	sld [smem:$0x3FFC];
	_ =	sdelay $0x3  }
0x94: {  	_ =	strace s2  }
0x95: {  	s2 =	sld [smem:$0x3FFD];
	_ =	sdelay $0x3  }
0x96: {  	_ =	strace s2  }
0x97: {  	_ =	strace $0x8FFFFFFF  }
0x98: {  	s18 =	sld [smem:$0x3FDB];
	_ =	sdelay $0x1  }
0x99: {  	s19 =	simm.s32 $_scs_section_size  }
0x9a: {  	s4 =	simm.s32 $_size__tile_overlayer_lowered;
	s5 =	simm.s32 $_tile_overlayer_lowered  }
0x9b: {  	s22 =	simm.s32 $0x1BFF;
	s21 =	sshll.u32 s5, $0x1;
	s2 =	sadd.s32 s19, s18  }
0x9c: {  	s6 =	simm.s32 $0x0;
	s20 =	sshll.u32 s4, $0x1;
	s4 =	sadd.s32 s21, s2  }
0x9d: {  	[timem:s6], [sflag:s22] =	dma.local [hbm:s4], s20  }
0x9e: {  	_ =	swait.ge [sflag:s22], s20  }
0x9f: {  	s3 =	ssub.s32 $0x0, s20;
	[sflag:s22] =	ssyncset.done $0x0  }
0xa0: {  	[sflag:s22] =	ssyncadd.s32 s3;
	_ =	sdelay $0x1  }
0xa1: {  	s23 =	simm.s32 $0x1B8B  }
0xa2: {  	_ =	swait.ge [sflag:s23], $0x1  }
0xa3: {  	[sflag:s23] =	ssyncset.done $0x0  }
0xa4: {  	s25 =	simm.s32 $0x1B8E;
	s24 =	sld [smem:$0x3FFE];
	[sflag:s23] =	ssyncadd.s32 $0xFFFFFFFF  }
0xa5: {  	s26 =	simm.s32 $execute0_lowered;
	[smem:$0x3FD2] =	sst s25  }
0xa6: {  	s4 =	sshll.u32 s26, $0x1;
	_ =	strace $0x8000004F;
	[dreg:$0x1] =	wrdreg $0xFFFFFFFF  }
0xa7: {  	s28 =	simm.s32 $_size_execute0_lowered;
	s2 =	sadd.s32 s2, s4;
	[dreg:$0x0] =	wrdreg $0x0  }
0xa8: {  	s4 =	sshll.u32 s28, $0x1;
	[dreg:$0x2] =	wrdreg s2  }
0xa9: {  	[dreg:$0x3] =	wrdreg s4  }
0xaa: {  	[dreg:$0x4] =	wrdreg $0xC0  }
0xab: {  	_ =	task [dreg:s6], $0x5FFFF  }
0xac: {  	[dreg:$0x1] =	wrdreg $0xFFFFFFFF  }
0xad: {  	[dreg:$0x0] =	wrdreg $0x60  }
0xae: {  	[dreg:$0x2] =	wrdreg s24  }
0xaf: {  	[dreg:$0x3] =	wrdreg $0x0  }
0xb0: {  	[dreg:$0x4] =	wrdreg $0x9  }
0xb1: {  	_ =	task.clear_ibuf [dreg:s6], $0x5FFFF;
	_ =	strace $0x9000004F  }
0xb2: {  	s29 =	simm.s32 $0x9;
	_ =	strace $0x80000051  }
0xb3: {  	_ =	swait.ge [sflag:s29], $0x1  }
0xb4: {  	[sflag:s29] =	ssyncadd.s32 $0xFFFFFFFF  }
0xb5: {  	_ =	strace $0x90000051  }
0xb6: {  	_ =	sfence  }
0xb7: {  	s30 =	sld [smem:$0x0];
	_ =	sdelay $0x2  }
0xb8: {  	s31 =	sshll.u32 s1, $0xD;
	s1 =	sshrl.u32 s1, $0x2  }
0xb9: {  	s3 =	sand.u32 $0x4000, s31;
	s1 =	sadd.s32 s1, s30  }
0xba: {  	s0 =	sor.u32 s3, s0;
	s1 =	sshll.u32 s1, $0x11  }
0xbb: {  	s0 =	sor.u32 s1, s0  }
0xbc: {  	s0 =	sadd.s32 $0x8F2B, s0  }
0xbd: {  	[sflag:s0] =	ssyncadd.remote.s32 $0x1  }
0xbe: {  	_ =	sfence.sel $0xFFFF  }
0xbf: {  	[dreg:$0x0] =	wrdreg $0xFFFFFFFF;
	(pc) =	sbr.abs _section_cstart, $3  }
0xc0: {  	[dreg:$0x1] =	wrdreg $0xFFFFFFFF  }
0xc1: {  	_ =	task.clear_ibuf [dreg:s6], $0x2FFFF;
	_ =	strace $0x9FFFFFFF  }
0xc2: {  	(tm) =	ssettm $0x7FFFFFFF  }
0xc3: {  	_ =	shalt  }
tec
execute0_lowered:
.L_overlay_start_1:
0x0: {  	(tag) =	ssettag $0x1  }
0x1: {  	s0 =	rddreg [dreg:$0x0]  }
0x2: {  	s1 =	rddreg [dreg:$0x1]  }
0x3: {  	s3 =	simm.s32 $0x0;
	s2 =	srdreg.scid;
	s12 =	stileid.u32  }
0x4: {  	s29 =	simm.s32 $0x5;
	s30 =	simm.s32 $0x4;
	s9 =	smul.u32 $0x14000, s12  }
0x5: {  	[smem:$0x7FF] =	sst s3;
	s2 =	sand.u32 $0x1, s2;
	s18 =	smul.u32 $0x50000, s12  }
0x6: {  	s4 =	sadd.s32 $0x16600, s0;
	s5 =	sadd.s32 $0x1E00, s0;
	s11 =	smul.u32 $0x52, s12  }
0x7: {  	s6 =	sadd.s32 $0xC200, s0;
	s7 =	sadd.s32 $0x49200, s0;
	s12 =	smul.u32 $0x50, s12  }
0x8: {  	s8 =	smul.u32 $0x140000, s2;
	_ =	strace $0x80000050;
	s10 =	ssub.s32 $0x2, s2  }
0x9: {  	p0 =	seq.s32 s2, $0x0;
	s19 =	sshrl.u32 s10, $0x1;
	s2 =	sadd.s32 $0x500, s11  }
0xa: {  	s8 =	sadd.s32 s9, s8;
	s9 =	sshrl.u32 s18, $0x2;
	s2 =	smov.u32 @p0 s12  }
0xb: {  	s8 =	sshrl.u32 s8, $0x3;
	s12 =	sadd.s32 s9, s1;
	s20 =	sshll.u32 s2, $0x4  }
0xc: {  	s2 =	sshll.u32 s2, $0x7;
	s0 =	sadd.s32 s8, s0;
	s8 =	ssub.s32 s10, s19  }
0xd: {  	s10 =	simm.s32 $0x50;
	s21 =	sadd.s32 s5, s20;
	[dreg:$0x3] =	wrdreg s12  }
0xe: {  	s22 =	sadd.s32 s6, s20;
	s23 =	sadd.s32 s7, s20;
	[dreg:$0x4] =	wrdreg s21  }
0xf: {  	s9 =	sor.u32 $0x10, s20;
	s24 =	sshrl.u32 s2, $0x3;
	[dreg:$0x5] =	wrdreg s22  }
0x10: {  	s19 =	sadd.s32 $0x180, s2;
	s17 =	sadd.s32 $0x2000, s12;
	[dreg:$0x6] =	wrdreg s23  }
0x11: {  	s20 =	sadd.s32 $0x200, s2;
	s13 =	sadd.s32 s5, s9;
	[dreg:$0x12] =	wrdreg s17  }
0x12: {  	s10 =	simm.s32 @!p0 $0x52;
	s25 =	sadd.s32 s6, s9;
	[dreg:$0x7] =	wrdreg s13  }
0x13: {  	s11 =	sadd.s32 $0x20, s24;
	s9 =	sadd.s32 s7, s9;
	[dreg:$0x8] =	wrdreg s25  }
0x14: {  	s0 =	sadd.s32 $0x53600, s0;
	s16 =	smax.u32 s8, $0x1;
	[dreg:$0x9] =	wrdreg s9  }
0x15: {  	s21 =	sadd.s32 $0x4000, s12;
	s22 =	sadd.s32 $0x6000, s12;
	[dreg:$0x10] =	wrdreg s0  }
0x16: {  	s23 =	sadd.s32 $0x8000, s12;
	s24 =	sadd.s32 $0xA000, s12;
	[dreg:$0x11] =	wrdreg s16  }
0x17: {  	s17 =	simm.s32 $0x14180;
	s8 =	simm.s32 $0x0;
	[dreg:$0x13] =	wrdreg s21  }
0x18: {  	s26 =	sadd.s32 s5, s11;
	s28 =	sshll.u32 s10, $0x7;
	[dreg:$0x14] =	wrdreg s22  }
0x19: {  	s31 =	sadd.s32 s6, s11;
	s10 =	sadd.s32 $0xFFFFFFFE, s10;
	[dreg:$0x15] =	wrdreg s23  }
0x1a: {  	s11 =	sadd.s32 s7, s11;
	[dreg:$0x16] =	wrdreg s24;
	s25 =	sadd.s32 $0xC000, s12  }
0x1b: {  	s13 =	simm.s32 $0x14000;
	s16 =	simm.s32 $0x14080;
	s21 =	simm.s32 $0x14280  }
0x1c: {  	s22 =	simm.s32 $0x1;
	s23 =	simm.s32 $0x80;
	[dreg:$0xa] =	wrdreg s26  }
0x1d: {  	s24 =	simm.s32 $0x2;
	s0 =	simm.s32 $0x6;
	[dreg:$0xb] =	wrdreg s31  }
0x1e: {  	s9 =	sadd.s32 s28, s2;
	[dreg:$0xc] =	wrdreg s11;
	s18 =	sshrl.u32 s10, $0x1  }
0x1f: {  	[dreg:$0x17] =	wrdreg s25;
	s26 =	sadd.s32 $0xE000, s12;
	s28 =	sadd.s32 $0x10000, s12  }
0x20: {  	s31 =	sadd.s32 $0x12000, s12;
	s9 =	sor.u32 $0x80, s9;
	[dreg:$0x18] =	wrdreg s26  }
0x21: {  	s11 =	simm.s32 $0x14400;
	[dreg:$0x19] =	wrdreg s28;
	s14 =	sshrl.u32 s9, $0x3  }
0x22: {  	s25 =	simm.s32 $0x18400;
	[dreg:$0x1a] =	wrdreg s31;
	s9 =	sadd.s32 s5, s14  }
0x23: {  	s26 =	simm.s32 $0x3;
	s15 =	sadd.s32 s6, s14;
	[dreg:$0xd] =	wrdreg s9  }
0x24: {  	s2 =	sadd.s32 s7, s14;
	s14 =	simm.s32 $0x14100;
	[dreg:$0xe] =	wrdreg s15  }
0x25: {  	v0 =	vimm.f32 $0.0e+00;
	[dreg:$0xf] =	wrdreg s2;
	s9 =	simm.s32 $0x7;
	s15 =	simm.s32 $0x14200  }
.LBB2_1:
0x26: {  	[dreg:$0x1b] =	wrdreg s8;
	s2 =	simm.s32 $0x0;
	s8 =	simm.s32 $0x200  }
.LBB2_2:
0x27: {  	p0 =	sne.s32 s8, $0xFE00;
	[tilespmem:s2+$0x14470] =	vst v0  }
0x28: {  	[tilespmem:s2+$0x14400] =	vst v0  }
0x29: {  	[tilespmem:s2+$0x14410] =	vst v0  }
.Ltmp0:
0x2a: {  	[tilespmem:s2+$0x14420] =	vst v0;
	(pc) =	sbr.rel @p0 .LBB2_2-.Ltmp0, $4  }
0x2b: {  	[tilespmem:s2+$0x14430] =	vst v0  }
0x2c: {  	[tilespmem:s2+$0x14440] =	vst v0  }
0x2d: {  	[tilespmem:s2+$0x14450] =	vst v0  }
0x2e: {  	[tilespmem:s2+$0x14460] =	vst v0;
	s2 =	sshra.s32 s8, $0x2;
	s8 =	sadd.s32 $0x200, s8  }
0x2f: {  	[tilespmem:s2+$0x14470] =	vst v0  }
0x30: {  	[tilespmem:s2+$0x14400] =	vst v0  }
0x31: {  	[tilespmem:s2+$0x14410] =	vst v0  }
0x32: {  	[tilespmem:s2+$0x14420] =	vst v0  }
0x33: {  	[tilespmem:s2+$0x14430] =	vst v0  }
0x34: {  	[tilespmem:s2+$0x14440] =	vst v0  }
0x35: {  	[tilespmem:s2+$0x14450] =	vst v0  }
0x36: {  	[tilespmem:s2+$0x14460] =	vst v0  }
0x37: {  	[spmem:s12] =	stream.linear.scatter [tilespmem:s11], [sflag:$0x7], $0x2000, $0x38;
	[tilespmem:$0x1C400] =	vst v63  }
0x38: {  	_ =	swait.ge [sflag:s9], $0x2000  }
0x39: {  	[sflag:s9] =	ssyncset.done $0x0  }
0x3a: {  	s12 =	rddreg [dreg:$0x12];
	[sflag:s9] =	ssyncadd.s32 $0xFFFFE000  }
0x3b: {  	[spmem:s12] =	stream.linear.scatter [tilespmem:s11], [sflag:$0x7], $0x2000, $0x38;
	[tilespmem:$0x1C400] =	vst v63  }
0x3c: {  	_ =	swait.ge [sflag:s9], $0x2000  }
0x3d: {  	[sflag:s9] =	ssyncset.done $0x0  }
0x3e: {  	s28 =	rddreg [dreg:$0x13];
	[sflag:s9] =	ssyncadd.s32 $0xFFFFE000  }
0x3f: {  	[spmem:s28] =	stream.linear.scatter [tilespmem:s11], [sflag:$0x7], $0x2000, $0x38;
	[tilespmem:$0x1C400] =	vst v63  }
0x40: {  	_ =	swait.ge [sflag:s9], $0x2000  }
0x41: {  	[sflag:s9] =	ssyncset.done $0x0  }
0x42: {  	s31 =	rddreg [dreg:$0x14];
	[sflag:s9] =	ssyncadd.s32 $0xFFFFE000  }
0x43: {  	[spmem:s31] =	stream.linear.scatter [tilespmem:s11], [sflag:$0x7], $0x2000, $0x38;
	[tilespmem:$0x1C400] =	vst v63  }
0x44: {  	_ =	swait.ge [sflag:s9], $0x2000  }
0x45: {  	[sflag:s9] =	ssyncset.done $0x0  }
0x46: {  	s8 =	rddreg [dreg:$0x15];
	[sflag:s9] =	ssyncadd.s32 $0xFFFFE000  }
0x47: {  	[spmem:s8] =	stream.linear.scatter [tilespmem:s11], [sflag:$0x7], $0x2000, $0x38;
	[tilespmem:$0x1C400] =	vst v63  }
0x48: {  	_ =	swait.ge [sflag:s9], $0x2000  }
0x49: {  	[sflag:s9] =	ssyncset.done $0x0  }
0x4a: {  	s10 =	rddreg [dreg:$0x16];
	[sflag:s9] =	ssyncadd.s32 $0xFFFFE000  }
0x4b: {  	[spmem:s10] =	stream.linear.scatter [tilespmem:s11], [sflag:$0x7], $0x2000, $0x38;
	[tilespmem:$0x1C400] =	vst v63  }
0x4c: {  	_ =	swait.ge [sflag:s9], $0x2000  }
0x4d: {  	[sflag:s9] =	ssyncset.done $0x0  }
0x4e: {  	s12 =	rddreg [dreg:$0x17];
	[sflag:s9] =	ssyncadd.s32 $0xFFFFE000  }
0x4f: {  	[spmem:s12] =	stream.linear.scatter [tilespmem:s11], [sflag:$0x7], $0x2000, $0x38;
	[tilespmem:$0x1C400] =	vst v63  }
0x50: {  	_ =	swait.ge [sflag:s9], $0x2000  }
0x51: {  	[sflag:s9] =	ssyncset.done $0x0  }
0x52: {  	s28 =	rddreg [dreg:$0x18];
	[sflag:s9] =	ssyncadd.s32 $0xFFFFE000  }
0x53: {  	[spmem:s28] =	stream.linear.scatter [tilespmem:s11], [sflag:$0x7], $0x2000, $0x38;
	[tilespmem:$0x1C400] =	vst v63  }
0x54: {  	_ =	swait.ge [sflag:s9], $0x2000  }
0x55: {  	[sflag:s9] =	ssyncset.done $0x0  }
0x56: {  	s31 =	rddreg [dreg:$0x19];
	[sflag:s9] =	ssyncadd.s32 $0xFFFFE000  }
0x57: {  	[spmem:s31] =	stream.linear.scatter [tilespmem:s11], [sflag:$0x7], $0x2000, $0x38;
	[tilespmem:$0x1C400] =	vst v63  }
0x58: {  	_ =	swait.ge [sflag:s9], $0x2000  }
0x59: {  	[sflag:s9] =	ssyncset.done $0x0  }
0x5a: {  	s8 =	rddreg [dreg:$0x1a];
	[sflag:s9] =	ssyncadd.s32 $0xFFFFE000  }
0x5b: {  	[spmem:s8] =	stream.linear.scatter [tilespmem:s11], [sflag:$0x7], $0x2000, $0x38;
	[tilespmem:$0x1C400] =	vst v63  }
0x5c: {  	_ =	swait.ge [sflag:s9], $0x2000  }
0x5d: {  	[sflag:s9] =	ssyncset.done $0x0  }
0x5e: {  	[sflag:s9] =	ssyncadd.s32 $0xFFFFE000  }
0x5f: {  	[bflag:$0x0] =	sbarrier.arrive $0xFFFF  }
0x60: {  	s2 =	simm.s32 $0x0;
	s8 =	rddreg [dreg:$0x4]  }
0x61: {  	[tilespmem:s13], [sflag:$0x1] =	stream.linear.gather [hbm4b:s8+s2], $0x80, $0x38;
	[tilespmem:$0x1C400] =	vst v63  }
0x62: {  	s9 =	rddreg [dreg:$0x5]  }
0x63: {  	[tilespmem:s14], [sflag:$0x1] =	stream.linear.gather [hbm4b:s9+s2], $0x80, $0x38;
	[tilespmem:$0x1C400] =	vst v63  }
0x64: {  	s10 =	rddreg [dreg:$0x6]  }
0x65: {  	[tilespmem:s15], [sflag:$0x1] =	stream.linear.gather [hbm4b:s10+s2], $0x80, $0x38;
	[tilespmem:$0x1C400] =	vst v63  }
0x66: {  	s12 =	rddreg [dreg:$0x7]  }
0x67: {  	[tilespmem:s16], [sflag:$0x2] =	stream.linear.gather [hbm4b:s12+s2], $0x80, $0x38;
	[tilespmem:$0x1C400] =	vst v63  }
0x68: {  	s28 =	rddreg [dreg:$0x8]  }
0x69: {  	[tilespmem:s17], [sflag:$0x2] =	stream.linear.gather [hbm4b:s28+s2], $0x80, $0x38;
	[tilespmem:$0x1C400] =	vst v63  }
0x6a: {  	s31 =	rddreg [dreg:$0x9]  }
0x6b: {  	[tilespmem:s21], [sflag:$0x2] =	stream.linear.gather [hbm4b:s31+s2], $0x80, $0x38;
	[tilespmem:$0x1C400] =	vst v63  }
0x6c: {  	_ =	swait.ge [sflag:s22], $0x80  }
0x6d: {  	[sflag:s22] =	ssyncset.done $0x0  }
0x6e: {  	[sflag:s22] =	ssyncadd.s32 $0xFFFFFF80  }
0x6f: {  	_ =	swait.ge [sflag:s22], $0x80  }
0x70: {  	[sflag:s22] =	ssyncset.done $0x0  }
0x71: {  	[sflag:s22] =	ssyncadd.s32 $0xFFFFFF80  }
0x72: {  	_ =	swait.ge [sflag:s22], $0x80  }
0x73: {  	[sflag:s22] =	ssyncset.done $0x0  }
0x74: {  	[sflag:s22] =	ssyncadd.s32 $0xFFFFFF80  }
0x75: {  	[tilespmem:s11], [sflag:$0x3] =	stream.indirect.gather [hbm4b:s4+s23], $0x80, s13, s23, $0xb8;
	[tilespmem:$0x1C400] =	vst v63  }
0x76: {  	_ =	swait.ge [sflag:s24], $0x80  }
0x77: {  	[sflag:s24] =	ssyncset.done $0x0  }
0x78: {  	[sflag:s24] =	ssyncadd.s32 $0xFFFFFF80  }
0x79: {  	_ =	swait.ge [sflag:s24], $0x80  }
0x7a: {  	[sflag:s24] =	ssyncset.done $0x0  }
0x7b: {  	[sflag:s24] =	ssyncadd.s32 $0xFFFFFF80  }
0x7c: {  	_ =	swait.ge [sflag:s24], $0x80  }
0x7d: {  	[sflag:s24] =	ssyncset.done $0x0  }
0x7e: {  	[sflag:s24] =	ssyncadd.s32 $0xFFFFFF80  }
0x7f: {  	[tilespmem:s25], [sflag:$0x4] =	stream.indirect.gather [hbm4b:s4+s23], $0x80, s16, s23, $0xb8;
	[tilespmem:$0x1C400] =	vst v63  }
0x80: {  	_ =	swait.ge [sflag:s26], $0x4000  }
0x81: {  	[sflag:s26] =	ssyncset.done $0x0  }
0x82: {  	[sflag:s26] =	ssyncadd.s32 $0xFFFFC000  }
0x83: {  	v1 =	vld [tilespmem:$0x14100]  }
0x84: {  	v2 =	vld [tilespmem:$0x14110]  }
0x85: {  	v3 =	vld [tilespmem:$0x14120]  }
0x86: {  	v4 =	vld [tilespmem:$0x14130]  }
0x87: {  	v5 =	vld [tilespmem:$0x14140]  }
0x88: {  	[tilespmem:$0x14300] =	vst v1;
	v1 =	vld [tilespmem:$0x14150]  }
0x89: {  	[tilespmem:$0x14310] =	vst v2;
	v2 =	vld [tilespmem:$0x14160]  }
0x8a: {  	[tilespmem:$0x14320] =	vst v3;
	v3 =	vld [tilespmem:$0x14170]  }
0x8b: {  	[tilespmem:$0x14330] =	vst v4  }
0x8c: {  	[tilespmem:$0x14340] =	vst v5  }
0x8d: {  	[tilespmem:$0x14350] =	vst v1  }
0x8e: {  	[tilespmem:$0x14360] =	vst v2;
	v1 =	vmov s2  }
0x8f: {  	s8 =	simm.s32 $0x14440;
	[tilespmem:$0x14370] =	vst v3  }
0x90: {  	v5 =	vld [tilespmem:s8+$0x30]  }
0x91: {  	v8 =	vld [tilespmem:s8+$0x10]  }
0x92: {  	v6 =	vld [tilespmem:s8+$0xFFFFFFC0]  }
0x93: {  	v2 =	vld.idx.msk [tilespmem:v1+s15+$0x0], $0xffff  }
0x94: {  	v10 =	vld [tilespmem:s8+$0xFFFFFFE0]  }
0x95: {  	v3 =	vld [tilespmem:s8+$0x20]  }
0x96: {  	v4 =	vld [tilespmem:s8+$0xFFFFFFD0]  }
0x97: {  	v1 =	vld [tilespmem:s8+$0xFFFFFFF0]  }
0x98: {  	v9 =	vmul.f32 v5, v2;
	v5 =	vld [tilespmem:s8+$0x0]  }
0x99: {  	v7 =	vmul.f32 v6, v2  }
0x9a: {  	s9 =	simm.s32 $0x14440;
	s2 =	simm.s32 $0x1;
	v6 =	vmul.f32 v10, v2;
	v8 =	vmul.f32 v8, v2  }
.LBB2_4:
0x9b: {  	p0 =	sne.s32 s2, $0x7F  }
0x9c: {  	v4 =	vmul.f32 v4, v2;
	v3 =	vmul.f32 v3, v2;
	[tilespmem:s8+$0x30] =	vst v9;
	s9 =	sadd.s32 $0x80, s9;
	s10 =	smov.u32 s2;
	s2 =	sadd.s32 $0x1, s2  }
0x9d: {  	[tilespmem:s8+$0xFFFFFFC0] =	vst v7;
	v7 =	vmul.f32 v1, v2;
	v2 =	vmul.f32 v5, v2  }
0x9e: {  	[tilespmem:s8+$0x10] =	vst v8  }
0x9f: {  	v5 =	vmov s10;
	[tilespmem:s8+$0xFFFFFFE0] =	vst v6  }
0xa0: {  	v1 =	vld [tilespmem:s9+$0xFFFFFFF0];
	[tilespmem:s8+$0xFFFFFFF0] =	vst v7  }
0xa1: {  	v6 =	vld [tilespmem:s9+$0x30];
	[tilespmem:s8+$0x0] =	vst v2  }
0xa2: {  	v8 =	vld [tilespmem:s9+$0x10];
	[tilespmem:s8+$0x20] =	vst v3  }
0xa3: {  	v7 =	vld [tilespmem:s9+$0xFFFFFFC0];
	[tilespmem:s8+$0xFFFFFFD0] =	vst v4;
	s8 =	smov.u32 s9  }
0xa4: {  	v2 =	vld.idx.msk [tilespmem:v5+s15+$0x0], $0xffff  }
0xa5: {  	v10 =	vld [tilespmem:s9+$0xFFFFFFE0]  }
0xa6: {  	v3 =	vld [tilespmem:s9+$0x20]  }
.Ltmp1:
0xa7: {  	v4 =	vld [tilespmem:s9+$0xFFFFFFD0];
	(pc) =	sbr.rel @p0 .LBB2_4-.Ltmp1, $3  }
0xa8: {  	v5 =	vld [tilespmem:s9+$0x0];
	_ =	sdelay $0x1  }
0xa9: {  	v7 =	vmul.f32 v7, v2;
	v9 =	vmul.f32 v6, v2  }
0xaa: {  	v8 =	vmul.f32 v8, v2;
	v6 =	vmul.f32 v10, v2  }
0xab: {  	[tilespmem:s8+$0x30] =	vst v9  }
0xac: {  	[tilespmem:s8+$0xFFFFFFC0] =	vst v7  }
0xad: {  	v1 =	vmul.f32 v1, v2;
	[tilespmem:s8+$0x10] =	vst v8  }
0xae: {  	v3 =	vmul.f32 v3, v2;
	[tilespmem:s8+$0xFFFFFFE0] =	vst v6  }
0xaf: {  	v5 =	vmul.f32 v5, v2;
	[tilespmem:s8+$0xFFFFFFF0] =	vst v1  }
0xb0: {  	v1 =	vmul.f32 v4, v2;
	[tilespmem:s8+$0x20] =	vst v3  }
0xb1: {  	[tilespmem:s8+$0x0] =	vst v5  }
0xb2: {  	s2 =	simm.s32 $0x14300;
	[tilespmem:s8+$0xFFFFFFD0] =	vst v1  }
0xb3: {  	[spmem:s1] =	stream.indirect.scatter.add.f32 [tilespmem:s11], [sflag:$0x5], $0x80, s2, s23, $0xb8;
	[tilespmem:$0x1C400] =	vst v63  }
0xb4: {  	s9 =	simm.s32 $0x0;
	s12 =	rddreg [dreg:$0xa]  }
0xb5: {  	[tilespmem:s13], [sflag:$0x1] =	stream.linear.gather [hbm4b:s12+s9], $0x80, $0x38;
	[tilespmem:$0x1C400] =	vst v63  }
0xb6: {  	s28 =	rddreg [dreg:$0xb]  }
0xb7: {  	[tilespmem:s14], [sflag:$0x1] =	stream.linear.gather [hbm4b:s28+s9], $0x80, $0x38;
	[tilespmem:$0x1C400] =	vst v63  }
0xb8: {  	s31 =	rddreg [dreg:$0xc];
	s10 =	simm.s32 $0x0  }
0xb9: {  	[tilespmem:s15], [sflag:$0x1] =	stream.linear.gather [hbm4b:s31+s9], $0x80, $0x38;
	[tilespmem:$0x1C400] =	vst v63  }
.LBB2_6:
0xba: {  	_ =	swait.ge [sflag:s22], $0x80  }
0xbb: {  	[sflag:s22] =	ssyncset.done $0x0  }
0xbc: {  	[sflag:s22] =	ssyncadd.s32 $0xFFFFFF80  }
0xbd: {  	_ =	swait.ge [sflag:s22], $0x80  }
0xbe: {  	[sflag:s22] =	ssyncset.done $0x0  }
0xbf: {  	[sflag:s22] =	ssyncadd.s32 $0xFFFFFF80  }
0xc0: {  	_ =	swait.ge [sflag:s22], $0x80  }
0xc1: {  	[sflag:s22] =	ssyncset.done $0x0  }
0xc2: {  	[sflag:s22] =	ssyncadd.s32 $0xFFFFFF80  }
0xc3: {  	_ =	swait.ge [sflag:s29], $0x4000  }
0xc4: {  	[sflag:s29] =	ssyncset.done $0x0  }
0xc5: {  	[sflag:s29] =	ssyncadd.s32 $0xFFFFC000  }
0xc6: {  	[tilespmem:s11], [sflag:$0x3] =	stream.indirect.gather [hbm4b:s4+s23], $0x80, s13, s23, $0xb8;
	[tilespmem:$0x1C400] =	vst v63  }
0xc7: {  	_ =	swait.ge [sflag:s30], $0x4000  }
0xc8: {  	[sflag:s30] =	ssyncset.done $0x0  }
0xc9: {  	[sflag:s30] =	ssyncadd.s32 $0xFFFFC000  }
0xca: {  	v1 =	vld [tilespmem:$0x14180]  }
0xcb: {  	v2 =	vld [tilespmem:$0x14190]  }
0xcc: {  	v3 =	vld [tilespmem:$0x141A0]  }
0xcd: {  	v4 =	vld [tilespmem:$0x141B0]  }
0xce: {  	v5 =	vld [tilespmem:$0x141C0]  }
0xcf: {  	[tilespmem:$0x14380] =	vst v1;
	v1 =	vld [tilespmem:$0x141D0]  }
0xd0: {  	[tilespmem:$0x14390] =	vst v2;
	v2 =	vld [tilespmem:$0x141E0]  }
0xd1: {  	[tilespmem:$0x143A0] =	vst v3;
	v3 =	vld [tilespmem:$0x141F0]  }
0xd2: {  	[tilespmem:$0x143B0] =	vst v4  }
0xd3: {  	[tilespmem:$0x143C0] =	vst v5  }
0xd4: {  	[tilespmem:$0x143D0] =	vst v1  }
0xd5: {  	[tilespmem:$0x143E0] =	vst v2;
	v1 =	vmov s9  }
0xd6: {  	s8 =	simm.s32 $0x18440;
	[tilespmem:$0x143F0] =	vst v3  }
0xd7: {  	v5 =	vld [tilespmem:s8+$0x30]  }
0xd8: {  	v8 =	vld [tilespmem:s8+$0x10]  }
0xd9: {  	v6 =	vld [tilespmem:s8+$0xFFFFFFC0]  }
0xda: {  	v2 =	vld.idx.msk [tilespmem:v1+s21+$0x0], $0xffff  }
0xdb: {  	v10 =	vld [tilespmem:s8+$0xFFFFFFE0]  }
0xdc: {  	v3 =	vld [tilespmem:s8+$0x20]  }
0xdd: {  	v4 =	vld [tilespmem:s8+$0xFFFFFFD0]  }
0xde: {  	v1 =	vld [tilespmem:s8+$0xFFFFFFF0]  }
0xdf: {  	v9 =	vmul.f32 v5, v2;
	v5 =	vld [tilespmem:s8+$0x0]  }
0xe0: {  	v7 =	vmul.f32 v6, v2  }
0xe1: {  	s2 =	simm.s32 $0x1;
	s12 =	simm.s32 $0x18440;
	v6 =	vmul.f32 v10, v2;
	v8 =	vmul.f32 v8, v2  }
.LBB2_7:
0xe2: {  	p0 =	sne.s32 s2, $0x7F  }
0xe3: {  	v4 =	vmul.f32 v4, v2;
	v3 =	vmul.f32 v3, v2;
	[tilespmem:s8+$0x30] =	vst v9;
	s12 =	sadd.s32 $0x80, s12;
	s28 =	smov.u32 s2;
	s2 =	sadd.s32 $0x1, s2  }
0xe4: {  	[tilespmem:s8+$0xFFFFFFC0] =	vst v7;
	v7 =	vmul.f32 v1, v2;
	v2 =	vmul.f32 v5, v2  }
0xe5: {  	[tilespmem:s8+$0x10] =	vst v8  }
0xe6: {  	v5 =	vmov s28;
	[tilespmem:s8+$0xFFFFFFE0] =	vst v6  }
0xe7: {  	v1 =	vld [tilespmem:s12+$0xFFFFFFF0];
	[tilespmem:s8+$0xFFFFFFF0] =	vst v7  }
0xe8: {  	v6 =	vld [tilespmem:s12+$0x30];
	[tilespmem:s8+$0x0] =	vst v2  }
0xe9: {  	v8 =	vld [tilespmem:s12+$0x10];
	[tilespmem:s8+$0x20] =	vst v3  }
0xea: {  	v7 =	vld [tilespmem:s12+$0xFFFFFFC0];
	[tilespmem:s8+$0xFFFFFFD0] =	vst v4;
	s8 =	smov.u32 s12  }
0xeb: {  	v2 =	vld.idx.msk [tilespmem:v5+s21+$0x0], $0xffff  }
0xec: {  	v10 =	vld [tilespmem:s12+$0xFFFFFFE0]  }
0xed: {  	v3 =	vld [tilespmem:s12+$0x20]  }
.Ltmp2:
0xee: {  	v4 =	vld [tilespmem:s12+$0xFFFFFFD0];
	(pc) =	sbr.rel @p0 .LBB2_7-.Ltmp2, $3  }
0xef: {  	v5 =	vld [tilespmem:s12+$0x0];
	_ =	sdelay $0x1  }
0xf0: {  	v7 =	vmul.f32 v7, v2;
	v9 =	vmul.f32 v6, v2  }
0xf1: {  	v8 =	vmul.f32 v8, v2;
	v6 =	vmul.f32 v10, v2  }
0xf2: {  	[tilespmem:s8+$0x30] =	vst v9  }
0xf3: {  	[tilespmem:s8+$0xFFFFFFC0] =	vst v7  }
0xf4: {  	v1 =	vmul.f32 v1, v2;
	[tilespmem:s8+$0x10] =	vst v8  }
0xf5: {  	v3 =	vmul.f32 v3, v2;
	[tilespmem:s8+$0xFFFFFFE0] =	vst v6  }
0xf6: {  	v5 =	vmul.f32 v5, v2;
	[tilespmem:s8+$0xFFFFFFF0] =	vst v1  }
0xf7: {  	v1 =	vmul.f32 v4, v2;
	[tilespmem:s8+$0x20] =	vst v3  }
0xf8: {  	[tilespmem:s8+$0x0] =	vst v5  }
0xf9: {  	s2 =	simm.s32 $0x14380;
	[tilespmem:s8+$0xFFFFFFD0] =	vst v1;
	s8 =	sshll.u32 s10, $0x8  }
0xfa: {  	[spmem:s1] =	stream.indirect.scatter.add.f32 [tilespmem:s25], [sflag:$0x6], $0x80, s2, s23, $0xb8;
	[tilespmem:$0x1C400] =	vst v63  }
0xfb: {  	s12 =	sadd.s32 s8, s19  }
0xfc: {  	s2 =	sshrl.u32 s12, $0x3  }
0xfd: {  	s28 =	simm.s32 $0x0;
	s12 =	sadd.s32 s5, s2  }
0xfe: {  	[tilespmem:s16], [sflag:$0x2] =	stream.linear.gather [hbm4b:s12+s28], $0x80, $0x38;
	[tilespmem:$0x1C400] =	vst v63  }
0xff: {  	s31 =	sadd.s32 s6, s2  }
0x100: {  	[tilespmem:s17], [sflag:$0x2] =	stream.linear.gather [hbm4b:s31+s28], $0x80, $0x38;
	[tilespmem:$0x1C400] =	vst v63  }
0x101: {  	s2 =	sadd.s32 s7, s2  }
0x102: {  	[tilespmem:s21], [sflag:$0x2] =	stream.linear.gather [hbm4b:s2+s28], $0x80, $0x38;
	[tilespmem:$0x1C400] =	vst v63  }
0x103: {  	_ =	swait.ge [sflag:s24], $0x80  }
0x104: {  	[sflag:s24] =	ssyncset.done $0x0  }
0x105: {  	[sflag:s24] =	ssyncadd.s32 $0xFFFFFF80  }
0x106: {  	_ =	swait.ge [sflag:s24], $0x80  }
0x107: {  	[sflag:s24] =	ssyncset.done $0x0  }
0x108: {  	[sflag:s24] =	ssyncadd.s32 $0xFFFFFF80  }
0x109: {  	_ =	swait.ge [sflag:s24], $0x80  }
0x10a: {  	[sflag:s24] =	ssyncset.done $0x0  }
0x10b: {  	[sflag:s24] =	ssyncadd.s32 $0xFFFFFF80  }
0x10c: {  	_ =	swait.ge [sflag:s0], $0x4000  }
0x10d: {  	[sflag:s0] =	ssyncset.done $0x0  }
0x10e: {  	[sflag:s0] =	ssyncadd.s32 $0xFFFFC000  }
0x10f: {  	[tilespmem:s25], [sflag:$0x4] =	stream.indirect.gather [hbm4b:s4+s23], $0x80, s16, s23, $0xb8;
	[tilespmem:$0x1C400] =	vst v63  }
0x110: {  	_ =	swait.ge [sflag:s26], $0x4000  }
0x111: {  	[sflag:s26] =	ssyncset.done $0x0  }
0x112: {  	[sflag:s26] =	ssyncadd.s32 $0xFFFFC000  }
0x113: {  	v1 =	vld [tilespmem:$0x14100]  }
0x114: {  	v2 =	vld [tilespmem:$0x14110]  }
0x115: {  	v3 =	vld [tilespmem:$0x14120]  }
0x116: {  	v4 =	vld [tilespmem:$0x14130]  }
0x117: {  	v5 =	vld [tilespmem:$0x14140]  }
0x118: {  	[tilespmem:$0x14300] =	vst v1;
	v1 =	vld [tilespmem:$0x14150]  }
0x119: {  	[tilespmem:$0x14310] =	vst v2;
	v2 =	vld [tilespmem:$0x14160]  }
0x11a: {  	[tilespmem:$0x14320] =	vst v3;
	v3 =	vld [tilespmem:$0x14170]  }
0x11b: {  	[tilespmem:$0x14330] =	vst v4  }
0x11c: {  	[tilespmem:$0x14340] =	vst v5  }
0x11d: {  	[tilespmem:$0x14350] =	vst v1  }
0x11e: {  	[tilespmem:$0x14360] =	vst v2;
	v1 =	vmov s28  }
0x11f: {  	s2 =	simm.s32 $0x14440;
	[tilespmem:$0x14370] =	vst v3  }
0x120: {  	v5 =	vld [tilespmem:s2+$0x30]  }
0x121: {  	v8 =	vld [tilespmem:s2+$0x10]  }
0x122: {  	v6 =	vld [tilespmem:s2+$0xFFFFFFC0]  }
0x123: {  	v2 =	vld.idx.msk [tilespmem:v1+s15+$0x0], $0xffff  }
0x124: {  	v10 =	vld [tilespmem:s2+$0xFFFFFFE0]  }
0x125: {  	v3 =	vld [tilespmem:s2+$0x20]  }
0x126: {  	v4 =	vld [tilespmem:s2+$0xFFFFFFD0]  }
0x127: {  	v1 =	vld [tilespmem:s2+$0xFFFFFFF0]  }
0x128: {  	v9 =	vmul.f32 v5, v2;
	v5 =	vld [tilespmem:s2+$0x0]  }
0x129: {  	v7 =	vmul.f32 v6, v2  }
0x12a: {  	s12 =	simm.s32 $0x1;
	s28 =	simm.s32 $0x14440;
	v6 =	vmul.f32 v10, v2;
	v8 =	vmul.f32 v8, v2  }
.LBB2_9:
0x12b: {  	p0 =	sne.s32 s12, $0x7F  }
0x12c: {  	v4 =	vmul.f32 v4, v2;
	v3 =	vmul.f32 v3, v2;
	[tilespmem:s2+$0x30] =	vst v9;
	s28 =	sadd.s32 $0x80, s28;
	s31 =	smov.u32 s12;
	s12 =	sadd.s32 $0x1, s12  }
0x12d: {  	[tilespmem:s2+$0xFFFFFFC0] =	vst v7;
	v7 =	vmul.f32 v1, v2;
	v2 =	vmul.f32 v5, v2  }
0x12e: {  	[tilespmem:s2+$0x10] =	vst v8  }
0x12f: {  	v5 =	vmov s31;
	[tilespmem:s2+$0xFFFFFFE0] =	vst v6  }
0x130: {  	v1 =	vld [tilespmem:s28+$0xFFFFFFF0];
	[tilespmem:s2+$0xFFFFFFF0] =	vst v7  }
0x131: {  	v6 =	vld [tilespmem:s28+$0x30];
	[tilespmem:s2+$0x0] =	vst v2  }
0x132: {  	v8 =	vld [tilespmem:s28+$0x10];
	[tilespmem:s2+$0x20] =	vst v3  }
0x133: {  	v7 =	vld [tilespmem:s28+$0xFFFFFFC0];
	[tilespmem:s2+$0xFFFFFFD0] =	vst v4;
	s2 =	smov.u32 s28  }
0x134: {  	v2 =	vld.idx.msk [tilespmem:v5+s15+$0x0], $0xffff  }
0x135: {  	v10 =	vld [tilespmem:s28+$0xFFFFFFE0]  }
0x136: {  	v3 =	vld [tilespmem:s28+$0x20]  }
.Ltmp3:
0x137: {  	v4 =	vld [tilespmem:s28+$0xFFFFFFD0];
	(pc) =	sbr.rel @p0 .LBB2_9-.Ltmp3, $3  }
0x138: {  	v5 =	vld [tilespmem:s28+$0x0];
	_ =	sdelay $0x1  }
0x139: {  	v7 =	vmul.f32 v7, v2;
	v9 =	vmul.f32 v6, v2  }
0x13a: {  	v8 =	vmul.f32 v8, v2;
	v6 =	vmul.f32 v10, v2  }
0x13b: {  	[tilespmem:s2+$0x30] =	vst v9  }
0x13c: {  	[tilespmem:s2+$0xFFFFFFC0] =	vst v7  }
0x13d: {  	v1 =	vmul.f32 v1, v2;
	[tilespmem:s2+$0x10] =	vst v8  }
0x13e: {  	v3 =	vmul.f32 v3, v2;
	[tilespmem:s2+$0xFFFFFFE0] =	vst v6  }
0x13f: {  	v5 =	vmul.f32 v5, v2;
	[tilespmem:s2+$0xFFFFFFF0] =	vst v1  }
0x140: {  	v1 =	vmul.f32 v4, v2;
	[tilespmem:s2+$0x20] =	vst v3  }
0x141: {  	s12 =	sadd.s32 s8, s20;
	[tilespmem:s2+$0x0] =	vst v5  }
0x142: {  	s31 =	simm.s32 $0x14300;
	s10 =	sadd.s32 $0x1, s10;
	[tilespmem:s2+$0xFFFFFFD0] =	vst v1;
	s2 =	sshrl.u32 s12, $0x3  }
0x143: {  	[spmem:s1] =	stream.indirect.scatter.add.f32 [tilespmem:s11], [sflag:$0x5], $0x80, s31, s23, $0xb8;
	[tilespmem:$0x1C400] =	vst v63  }
0x144: {  	p0 =	sne.s32 s10, s18;
	s28 =	sadd.s32 s5, s2  }
0x145: {  	[tilespmem:s13], [sflag:$0x1] =	stream.linear.gather [hbm4b:s28+s3], $0x80, $0x38;
	[tilespmem:$0x1C400] =	vst v63  }
.Ltmp4:
0x146: {  	_ = 	snop;
	(pc) =	sbr.rel @p0 .LBB2_6-.Ltmp4, $4  }
0x147: {  	s31 =	sadd.s32 s6, s2  }
0x148: {  	[tilespmem:s14], [sflag:$0x1] =	stream.linear.gather [hbm4b:s31+s3], $0x80, $0x38;
	[tilespmem:$0x1C400] =	vst v63  }
0x149: {  	s2 =	sadd.s32 s7, s2  }
0x14a: {  	[tilespmem:s15], [sflag:$0x1] =	stream.linear.gather [hbm4b:s2+s3], $0x80, $0x38;
	[tilespmem:$0x1C400] =	vst v63  }
0x14b: {  	_ =	swait.ge [sflag:s22], $0x80  }
0x14c: {  	[sflag:s22] =	ssyncset.done $0x0  }
0x14d: {  	[sflag:s22] =	ssyncadd.s32 $0xFFFFFF80  }
0x14e: {  	_ =	swait.ge [sflag:s22], $0x80  }
0x14f: {  	[sflag:s22] =	ssyncset.done $0x0  }
0x150: {  	[sflag:s22] =	ssyncadd.s32 $0xFFFFFF80  }
0x151: {  	_ =	swait.ge [sflag:s22], $0x80  }
0x152: {  	[sflag:s22] =	ssyncset.done $0x0  }
0x153: {  	[sflag:s22] =	ssyncadd.s32 $0xFFFFFF80  }
0x154: {  	_ =	swait.ge [sflag:s29], $0x4000  }
0x155: {  	[sflag:s29] =	ssyncset.done $0x0  }
0x156: {  	[sflag:s29] =	ssyncadd.s32 $0xFFFFC000  }
0x157: {  	[tilespmem:s11], [sflag:$0x3] =	stream.indirect.gather [hbm4b:s4+s23], $0x80, s13, s23, $0xb8;
	[tilespmem:$0x1C400] =	vst v63  }
0x158: {  	_ =	swait.ge [sflag:s30], $0x4000  }
0x159: {  	[sflag:s30] =	ssyncset.done $0x0  }
0x15a: {  	[sflag:s30] =	ssyncadd.s32 $0xFFFFC000  }
0x15b: {  	v1 =	vld [tilespmem:$0x14180]  }
0x15c: {  	v2 =	vld [tilespmem:$0x14190]  }
0x15d: {  	v3 =	vld [tilespmem:$0x141A0]  }
0x15e: {  	v4 =	vld [tilespmem:$0x141B0]  }
0x15f: {  	v5 =	vld [tilespmem:$0x141C0]  }
0x160: {  	[tilespmem:$0x14380] =	vst v1;
	v1 =	vld [tilespmem:$0x141D0]  }
0x161: {  	[tilespmem:$0x14390] =	vst v2;
	v2 =	vld [tilespmem:$0x141E0]  }
0x162: {  	[tilespmem:$0x143A0] =	vst v3;
	v3 =	vld [tilespmem:$0x141F0]  }
0x163: {  	[tilespmem:$0x143B0] =	vst v4  }
0x164: {  	[tilespmem:$0x143C0] =	vst v5  }
0x165: {  	s2 =	simm.s32 $0x0;
	[tilespmem:$0x143D0] =	vst v1  }
0x166: {  	[tilespmem:$0x143E0] =	vst v2;
	v1 =	vmov s2  }
0x167: {  	[tilespmem:$0x143F0] =	vst v3;
	s2 =	simm.s32 $0x18440  }
0x168: {  	v5 =	vld [tilespmem:s2+$0x30]  }
0x169: {  	v8 =	vld [tilespmem:s2+$0x10]  }
0x16a: {  	v6 =	vld [tilespmem:s2+$0xFFFFFFC0]  }
0x16b: {  	v2 =	vld.idx.msk [tilespmem:v1+s21+$0x0], $0xffff  }
0x16c: {  	v10 =	vld [tilespmem:s2+$0xFFFFFFE0]  }
0x16d: {  	v3 =	vld [tilespmem:s2+$0x20]  }
0x16e: {  	v4 =	vld [tilespmem:s2+$0xFFFFFFD0]  }
0x16f: {  	v1 =	vld [tilespmem:s2+$0xFFFFFFF0]  }
0x170: {  	v9 =	vmul.f32 v5, v2;
	v5 =	vld [tilespmem:s2+$0x0]  }
0x171: {  	v7 =	vmul.f32 v6, v2  }
0x172: {  	s8 =	simm.s32 $0x1;
	s9 =	simm.s32 $0x18440;
	v6 =	vmul.f32 v10, v2;
	v8 =	vmul.f32 v8, v2  }
.LBB2_12:
0x173: {  	p0 =	sne.s32 s8, $0x7F  }
0x174: {  	v4 =	vmul.f32 v4, v2;
	v3 =	vmul.f32 v3, v2;
	[tilespmem:s2+$0x30] =	vst v9;
	s9 =	sadd.s32 $0x80, s9;
	s10 =	smov.u32 s8;
	s8 =	sadd.s32 $0x1, s8  }
0x175: {  	[tilespmem:s2+$0xFFFFFFC0] =	vst v7;
	v7 =	vmul.f32 v1, v2;
	v2 =	vmul.f32 v5, v2  }
0x176: {  	[tilespmem:s2+$0x10] =	vst v8  }
0x177: {  	v5 =	vmov s10;
	[tilespmem:s2+$0xFFFFFFE0] =	vst v6  }
0x178: {  	v1 =	vld [tilespmem:s9+$0xFFFFFFF0];
	[tilespmem:s2+$0xFFFFFFF0] =	vst v7  }
0x179: {  	v6 =	vld [tilespmem:s9+$0x30];
	[tilespmem:s2+$0x0] =	vst v2  }
0x17a: {  	v8 =	vld [tilespmem:s9+$0x10];
	[tilespmem:s2+$0x20] =	vst v3  }
0x17b: {  	v7 =	vld [tilespmem:s9+$0xFFFFFFC0];
	[tilespmem:s2+$0xFFFFFFD0] =	vst v4;
	s2 =	smov.u32 s9  }
0x17c: {  	v2 =	vld.idx.msk [tilespmem:v5+s21+$0x0], $0xffff  }
0x17d: {  	v10 =	vld [tilespmem:s9+$0xFFFFFFE0]  }
0x17e: {  	v3 =	vld [tilespmem:s9+$0x20]  }
.Ltmp5:
0x17f: {  	v4 =	vld [tilespmem:s9+$0xFFFFFFD0];
	(pc) =	sbr.rel @p0 .LBB2_12-.Ltmp5, $3  }
0x180: {  	v5 =	vld [tilespmem:s9+$0x0];
	_ =	sdelay $0x1  }
0x181: {  	v7 =	vmul.f32 v7, v2;
	v9 =	vmul.f32 v6, v2  }
0x182: {  	v8 =	vmul.f32 v8, v2;
	v6 =	vmul.f32 v10, v2  }
0x183: {  	[tilespmem:s2+$0x30] =	vst v9  }
0x184: {  	[tilespmem:s2+$0xFFFFFFC0] =	vst v7  }
0x185: {  	v1 =	vmul.f32 v1, v2;
	[tilespmem:s2+$0x10] =	vst v8  }
0x186: {  	v3 =	vmul.f32 v3, v2;
	[tilespmem:s2+$0xFFFFFFE0] =	vst v6  }
0x187: {  	v5 =	vmul.f32 v5, v2;
	[tilespmem:s2+$0xFFFFFFF0] =	vst v1  }
0x188: {  	v1 =	vmul.f32 v4, v2;
	[tilespmem:s2+$0x20] =	vst v3  }
0x189: {  	[tilespmem:s2+$0x0] =	vst v5  }
0x18a: {  	s31 =	simm.s32 $0x14380;
	[tilespmem:s2+$0xFFFFFFD0] =	vst v1  }
0x18b: {  	[spmem:s1] =	stream.indirect.scatter.add.f32 [tilespmem:s25], [sflag:$0x6], $0x80, s31, s23, $0xb8;
	[tilespmem:$0x1C400] =	vst v63  }
0x18c: {  	s8 =	rddreg [dreg:$0xd]  }
0x18d: {  	[tilespmem:s16], [sflag:$0x2] =	stream.linear.gather [hbm4b:s8+s3], $0x80, $0x38;
	[tilespmem:$0x1C400] =	vst v63  }
0x18e: {  	s9 =	rddreg [dreg:$0xe]  }
0x18f: {  	[tilespmem:s17], [sflag:$0x2] =	stream.linear.gather [hbm4b:s9+s3], $0x80, $0x38;
	[tilespmem:$0x1C400] =	vst v63  }
0x190: {  	s10 =	rddreg [dreg:$0xf]  }
0x191: {  	[tilespmem:s21], [sflag:$0x2] =	stream.linear.gather [hbm4b:s10+s3], $0x80, $0x38;
	[tilespmem:$0x1C400] =	vst v63  }
0x192: {  	_ =	swait.ge [sflag:s24], $0x80  }
0x193: {  	[sflag:s24] =	ssyncset.done $0x0  }
0x194: {  	[sflag:s24] =	ssyncadd.s32 $0xFFFFFF80  }
0x195: {  	_ =	swait.ge [sflag:s24], $0x80  }
0x196: {  	[sflag:s24] =	ssyncset.done $0x0  }
0x197: {  	[sflag:s24] =	ssyncadd.s32 $0xFFFFFF80  }
0x198: {  	_ =	swait.ge [sflag:s24], $0x80  }
0x199: {  	[sflag:s24] =	ssyncset.done $0x0  }
0x19a: {  	[sflag:s24] =	ssyncadd.s32 $0xFFFFFF80  }
0x19b: {  	_ =	swait.ge [sflag:s26], $0x4000  }
0x19c: {  	[sflag:s26] =	ssyncset.done $0x0  }
0x19d: {  	[sflag:s26] =	ssyncadd.s32 $0xFFFFC000  }
0x19e: {  	_ =	swait.ge [sflag:s0], $0x4000  }
0x19f: {  	[sflag:s0] =	ssyncset.done $0x0  }
0x1a0: {  	[sflag:s0] =	ssyncadd.s32 $0xFFFFC000  }
0x1a1: {  	s12 =	stileid.u32;
	[bflag:$0x0] =	sbarrier.arrive $0xFFFF  }
0x1a2: {  	s2 =	sshll.u32 s12, $0x6;
	s12 =	rddreg [dreg:$0x3]  }
0x1a3: {  	s2 =	sor.u32 $0x1C07, s2;
	s9 =	rddreg [dreg:$0x10];
	s8 =	sshrl.u32 s12, $0x3  }
0x1a4: {  	[hbm:s9], [sflag:s2] =	dma.local [spmem:s8], $0x2800  }
0x1a5: {  	s9 =	simm.s32 $0x7  }
0x1a6: {  	_ =	swait.ge [sflag:s9], $0x2800  }
0x1a7: {  	s28 =	rddreg [dreg:$0x1b]  }
0x1a8: {  	s31 =	rddreg [dreg:$0x11];
	s8 =	sadd.s32 $0x1, s28  }
0x1a9: {  	p0 =	sne.s32 s8, s31  }
.Ltmp6:
0x1aa: {  	_ = 	snop;
	(pc) =	sbr.rel @p0 .LBB2_1-.Ltmp6, $3  }
0x1ab: {  	_ =	sdelay $0x1  }
0x1ac: {  	[sflag:s9] =	ssyncset.done $0x0  }
0x1ad: {  	[sflag:s9] =	ssyncadd.s32 $0xFFFFD800  }
0x1ae: {  	_ =	sfence.sel $0x180000  }
0x1af: {  	[bflag:$0x0] =	sbarrier.arrive $0xFFFF  }
0x1b0: {  	_ =	strace $0x90000050  }
0x1b1: {  	s0 =	stileid.u32;
	[bflag:$0x2] =	sbarrier.arrive $0xFFFF  }
0x1b2: {  	p0 =	sne.s32 s0, $0x0;
	s0 =	rddreg [dreg:$0x2]  }
0x1b3: {  	s0 =	sadd.s32 @!p0 $0x100000, s0  }
0x1b4: {  	[sflag:s0] =	ssyncadd.tile.s32 @!p0 $0x1;
	_ =	shalt  }
.Lfunc_end2:
_tile_overlayer_lowered:
.L_overlay_start_2:
0x1b5: {  	(tag) =	ssettag $0x2  }
0x1b6: {  	s0 =	rddreg [dreg:$0x0];
	s2 =	stileid.u32  }
0x1b7: {  	s1 =	rddreg [dreg:$0x1];
	p0 =	sne.s32 s2, $0x0  }
0x1b8: {  	s3 =	rddreg [dreg:$0x2];
	[bflag:$0x3] =	sbarrier.arrive $0xFFFF;
	s2 =	simm.s32 @!p0 $0x1C07  }
0x1b9: {  	[timem:s3], [sflag:s2] =	dma.local @!p0 [hbm:s0], s1  }
0x1ba: {  	s0 =	simm.s32 @!p0 $0x7  }
0x1bb: {  	_ =	swait.ge @!p0 [sflag:s0], s1  }
0x1bc: {  	s1 =	ssub.s32 @!p0 $0x0, s1;
	[sflag:s0] =	ssyncset.done @!p0 $0x0  }
0x1bd: {  	[sflag:s0] =	ssyncadd.s32 @!p0 s1  }
0x1be: {  	[bflag:$0x3] =	sbarrier.arrive $0xFFFF  }
0x1bf: {  	_ =	shalt  }

// kernel: kernel.9.cloned.1.call-start
scs
__scs_entry_jumppad:
0x0: {  	(pc) =	sbr.rel $0x88, $3  }
0x1: {  	(tag) =	ssettag $0x0;
	lr =	simm.s32 $0x1  }
0x2: {  	[smem:$0x3F94] =	sst lr;
	_ =	strace $0xD0000000  }
0x3: {  	_ = 	snop  }
0x4: {  	_ = 	snop  }
0x5: {  	_ = 	snop  }
0x6: {  	_ = 	snop  }
0x7: {  	_ = 	snop  }
__scs_overlays_trampoline_lowered:
0x8: {  	[smem:$0x3FA3] =	sst s0  }
0x9: {  	[smem:$0x3FA4] =	sst s1  }
0xa: {  	[smem:$0x3FA5] =	sst s2  }
0xb: {  	[smem:$0x3FA6] =	sst s3  }
0xc: {  	[smem:$0x3FA7] =	sst s4  }
0xd: {  	[smem:$0x3FA8] =	sst s5  }
0xe: {  	[smem:$0x3FA9] =	sst s6  }
0xf: {  	[smem:$0x3FAA] =	sst s7  }
0x10: {  	[smem:$0x3FAB] =	sst s8  }
0x11: {  	[smem:$0x3FAC] =	sst s9;
	s0 =	simm.s32 @!p0 $0x0  }
0x12: {  	s1 =	sld [smem:$0x3F92];
	s0 =	simm.s32 @p0 $0x1  }
0x13: {  	[smem:$0x3FAD] =	sst s0;
	s0 =	simm.s32 @!p1 $0x0  }
0x14: {  	s2 =	sld [smem:$0x3F91];
	s0 =	simm.s32 @p1 $0x1  }
0x15: {  	[smem:$0x3FAE] =	sst s0;
	s0 =	simm.s32 @!p2 $0x0  }
0x16: {  	s3 =	sld [smem:$0x3FDB];
	s0 =	simm.s32 @p2 $0x1  }
0x17: {  	s4 =	simm.s32 $0x1BF5;
	[smem:$0x3FB0] =	sst s0  }
0x18: {  	s0 =	sld [smem:$0x3F93];
	_ =	swait.ge [sflag:s4], $0x0  }
0x19: {  	s7 =	sld [smem:$0x3F94]  }
0x1a: {  	s8 =	sadd.s32 $0xFFFFE003, lr  }
0x1b: {  	s9 =	sadd.s32 $0xFFFFFEF7, lr;
	s5 =	simm.s32 $0xFFFFFFFF;
	p2 =	slt.u32 s8, $0xFFFFF086  }
0x1c: {  	p1 =	slt.u32 s9, $0xF7A;
	s5 =	simm.s32 @!p2 $0x0  }
0x1d: {  	s5 =	simm.s32 @p1 $0x1;
	p0 =	seq.s32 s7, s2  }
0x1e: {  	s7 =	smul.u32 @!p0 $0xF7A, s2;
	p2 =	seq.s32 @!p0 s5, $0x0  }
0x1f: {  	s9 =	smul.u32 $0xF7A, s1;
	s8 =	simm.s32 @!p0 $0x1BF5;
	p2 =	por !p2, p0  }
0x20: {  	[sflag:s8] =	ssyncset.s32 @!p0 $0xFFFFF086;
	s6 =	sadd.s32 @!p0 s3, s7;
	s7 =	simm.s32 @!p0 $0x108  }
0x21: {  	s3 =	sadd.s32 s3, s9;
	s6 =	sadd.s32 @!p0 $0x88, s6;
	s7 =	simm.s32 @p2 $0x1082  }
0x22: {  	[simem:s7], [sflag:s8] =	dma.local @!p0 [hbm:s6], $0xF7A  }
0x23: {  	s9 =	sor.u32 $0xD0000000, s2;
	s6 =	simm.s32 $0x108;
	_ =	swait.ge @!p0 [sflag:s8], $0x0  }
0x24: {  	s3 =	sadd.s32 $0x88, s3;
	s6 =	simm.s32 @!p1 $0x1082;
	[sflag:s4] =	ssyncset.s32 $0xFFFFF086  }
0x25: {  	[simem:s6], [sflag:s4] =	dma.local [hbm:s3], $0xF7A  }
0x26: {  	[smem:$0x3F94] =	sst s1;
	(tag) =	ssettag s2;
	_ =	strace s9  }
0x27: {  	s1 =	sld [smem:$0x3FA4]  }
0x28: {  	s2 =	sld [smem:$0x3FA5]  }
0x29: {  	s4 =	sld [smem:$0x3FA7]  }
0x2a: {  	p0 =	seq.s32 s5, $0x0;
	s5 =	sld [smem:$0x3FA8]  }
0x2b: {  	s6 =	sld [smem:$0x3FA9]  }
0x2c: {  	s7 =	sld [smem:$0x3FAA]  }
0x2d: {  	s3 =	simm.s32 $0x108;
	s8 =	sld [smem:$0x3FAB]  }
0x2e: {  	s3 =	simm.s32 @!p0 $0x1082;
	s9 =	sld [smem:$0x3FAC]  }
0x2f: {  	lr =	sadd.s32 s0, s3;
	s0 =	sld [smem:$0x3FA3]  }
0x30: {  	s3 =	sld [smem:$0x3FA6]  }
0x31: {  	[smem:$0x3FAF] =	sst s10  }
0x32: {  	s10 =	sld [smem:$0x3FAD];
	_ =	sdelay $0x3  }
0x33: {  	p0 =	seq.s32 s10, $0x1;
	s10 =	sld [smem:$0x3FAF];
	_ =	sdelay $0x3  }
0x34: {  	[smem:$0x3FAF] =	sst s10  }
0x35: {  	s10 =	sld [smem:$0x3FAE];
	_ =	sdelay $0x3  }
0x36: {  	p1 =	seq.s32 s10, $0x1;
	s10 =	sld [smem:$0x3FAF];
	_ =	sdelay $0x3  }
0x37: {  	[smem:$0x3FAF] =	sst s10  }
0x38: {  	s10 =	sld [smem:$0x3FB0]  }
0x39: {  	_ = 	snop;
	(pc) =	sbr.ind lr, $3  }
0x3a: {  	_ = 	snop  }
0x3b: {  	_ = 	snop  }
0x3c: {  	p2 =	seq.s32 s10, $0x1;
	s10 =	sld [smem:$0x3FAF]  }
0x3d: {  	_ =	shalt  }
0x3e: {  	_ =	shalt  }
0x3f: {  	_ =	shalt  }
0x40: {  	_ =	shalt  }
0x41: {  	_ =	shalt  }
0x42: {  	_ =	shalt  }
0x43: {  	_ =	shalt  }
0x44: {  	_ =	shalt  }
0x45: {  	_ =	shalt  }
0x46: {  	_ =	shalt  }
0x47: {  	_ =	shalt  }
0x48: {  	_ =	shalt  }
0x49: {  	_ =	shalt  }
0x4a: {  	_ =	shalt  }
0x4b: {  	_ =	shalt  }
0x4c: {  	_ =	shalt  }
0x4d: {  	_ =	shalt  }
0x4e: {  	_ =	shalt  }
0x4f: {  	_ =	shalt  }
0x50: {  	_ =	shalt  }
0x51: {  	_ =	shalt  }
0x52: {  	_ =	shalt  }
0x53: {  	_ =	shalt  }
0x54: {  	_ =	shalt  }
0x55: {  	_ =	shalt  }
0x56: {  	_ =	shalt  }
0x57: {  	_ =	shalt  }
0x58: {  	_ =	shalt  }
0x59: {  	_ =	shalt  }
0x5a: {  	_ =	shalt  }
0x5b: {  	_ =	shalt  }
0x5c: {  	_ =	shalt  }
0x5d: {  	_ =	shalt  }
0x5e: {  	_ =	shalt  }
0x5f: {  	_ =	shalt  }
0x60: {  	_ =	shalt  }
0x61: {  	_ =	shalt  }
0x62: {  	_ =	shalt  }
0x63: {  	_ =	shalt  }
0x64: {  	_ =	shalt  }
0x65: {  	_ =	shalt  }
0x66: {  	_ =	shalt  }
0x67: {  	_ =	shalt  }
0x68: {  	_ =	shalt  }
0x69: {  	_ =	shalt  }
0x6a: {  	_ =	shalt  }
0x6b: {  	_ =	shalt  }
0x6c: {  	_ =	shalt  }
0x6d: {  	_ =	shalt  }
0x6e: {  	_ =	shalt  }
0x6f: {  	_ =	shalt  }
0x70: {  	_ =	shalt  }
0x71: {  	_ =	shalt  }
0x72: {  	_ =	shalt  }
0x73: {  	_ =	shalt  }
0x74: {  	_ =	shalt  }
0x75: {  	_ =	shalt  }
0x76: {  	_ =	shalt  }
0x77: {  	_ =	shalt  }
0x78: {  	_ =	shalt  }
0x79: {  	_ =	shalt  }
0x7a: {  	_ =	shalt  }
0x7b: {  	_ =	shalt  }
0x7c: {  	_ =	shalt  }
0x7d: {  	_ =	shalt  }
0x7e: {  	_ =	shalt  }
0x7f: {  	_ =	shalt  }
0x80: {  	_ =	shalt  }
0x81: {  	_ =	shalt  }
0x82: {  	_ =	shalt  }
0x83: {  	_ =	shalt  }
0x84: {  	_ =	shalt  }
0x85: {  	_ =	shalt  }
0x86: {  	_ =	shalt  }
0x87: {  	_ =	shalt  }
.Lfunc_end0:
.L_simem_size_0:
called_computation_lowered:
.L_overlay_start_0:
0x88: {  	s2 =	sld [smem:$0x3FD9]  }
0x89: {  	s3 =	sld [smem:$0x3FFE];
	_ =	sdelay $0x1  }
0x8a: {  	s1 =	srdreg.scid  }
0x8b: {  	s0 =	sand.u32 $0x1, s1  }
0x8c: {  	s16 =	sshll.u32 s0, $0xA;
	s2 =	sadd.s32 s3, s2  }
0x8d: {  	s2 =	sadd.s32 s2, s16  }
0x8e: {  	[smem:$0x3FBB] =	sst s2  }
0x8f: {  	_ = 	snop  }
0x90: {  	(tm) =	ssettm $0x1  }
0x91: {  	s17 =	sld [smem:$0x3FFB];
	_ =	sdelay $0x3  }
0x92: {  	_ =	strace s17  }
0x93: {  	s2 =	sld [smem:$0x3FFC];
	_ =	sdelay $0x3  }
0x94: {  	_ =	strace s2  }
0x95: {  	s2 =	sld [smem:$0x3FFD];
	_ =	sdelay $0x3  }
0x96: {  	_ =	strace s2  }
0x97: {  	_ =	strace $0x8FFFFFFF  }
0x98: {  	s18 =	sld [smem:$0x3FDB];
	_ =	sdelay $0x1  }
0x99: {  	s19 =	simm.s32 $_scs_section_size  }
0x9a: {  	s4 =	simm.s32 $_size__tile_overlayer_lowered;
	s5 =	simm.s32 $_tile_overlayer_lowered  }
0x9b: {  	s22 =	simm.s32 $0x1BFF;
	s21 =	sshll.u32 s5, $0x1;
	s2 =	sadd.s32 s19, s18  }
0x9c: {  	s6 =	simm.s32 $0x0;
	s20 =	sshll.u32 s4, $0x1;
	s4 =	sadd.s32 s21, s2  }
0x9d: {  	[timem:s6], [sflag:s22] =	dma.local [hbm:s4], s20  }
0x9e: {  	_ =	swait.ge [sflag:s22], s20  }
0x9f: {  	s3 =	ssub.s32 $0x0, s20;
	[sflag:s22] =	ssyncset.done $0x0  }
0xa0: {  	[sflag:s22] =	ssyncadd.s32 s3;
	_ =	sdelay $0x1  }
0xa1: {  	s23 =	simm.s32 $0x1B8B  }
0xa2: {  	_ =	swait.ge [sflag:s23], $0x1  }
0xa3: {  	[sflag:s23] =	ssyncset.done $0x0  }
0xa4: {  	s25 =	simm.s32 $0x1B8E;
	s24 =	sld [smem:$0x3FFE];
	[sflag:s23] =	ssyncadd.s32 $0xFFFFFFFF  }
0xa5: {  	s26 =	simm.s32 $execute0_lowered;
	[smem:$0x3FD2] =	sst s25  }
0xa6: {  	s4 =	sshll.u32 s26, $0x1;
	_ =	strace $0x80000046;
	[dreg:$0x1] =	wrdreg $0xFFFFFFFF  }
0xa7: {  	s28 =	simm.s32 $_size_execute0_lowered;
	s2 =	sadd.s32 s2, s4;
	[dreg:$0x0] =	wrdreg $0x0  }
0xa8: {  	s4 =	sshll.u32 s28, $0x1;
	[dreg:$0x2] =	wrdreg s2  }
0xa9: {  	[dreg:$0x3] =	wrdreg s4  }
0xaa: {  	[dreg:$0x4] =	wrdreg $0xC0  }
0xab: {  	_ =	task [dreg:s6], $0x5FFFF  }
0xac: {  	[dreg:$0x1] =	wrdreg $0xFFFFFFFF  }
0xad: {  	[dreg:$0x0] =	wrdreg $0x60  }
0xae: {  	[dreg:$0x2] =	wrdreg s24  }
0xaf: {  	[dreg:$0x3] =	wrdreg $0x9  }
0xb0: {  	_ =	task.clear_ibuf [dreg:s6], $0x4FFFF;
	_ =	strace $0x90000046  }
0xb1: {  	s29 =	simm.s32 $0x9;
	_ =	strace $0x80000048  }
0xb2: {  	_ =	swait.ge [sflag:s29], $0x1  }
0xb3: {  	[sflag:s29] =	ssyncadd.s32 $0xFFFFFFFF  }
0xb4: {  	_ =	strace $0x90000048  }
0xb5: {  	_ =	sfence  }
0xb6: {  	s30 =	sld [smem:$0x0];
	_ =	sdelay $0x2  }
0xb7: {  	s31 =	sshll.u32 s1, $0xD;
	s1 =	sshrl.u32 s1, $0x2  }
0xb8: {  	s3 =	sand.u32 $0x4000, s31;
	s1 =	sadd.s32 s1, s30  }
0xb9: {  	s0 =	sor.u32 s3, s0;
	s1 =	sshll.u32 s1, $0x11  }
0xba: {  	s0 =	sor.u32 s1, s0  }
0xbb: {  	s0 =	sadd.s32 $0x8F2B, s0  }
0xbc: {  	[sflag:s0] =	ssyncadd.remote.s32 $0x1  }
0xbd: {  	_ =	sfence.sel $0xFFFF  }
0xbe: {  	[dreg:$0x0] =	wrdreg $0xFFFFFFFF;
	(pc) =	sbr.abs _section_cstart, $3  }
0xbf: {  	[dreg:$0x1] =	wrdreg $0xFFFFFFFF  }
0xc0: {  	_ =	task.clear_ibuf [dreg:s6], $0x2FFFF;
	_ =	strace $0x9FFFFFFF  }
0xc1: {  	(tm) =	ssettm $0x7FFFFFFF  }
tec
execute0_lowered:
.L_overlay_start_1:
0x0: {  	(tag) =	ssettag $0x1  }
0x1: {  	s0 =	srdreg.scid  }
0x2: {  	s5 =	rddreg [dreg:$0x0];
	s1 =	stileid.u32;
	s2 =	simm.s32 $0x0  }
0x3: {  	s12 =	simm.s32 $0x7800;
	s13 =	simm.s32 $0xA100;
	s3 =	sand.u32 $0x1, s0  }
0x4: {  	s14 =	simm.s32 $0x5000;
	s15 =	simm.s32 $0xCA00;
	s4 =	sshll.u32 s3, $0x4  }
0x5: {  	s16 =	simm.s32 $0x0;
	s0 =	rddreg [dreg:$0x1];
	s4 =	sor.u32 s1, s4  }
0x6: {  	vm13 =	vcmask $0x3B38;
	[smem:$0x7FF] =	sst s2;
	s8 =	ssub.s32 $0x2, s3;
	s6 =	smul.u32 $0x520, s4  }
0x7: {  	v0 =	vimm.f32 $0.0e+00;
	vm0 =	vcmask $0x704;
	vm14 =	vcmask $0x3F3C;
	_ =	strace $0x80000047;
	s9 =	sshrl.u32 s8, $0x1;
	s7 =	smul.u32 $0x500, s4  }
0x8: {  	vm1 =	vcmask $0xB08;
	vm2 =	vcmask $0xF0C;
	vm3 =	vcmask $0x1310;
	s3 =	sadd.s32 $0x3EC00, s5;
	s4 =	sadd.s32 $0x3E600, s5;
	s9 =	ssub.s32 s8, s9  }
0x9: {  	vm4 =	vcmask $0x1714;
	vm5 =	vcmask $0x1B18;
	vm6 =	vcmask $0x1F1C;
	s9 =	smax.u32 s9, $0x1;
	s10 =	sadd.s32 s6, s5;
	s11 =	sadd.s32 s7, s5  }
0xa: {  	vm7 =	vcmask $0x2320;
	vm8 =	vcmask $0x2724;
	vm9 =	vcmask $0x2B28;
	s5 =	sadd.s32 $0x1E00, s10;
	s6 =	sadd.s32 $0xC200, s10;
	s7 =	sadd.s32 $0x49200, s10  }
0xb: {  	vm10 =	vcmask $0x2F2C;
	vm11 =	vcmask $0x3330;
	vm12 =	vcmask $0x3734;
	s8 =	sadd.s32 $0x3F200, s11;
	s10 =	simm.s32 $0x1;
	s11 =	simm.s32 $0x2800  }
.LBB2_1:
0xc: {  	s17 =	simm.s32 $0x40;
	s18 =	simm.s32 $0x0  }
.LBB2_2:
0xd: {  	p0 =	sne.s32 s17, $0x9FC0;
	[tilespmem:s18+$0x5000] =	vst v0;
	s18 =	smov.u32 s17;
	s17 =	sadd.s32 $0x40, s17  }
.Ltmp0:
0xe: {  	(pc) =	sbr.rel @p0 .LBB2_2-.Ltmp0, $2  }
0xf: {  	_ =	sdelay $0x2  }
0x10: {  	s18 =	sshra.s32 s18, $0x2  }
0x11: {  	[tilespmem:s18+$0x5000] =	vst v0;
	s17 =	simm.s32 $0x0  }
0x12: {  	[tilespmem:s17], [sflag:$0x1] =	stream.linear.gather [hbm4b:s3+s17], $0x2800, $0x38;
	[tilespmem:$0xF300] =	vst v63  }
0x13: {  	_ =	swait.ge [sflag:s10], $0x2800  }
0x14: {  	[sflag:s10] =	ssyncset.done $0x0  }
0x15: {  	[sflag:s10] =	ssyncadd.s32 $0xFFFFD800  }
0x16: {  	[tilespmem:s11], [sflag:$0x1] =	stream.linear.gather [hbm4b:s4+s17], $0x2800, $0x38;
	[tilespmem:$0xF300] =	vst v63  }
0x17: {  	_ =	swait.ge [sflag:s10], $0x2800  }
0x18: {  	[sflag:s10] =	ssyncset.done $0x0  }
0x19: {  	[sflag:s10] =	ssyncadd.s32 $0xFFFFD800  }
0x1a: {  	[tilespmem:s12], [sflag:$0x1] =	stream.linear.gather [hbm4b:s5+s17], $0x2900, $0x38;
	[tilespmem:$0xF300] =	vst v63  }
0x1b: {  	_ =	swait.ge [sflag:s10], $0x2900  }
0x1c: {  	[sflag:s10] =	ssyncset.done $0x0  }
0x1d: {  	[sflag:s10] =	ssyncadd.s32 $0xFFFFD700  }
0x1e: {  	[tilespmem:s13], [sflag:$0x1] =	stream.linear.gather [hbm4b:s6+s17], $0x2900, $0x38;
	[tilespmem:$0xF300] =	vst v63  }
0x1f: {  	_ =	swait.ge [sflag:s10], $0x2900  }
0x20: {  	[sflag:s10] =	ssyncset.done $0x0  }
0x21: {  	s31 =	simm.s32 $0x0;
	[sflag:s10] =	ssyncadd.s32 $0xFFFFD700  }
0x22: {  	v2 =	vld [tilespmem:s31+$0x7800]  }
0x23: {  	v1 =	vld [tilespmem:s31+$0xA100];
	_ =	sdelay $0x6  }
0x24: {  	v2 =	vld.idx.msk [tilespmem:v2+s2+$0x0], $0xffff  }
0x25: {  	v3 =	vld.idx.msk [tilespmem:v1+s11+$0x0], $0xffff;
	_ =	sdelay $0x4  }
0x26: {  	v2 =	vadd.f32 v3, v2;
	_ =	sdelay $0x1  }
0x27: {  	v3 =	vmul.f32 $2.000000030e-01, v2  }
0x28: {  	vm15 =	vge.f32 v2, $0.0e+00  }
0x29: {  	v2 =	vsel vm15, v2, v3  }
0x2a: {  	v2 =	vmul.f32 $1.442695020e+00, v2;
	_ =	sdelay $0x1  }
0x2b: {  	(erf) = vpow2.f32 v2;
	_ =	sdelay $0x8  }
0x2c: {  	v2 =	vpop (erf)  }
0x2d: {  	[tilespmem:s31+$0xCA00] =	vst v2  }
0x2e: {  	[tilespmem:v1+s14+$0x0] =	vst.idx.add.f32.msk $0x1, v2  }
0x2f: {  	[tilespmem:v1+s14+$0x0] =	vst.idx.add.f32.msk vm0, v2  }
0x30: {  	[tilespmem:v1+s14+$0x0] =	vst.idx.add.f32.msk vm1, v2  }
0x31: {  	[tilespmem:v1+s14+$0x0] =	vst.idx.add.f32.msk vm2, v2  }
0x32: {  	[tilespmem:v1+s14+$0x0] =	vst.idx.add.f32.msk vm3, v2  }
0x33: {  	[tilespmem:v1+s14+$0x0] =	vst.idx.add.f32.msk vm4, v2  }
0x34: {  	[tilespmem:v1+s14+$0x0] =	vst.idx.add.f32.msk vm5, v2  }
0x35: {  	[tilespmem:v1+s14+$0x0] =	vst.idx.add.f32.msk vm6, v2  }
0x36: {  	[tilespmem:v1+s14+$0x0] =	vst.idx.add.f32.msk vm7, v2  }
0x37: {  	[tilespmem:v1+s14+$0x0] =	vst.idx.add.f32.msk vm8, v2  }
0x38: {  	[tilespmem:v1+s14+$0x0] =	vst.idx.add.f32.msk vm9, v2  }
0x39: {  	[tilespmem:v1+s14+$0x0] =	vst.idx.add.f32.msk vm10, v2  }
0x3a: {  	[tilespmem:v1+s14+$0x0] =	vst.idx.add.f32.msk vm11, v2  }
0x3b: {  	s17 =	simm.s32 $0x40;
	[tilespmem:v1+s14+$0x0] =	vst.idx.add.f32.msk vm12, v2  }
.LBB2_4:
0x3c: {  	p0 =	sne.s32 s17, $0xA3C0;
	[tilespmem:v1+s14+$0x0] =	vst.idx.add.f32.msk vm13, v2;
	s18 =	smov.u32 s17;
	s17 =	sadd.s32 $0x40, s17  }
0x3d: {  	s18 =	sshra.s32 s18, $0x2;
	[tilespmem:v1+s14+$0x0] =	vst.idx.add.f32.msk vm14, v2  }
0x3e: {  	v2 =	vld [tilespmem:s18+$0x7800]  }
0x3f: {  	v1 =	vld [tilespmem:s18+$0xA100];
	_ =	sdelay $0x6  }
0x40: {  	v2 =	vld.idx.msk [tilespmem:v2+s2+$0x0], $0xffff  }
0x41: {  	v3 =	vld.idx.msk [tilespmem:v1+s11+$0x0], $0xffff;
	_ =	sdelay $0x5  }
0x42: {  	v2 =	vadd.f32 v3, v2;
	_ =	sdelay $0x1  }
0x43: {  	vm15 =	vge.f32 v2, $0.0e+00;
	v3 =	vmul.f32 $2.000000030e-01, v2;
	_ =	sdelay $0x1  }
0x44: {  	v2 =	vsel vm15, v2, v3  }
0x45: {  	v2 =	vmul.f32 $1.442695020e+00, v2;
	_ =	sdelay $0x1  }
0x46: {  	(erf) = vpow2.f32 v2;
	_ =	sdelay $0x8  }
0x47: {  	v2 =	vpop (erf)  }
0x48: {  	[tilespmem:s18+$0xCA00] =	vst v2  }
0x49: {  	[tilespmem:v1+s14+$0x0] =	vst.idx.add.f32.msk $0x1, v2  }
0x4a: {  	[tilespmem:v1+s14+$0x0] =	vst.idx.add.f32.msk vm0, v2  }
0x4b: {  	[tilespmem:v1+s14+$0x0] =	vst.idx.add.f32.msk vm1, v2  }
0x4c: {  	[tilespmem:v1+s14+$0x0] =	vst.idx.add.f32.msk vm2, v2  }
0x4d: {  	[tilespmem:v1+s14+$0x0] =	vst.idx.add.f32.msk vm3, v2  }
0x4e: {  	[tilespmem:v1+s14+$0x0] =	vst.idx.add.f32.msk vm4, v2  }
0x4f: {  	[tilespmem:v1+s14+$0x0] =	vst.idx.add.f32.msk vm5, v2  }
0x50: {  	[tilespmem:v1+s14+$0x0] =	vst.idx.add.f32.msk vm6, v2  }
0x51: {  	[tilespmem:v1+s14+$0x0] =	vst.idx.add.f32.msk vm7, v2  }
.Ltmp1:
0x52: {  	[tilespmem:v1+s14+$0x0] =	vst.idx.add.f32.msk vm8, v2;
	(pc) =	sbr.rel @p0 .LBB2_4-.Ltmp1, $4  }
0x53: {  	[tilespmem:v1+s14+$0x0] =	vst.idx.add.f32.msk vm9, v2  }
0x54: {  	[tilespmem:v1+s14+$0x0] =	vst.idx.add.f32.msk vm10, v2  }
0x55: {  	[tilespmem:v1+s14+$0x0] =	vst.idx.add.f32.msk vm11, v2  }
0x56: {  	[tilespmem:v1+s14+$0x0] =	vst.idx.add.f32.msk vm12, v2  }
0x57: {  	_ =	sdelay $0x4  }
0x58: {  	[tilespmem:v1+s14+$0x0] =	vst.idx.add.f32.msk vm13, v2  }
0x59: {  	[tilespmem:v1+s14+$0x0] =	vst.idx.add.f32.msk vm14, v2  }
0x5a: {  	[hbm4b:s7+s2] =	stream.linear.scatter [tilespmem:s15], [sflag:$0x1], $0x2900, $0x38;
	[tilespmem:$0xF300] =	vst v63  }
0x5b: {  	s16 =	sadd.s32 $0x1, s16;
	_ =	swait.ge [sflag:s10], $0x2900  }
0x5c: {  	p0 =	sne.s32 s16, s9;
	[sflag:s10] =	ssyncset.done $0x0  }
.Ltmp2:
0x5d: {  	[sflag:s10] =	ssyncadd.s32 $0xFFFFD700;
	(pc) =	sbr.rel @p0 .LBB2_1-.Ltmp2, $4  }
0x5e: {  	[hbm4b:s8+s2] =	stream.linear.scatter [tilespmem:s14], [sflag:$0x1], $0x2800, $0x38;
	[tilespmem:$0xF300] =	vst v63  }
0x5f: {  	_ =	swait.ge [sflag:s10], $0x2800  }
0x60: {  	[sflag:s10] =	ssyncset.done $0x0  }
0x61: {  	[sflag:s10] =	ssyncadd.s32 $0xFFFFD800  }
0x62: {  	_ =	sfence.sel $0x180000  }
0x63: {  	[bflag:$0x0] =	sbarrier.arrive $0xFFFF  }
0x64: {  	p0 =	sne.s32 s1, $0x0;
	_ =	strace $0x90000047  }
0x65: {  	s0 =	sadd.s32 @!p0 $0x100000, s0;
	[bflag:$0x2] =	sbarrier.arrive $0xFFFF  }
0x66: {  	[sflag:s0] =	ssyncadd.tile.s32 @!p0 $0x1;
	_ =	shalt  }
.Lfunc_end2:
_tile_overlayer_lowered:
.L_overlay_start_2:
0x67: {  	(tag) =	ssettag $0x2  }
0x68: {  	s0 =	rddreg [dreg:$0x0];
	s2 =	stileid.u32  }
0x69: {  	s1 =	rddreg [dreg:$0x1];
	p0 =	sne.s32 s2, $0x0  }
0x6a: {  	s3 =	rddreg [dreg:$0x2];
	[bflag:$0x3] =	sbarrier.arrive $0xFFFF;
	s2 =	simm.s32 @!p0 $0x1C01  }
0x6b: {  	[timem:s3], [sflag:s2] =	dma.local @!p0 [hbm:s0], s1  }
0x6c: {  	s0 =	simm.s32 @!p0 $0x1  }
0x6d: {  	_ =	swait.ge @!p0 [sflag:s0], s1  }
0x6e: {  	s1 =	ssub.s32 @!p0 $0x0, s1;
	[sflag:s0] =	ssyncset.done @!p0 $0x0  }
0x6f: {  	[sflag:s0] =	ssyncadd.s32 @!p0 s1  }
0x70: {  	[bflag:$0x3] =	sbarrier.arrive $0xFFFF  }
0x71: {  	_ =	shalt  }

</sc_bundles>
